<compile_context>
chip_gen: v7x
topology: tpu7x:2x2x1
jax: 0.10.2.dev20260603
libtpu: 0.0.44.dev20260713+nightly
codegen_flags: <defaults>
</compile_context>

<pallas_src>
import functools

import jax
import jax.numpy as jnp
from jax import lax
from jax.experimental import pallas as pl
from jax.experimental.pallas import tpu as pltpu
from jax.experimental.pallas import tpu_sc as plsc

_N = 1_000_000
_D = 64
_T = 400
_NCHUNKS = _N // _T
_NW = 32
_L = 16
_NK2 = (_NCHUNKS // _NW + 2) // 2


def _bucket(d):
    x = jnp.maximum(d - 1, 0)
    b = lax.bitcast_convert_type(x.astype(jnp.float32), jnp.int32)
    return jnp.clip((b >> 23) - 126, 0, 10)


def _body(dist_hbm, table_hbm, out_hbm,
          table_v, dist_v0, dist_v1, rows_v0, rows_v1,
          sem_d0, sem_d1, sem_o0, sem_o1):
    cid = lax.axis_index("c")
    sid = lax.axis_index("s")
    wid = sid * 2 + cid

    pltpu.sync_copy(table_hbm, table_v)

    cols = [lax.iota(jnp.int32, _L) + q * _L for q in range(_D // _L)]
    lane_consts = [jnp.full((_L,), r, jnp.int32) for r in range(_L)]

    def expand(dist_v, rows_v):
        @plsc.parallel_loop(0, _T // _L, 1, unroll=4)
        def grp_body(j):
            iv = _bucket(dist_v[pl.ds(j * _L, _L)]) * _D
            for r in range(_L):
                base = iv.at[lane_consts[r]].get(mode="promise_in_bounds")
                for q in range(_D // _L):
                    v = plsc.load_gather(table_v, [base + cols[q]])
                    rows_v[j * _L + r, pl.ds(q * _L, _L)] = v

    def half(i, j, dist_v, rows_v, dist_nv, sem_d, sem_d_next, sem_o):
        k = wid + i * _NW

        @pl.when(k < _NCHUNKS)
        def _():
            kn = k + _NW

            @pl.when(kn < _NCHUNKS)
            def _():
                pltpu.async_copy(
                    dist_hbm.at[pl.ds(kn * _T, _T)], dist_nv, sem_d_next)

            pltpu.make_async_copy(
                dist_hbm.at[pl.ds(k * _T, _T)], dist_v, sem_d).wait()

            @pl.when(j > 0)
            def _():
                pltpu.make_async_copy(
                    rows_v, out_hbm.at[pl.ds(k * _T, _T)], sem_o).wait()

            expand(dist_v, rows_v)
            pltpu.async_copy(rows_v, out_hbm.at[pl.ds(k * _T, _T)], sem_o)

    pltpu.async_copy(dist_hbm.at[pl.ds(wid * _T, _T)], dist_v0, sem_d0)

    def iter_body(j, carry):
        half(2 * j, j, dist_v0, rows_v0, dist_v1, sem_d0, sem_d1, sem_o0)
        half(2 * j + 1, j, dist_v1, rows_v1, dist_v0, sem_d1, sem_d0, sem_o1)
        return carry

    lax.fori_loop(0, _NK2, iter_body, 0)

    pltpu.make_async_copy(rows_v0, out_hbm.at[pl.ds(wid * _T, _T)], sem_o0).wait()
    pltpu.make_async_copy(rows_v1, out_hbm.at[pl.ds(wid * _T, _T)], sem_o1).wait()


@functools.cache
def _build():
    mesh = plsc.VectorSubcoreMesh(core_axis_name="c", subcore_axis_name="s")
    return pl.kernel(
        _body,
        mesh=mesh,
        out_type=jax.ShapeDtypeStruct((_N, _D), jnp.float32),
        scratch_types=[
            pltpu.VMEM((11 * _D,), jnp.float32),
            pltpu.VMEM((_T,), jnp.int32),
            pltpu.VMEM((_T,), jnp.int32),
            pltpu.VMEM((_T, _D), jnp.float32),
            pltpu.VMEM((_T, _D), jnp.float32),
            pltpu.SemaphoreType.DMA,
            pltpu.SemaphoreType.DMA,
            pltpu.SemaphoreType.DMA,
            pltpu.SemaphoreType.DMA,
        ],
        compiler_params=pltpu.CompilerParams(needs_layout_passes=False),
    )


def kernel(distances, table):
    return _build()(distances, table.reshape(-1))

# --- scband reference (transcript-rebuilt; emitter-appended) ---
"""Pipeline reference for scband-span-dist-3470333575432 (READ-ONLY COPY).

The authoritative reference and input builder live on the scoring server;
editing this copy changes nothing except your own understanding.
"""

import jax, jax.numpy as jnp
import numpy as np

NUM_BINS = 10
EMBED_DIM = 64
BINS = jnp.array([2 ** i for i in range(NUM_BINS)], dtype=jnp.int32)  # [1,2,4,...,512]


def setup_inputs(seed: int = 0) -> dict:
    key = jax.random.key(seed)
    k1, k2 = jax.random.split(key)
    distances = jax.random.randint(k1, (1000000,), 0, 4096, dtype=jnp.int32)
    # learned parameter: embedding table of size (len(bins)+1, embed_dim)
    table = jax.random.normal(k2, (NUM_BINS + 1, EMBED_DIM), dtype=jnp.float32) * 0.02
    return {"distances": distances, "table": table}


def reference(distances, table):
    # idxs[i] = number of bins strictly less than distances[i]
    # (faithful to: sum([True for bin in self.bins if num > bin]))
    idxs = jnp.sum(distances[:, None] > BINS[None, :], axis=1)
    # embedding lookup; Dropout is identity in eval mode
    out = jnp.take(table, idxs, axis=0)
    return out

if __name__ == "__main__":
    import jax
    _d = setup_inputs()
    print(jax.jit(kernel)(*tuple(_d.values())))

</pallas_src>

<mosaic_0001>
#map = affine_map<(d0, d1) -> (0)>
#map1 = affine_map<(d0, d1) -> (0, 0)>
module attributes {stable_mosaic.version = 14 : i64} {
  func.func @_body(%arg0: i32, %arg1: i32, %arg2: memref<1000000xi32, #tpu.memory_space<hbm>>, %arg3: memref<704xf32, #tpu.memory_space<hbm>>, %arg4: memref<1000000x64xf32, #tpu.memory_space<hbm>>, %arg5: memref<704xf32, #tpu.memory_space<vmem>>, %arg6: memref<400xi32, #tpu.memory_space<vmem>>, %arg7: memref<400xi32, #tpu.memory_space<vmem>>, %arg8: memref<400x64xf32, #tpu.memory_space<vmem>>, %arg9: memref<400x64xf32, #tpu.memory_space<vmem>>, %arg10: memref<!tpu.dma_semaphore, #tpu.memory_space<semaphore_mem>>, %arg11: memref<!tpu.dma_semaphore, #tpu.memory_space<semaphore_mem>>, %arg12: memref<!tpu.dma_semaphore, #tpu.memory_space<semaphore_mem>>, %arg13: memref<!tpu.dma_semaphore, #tpu.memory_space<semaphore_mem>>) attributes {dimension_semantics = [#tpu.dimension_semantics<core_parallel>, #tpu.dimension_semantics<subcore_parallel>], iteration_bounds = array<i64: 2, 16>, scalar_prefetch = 0 : i64, scratch_operands = 9 : i64, tpu.core_type = #tpu.core_type<sc_vector_subcore>, window_params = [{transform_indices = #map}, {transform_indices = #map}, {transform_indices = #map1}]} {
    %mul3A = arith.constant 2 : i32
    %mul3A_0 = arith.muli %arg1, %mul3A : i32
    %add3A = arith.addi %mul3A_0, %arg0 : i32
    "tpu.region"() ({
      %run_scoped3A = tpu.sem_alloc : memref<!tpu.dma_semaphore, #tpu.memory_space<semaphore_mem>>
      tpu.enqueue_dma source(%arg3 : memref<704xf32, #tpu.memory_space<hbm>>) target(%arg5 : memref<704xf32, #tpu.memory_space<vmem>>) target_semaphore(%run_scoped3A : memref<!tpu.dma_semaphore, #tpu.memory_space<semaphore_mem>>)
      tpu.wait_dma2 semaphore(%run_scoped3A : memref<!tpu.dma_semaphore, #tpu.memory_space<semaphore_mem>>) src(%arg3 : memref<704xf32, #tpu.memory_space<hbm>>) dst(%arg5 : memref<704xf32, #tpu.memory_space<vmem>>)
      tpu.yield
    }) : () -> ()
    %iota3A = tpu.iota {dimensions = array<i32: 0>} : vector<16xi32>
    %add3A_1 = arith.constant 0 : i32
    %add3A_2 = vector.broadcast %add3A_1 : i32 to vector<16xi32>
    %add3A_3 = arith.addi %iota3A, %add3A_2 : vector<16xi32>
    %iota3A_4 = tpu.iota {dimensions = array<i32: 0>} : vector<16xi32>
    %add3A_5 = arith.constant 16 : i32
    %add3A_6 = vector.broadcast %add3A_5 : i32 to vector<16xi32>
    %add3A_7 = arith.addi %iota3A_4, %add3A_6 : vector<16xi32>
    %iota3A_8 = tpu.iota {dimensions = array<i32: 0>} : vector<16xi32>
    %add3A_9 = arith.constant 32 : i32
    %add3A_10 = vector.broadcast %add3A_9 : i32 to vector<16xi32>
    %add3A_11 = arith.addi %iota3A_8, %add3A_10 : vector<16xi32>
    %iota3A_12 = tpu.iota {dimensions = array<i32: 0>} : vector<16xi32>
    %add3A_13 = arith.constant 48 : i32
    %add3A_14 = vector.broadcast %add3A_13 : i32 to vector<16xi32>
    %add3A_15 = arith.addi %iota3A_12, %add3A_14 : vector<16xi32>
    %broadcast_in_dim3A = arith.constant 0 : i32
    %broadcast_in_dim3A_16 = vector.broadcast %broadcast_in_dim3A : i32 to vector<16xi32>
    %broadcast_in_dim3A_17 = arith.constant 1 : i32
    %broadcast_in_dim3A_18 = vector.broadcast %broadcast_in_dim3A_17 : i32 to vector<16xi32>
    %broadcast_in_dim3A_19 = arith.constant 2 : i32
    %broadcast_in_dim3A_20 = vector.broadcast %broadcast_in_dim3A_19 : i32 to vector<16xi32>
    %broadcast_in_dim3A_21 = arith.constant 3 : i32
    %broadcast_in_dim3A_22 = vector.broadcast %broadcast_in_dim3A_21 : i32 to vector<16xi32>
    %broadcast_in_dim3A_23 = arith.constant 4 : i32
    %broadcast_in_dim3A_24 = vector.broadcast %broadcast_in_dim3A_23 : i32 to vector<16xi32>
    %broadcast_in_dim3A_25 = arith.constant 5 : i32
    %broadcast_in_dim3A_26 = vector.broadcast %broadcast_in_dim3A_25 : i32 to vector<16xi32>
    %broadcast_in_dim3A_27 = arith.constant 6 : i32
    %broadcast_in_dim3A_28 = vector.broadcast %broadcast_in_dim3A_27 : i32 to vector<16xi32>
    %broadcast_in_dim3A_29 = arith.constant 7 : i32
    %broadcast_in_dim3A_30 = vector.broadcast %broadcast_in_dim3A_29 : i32 to vector<16xi32>
    %broadcast_in_dim3A_31 = arith.constant 8 : i32
    %broadcast_in_dim3A_32 = vector.broadcast %broadcast_in_dim3A_31 : i32 to vector<16xi32>
    %broadcast_in_dim3A_33 = arith.constant 9 : i32
    %broadcast_in_dim3A_34 = vector.broadcast %broadcast_in_dim3A_33 : i32 to vector<16xi32>
    %broadcast_in_dim3A_35 = arith.constant 10 : i32
    %broadcast_in_dim3A_36 = vector.broadcast %broadcast_in_dim3A_35 : i32 to vector<16xi32>
    %broadcast_in_dim3A_37 = arith.constant 11 : i32
    %broadcast_in_dim3A_38 = vector.broadcast %broadcast_in_dim3A_37 : i32 to vector<16xi32>
    %broadcast_in_dim3A_39 = arith.constant 12 : i32
    %broadcast_in_dim3A_40 = vector.broadcast %broadcast_in_dim3A_39 : i32 to vector<16xi32>
    %broadcast_in_dim3A_41 = arith.constant 13 : i32
    %broadcast_in_dim3A_42 = vector.broadcast %broadcast_in_dim3A_41 : i32 to vector<16xi32>
    %broadcast_in_dim3A_43 = arith.constant 14 : i32
    %broadcast_in_dim3A_44 = vector.broadcast %broadcast_in_dim3A_43 : i32 to vector<16xi32>
    %broadcast_in_dim3A_45 = arith.constant 15 : i32
    %broadcast_in_dim3A_46 = vector.broadcast %broadcast_in_dim3A_45 : i32 to vector<16xi32>
    %mul3A_47 = arith.constant 400 : i32
    %mul3A_48 = arith.muli %add3A, %mul3A_47 : i32
    %dma_start3A = tpu.memref_slice %arg2[%mul3A_48] : memref<1000000xi32, #tpu.memory_space<hbm>> -> memref<400xi32, #tpu.memory_space<hbm>>
    %dma_start3A_49 = tpu.memref_slice %arg2[%mul3A_48] : memref<1000000xi32, #tpu.memory_space<hbm>> -> memref<400xi32, #tpu.memory_space<hbm>>
    tpu.enqueue_dma source(%dma_start3A_49 : memref<400xi32, #tpu.memory_space<hbm>>) target(%arg6 : memref<400xi32, #tpu.memory_space<vmem>>) target_semaphore(%arg10 : memref<!tpu.dma_semaphore, #tpu.memory_space<semaphore_mem>>)
    %scan3A = arith.constant 0 : i32
    %scan3A_50 = arith.constant 0 : i32
    %scan3A_51 = arith.constant 40 : i32
    %scan3A_52 = arith.addi %scan3A_50, %scan3A_51 : i32
    %scan3A_53 = arith.constant 1 : i32
    scf.for %scan3A_66 = %scan3A_50 to %scan3A_52 step %scan3A_53  : i32 {
      %mul3A_67 = arith.constant 2 : i32
      %mul3A_68 = arith.muli %mul3A_67, %scan3A_66 : i32
      %mul3A_69 = arith.constant 32 : i32
      %mul3A_70 = arith.muli %mul3A_68, %mul3A_69 : i32
      %add3A_71 = arith.addi %add3A, %mul3A_70 : i32
      %lt3A = arith.constant 2500 : i32
      %lt3A_72 = arith.cmpi slt, %add3A_71, %lt3A : i32
      %convert_element_type3A = arith.extui %lt3A_72 : i1 to i32
      %cond3A = arith.constant 0 : i32
      %cond3A_73 = arith.cmpi ne, %convert_element_type3A, %cond3A : i32
      scf.if %cond3A_73 {
        %add3A_86 = arith.constant 32 : i32
        %add3A_87 = arith.addi %add3A_71, %add3A_86 : i32
        %lt3A_88 = arith.constant 2500 : i32
        %lt3A_89 = arith.cmpi slt, %add3A_87, %lt3A_88 : i32
        %convert_element_type3A_90 = arith.extui %lt3A_89 : i1 to i32
        %cond3A_91 = arith.constant 0 : i32
        %cond3A_92 = arith.cmpi ne, %convert_element_type3A_90, %cond3A_91 : i32
        scf.if %cond3A_92 {
          %mul3A_109 = arith.constant 400 : i32
          %mul3A_110 = arith.muli %add3A_87, %mul3A_109 : i32
          %dma_start3A_111 = tpu.memref_slice %arg2[%mul3A_110] : memref<1000000xi32, #tpu.memory_space<hbm>> -> memref<400xi32, #tpu.memory_space<hbm>>
          %dma_start3A_112 = tpu.memref_slice %arg2[%mul3A_110] : memref<1000000xi32, #tpu.memory_space<hbm>> -> memref<400xi32, #tpu.memory_space<hbm>>
          tpu.enqueue_dma source(%dma_start3A_112 : memref<400xi32, #tpu.memory_space<hbm>>) target(%arg7 : memref<400xi32, #tpu.memory_space<vmem>>) target_semaphore(%arg11 : memref<!tpu.dma_semaphore, #tpu.memory_space<semaphore_mem>>)
        } else {
        }
        %mul3A_93 = arith.constant 400 : i32
        %mul3A_94 = arith.muli %add3A_71, %mul3A_93 : i32
        %dma_wait3A_95 = tpu.memref_slice %arg2[%mul3A_94] : memref<1000000xi32, #tpu.memory_space<hbm>> -> memref<400xi32, #tpu.memory_space<hbm>>
        %dma_wait3A_96 = tpu.memref_slice %arg2[%mul3A_94] : memref<1000000xi32, #tpu.memory_space<hbm>> -> memref<400xi32, #tpu.memory_space<hbm>>
        tpu.wait_dma2 semaphore(%arg10 : memref<!tpu.dma_semaphore, #tpu.memory_space<semaphore_mem>>) src(%dma_wait3A_96 : memref<400xi32, #tpu.memory_space<hbm>>) dst(%arg6 : memref<400xi32, #tpu.memory_space<vmem>>)
        %gt3A = arith.constant 0 : i32
        %gt3A_97 = arith.cmpi sgt, %scan3A_66, %gt3A : i32
        %convert_element_type3A_98 = arith.extui %gt3A_97 : i1 to i32
        %cond3A_99 = arith.constant 0 : i32
        %cond3A_100 = arith.cmpi ne, %convert_element_type3A_98, %cond3A_99 : i32
        scf.if %cond3A_100 {
          %mul3A_109 = arith.constant 400 : i32
          %mul3A_110 = arith.muli %add3A_71, %mul3A_109 : i32
          %dma_wait3A_111 = arith.constant 0 : i32
          %dma_wait3A_112 = tpu.memref_slice %arg4[%mul3A_110, %dma_wait3A_111] : memref<1000000x64xf32, #tpu.memory_space<hbm>> -> memref<400x64xf32, #tpu.memory_space<hbm>>
          %dma_wait3A_113 = arith.constant 0 : i32
          %dma_wait3A_114 = tpu.memref_slice %arg4[%mul3A_110, %dma_wait3A_113] : memref<1000000x64xf32, #tpu.memory_space<hbm>> -> memref<400x64xf32, #tpu.memory_space<hbm>>
          tpu.wait_dma2 semaphore(%arg12 : memref<!tpu.dma_semaphore, #tpu.memory_space<semaphore_mem>>) src(%arg8 : memref<400x64xf32, #tpu.memory_space<vmem>>) dst(%dma_wait3A_114 : memref<400x64xf32, #tpu.memory_space<hbm>>)
        } else {
        }
        %parallel_loop3A = arith.constant 0 : i32
        %parallel_loop3A_101 = arith.constant 25 : i32
        %parallel_loop3A_102 = arith.constant 1 : i32
        scf.for %parallel_loop3A_109 = %parallel_loop3A to %parallel_loop3A_101 step %parallel_loop3A_102  : i32 {
          %parallel_loop3A_110 = arith.constant 16 : i32
          %parallel_loop3A_111 = arith.muli %parallel_loop3A_109, %parallel_loop3A_110 : i32
          %parallel_loop3A_112 = arith.index_cast %parallel_loop3A_111 : i32 to index
          %parallel_loop3A_113 = tpu.vector_load %arg6[%parallel_loop3A_112] {strides = array<i32>} : memref<400xi32, #tpu.memory_space<vmem>>, vector<16xi32>,
          %parallel_loop3A_114 = arith.constant 1 : i32
          %parallel_loop3A_115 = vector.broadcast %parallel_loop3A_114 : i32 to vector<16xi32>
          %parallel_loop3A_116 = arith.subi %parallel_loop3A_113, %parallel_loop3A_115 : vector<16xi32>
          %parallel_loop3A_117 = arith.constant 0 : i32
          %parallel_loop3A_118 = vector.broadcast %parallel_loop3A_117 : i32 to vector<16xi32>
          %parallel_loop3A_119 = arith.maxsi %parallel_loop3A_116, %parallel_loop3A_118 : vector<16xi32>
          %parallel_loop3A_120 = arith.sitofp %parallel_loop3A_119 : vector<16xi32> to vector<16xf32>
          %parallel_loop3A_121 = tpu.bitcast %parallel_loop3A_120 : vector<16xf32> -> vector<16xi32>
          %parallel_loop3A_122 = arith.constant 23 : i32
          %parallel_loop3A_123 = vector.broadcast %parallel_loop3A_122 : i32 to vector<16xi32>
          %parallel_loop3A_124 = arith.shrsi %parallel_loop3A_121, %parallel_loop3A_123 : vector<16xi32>
          %parallel_loop3A_125 = arith.constant 126 : i32
          %parallel_loop3A_126 = vector.broadcast %parallel_loop3A_125 : i32 to vector<16xi32>
          %parallel_loop3A_127 = arith.subi %parallel_loop3A_124, %parallel_loop3A_126 : vector<16xi32>
          %parallel_loop3A_128 = arith.constant 0 : i32
          %parallel_loop3A_129 = arith.constant 10 : i32
          %parallel_loop3A_130 = vector.broadcast %parallel_loop3A_128 : i32 to vector<16xi32>
          %parallel_loop3A_131 = arith.maxsi %parallel_loop3A_130, %parallel_loop3A_127 : vector<16xi32>
          %parallel_loop3A_132 = vector.broadcast %parallel_loop3A_129 : i32 to vector<16xi32>
          %parallel_loop3A_133 = arith.minsi %parallel_loop3A_132, %parallel_loop3A_131 : vector<16xi32>
          %parallel_loop3A_134 = arith.constant 64 : i32
          %parallel_loop3A_135 = vector.broadcast %parallel_loop3A_134 : i32 to vector<16xi32>
          %parallel_loop3A_136 = arith.muli %parallel_loop3A_133, %parallel_loop3A_135 : vector<16xi32>
          %parallel_loop3A_137 = arith.constant 0 : i32
          %parallel_loop3A_138 = vector.broadcast %parallel_loop3A_137 : i32 to vector<16xi32>
          %parallel_loop3A_139 = arith.cmpi slt, %broadcast_in_dim3A_16, %parallel_loop3A_138 : vector<16xi32>
          %parallel_loop3A_140 = arith.constant 16 : i32
          %parallel_loop3A_141 = vector.broadcast %parallel_loop3A_140 : i32 to vector<16xi32>
          %parallel_loop3A_142 = arith.addi %broadcast_in_dim3A_16, %parallel_loop3A_141 : vector<16xi32>
          %parallel_loop3A_143 = arith.select %parallel_loop3A_139, %parallel_loop3A_142, %broadcast_in_dim3A_16 : vector<16xi1>, vector<16xi32>
          %parallel_loop3A_144 = vector.shape_cast %parallel_loop3A_143 : vector<16xi32> to vector<16x1xi32>
          %parallel_loop3A_145 = vector.shape_cast %parallel_loop3A_144 : vector<16x1xi32> to vector<16xi32>
          %parallel_loop3A_146 = tpu.dynamic_gather %parallel_loop3A_136[%parallel_loop3A_145] in [0] : vector<16xi32>, vector<16xi32> -> vector<16xi32>
          %parallel_loop3A_147 = arith.addi %parallel_loop3A_146, %add3A_3 : vector<16xi32>
          %parallel_loop3A_148 = tpu.vector_load_idx %arg5[%parallel_loop3A_147] : memref<704xf32, #tpu.memory_space<vmem>>[vector<16xi32>], vector<16xf32>,
          %parallel_loop3A_149 = arith.constant 16 : i32
          %parallel_loop3A_150 = arith.muli %parallel_loop3A_109, %parallel_loop3A_149 : i32
          %parallel_loop3A_151 = arith.constant 0 : i32
          %parallel_loop3A_152 = arith.addi %parallel_loop3A_150, %parallel_loop3A_151 : i32
          %parallel_loop3A_153 = arith.index_cast %parallel_loop3A_152 : i32 to index
          %parallel_loop3A_154 = arith.constant 0 : index
          %parallel_loop3A_155 = tpu.vector_load %arg8[%parallel_loop3A_153, %parallel_loop3A_154] {strides = array<i32>} : memref<400x64xf32, #tpu.memory_space<vmem>>, vector<16xf32>,
          tpu.vector_store %arg8[%parallel_loop3A_153, %parallel_loop3A_154], %parallel_loop3A_148 {strides = array<i32>} : memref<400x64xf32, #tpu.memory_space<vmem>>, vector<16xf32>,
          %parallel_loop3A_156 = arith.addi %parallel_loop3A_146, %add3A_7 : vector<16xi32>
          %parallel_loop3A_157 = tpu.vector_load_idx %arg5[%parallel_loop3A_156] : memref<704xf32, #tpu.memory_space<vmem>>[vector<16xi32>], vector<16xf32>,
          %parallel_loop3A_158 = arith.constant 16 : i32
          %parallel_loop3A_159 = arith.muli %parallel_loop3A_109, %parallel_loop3A_158 : i32
          %parallel_loop3A_160 = arith.constant 0 : i32
          %parallel_loop3A_161 = arith.addi %parallel_loop3A_159, %parallel_loop3A_160 : i32
          %parallel_loop3A_162 = arith.index_cast %parallel_loop3A_161 : i32 to index
          %parallel_loop3A_163 = arith.constant 16 : index
          %parallel_loop3A_164 = tpu.vector_load %arg8[%parallel_loop3A_162, %parallel_loop3A_163] {strides = array<i32>} : memref<400x64xf32, #tpu.memory_space<vmem>>, vector<16xf32>,
          tpu.vector_store %arg8[%parallel_loop3A_162, %parallel_loop3A_163], %parallel_loop3A_157 {strides = array<i32>} : memref<400x64xf32, #tpu.memory_space<vmem>>, vector<16xf32>,
          %parallel_loop3A_165 = arith.addi %parallel_loop3A_146, %add3A_11 : vector<16xi32>
          %parallel_loop3A_166 = tpu.vector_load_idx %arg5[%parallel_loop3A_165] : memref<704xf32, #tpu.memory_space<vmem>>[vector<16xi32>], vector<16xf32>,
          %parallel_loop3A_167 = arith.constant 16 : i32
          %parallel_loop3A_168 = arith.muli %parallel_loop3A_109, %parallel_loop3A_167 : i32
          %parallel_loop3A_169 = arith.constant 0 : i32
          %parallel_loop3A_170 = arith.addi %parallel_loop3A_168, %parallel_loop3A_169 : i32
          %parallel_loop3A_171 = arith.index_cast %parallel_loop3A_170 : i32 to index
          %parallel_loop3A_172 = arith.constant 32 : index
          %parallel_loop3A_173 = tpu.vector_load %arg8[%parallel_loop3A_171, %parallel_loop3A_172] {strides = array<i32>} : memref<400x64xf32, #tpu.memory_space<vmem>>, vector<16xf32>,
          tpu.vector_store %arg8[%parallel_loop3A_171, %parallel_loop3A_172], %parallel_loop3A_166 {strides = array<i32>} : memref<400x64xf32, #tpu.memory_space<vmem>>, vector<16xf32>,
          %parallel_loop3A_174 = arith.addi %parallel_loop3A_146, %add3A_15 : vector<16xi32>
          %parallel_loop3A_175 = tpu.vector_load_idx %arg5[%parallel_loop3A_174] : memref<704xf32, #tpu.memory_space<vmem>>[vector<16xi32>], vector<16xf32>,
          %parallel_loop3A_176 = arith.constant 16 : i32
          %parallel_loop3A_177 = arith.muli %parallel_loop3A_109, %parallel_loop3A_176 : i32
          %parallel_loop3A_178 = arith.constant 0 : i32
          %parallel_loop3A_179 = arith.addi %parallel_loop3A_177, %parallel_loop3A_178 : i32
          %parallel_loop3A_180 = arith.index_cast %parallel_loop3A_179 : i32 to index
          %parallel_loop3A_181 = arith.constant 48 : index
          %parallel_loop3A_182 = tpu.vector_load %arg8[%parallel_loop3A_180, %parallel_loop3A_181] {strides = array<i32>} : memref<400x64xf32, #tpu.memory_space<vmem>>, vector<16xf32>,
          tpu.vector_store %arg8[%parallel_loop3A_180, %parallel_loop3A_181], %parallel_loop3A_175 {strides = array<i32>} : memref<400x64xf32, #tpu.memory_space<vmem>>, vector<16xf32>,
          %parallel_loop3A_183 = arith.constant 0 : i32
          %parallel_loop3A_184 = vector.broadcast %parallel_loop3A_183 : i32 to vector<16xi32>
          %parallel_loop3A_185 = arith.cmpi slt, %broadcast_in_dim3A_18, %parallel_loop3A_184 : vector<16xi32>
          %parallel_loop3A_186 = arith.constant 16 : i32
          %parallel_loop3A_187 = vector.broadcast %parallel_loop3A_186 : i32 to vector<16xi32>
          %parallel_loop3A_188 = arith.addi %broadcast_in_dim3A_18, %parallel_loop3A_187 : vector<16xi32>
          %parallel_loop3A_189 = arith.select %parallel_loop3A_185, %parallel_loop3A_188, %broadcast_in_dim3A_18 : vector<16xi1>, vector<16xi32>
          %parallel_loop3A_190 = vector.shape_cast %parallel_loop3A_189 : vector<16xi32> to vector<16x1xi32>
          %parallel_loop3A_191 = vector.shape_cast %parallel_loop3A_190 : vector<16x1xi32> to vector<16xi32>
          %parallel_loop3A_192 = tpu.dynamic_gather %parallel_loop3A_136[%parallel_loop3A_191] in [0] : vector<16xi32>, vector<16xi32> -> vector<16xi32>
          %parallel_loop3A_193 = arith.addi %parallel_loop3A_192, %add3A_3 : vector<16xi32>
          %parallel_loop3A_194 = tpu.vector_load_idx %arg5[%parallel_loop3A_193] : memref<704xf32, #tpu.memory_space<vmem>>[vector<16xi32>], vector<16xf32>,
          %parallel_loop3A_195 = arith.constant 16 : i32
          %parallel_loop3A_196 = arith.muli %parallel_loop3A_109, %parallel_loop3A_195 : i32
          %parallel_loop3A_197 = arith.constant 1 : i32
          %parallel_loop3A_198 = arith.addi %parallel_loop3A_196, %parallel_loop3A_197 : i32
          %parallel_loop3A_199 = arith.index_cast %parallel_loop3A_198 : i32 to index
          %parallel_loop3A_200 = arith.constant 0 : index
          %parallel_loop3A_201 = tpu.vector_load %arg8[%parallel_loop3A_199, %parallel_loop3A_200] {strides = array<i32>} : memref<400x64xf32, #tpu.memory_space<vmem>>, vector<16xf32>,
          tpu.vector_store %arg8[%parallel_loop3A_199, %parallel_loop3A_200], %parallel_loop3A_194 {strides = array<i32>} : memref<400x64xf32, #tpu.memory_space<vmem>>, vector<16xf32>,
          %parallel_loop3A_202 = arith.addi %parallel_loop3A_192, %add3A_7 : vector<16xi32>
          %parallel_loop3A_203 = tpu.vector_load_idx %arg5[%parallel_loop3A_202] : memref<704xf32, #tpu.memory_space<vmem>>[vector<16xi32>], vector<16xf32>,
          %parallel_loop3A_204 = arith.constant 16 : i32
          %parallel_loop3A_205 = arith.muli %parallel_loop3A_109, %parallel_loop3A_204 : i32
          %parallel_loop3A_206 = arith.constant 1 : i32
          %parallel_loop3A_207 = arith.addi %parallel_loop3A_205, %parallel_loop3A_206 : i32
          %parallel_loop3A_208 = arith.index_cast %parallel_loop3A_207 : i32 to index
          %parallel_loop3A_209 = arith.constant 16 : index
          %parallel_loop3A_210 = tpu.vector_load %arg8[%parallel_loop3A_208, %parallel_loop3A_209] {strides = array<i32>} : memref<400x64xf32, #tpu.memory_space<vmem>>, vector<16xf32>,
          tpu.vector_store %arg8[%parallel_loop3A_208, %parallel_loop3A_209], %parallel_loop3A_203 {strides = array<i32>} : memref<400x64xf32, #tpu.memory_space<vmem>>, vector<16xf32>,
          %parallel_loop3A_211 = arith.addi %parallel_loop3A_192, %add3A_11 : vector<16xi32>
          %parallel_loop3A_212 = tpu.vector_load_idx %arg5[%parallel_loop3A_211] : memref<704xf32, #tpu.memory_space<vmem>>[vector<16xi32>], vector<16xf32>,
          %parallel_loop3A_213 = arith.constant 16 : i32
          %parallel_loop3A_214 = arith.muli %parallel_loop3A_109, %parallel_loop3A_213 : i32
          %parallel_loop3A_215 = arith.constant 1 : i32
          %parallel_loop3A_216 = arith.addi %parallel_loop3A_214, %parallel_loop3A_215 : i32
          %parallel_loop3A_217 = arith.index_cast %parallel_loop3A_216 : i32 to index
          %parallel_loop3A_218 = arith.constant 32 : index
          %parallel_loop3A_219 = tpu.vector_load %arg8[%parallel_loop3A_217, %parallel_loop3A_218] {strides = array<i32>} : memref<400x64xf32, #tpu.memory_space<vmem>>, vector<16xf32>,
          tpu.vector_store %arg8[%parallel_loop3A_217, %parallel_loop3A_218], %parallel_loop3A_212 {strides = array<i32>} : memref<400x64xf32, #tpu.memory_space<vmem>>, vector<16xf32>,
          %parallel_loop3A_220 = arith.addi %parallel_loop3A_192, %add3A_15 : vector<16xi32>
          %parallel_loop3A_221 = tpu.vector_load_idx %arg5[%parallel_loop3A_220] : memref<704xf32, #tpu.memory_space<vmem>>[vector<16xi32>], vector<16xf32>,
          %parallel_loop3A_222 = arith.constant 16 : i32
          %parallel_loop3A_223 = arith.muli %parallel_loop3A_109, %parallel_loop3A_222 : i32
          %parallel_loop3A_224 = arith.constant 1 : i32
          %parallel_loop3A_225 = arith.addi %parallel_loop3A_223, %parallel_loop3A_224 : i32
          %parallel_loop3A_226 = arith.index_cast %parallel_loop3A_225 : i32 to index
          %parallel_loop3A_227 = arith.constant 48 : index
          %parallel_loop3A_228 = tpu.vector_load %arg8[%parallel_loop3A_226, %parallel_loop3A_227] {strides = array<i32>} : memref<400x64xf32, #tpu.memory_space<vmem>>, vector<16xf32>,
          tpu.vector_store %arg8[%parallel_loop3A_226, %parallel_loop3A_227], %parallel_loop3A_221 {strides = array<i32>} : memref<400x64xf32, #tpu.memory_space<vmem>>, vector<16xf32>,
          %parallel_loop3A_229 = arith.constant 0 : i32
          %parallel_loop3A_230 = vector.broadcast %parallel_loop3A_229 : i32 to vector<16xi32>
          %parallel_loop3A_231 = arith.cmpi slt, %broadcast_in_dim3A_20, %parallel_loop3A_230 : vector<16xi32>
          %parallel_loop3A_232 = arith.constant 16 : i32
          %parallel_loop3A_233 = vector.broadcast %parallel_loop3A_232 : i32 to vector<16xi32>
          %parallel_loop3A_234 = arith.addi %broadcast_in_dim3A_20, %parallel_loop3A_233 : vector<16xi32>
          %parallel_loop3A_235 = arith.select %parallel_loop3A_231, %parallel_loop3A_234, %broadcast_in_dim3A_20 : vector<16xi1>, vector<16xi32>
          %parallel_loop3A_236 = vector.shape_cast %parallel_loop3A_235 : vector<16xi32> to vector<16x1xi32>
          %parallel_loop3A_237 = vector.shape_cast %parallel_loop3A_236 : vector<16x1xi32> to vector<16xi32>
          %parallel_loop3A_238 = tpu.dynamic_gather %parallel_loop3A_136[%parallel_loop3A_237] in [0] : vector<16xi32>, vector<16xi32> -> vector<16xi32>
          %parallel_loop3A_239 = arith.addi %parallel_loop3A_238, %add3A_3 : vector<16xi32>
          %parallel_loop3A_240 = tpu.vector_load_idx %arg5[%parallel_loop3A_239] : memref<704xf32, #tpu.memory_space<vmem>>[vector<16xi32>], vector<16xf32>,
          %parallel_loop3A_241 = arith.constant 16 : i32
          %parallel_loop3A_242 = arith.muli %parallel_loop3A_109, %parallel_loop3A_241 : i32
          %parallel_loop3A_243 = arith.constant 2 : i32
          %parallel_loop3A_244 = arith.addi %parallel_loop3A_242, %parallel_loop3A_243 : i32
          %parallel_loop3A_245 = arith.index_cast %parallel_loop3A_244 : i32 to index
          %parallel_loop3A_246 = arith.constant 0 : index
          %parallel_loop3A_247 = tpu.vector_load %arg8[%parallel_loop3A_245, %parallel_loop3A_246] {strides = array<i32>} : memref<400x64xf32, #tpu.memory_space<vmem>>, vector<16xf32>,
          tpu.vector_store %arg8[%parallel_loop3A_245, %parallel_loop3A_246], %parallel_loop3A_240 {strides = array<i32>} : memref<400x64xf32, #tpu.memory_space<vmem>>, vector<16xf32>,
          %parallel_loop3A_248 = arith.addi %parallel_loop3A_238, %add3A_7 : vector<16xi32>
          %parallel_loop3A_249 = tpu.vector_load_idx %arg5[%parallel_loop3A_248] : memref<704xf32, #tpu.memory_space<vmem>>[vector<16xi32>], vector<16xf32>,
          %parallel_loop3A_250 = arith.constant 16 : i32
          %parallel_loop3A_251 = arith.muli %parallel_loop3A_109, %parallel_loop3A_250 : i32
          %parallel_loop3A_252 = arith.constant 2 : i32
          %parallel_loop3A_253 = arith.addi %parallel_loop3A_251, %parallel_loop3A_252 : i32
          %parallel_loop3A_254 = arith.index_cast %parallel_loop3A_253 : i32 to index
          %parallel_loop3A_255 = arith.constant 16 : index
          %parallel_loop3A_256 = tpu.vector_load %arg8[%parallel_loop3A_254, %parallel_loop3A_255] {strides = array<i32>} : memref<400x64xf32, #tpu.memory_space<vmem>>, vector<16xf32>,
          tpu.vector_store %arg8[%parallel_loop3A_254, %parallel_loop3A_255], %parallel_loop3A_249 {strides = array<i32>} : memref<400x64xf32, #tpu.memory_space<vmem>>, vector<16xf32>,
          %parallel_loop3A_257 = arith.addi %parallel_loop3A_238, %add3A_11 : vector<16xi32>
          %parallel_loop3A_258 = tpu.vector_load_idx %arg5[%parallel_loop3A_257] : memref<704xf32, #tpu.memory_space<vmem>>[vector<16xi32>], vector<16xf32>,
          %parallel_loop3A_259 = arith.constant 16 : i32
          %parallel_loop3A_260 = arith.muli %parallel_loop3A_109, %parallel_loop3A_259 : i32
          %parallel_loop3A_261 = arith.constant 2 : i32
          %parallel_loop3A_262 = arith.addi %parallel_loop3A_260, %parallel_loop3A_261 : i32
          %parallel_loop3A_263 = arith.index_cast %parallel_loop3A_262 : i32 to index
          %parallel_loop3A_264 = arith.constant 32 : index
          %parallel_loop3A_265 = tpu.vector_load %arg8[%parallel_loop3A_263, %parallel_loop3A_264] {strides = array<i32>} : memref<400x64xf32, #tpu.memory_space<vmem>>, vector<16xf32>,
          tpu.vector_store %arg8[%parallel_loop3A_263, %parallel_loop3A_264], %parallel_loop3A_258 {strides = array<i32>} : memref<400x64xf32, #tpu.memory_space<vmem>>, vector<16xf32>,
          %parallel_loop3A_266 = arith.addi %parallel_loop3A_238, %add3A_15 : vector<16xi32>
          %parallel_loop3A_267 = tpu.vector_load_idx %arg5[%parallel_loop3A_266] : memref<704xf32, #tpu.memory_space<vmem>>[vector<16xi32>], vector<16xf32>,
          %parallel_loop3A_268 = arith.constant 16 : i32
          %parallel_loop3A_269 = arith.muli %parallel_loop3A_109, %parallel_loop3A_268 : i32
          %parallel_loop3A_270 = arith.constant 2 : i32
          %parallel_loop3A_271 = arith.addi %parallel_loop3A_269, %parallel_loop3A_270 : i32
          %parallel_loop3A_272 = arith.index_cast %parallel_loop3A_271 : i32 to index
          %parallel_loop3A_273 = arith.constant 48 : index
          %parallel_loop3A_274 = tpu.vector_load %arg8[%parallel_loop3A_272, %parallel_loop3A_273] {strides = array<i32>} : memref<400x64xf32, #tpu.memory_space<vmem>>, vector<16xf32>,
          tpu.vector_store %arg8[%parallel_loop3A_272, %parallel_loop3A_273], %parallel_loop3A_267 {strides = array<i32>} : memref<400x64xf32, #tpu.memory_space<vmem>>, vector<16xf32>,
          %parallel_loop3A_275 = arith.constant 0 : i32
          %parallel_loop3A_276 = vector.broadcast %parallel_loop3A_275 : i32 to vector<16xi32>
          %parallel_loop3A_277 = arith.cmpi slt, %broadcast_in_dim3A_22, %parallel_loop3A_276 : vector<16xi32>
          %parallel_loop3A_278 = arith.constant 16 : i32
          %parallel_loop3A_279 = vector.broadcast %parallel_loop3A_278 : i32 to vector<16xi32>
          %parallel_loop3A_280 = arith.addi %broadcast_in_dim3A_22, %parallel_loop3A_279 : vector<16xi32>
          %parallel_loop3A_281 = arith.select %parallel_loop3A_277, %parallel_loop3A_280, %broadcast_in_dim3A_22 : vector<16xi1>, vector<16xi32>
          %parallel_loop3A_282 = vector.shape_cast %parallel_loop3A_281 : vector<16xi32> to vector<16x1xi32>
          %parallel_loop3A_283 = vector.shape_cast %parallel_loop3A_282 : vector<16x1xi32> to vector<16xi32>
          %parallel_loop3A_284 = tpu.dynamic_gather %parallel_loop3A_136[%parallel_loop3A_283] in [0] : vector<16xi32>, vector<16xi32> -> vector<16xi32>
          %parallel_loop3A_285 = arith.addi %parallel_loop3A_284, %add3A_3 : vector<16xi32>
          %parallel_loop3A_286 = tpu.vector_load_idx %arg5[%parallel_loop3A_285] : memref<704xf32, #tpu.memory_space<vmem>>[vector<16xi32>], vector<16xf32>,
          %parallel_loop3A_287 = arith.constant 16 : i32
          %parallel_loop3A_288 = arith.muli %parallel_loop3A_109, %parallel_loop3A_287 : i32
          %parallel_loop3A_289 = arith.constant 3 : i32
          %parallel_loop3A_290 = arith.addi %parallel_loop3A_288, %parallel_loop3A_289 : i32
          %parallel_loop3A_291 = arith.index_cast %parallel_loop3A_290 : i32 to index
          %parallel_loop3A_292 = arith.constant 0 : index
          %parallel_loop3A_293 = tpu.vector_load %arg8[%parallel_loop3A_291, %parallel_loop3A_292] {strides = array<i32>} : memref<400x64xf32, #tpu.memory_space<vmem>>, vector<16xf32>,
          tpu.vector_store %arg8[%parallel_loop3A_291, %parallel_loop3A_292], %parallel_loop3A_286 {strides = array<i32>} : memref<400x64xf32, #tpu.memory_space<vmem>>, vector<16xf32>,
          %parallel_loop3A_294 = arith.addi %parallel_loop3A_284, %add3A_7 : vector<16xi32>
          %parallel_loop3A_295 = tpu.vector_load_idx %arg5[%parallel_loop3A_294] : memref<704xf32, #tpu.memory_space<vmem>>[vector<16xi32>], vector<16xf32>,
          %parallel_loop3A_296 = arith.constant 16 : i32
          %parallel_loop3A_297 = arith.muli %parallel_loop3A_109, %parallel_loop3A_296 : i32
          %parallel_loop3A_298 = arith.constant 3 : i32
          %parallel_loop3A_299 = arith.addi %parallel_loop3A_297, %parallel_loop3A_298 : i32
          %parallel_loop3A_300 = arith.index_cast %parallel_loop3A_299 : i32 to index
          %parallel_loop3A_301 = arith.constant 16 : index
          %parallel_loop3A_302 = tpu.vector_load %arg8[%parallel_loop3A_300, %parallel_loop3A_301] {strides = array<i32>} : memref<400x64xf32, #tpu.memory_space<vmem>>, vector<16xf32>,
          tpu.vector_store %arg8[%parallel_loop3A_300, %parallel_loop3A_301], %parallel_loop3A_295 {strides = array<i32>} : memref<400x64xf32, #tpu.memory_space<vmem>>, vector<16xf32>,
          %parallel_loop3A_303 = arith.addi %parallel_loop3A_284, %add3A_11 : vector<16xi32>
          %parallel_loop3A_304 = tpu.vector_load_idx %arg5[%parallel_loop3A_303] : memref<704xf32, #tpu.memory_space<vmem>>[vector<16xi32>], vector<16xf32>,
          %parallel_loop3A_305 = arith.constant 16 : i32
          %parallel_loop3A_306 = arith.muli %parallel_loop3A_109, %parallel_loop3A_305 : i32
          %parallel_loop3A_307 = arith.constant 3 : i32
          %parallel_loop3A_308 = arith.addi %parallel_loop3A_306, %parallel_loop3A_307 : i32
          %parallel_loop3A_309 = arith.index_cast %parallel_loop3A_308 : i32 to index
          %parallel_loop3A_310 = arith.constant 32 : index
          %parallel_loop3A_311 = tpu.vector_load %arg8[%parallel_loop3A_309, %parallel_loop3A_310] {strides = array<i32>} : memref<400x64xf32, #tpu.memory_space<vmem>>, vector<16xf32>,
          tpu.vector_store %arg8[%parallel_loop3A_309, %parallel_loop3A_310], %parallel_loop3A_304 {strides = array<i32>} : memref<400x64xf32, #tpu.memory_space<vmem>>, vector<16xf32>,
          %parallel_loop3A_312 = arith.addi %parallel_loop3A_284, %add3A_15 : vector<16xi32>
          %parallel_loop3A_313 = tpu.vector_load_idx %arg5[%parallel_loop3A_312] : memref<704xf32, #tpu.memory_space<vmem>>[vector<16xi32>], vector<16xf32>,
          %parallel_loop3A_314 = arith.constant 16 : i32
          %parallel_loop3A_315 = arith.muli %parallel_loop3A_109, %parallel_loop3A_314 : i32
          %parallel_loop3A_316 = arith.constant 3 : i32
          %parallel_loop3A_317 = arith.addi %parallel_loop3A_315, %parallel_loop3A_316 : i32
          %parallel_loop3A_318 = arith.index_cast %parallel_loop3A_317 : i32 to index
          %parallel_loop3A_319 = arith.constant 48 : index
          %parallel_loop3A_320 = tpu.vector_load %arg8[%parallel_loop3A_318, %parallel_loop3A_319] {strides = array<i32>} : memref<400x64xf32, #tpu.memory_space<vmem>>, vector<16xf32>,
          tpu.vector_store %arg8[%parallel_loop3A_318, %parallel_loop3A_319], %parallel_loop3A_313 {strides = array<i32>} : memref<400x64xf32, #tpu.memory_space<vmem>>, vector<16xf32>,
          %parallel_loop3A_321 = arith.constant 0 : i32
          %parallel_loop3A_322 = vector.broadcast %parallel_loop3A_321 : i32 to vector<16xi32>
          %parallel_loop3A_323 = arith.cmpi slt, %broadcast_in_dim3A_24, %parallel_loop3A_322 : vector<16xi32>
          %parallel_loop3A_324 = arith.constant 16 : i32
          %parallel_loop3A_325 = vector.broadcast %parallel_loop3A_324 : i32 to vector<16xi32>
          %parallel_loop3A_326 = arith.addi %broadcast_in_dim3A_24, %parallel_loop3A_325 : vector<16xi32>
          %parallel_loop3A_327 = arith.select %parallel_loop3A_323, %parallel_loop3A_326, %broadcast_in_dim3A_24 : vector<16xi1>, vector<16xi32>
          %parallel_loop3A_328 = vector.shape_cast %parallel_loop3A_327 : vector<16xi32> to vector<16x1xi32>
          %parallel_loop3A_329 = vector.shape_cast %parallel_loop3A_328 : vector<16x1xi32> to vector<16xi32>
          %parallel_loop3A_330 = tpu.dynamic_gather %parallel_loop3A_136[%parallel_loop3A_329] in [0] : vector<16xi32>, vector<16xi32> -> vector<16xi32>
          %parallel_loop3A_331 = arith.addi %parallel_loop3A_330, %add3A_3 : vector<16xi32>
          %parallel_loop3A_332 = tpu.vector_load_idx %arg5[%parallel_loop3A_331] : memref<704xf32, #tpu.memory_space<vmem>>[vector<16xi32>], vector<16xf32>,
          %parallel_loop3A_333 = arith.constant 16 : i32
          %parallel_loop3A_334 = arith.muli %parallel_loop3A_109, %parallel_loop3A_333 : i32
          %parallel_loop3A_335 = arith.constant 4 : i32
          %parallel_loop3A_336 = arith.addi %parallel_loop3A_334, %parallel_loop3A_335 : i32
          %parallel_loop3A_337 = arith.index_cast %parallel_loop3A_336 : i32 to index
          %parallel_loop3A_338 = arith.constant 0 : index
          %parallel_loop3A_339 = tpu.vector_load %arg8[%parallel_loop3A_337, %parallel_loop3A_338] {strides = array<i32>} : memref<400x64xf32, #tpu.memory_space<vmem>>, vector<16xf32>,
          tpu.vector_store %arg8[%parallel_loop3A_337, %parallel_loop3A_338], %parallel_loop3A_332 {strides = array<i32>} : memref<400x64xf32, #tpu.memory_space<vmem>>, vector<16xf32>,
          %parallel_loop3A_340 = arith.addi %parallel_loop3A_330, %add3A_7 : vector<16xi32>
          %parallel_loop3A_341 = tpu.vector_load_idx %arg5[%parallel_loop3A_340] : memref<704xf32, #tpu.memory_space<vmem>>[vector<16xi32>], vector<16xf32>,
          %parallel_loop3A_342 = arith.constant 16 : i32
          %parallel_loop3A_343 = arith.muli %parallel_loop3A_109, %parallel_loop3A_342 : i32
          %parallel_loop3A_344 = arith.constant 4 : i32
          %parallel_loop3A_345 = arith.addi %parallel_loop3A_343, %parallel_loop3A_344 : i32
          %parallel_loop3A_346 = arith.index_cast %parallel_loop3A_345 : i32 to index
          %parallel_loop3A_347 = arith.constant 16 : index
          %parallel_loop3A_348 = tpu.vector_load %arg8[%parallel_loop3A_346, %parallel_loop3A_347] {strides = array<i32>} : memref<400x64xf32, #tpu.memory_space<vmem>>, vector<16xf32>,
          tpu.vector_store %arg8[%parallel_loop3A_346, %parallel_loop3A_347], %parallel_loop3A_341 {strides = array<i32>} : memref<400x64xf32, #tpu.memory_space<vmem>>, vector<16xf32>,
          %parallel_loop3A_349 = arith.addi %parallel_loop3A_330, %add3A_11 : vector<16xi32>
          %parallel_loop3A_350 = tpu.vector_load_idx %arg5[%parallel_loop3A_349] : memref<704xf32, #tpu.memory_space<vmem>>[vector<16xi32>], vector<16xf32>,
          %parallel_loop3A_351 = arith.constant 16 : i32
          %parallel_loop3A_352 = arith.muli %parallel_loop3A_109, %parallel_loop3A_351 : i32
          %parallel_loop3A_353 = arith.constant 4 : i32
          %parallel_loop3A_354 = arith.addi %parallel_loop3A_352, %parallel_loop3A_353 : i32
          %parallel_loop3A_355 = arith.index_cast %parallel_loop3A_354 : i32 to index
          %parallel_loop3A_356 = arith.constant 32 : index
          %parallel_loop3A_357 = tpu.vector_load %arg8[%parallel_loop3A_355, %parallel_loop3A_356] {strides = array<i32>} : memref<400x64xf32, #tpu.memory_space<vmem>>, vector<16xf32>,
          tpu.vector_store %arg8[%parallel_loop3A_355, %parallel_loop3A_356], %parallel_loop3A_350 {strides = array<i32>} : memref<400x64xf32, #tpu.memory_space<vmem>>, vector<16xf32>,
          %parallel_loop3A_358 = arith.addi %parallel_loop3A_330, %add3A_15 : vector<16xi32>
          %parallel_loop3A_359 = tpu.vector_load_idx %arg5[%parallel_loop3A_358] : memref<704xf32, #tpu.memory_space<vmem>>[vector<16xi32>], vector<16xf32>,
          %parallel_loop3A_360 = arith.constant 16 : i32
          %parallel_loop3A_361 = arith.muli %parallel_loop3A_109, %parallel_loop3A_360 : i32
          %parallel_loop3A_362 = arith.constant 4 : i32
          %parallel_loop3A_363 = arith.addi %parallel_loop3A_361, %parallel_loop3A_362 : i32
          %parallel_loop3A_364 = arith.index_cast %parallel_loop3A_363 : i32 to index
          %parallel_loop3A_365 = arith.constant 48 : index
          %parallel_loop3A_366 = tpu.vector_load %arg8[%parallel_loop3A_364, %parallel_loop3A_365] {strides = array<i32>} : memref<400x64xf32, #tpu.memory_space<vmem>>, vector<16xf32>,
          tpu.vector_store %arg8[%parallel_loop3A_364, %parallel_loop3A_365], %parallel_loop3A_359 {strides = array<i32>} : memref<400x64xf32, #tpu.memory_space<vmem>>, vector<16xf32>,
          %parallel_loop3A_367 = arith.constant 0 : i32
          %parallel_loop3A_368 = vector.broadcast %parallel_loop3A_367 : i32 to vector<16xi32>
          %parallel_loop3A_369 = arith.cmpi slt, %broadcast_in_dim3A_26, %parallel_loop3A_368 : vector<16xi32>
          %parallel_loop3A_370 = arith.constant 16 : i32
          %parallel_loop3A_371 = vector.broadcast %parallel_loop3A_370 : i32 to vector<16xi32>
          %parallel_loop3A_372 = arith.addi %broadcast_in_dim3A_26, %parallel_loop3A_371 : vector<16xi32>
          %parallel_loop3A_373 = arith.select %parallel_loop3A_369, %parallel_loop3A_372, %broadcast_in_dim3A_26 : vector<16xi1>, vector<16xi32>
          %parallel_loop3A_374 = vector.shape_cast %parallel_loop3A_373 : vector<16xi32> to vector<16x1xi32>
          %parallel_loop3A_375 = vector.shape_cast %parallel_loop3A_374 : vector<16x1xi32> to vector<16xi32>
          %parallel_loop3A_376 = tpu.dynamic_gather %parallel_loop3A_136[%parallel_loop3A_375] in [0] : vector<16xi32>, vector<16xi32> -> vector<16xi32>
          %parallel_loop3A_377 = arith.addi %parallel_loop3A_376, %add3A_3 : vector<16xi32>
          %parallel_loop3A_378 = tpu.vector_load_idx %arg5[%parallel_loop3A_377] : memref<704xf32, #tpu.memory_space<vmem>>[vector<16xi32>], vector<16xf32>,
          %parallel_loop3A_379 = arith.constant 16 : i32
          %parallel_loop3A_380 = arith.muli %parallel_loop3A_109, %parallel_loop3A_379 : i32
          %parallel_loop3A_381 = arith.constant 5 : i32
          %parallel_loop3A_382 = arith.addi %parallel_loop3A_380, %parallel_loop3A_381 : i32
          %parallel_loop3A_383 = arith.index_cast %parallel_loop3A_382 : i32 to index
          %parallel_loop3A_384 = arith.constant 0 : index
          %parallel_loop3A_385 = tpu.vector_load %arg8[%parallel_loop3A_383, %parallel_loop3A_384] {strides = array<i32>} : memref<400x64xf32, #tpu.memory_space<vmem>>, vector<16xf32>,
          tpu.vector_store %arg8[%parallel_loop3A_383, %parallel_loop3A_384], %parallel_loop3A_378 {strides = array<i32>} : memref<400x64xf32, #tpu.memory_space<vmem>>, vector<16xf32>,
          %parallel_loop3A_386 = arith.addi %parallel_loop3A_376, %add3A_7 : vector<16xi32>
          %parallel_loop3A_387 = tpu.vector_load_idx %arg5[%parallel_loop3A_386] : memref<704xf32, #tpu.memory_space<vmem>>[vector<16xi32>], vector<16xf32>,
          %parallel_loop3A_388 = arith.constant 16 : i32
          %parallel_loop3A_389 = arith.muli %parallel_loop3A_109, %parallel_loop3A_388 : i32
          %parallel_loop3A_390 = arith.constant 5 : i32
          %parallel_loop3A_391 = arith.addi %parallel_loop3A_389, %parallel_loop3A_390 : i32
          %parallel_loop3A_392 = arith.index_cast %parallel_loop3A_391 : i32 to index
          %parallel_loop3A_393 = arith.constant 16 : index
          %parallel_loop3A_394 = tpu.vector_load %arg8[%parallel_loop3A_392, %parallel_loop3A_393] {strides = array<i32>} : memref<400x64xf32, #tpu.memory_space<vmem>>, vector<16xf32>,
          tpu.vector_store %arg8[%parallel_loop3A_392, %parallel_loop3A_393], %parallel_loop3A_387 {strides = array<i32>} : memref<400x64xf32, #tpu.memory_space<vmem>>, vector<16xf32>,
          %parallel_loop3A_395 = arith.addi %parallel_loop3A_376, %add3A_11 : vector<16xi32>
          %parallel_loop3A_396 = tpu.vector_load_idx %arg5[%parallel_loop3A_395] : memref<704xf32, #tpu.memory_space<vmem>>[vector<16xi32>], vector<16xf32>,
          %parallel_loop3A_397 = arith.constant 16 : i32
          %parallel_loop3A_398 = arith.muli %parallel_loop3A_109, %parallel_loop3A_397 : i32
          %parallel_loop3A_399 = arith.constant 5 : i32
          %parallel_loop3A_400 = arith.addi %parallel_loop3A_398, %parallel_loop3A_399 : i32
          %parallel_loop3A_401 = arith.index_cast %parallel_loop3A_400 : i32 to index
          %parallel_loop3A_402 = arith.constant 32 : index
          %parallel_loop3A_403 = tpu.vector_load %arg8[%parallel_loop3A_401, %parallel_loop3A_402] {strides = array<i32>} : memref<400x64xf32, #tpu.memory_space<vmem>>, vector<16xf32>,
          tpu.vector_store %arg8[%parallel_loop3A_401, %parallel_loop3A_402], %parallel_loop3A_396 {strides = array<i32>} : memref<400x64xf32, #tpu.memory_space<vmem>>, vector<16xf32>,
          %parallel_loop3A_404 = arith.addi %parallel_loop3A_376, %add3A_15 : vector<16xi32>
          %parallel_loop3A_405 = tpu.vector_load_idx %arg5[%parallel_loop3A_404] : memref<704xf32, #tpu.memory_space<vmem>>[vector<16xi32>], vector<16xf32>,
          %parallel_loop3A_406 = arith.constant 16 : i32
          %parallel_loop3A_407 = arith.muli %parallel_loop3A_109, %parallel_loop3A_406 : i32
          %parallel_loop3A_408 = arith.constant 5 : i32
          %parallel_loop3A_409 = arith.addi %parallel_loop3A_407, %parallel_loop3A_408 : i32
          %parallel_loop3A_410 = arith.index_cast %parallel_loop3A_409 : i32 to index
          %parallel_loop3A_411 = arith.constant 48 : index
          %parallel_loop3A_412 = tpu.vector_load %arg8[%parallel_loop3A_410, %parallel_loop3A_411] {strides = array<i32>} : memref<400x64xf32, #tpu.memory_space<vmem>>, vector<16xf32>,
          tpu.vector_store %arg8[%parallel_loop3A_410, %parallel_loop3A_411], %parallel_loop3A_405 {strides = array<i32>} : memref<400x64xf32, #tpu.memory_space<vmem>>, vector<16xf32>,
          %parallel_loop3A_413 = arith.constant 0 : i32
          %parallel_loop3A_414 = vector.broadcast %parallel_loop3A_413 : i32 to vector<16xi32>
          %parallel_loop3A_415 = arith.cmpi slt, %broadcast_in_dim3A_28, %parallel_loop3A_414 : vector<16xi32>
          %parallel_loop3A_416 = arith.constant 16 : i32
          %parallel_loop3A_417 = vector.broadcast %parallel_loop3A_416 : i32 to vector<16xi32>
          %parallel_loop3A_418 = arith.addi %broadcast_in_dim3A_28, %parallel_loop3A_417 : vector<16xi32>
          %parallel_loop3A_419 = arith.select %parallel_loop3A_415, %parallel_loop3A_418, %broadcast_in_dim3A_28 : vector<16xi1>, vector<16xi32>
          %parallel_loop3A_420 = vector.shape_cast %parallel_loop3A_419 : vector<16xi32> to vector<16x1xi32>
          %parallel_loop3A_421 = vector.shape_cast %parallel_loop3A_420 : vector<16x1xi32> to vector<16xi32>
          %parallel_loop3A_422 = tpu.dynamic_gather %parallel_loop3A_136[%parallel_loop3A_421] in [0] : vector<16xi32>, vector<16xi32> -> vector<16xi32>
          %parallel_loop3A_423 = arith.addi %parallel_loop3A_422, %add3A_3 : vector<16xi32>
          %parallel_loop3A_424 = tpu.vector_load_idx %arg5[%parallel_loop3A_423] : memref<704xf32, #tpu.memory_space<vmem>>[vector<16xi32>], vector<16xf32>,
          %parallel_loop3A_425 = arith.constant 16 : i32
          %parallel_loop3A_426 = arith.muli %parallel_loop3A_109, %parallel_loop3A_425 : i32
          %parallel_loop3A_427 = arith.constant 6 : i32
          %parallel_loop3A_428 = arith.addi %parallel_loop3A_426, %parallel_loop3A_427 : i32
          %parallel_loop3A_429 = arith.index_cast %parallel_loop3A_428 : i32 to index
          %parallel_loop3A_430 = arith.constant 0 : index
          %parallel_loop3A_431 = tpu.vector_load %arg8[%parallel_loop3A_429, %parallel_loop3A_430] {strides = array<i32>} : memref<400x64xf32, #tpu.memory_space<vmem>>, vector<16xf32>,
          tpu.vector_store %arg8[%parallel_loop3A_429, %parallel_loop3A_430], %parallel_loop3A_424 {strides = array<i32>} : memref<400x64xf32, #tpu.memory_space<vmem>>, vector<16xf32>,
          %parallel_loop3A_432 = arith.addi %parallel_loop3A_422, %add3A_7 : vector<16xi32>
          %parallel_loop3A_433 = tpu.vector_load_idx %arg5[%parallel_loop3A_432] : memref<704xf32, #tpu.memory_space<vmem>>[vector<16xi32>], vector<16xf32>,
          %parallel_loop3A_434 = arith.constant 16 : i32
          %parallel_loop3A_435 = arith.muli %parallel_loop3A_109, %parallel_loop3A_434 : i32
          %parallel_loop3A_436 = arith.constant 6 : i32
          %parallel_loop3A_437 = arith.addi %parallel_loop3A_435, %parallel_loop3A_436 : i32
          %parallel_loop3A_438 = arith.index_cast %parallel_loop3A_437 : i32 to index
          %parallel_loop3A_439 = arith.constant 16 : index
          %parallel_loop3A_440 = tpu.vector_load %arg8[%parallel_loop3A_438, %parallel_loop3A_439] {strides = array<i32>} : memref<400x64xf32, #tpu.memory_space<vmem>>, vector<16xf32>,
          tpu.vector_store %arg8[%parallel_loop3A_438, %parallel_loop3A_439], %parallel_loop3A_433 {strides = array<i32>} : memref<400x64xf32, #tpu.memory_space<vmem>>, vector<16xf32>,
          %parallel_loop3A_441 = arith.addi %parallel_loop3A_422, %add3A_11 : vector<16xi32>
          %parallel_loop3A_442 = tpu.vector_load_idx %arg5[%parallel_loop3A_441] : memref<704xf32, #tpu.memory_space<vmem>>[vector<16xi32>], vector<16xf32>,
          %parallel_loop3A_443 = arith.constant 16 : i32
          %parallel_loop3A_444 = arith.muli %parallel_loop3A_109, %parallel_loop3A_443 : i32
          %parallel_loop3A_445 = arith.constant 6 : i32
          %parallel_loop3A_446 = arith.addi %parallel_loop3A_444, %parallel_loop3A_445 : i32
          %parallel_loop3A_447 = arith.index_cast %parallel_loop3A_446 : i32 to index
          %parallel_loop3A_448 = arith.constant 32 : index
          %parallel_loop3A_449 = tpu.vector_load %arg8[%parallel_loop3A_447, %parallel_loop3A_448] {strides = array<i32>} : memref<400x64xf32, #tpu.memory_space<vmem>>, vector<16xf32>,
          tpu.vector_store %arg8[%parallel_loop3A_447, %parallel_loop3A_448], %parallel_loop3A_442 {strides = array<i32>} : memref<400x64xf32, #tpu.memory_space<vmem>>, vector<16xf32>,
          %parallel_loop3A_450 = arith.addi %parallel_loop3A_422, %add3A_15 : vector<16xi32>
          %parallel_loop3A_451 = tpu.vector_load_idx %arg5[%parallel_loop3A_450] : memref<704xf32, #tpu.memory_space<vmem>>[vector<16xi32>], vector<16xf32>,
          %parallel_loop3A_452 = arith.constant 16 : i32
          %parallel_loop3A_453 = arith.muli %parallel_loop3A_109, %parallel_loop3A_452 : i32
          %parallel_loop3A_454 = arith.constant 6 : i32
          %parallel_loop3A_455 = arith.addi %parallel_loop3A_453, %parallel_loop3A_454 : i32
          %parallel_loop3A_456 = arith.index_cast %parallel_loop3A_455 : i32 to index
          %parallel_loop3A_457 = arith.constant 48 : index
          %parallel_loop3A_458 = tpu.vector_load %arg8[%parallel_loop3A_456, %parallel_loop3A_457] {strides = array<i32>} : memref<400x64xf32, #tpu.memory_space<vmem>>, vector<16xf32>,
          tpu.vector_store %arg8[%parallel_loop3A_456, %parallel_loop3A_457], %parallel_loop3A_451 {strides = array<i32>} : memref<400x64xf32, #tpu.memory_space<vmem>>, vector<16xf32>,
          %parallel_loop3A_459 = arith.constant 0 : i32
          %parallel_loop3A_460 = vector.broadcast %parallel_loop3A_459 : i32 to vector<16xi32>
          %parallel_loop3A_461 = arith.cmpi slt, %broadcast_in_dim3A_30, %parallel_loop3A_460 : vector<16xi32>
          %parallel_loop3A_462 = arith.constant 16 : i32
          %parallel_loop3A_463 = vector.broadcast %parallel_loop3A_462 : i32 to vector<16xi32>
          %parallel_loop3A_464 = arith.addi %broadcast_in_dim3A_30, %parallel_loop3A_463 : vector<16xi32>
          %parallel_loop3A_465 = arith.select %parallel_loop3A_461, %parallel_loop3A_464, %broadcast_in_dim3A_30 : vector<16xi1>, vector<16xi32>
          %parallel_loop3A_466 = vector.shape_cast %parallel_loop3A_465 : vector<16xi32> to vector<16x1xi32>
          %parallel_loop3A_467 = vector.shape_cast %parallel_loop3A_466 : vector<16x1xi32> to vector<16xi32>
          %parallel_loop3A_468 = tpu.dynamic_gather %parallel_loop3A_136[%parallel_loop3A_467] in [0] : vector<16xi32>, vector<16xi32> -> vector<16xi32>
          %parallel_loop3A_469 = arith.addi %parallel_loop3A_468, %add3A_3 : vector<16xi32>
          %parallel_loop3A_470 = tpu.vector_load_idx %arg5[%parallel_loop3A_469] : memref<704xf32, #tpu.memory_space<vmem>>[vector<16xi32>], vector<16xf32>,
          %parallel_loop3A_471 = arith.constant 16 : i32
          %parallel_loop3A_472 = arith.muli %parallel_loop3A_109, %parallel_loop3A_471 : i32
          %parallel_loop3A_473 = arith.constant 7 : i32
          %parallel_loop3A_474 = arith.addi %parallel_loop3A_472, %parallel_loop3A_473 : i32
          %parallel_loop3A_475 = arith.index_cast %parallel_loop3A_474 : i32 to index
          %parallel_loop3A_476 = arith.constant 0 : index
          %parallel_loop3A_477 = tpu.vector_load %arg8[%parallel_loop3A_475, %parallel_loop3A_476] {strides = array<i32>} : memref<400x64xf32, #tpu.memory_space<vmem>>, vector<16xf32>,
          tpu.vector_store %arg8[%parallel_loop3A_475, %parallel_loop3A_476], %parallel_loop3A_470 {strides = array<i32>} : memref<400x64xf32, #tpu.memory_space<vmem>>, vector<16xf32>,
          %parallel_loop3A_478 = arith.addi %parallel_loop3A_468, %add3A_7 : vector<16xi32>
          %parallel_loop3A_479 = tpu.vector_load_idx %arg5[%parallel_loop3A_478] : memref<704xf32, #tpu.memory_space<vmem>>[vector<16xi32>], vector<16xf32>,
          %parallel_loop3A_480 = arith.constant 16 : i32
          %parallel_loop3A_481 = arith.muli %parallel_loop3A_109, %parallel_loop3A_480 : i32
          %parallel_loop3A_482 = arith.constant 7 : i32
          %parallel_loop3A_483 = arith.addi %parallel_loop3A_481, %parallel_loop3A_482 : i32
          %parallel_loop3A_484 = arith.index_cast %parallel_loop3A_483 : i32 to index
          %parallel_loop3A_485 = arith.constant 16 : index
          %parallel_loop3A_486 = tpu.vector_load %arg8[%parallel_loop3A_484, %parallel_loop3A_485] {strides = array<i32>} : memref<400x64xf32, #tpu.memory_space<vmem>>, vector<16xf32>,
          tpu.vector_store %arg8[%parallel_loop3A_484, %parallel_loop3A_485], %parallel_loop3A_479 {strides = array<i32>} : memref<400x64xf32, #tpu.memory_space<vmem>>, vector<16xf32>,
          %parallel_loop3A_487 = arith.addi %parallel_loop3A_468, %add3A_11 : vector<16xi32>
          %parallel_loop3A_488 = tpu.vector_load_idx %arg5[%parallel_loop3A_487] : memref<704xf32, #tpu.memory_space<vmem>>[vector<16xi32>], vector<16xf32>,
          %parallel_loop3A_489 = arith.constant 16 : i32
          %parallel_loop3A_490 = arith.muli %parallel_loop3A_109, %parallel_loop3A_489 : i32
          %parallel_loop3A_491 = arith.constant 7 : i32
          %parallel_loop3A_492 = arith.addi %parallel_loop3A_490, %parallel_loop3A_491 : i32
          %parallel_loop3A_493 = arith.index_cast %parallel_loop3A_492 : i32 to index
          %parallel_loop3A_494 = arith.constant 32 : index
          %parallel_loop3A_495 = tpu.vector_load %arg8[%parallel_loop3A_493, %parallel_loop3A_494] {strides = array<i32>} : memref<400x64xf32, #tpu.memory_space<vmem>>, vector<16xf32>,
          tpu.vector_store %arg8[%parallel_loop3A_493, %parallel_loop3A_494], %parallel_loop3A_488 {strides = array<i32>} : memref<400x64xf32, #tpu.memory_space<vmem>>, vector<16xf32>,
          %parallel_loop3A_496 = arith.addi %parallel_loop3A_468, %add3A_15 : vector<16xi32>
          %parallel_loop3A_497 = tpu.vector_load_idx %arg5[%parallel_loop3A_496] : memref<704xf32, #tpu.memory_space<vmem>>[vector<16xi32>], vector<16xf32>,
          %parallel_loop3A_498 = arith.constant 16 : i32
          %parallel_loop3A_499 = arith.muli %parallel_loop3A_109, %parallel_loop3A_498 : i32
          %parallel_loop3A_500 = arith.constant 7 : i32
          %parallel_loop3A_501 = arith.addi %parallel_loop3A_499, %parallel_loop3A_500 : i32
          %parallel_loop3A_502 = arith.index_cast %parallel_loop3A_501 : i32 to index
          %parallel_loop3A_503 = arith.constant 48 : index
          %parallel_loop3A_504 = tpu.vector_load %arg8[%parallel_loop3A_502, %parallel_loop3A_503] {strides = array<i32>} : memref<400x64xf32, #tpu.memory_space<vmem>>, vector<16xf32>,
          tpu.vector_store %arg8[%parallel_loop3A_502, %parallel_loop3A_503], %parallel_loop3A_497 {strides = array<i32>} : memref<400x64xf32, #tpu.memory_space<vmem>>, vector<16xf32>,
          %parallel_loop3A_505 = arith.constant 0 : i32
          %parallel_loop3A_506 = vector.broadcast %parallel_loop3A_505 : i32 to vector<16xi32>
          %parallel_loop3A_507 = arith.cmpi slt, %broadcast_in_dim3A_32, %parallel_loop3A_506 : vector<16xi32>
          %parallel_loop3A_508 = arith.constant 16 : i32
          %parallel_loop3A_509 = vector.broadcast %parallel_loop3A_508 : i32 to vector<16xi32>
          %parallel_loop3A_510 = arith.addi %broadcast_in_dim3A_32, %parallel_loop3A_509 : vector<16xi32>
          %parallel_loop3A_511 = arith.select %parallel_loop3A_507, %parallel_loop3A_510, %broadcast_in_dim3A_32 : vector<16xi1>, vector<16xi32>
          %parallel_loop3A_512 = vector.shape_cast %parallel_loop3A_511 : vector<16xi32> to vector<16x1xi32>
          %parallel_loop3A_513 = vector.shape_cast %parallel_loop3A_512 : vector<16x1xi32> to vector<16xi32>
          %parallel_loop3A_514 = tpu.dynamic_gather %parallel_loop3A_136[%parallel_loop3A_513] in [0] : vector<16xi32>, vector<16xi32> -> vector<16xi32>
          %parallel_loop3A_515 = arith.addi %parallel_loop3A_514, %add3A_3 : vector<16xi32>
          %parallel_loop3A_516 = tpu.vector_load_idx %arg5[%parallel_loop3A_515] : memref<704xf32, #tpu.memory_space<vmem>>[vector<16xi32>], vector<16xf32>,
          %parallel_loop3A_517 = arith.constant 16 : i32
          %parallel_loop3A_518 = arith.muli %parallel_loop3A_109, %parallel_loop3A_517 : i32
          %parallel_loop3A_519 = arith.constant 8 : i32
          %parallel_loop3A_520 = arith.addi %parallel_loop3A_518, %parallel_loop3A_519 : i32
          %parallel_loop3A_521 = arith.index_cast %parallel_loop3A_520 : i32 to index
          %parallel_loop3A_522 = arith.constant 0 : index
          %parallel_loop3A_523 = tpu.vector_load %arg8[%parallel_loop3A_521, %parallel_loop3A_522] {strides = array<i32>} : memref<400x64xf32, #tpu.memory_space<vmem>>, vector<16xf32>,
          tpu.vector_store %arg8[%parallel_loop3A_521, %parallel_loop3A_522], %parallel_loop3A_516 {strides = array<i32>} : memref<400x64xf32, #tpu.memory_space<vmem>>, vector<16xf32>,
          %parallel_loop3A_524 = arith.addi %parallel_loop3A_514, %add3A_7 : vector<16xi32>
          %parallel_loop3A_525 = tpu.vector_load_idx %arg5[%parallel_loop3A_524] : memref<704xf32, #tpu.memory_space<vmem>>[vector<16xi32>], vector<16xf32>,
          %parallel_loop3A_526 = arith.constant 16 : i32
          %parallel_loop3A_527 = arith.muli %parallel_loop3A_109, %parallel_loop3A_526 : i32
          %parallel_loop3A_528 = arith.constant 8 : i32
          %parallel_loop3A_529 = arith.addi %parallel_loop3A_527, %parallel_loop3A_528 : i32
          %parallel_loop3A_530 = arith.index_cast %parallel_loop3A_529 : i32 to index
          %parallel_loop3A_531 = arith.constant 16 : index
          %parallel_loop3A_532 = tpu.vector_load %arg8[%parallel_loop3A_530, %parallel_loop3A_531] {strides = array<i32>} : memref<400x64xf32, #tpu.memory_space<vmem>>, vector<16xf32>,
          tpu.vector_store %arg8[%parallel_loop3A_530, %parallel_loop3A_531], %parallel_loop3A_525 {strides = array<i32>} : memref<400x64xf32, #tpu.memory_space<vmem>>, vector<16xf32>,
          %parallel_loop3A_533 = arith.addi %parallel_loop3A_514, %add3A_11 : vector<16xi32>
          %parallel_loop3A_534 = tpu.vector_load_idx %arg5[%parallel_loop3A_533] : memref<704xf32, #tpu.memory_space<vmem>>[vector<16xi32>], vector<16xf32>,
          %parallel_loop3A_535 = arith.constant 16 : i32
          %parallel_loop3A_536 = arith.muli %parallel_loop3A_109, %parallel_loop3A_535 : i32
          %parallel_loop3A_537 = arith.constant 8 : i32
          %parallel_loop3A_538 = arith.addi %parallel_loop3A_536, %parallel_loop3A_537 : i32
          %parallel_loop3A_539 = arith.index_cast %parallel_loop3A_538 : i32 to index
          %parallel_loop3A_540 = arith.constant 32 : index
          %parallel_loop3A_541 = tpu.vector_load %arg8[%parallel_loop3A_539, %parallel_loop3A_540] {strides = array<i32>} : memref<400x64xf32, #tpu.memory_space<vmem>>, vector<16xf32>,
          tpu.vector_store %arg8[%parallel_loop3A_539, %parallel_loop3A_540], %parallel_loop3A_534 {strides = array<i32>} : memref<400x64xf32, #tpu.memory_space<vmem>>, vector<16xf32>,
          %parallel_loop3A_542 = arith.addi %parallel_loop3A_514, %add3A_15 : vector<16xi32>
          %parallel_loop3A_543 = tpu.vector_load_idx %arg5[%parallel_loop3A_542] : memref<704xf32, #tpu.memory_space<vmem>>[vector<16xi32>], vector<16xf32>,
          %parallel_loop3A_544 = arith.constant 16 : i32
          %parallel_loop3A_545 = arith.muli %parallel_loop3A_109, %parallel_loop3A_544 : i32
          %parallel_loop3A_546 = arith.constant 8 : i32
          %parallel_loop3A_547 = arith.addi %parallel_loop3A_545, %parallel_loop3A_546 : i32
          %parallel_loop3A_548 = arith.index_cast %parallel_loop3A_547 : i32 to index
          %parallel_loop3A_549 = arith.constant 48 : index
          %parallel_loop3A_550 = tpu.vector_load %arg8[%parallel_loop3A_548, %parallel_loop3A_549] {strides = array<i32>} : memref<400x64xf32, #tpu.memory_space<vmem>>, vector<16xf32>,
          tpu.vector_store %arg8[%parallel_loop3A_548, %parallel_loop3A_549], %parallel_loop3A_543 {strides = array<i32>} : memref<400x64xf32, #tpu.memory_space<vmem>>, vector<16xf32>,
          %parallel_loop3A_551 = arith.constant 0 : i32
          %parallel_loop3A_552 = vector.broadcast %parallel_loop3A_551 : i32 to vector<16xi32>
          %parallel_loop3A_553 = arith.cmpi slt, %broadcast_in_dim3A_34, %parallel_loop3A_552 : vector<16xi32>
          %parallel_loop3A_554 = arith.constant 16 : i32
          %parallel_loop3A_555 = vector.broadcast %parallel_loop3A_554 : i32 to vector<16xi32>
          %parallel_loop3A_556 = arith.addi %broadcast_in_dim3A_34, %parallel_loop3A_555 : vector<16xi32>
          %parallel_loop3A_557 = arith.select %parallel_loop3A_553, %parallel_loop3A_556, %broadcast_in_dim3A_34 : vector<16xi1>, vector<16xi32>
          %parallel_loop3A_558 = vector.shape_cast %parallel_loop3A_557 : vector<16xi32> to vector<16x1xi32>
          %parallel_loop3A_559 = vector.shape_cast %parallel_loop3A_558 : vector<16x1xi32> to vector<16xi32>
          %parallel_loop3A_560 = tpu.dynamic_gather %parallel_loop3A_136[%parallel_loop3A_559] in [0] : vector<16xi32>, vector<16xi32> -> vector<16xi32>
          %parallel_loop3A_561 = arith.addi %parallel_loop3A_560, %add3A_3 : vector<16xi32>
          %parallel_loop3A_562 = tpu.vector_load_idx %arg5[%parallel_loop3A_561] : memref<704xf32, #tpu.memory_space<vmem>>[vector<16xi32>], vector<16xf32>,
          %parallel_loop3A_563 = arith.constant 16 : i32
          %parallel_loop3A_564 = arith.muli %parallel_loop3A_109, %parallel_loop3A_563 : i32
          %parallel_loop3A_565 = arith.constant 9 : i32
          %parallel_loop3A_566 = arith.addi %parallel_loop3A_564, %parallel_loop3A_565 : i32
          %parallel_loop3A_567 = arith.index_cast %parallel_loop3A_566 : i32 to index
          %parallel_loop3A_568 = arith.constant 0 : index
          %parallel_loop3A_569 = tpu.vector_load %arg8[%parallel_loop3A_567, %parallel_loop3A_568] {strides = array<i32>} : memref<400x64xf32, #tpu.memory_space<vmem>>, vector<16xf32>,
          tpu.vector_store %arg8[%parallel_loop3A_567, %parallel_loop3A_568], %parallel_loop3A_562 {strides = array<i32>} : memref<400x64xf32, #tpu.memory_space<vmem>>, vector<16xf32>,
          %parallel_loop3A_570 = arith.addi %parallel_loop3A_560, %add3A_7 : vector<16xi32>
          %parallel_loop3A_571 = tpu.vector_load_idx %arg5[%parallel_loop3A_570] : memref<704xf32, #tpu.memory_space<vmem>>[vector<16xi32>], vector<16xf32>,
          %parallel_loop3A_572 = arith.constant 16 : i32
          %parallel_loop3A_573 = arith.muli %parallel_loop3A_109, %parallel_loop3A_572 : i32
          %parallel_loop3A_574 = arith.constant 9 : i32
          %parallel_loop3A_575 = arith.addi %parallel_loop3A_573, %parallel_loop3A_574 : i32
          %parallel_loop3A_576 = arith.index_cast %parallel_loop3A_575 : i32 to index
          %parallel_loop3A_577 = arith.constant 16 : index
          %parallel_loop3A_578 = tpu.vector_load %arg8[%parallel_loop3A_576, %parallel_loop3A_577] {strides = array<i32>} : memref<400x64xf32, #tpu.memory_space<vmem>>, vector<16xf32>,
          tpu.vector_store %arg8[%parallel_loop3A_576, %parallel_loop3A_577], %parallel_loop3A_571 {strides = array<i32>} : memref<400x64xf32, #tpu.memory_space<vmem>>, vector<16xf32>,
          %parallel_loop3A_579 = arith.addi %parallel_loop3A_560, %add3A_11 : vector<16xi32>
          %parallel_loop3A_580 = tpu.vector_load_idx %arg5[%parallel_loop3A_579] : memref<704xf32, #tpu.memory_space<vmem>>[vector<16xi32>], vector<16xf32>,
          %parallel_loop3A_581 = arith.constant 16 : i32
          %parallel_loop3A_582 = arith.muli %parallel_loop3A_109, %parallel_loop3A_581 : i32
          %parallel_loop3A_583 = arith.constant 9 : i32
          %parallel_loop3A_584 = arith.addi %parallel_loop3A_582, %parallel_loop3A_583 : i32
          %parallel_loop3A_585 = arith.index_cast %parallel_loop3A_584 : i32 to index
          %parallel_loop3A_586 = arith.constant 32 : index
          %parallel_loop3A_587 = tpu.vector_load %arg8[%parallel_loop3A_585, %parallel_loop3A_586] {strides = array<i32>} : memref<400x64xf32, #tpu.memory_space<vmem>>, vector<16xf32>,
          tpu.vector_store %arg8[%parallel_loop3A_585, %parallel_loop3A_586], %parallel_loop3A_580 {strides = array<i32>} : memref<400x64xf32, #tpu.memory_space<vmem>>, vector<16xf32>,
          %parallel_loop3A_588 = arith.addi %parallel_loop3A_560, %add3A_15 : vector<16xi32>
          %parallel_loop3A_589 = tpu.vector_load_idx %arg5[%parallel_loop3A_588] : memref<704xf32, #tpu.memory_space<vmem>>[vector<16xi32>], vector<16xf32>,
          %parallel_loop3A_590 = arith.constant 16 : i32
          %parallel_loop3A_591 = arith.muli %parallel_loop3A_109, %parallel_loop3A_590 : i32
          %parallel_loop3A_592 = arith.constant 9 : i32
          %parallel_loop3A_593 = arith.addi %parallel_loop3A_591, %parallel_loop3A_592 : i32
          %parallel_loop3A_594 = arith.index_cast %parallel_loop3A_593 : i32 to index
          %parallel_loop3A_595 = arith.constant 48 : index
          %parallel_loop3A_596 = tpu.vector_load %arg8[%parallel_loop3A_594, %parallel_loop3A_595] {strides = array<i32>} : memref<400x64xf32, #tpu.memory_space<vmem>>, vector<16xf32>,
          tpu.vector_store %arg8[%parallel_loop3A_594, %parallel_loop3A_595], %parallel_loop3A_589 {strides = array<i32>} : memref<400x64xf32, #tpu.memory_space<vmem>>, vector<16xf32>,
          %parallel_loop3A_597 = arith.constant 0 : i32
          %parallel_loop3A_598 = vector.broadcast %parallel_loop3A_597 : i32 to vector<16xi32>
          %parallel_loop3A_599 = arith.cmpi slt, %broadcast_in_dim3A_36, %parallel_loop3A_598 : vector<16xi32>
          %parallel_loop3A_600 = arith.constant 16 : i32
          %parallel_loop3A_601 = vector.broadcast %parallel_loop3A_600 : i32 to vector<16xi32>
          %parallel_loop3A_602 = arith.addi %broadcast_in_dim3A_36, %parallel_loop3A_601 : vector<16xi32>
          %parallel_loop3A_603 = arith.select %parallel_loop3A_599, %parallel_loop3A_602, %broadcast_in_dim3A_36 : vector<16xi1>, vector<16xi32>
          %parallel_loop3A_604 = vector.shape_cast %parallel_loop3A_603 : vector<16xi32> to vector<16x1xi32>
          %parallel_loop3A_605 = vector.shape_cast %parallel_loop3A_604 : vector<16x1xi32> to vector<16xi32>
          %parallel_loop3A_606 = tpu.dynamic_gather %parallel_loop3A_136[%parallel_loop3A_605] in [0] : vector<16xi32>, vector<16xi32> -> vector<16xi32>
          %parallel_loop3A_607 = arith.addi %parallel_loop3A_606, %add3A_3 : vector<16xi32>
          %parallel_loop3A_608 = tpu.vector_load_idx %arg5[%parallel_loop3A_607] : memref<704xf32, #tpu.memory_space<vmem>>[vector<16xi32>], vector<16xf32>,
          %parallel_loop3A_609 = arith.constant 16 : i32
          %parallel_loop3A_610 = arith.muli %parallel_loop3A_109, %parallel_loop3A_609 : i32
          %parallel_loop3A_611 = arith.constant 10 : i32
          %parallel_loop3A_612 = arith.addi %parallel_loop3A_610, %parallel_loop3A_611 : i32
          %parallel_loop3A_613 = arith.index_cast %parallel_loop3A_612 : i32 to index
          %parallel_loop3A_614 = arith.constant 0 : index
          %parallel_loop3A_615 = tpu.vector_load %arg8[%parallel_loop3A_613, %parallel_loop3A_614] {strides = array<i32>} : memref<400x64xf32, #tpu.memory_space<vmem>>, vector<16xf32>,
          tpu.vector_store %arg8[%parallel_loop3A_613, %parallel_loop3A_614], %parallel_loop3A_608 {strides = array<i32>} : memref<400x64xf32, #tpu.memory_space<vmem>>, vector<16xf32>,
          %parallel_loop3A_616 = arith.addi %parallel_loop3A_606, %add3A_7 : vector<16xi32>
          %parallel_loop3A_617 = tpu.vector_load_idx %arg5[%parallel_loop3A_616] : memref<704xf32, #tpu.memory_space<vmem>>[vector<16xi32>], vector<16xf32>,
          %parallel_loop3A_618 = arith.constant 16 : i32
          %parallel_loop3A_619 = arith.muli %parallel_loop3A_109, %parallel_loop3A_618 : i32
          %parallel_loop3A_620 = arith.constant 10 : i32
          %parallel_loop3A_621 = arith.addi %parallel_loop3A_619, %parallel_loop3A_620 : i32
          %parallel_loop3A_622 = arith.index_cast %parallel_loop3A_621 : i32 to index
          %parallel_loop3A_623 = arith.constant 16 : index
          %parallel_loop3A_624 = tpu.vector_load %arg8[%parallel_loop3A_622, %parallel_loop3A_623] {strides = array<i32>} : memref<400x64xf32, #tpu.memory_space<vmem>>, vector<16xf32>,
          tpu.vector_store %arg8[%parallel_loop3A_622, %parallel_loop3A_623], %parallel_loop3A_617 {strides = array<i32>} : memref<400x64xf32, #tpu.memory_space<vmem>>, vector<16xf32>,
          %parallel_loop3A_625 = arith.addi %parallel_loop3A_606, %add3A_11 : vector<16xi32>
          %parallel_loop3A_626 = tpu.vector_load_idx %arg5[%parallel_loop3A_625] : memref<704xf32, #tpu.memory_space<vmem>>[vector<16xi32>], vector<16xf32>,
          %parallel_loop3A_627 = arith.constant 16 : i32
          %parallel_loop3A_628 = arith.muli %parallel_loop3A_109, %parallel_loop3A_627 : i32
          %parallel_loop3A_629 = arith.constant 10 : i32
          %parallel_loop3A_630 = arith.addi %parallel_loop3A_628, %parallel_loop3A_629 : i32
          %parallel_loop3A_631 = arith.index_cast %parallel_loop3A_630 : i32 to index
          %parallel_loop3A_632 = arith.constant 32 : index
          %parallel_loop3A_633 = tpu.vector_load %arg8[%parallel_loop3A_631, %parallel_loop3A_632] {strides = array<i32>} : memref<400x64xf32, #tpu.memory_space<vmem>>, vector<16xf32>,
          tpu.vector_store %arg8[%parallel_loop3A_631, %parallel_loop3A_632], %parallel_loop3A_626 {strides = array<i32>} : memref<400x64xf32, #tpu.memory_space<vmem>>, vector<16xf32>,
          %parallel_loop3A_634 = arith.addi %parallel_loop3A_606, %add3A_15 : vector<16xi32>
          %parallel_loop3A_635 = tpu.vector_load_idx %arg5[%parallel_loop3A_634] : memref<704xf32, #tpu.memory_space<vmem>>[vector<16xi32>], vector<16xf32>,
          %parallel_loop3A_636 = arith.constant 16 : i32
          %parallel_loop3A_637 = arith.muli %parallel_loop3A_109, %parallel_loop3A_636 : i32
          %parallel_loop3A_638 = arith.constant 10 : i32
          %parallel_loop3A_639 = arith.addi %parallel_loop3A_637, %parallel_loop3A_638 : i32
          %parallel_loop3A_640 = arith.index_cast %parallel_loop3A_639 : i32 to index
          %parallel_loop3A_641 = arith.constant 48 : index
          %parallel_loop3A_642 = tpu.vector_load %arg8[%parallel_loop3A_640, %parallel_loop3A_641] {strides = array<i32>} : memref<400x64xf32, #tpu.memory_space<vmem>>, vector<16xf32>,
          tpu.vector_store %arg8[%parallel_loop3A_640, %parallel_loop3A_641], %parallel_loop3A_635 {strides = array<i32>} : memref<400x64xf32, #tpu.memory_space<vmem>>, vector<16xf32>,
          %parallel_loop3A_643 = arith.constant 0 : i32
          %parallel_loop3A_644 = vector.broadcast %parallel_loop3A_643 : i32 to vector<16xi32>
          %parallel_loop3A_645 = arith.cmpi slt, %broadcast_in_dim3A_38, %parallel_loop3A_644 : vector<16xi32>
          %parallel_loop3A_646 = arith.constant 16 : i32
          %parallel_loop3A_647 = vector.broadcast %parallel_loop3A_646 : i32 to vector<16xi32>
          %parallel_loop3A_648 = arith.addi %broadcast_in_dim3A_38, %parallel_loop3A_647 : vector<16xi32>
          %parallel_loop3A_649 = arith.select %parallel_loop3A_645, %parallel_loop3A_648, %broadcast_in_dim3A_38 : vector<16xi1>, vector<16xi32>
          %parallel_loop3A_650 = vector.shape_cast %parallel_loop3A_649 : vector<16xi32> to vector<16x1xi32>
          %parallel_loop3A_651 = vector.shape_cast %parallel_loop3A_650 : vector<16x1xi32> to vector<16xi32>
          %parallel_loop3A_652 = tpu.dynamic_gather %parallel_loop3A_136[%parallel_loop3A_651] in [0] : vector<16xi32>, vector<16xi32> -> vector<16xi32>
          %parallel_loop3A_653 = arith.addi %parallel_loop3A_652, %add3A_3 : vector<16xi32>
          %parallel_loop3A_654 = tpu.vector_load_idx %arg5[%parallel_loop3A_653] : memref<704xf32, #tpu.memory_space<vmem>>[vector<16xi32>], vector<16xf32>,
          %parallel_loop3A_655 = arith.constant 16 : i32
          %parallel_loop3A_656 = arith.muli %parallel_loop3A_109, %parallel_loop3A_655 : i32
          %parallel_loop3A_657 = arith.constant 11 : i32
          %parallel_loop3A_658 = arith.addi %parallel_loop3A_656, %parallel_loop3A_657 : i32
          %parallel_loop3A_659 = arith.index_cast %parallel_loop3A_658 : i32 to index
          %parallel_loop3A_660 = arith.constant 0 : index
          %parallel_loop3A_661 = tpu.vector_load %arg8[%parallel_loop3A_659, %parallel_loop3A_660] {strides = array<i32>} : memref<400x64xf32, #tpu.memory_space<vmem>>, vector<16xf32>,
          tpu.vector_store %arg8[%parallel_loop3A_659, %parallel_loop3A_660], %parallel_loop3A_654 {strides = array<i32>} : memref<400x64xf32, #tpu.memory_space<vmem>>, vector<16xf32>,
          %parallel_loop3A_662 = arith.addi %parallel_loop3A_652, %add3A_7 : vector<16xi32>
          %parallel_loop3A_663 = tpu.vector_load_idx %arg5[%parallel_loop3A_662] : memref<704xf32, #tpu.memory_space<vmem>>[vector<16xi32>], vector<16xf32>,
          %parallel_loop3A_664 = arith.constant 16 : i32
          %parallel_loop3A_665 = arith.muli %parallel_loop3A_109, %parallel_loop3A_664 : i32
          %parallel_loop3A_666 = arith.constant 11 : i32
          %parallel_loop3A_667 = arith.addi %parallel_loop3A_665, %parallel_loop3A_666 : i32
          %parallel_loop3A_668 = arith.index_cast %parallel_loop3A_667 : i32 to index
          %parallel_loop3A_669 = arith.constant 16 : index
          %parallel_loop3A_670 = tpu.vector_load %arg8[%parallel_loop3A_668, %parallel_loop3A_669] {strides = array<i32>} : memref<400x64xf32, #tpu.memory_space<vmem>>, vector<16xf32>,
          tpu.vector_store %arg8[%parallel_loop3A_668, %parallel_loop3A_669], %parallel_loop3A_663 {strides = array<i32>} : memref<400x64xf32, #tpu.memory_space<vmem>>, vector<16xf32>,
          %parallel_loop3A_671 = arith.addi %parallel_loop3A_652, %add3A_11 : vector<16xi32>
          %parallel_loop3A_672 = tpu.vector_load_idx %arg5[%parallel_loop3A_671] : memref<704xf32, #tpu.memory_space<vmem>>[vector<16xi32>], vector<16xf32>,
          %parallel_loop3A_673 = arith.constant 16 : i32
          %parallel_loop3A_674 = arith.muli %parallel_loop3A_109, %parallel_loop3A_673 : i32
          %parallel_loop3A_675 = arith.constant 11 : i32
          %parallel_loop3A_676 = arith.addi %parallel_loop3A_674, %parallel_loop3A_675 : i32
          %parallel_loop3A_677 = arith.index_cast %parallel_loop3A_676 : i32 to index
          %parallel_loop3A_678 = arith.constant 32 : index
          %parallel_loop3A_679 = tpu.vector_load %arg8[%parallel_loop3A_677, %parallel_loop3A_678] {strides = array<i32>} : memref<400x64xf32, #tpu.memory_space<vmem>>, vector<16xf32>,
          tpu.vector_store %arg8[%parallel_loop3A_677, %parallel_loop3A_678], %parallel_loop3A_672 {strides = array<i32>} : memref<400x64xf32, #tpu.memory_space<vmem>>, vector<16xf32>,
          %parallel_loop3A_680 = arith.addi %parallel_loop3A_652, %add3A_15 : vector<16xi32>
          %parallel_loop3A_681 = tpu.vector_load_idx %arg5[%parallel_loop3A_680] : memref<704xf32, #tpu.memory_space<vmem>>[vector<16xi32>], vector<16xf32>,
          %parallel_loop3A_682 = arith.constant 16 : i32
          %parallel_loop3A_683 = arith.muli %parallel_loop3A_109, %parallel_loop3A_682 : i32
          %parallel_loop3A_684 = arith.constant 11 : i32
          %parallel_loop3A_685 = arith.addi %parallel_loop3A_683, %parallel_loop3A_684 : i32
          %parallel_loop3A_686 = arith.index_cast %parallel_loop3A_685 : i32 to index
          %parallel_loop3A_687 = arith.constant 48 : index
          %parallel_loop3A_688 = tpu.vector_load %arg8[%parallel_loop3A_686, %parallel_loop3A_687] {strides = array<i32>} : memref<400x64xf32, #tpu.memory_space<vmem>>, vector<16xf32>,
          tpu.vector_store %arg8[%parallel_loop3A_686, %parallel_loop3A_687], %parallel_loop3A_681 {strides = array<i32>} : memref<400x64xf32, #tpu.memory_space<vmem>>, vector<16xf32>,
          %parallel_loop3A_689 = arith.constant 0 : i32
          %parallel_loop3A_690 = vector.broadcast %parallel_loop3A_689 : i32 to vector<16xi32>
          %parallel_loop3A_691 = arith.cmpi slt, %broadcast_in_dim3A_40, %parallel_loop3A_690 : vector<16xi32>
          %parallel_loop3A_692 = arith.constant 16 : i32
          %parallel_loop3A_693 = vector.broadcast %parallel_loop3A_692 : i32 to vector<16xi32>
          %parallel_loop3A_694 = arith.addi %broadcast_in_dim3A_40, %parallel_loop3A_693 : vector<16xi32>
          %parallel_loop3A_695 = arith.select %parallel_loop3A_691, %parallel_loop3A_694, %broadcast_in_dim3A_40 : vector<16xi1>, vector<16xi32>
          %parallel_loop3A_696 = vector.shape_cast %parallel_loop3A_695 : vector<16xi32> to vector<16x1xi32>
          %parallel_loop3A_697 = vector.shape_cast %parallel_loop3A_696 : vector<16x1xi32> to vector<16xi32>
          %parallel_loop3A_698 = tpu.dynamic_gather %parallel_loop3A_136[%parallel_loop3A_697] in [0] : vector<16xi32>, vector<16xi32> -> vector<16xi32>
          %parallel_loop3A_699 = arith.addi %parallel_loop3A_698, %add3A_3 : vector<16xi32>
          %parallel_loop3A_700 = tpu.vector_load_idx %arg5[%parallel_loop3A_699] : memref<704xf32, #tpu.memory_space<vmem>>[vector<16xi32>], vector<16xf32>,
          %parallel_loop3A_701 = arith.constant 16 : i32
          %parallel_loop3A_702 = arith.muli %parallel_loop3A_109, %parallel_loop3A_701 : i32
          %parallel_loop3A_703 = arith.constant 12 : i32
          %parallel_loop3A_704 = arith.addi %parallel_loop3A_702, %parallel_loop3A_703 : i32
          %parallel_loop3A_705 = arith.index_cast %parallel_loop3A_704 : i32 to index
          %parallel_loop3A_706 = arith.constant 0 : index
          %parallel_loop3A_707 = tpu.vector_load %arg8[%parallel_loop3A_705, %parallel_loop3A_706] {strides = array<i32>} : memref<400x64xf32, #tpu.memory_space<vmem>>, vector<16xf32>,
          tpu.vector_store %arg8[%parallel_loop3A_705, %parallel_loop3A_706], %parallel_loop3A_700 {strides = array<i32>} : memref<400x64xf32, #tpu.memory_space<vmem>>, vector<16xf32>,
          %parallel_loop3A_708 = arith.addi %parallel_loop3A_698, %add3A_7 : vector<16xi32>
          %parallel_loop3A_709 = tpu.vector_load_idx %arg5[%parallel_loop3A_708] : memref<704xf32, #tpu.memory_space<vmem>>[vector<16xi32>], vector<16xf32>,
          %parallel_loop3A_710 = arith.constant 16 : i32
          %parallel_loop3A_711 = arith.muli %parallel_loop3A_109, %parallel_loop3A_710 : i32
          %parallel_loop3A_712 = arith.constant 12 : i32
          %parallel_loop3A_713 = arith.addi %parallel_loop3A_711, %parallel_loop3A_712 : i32
          %parallel_loop3A_714 = arith.index_cast %parallel_loop3A_713 : i32 to index
          %parallel_loop3A_715 = arith.constant 16 : index
          %parallel_loop3A_716 = tpu.vector_load %arg8[%parallel_loop3A_714, %parallel_loop3A_715] {strides = array<i32>} : memref<400x64xf32, #tpu.memory_space<vmem>>, vector<16xf32>,
          tpu.vector_store %arg8[%parallel_loop3A_714, %parallel_loop3A_715], %parallel_loop3A_709 {strides = array<i32>} : memref<400x64xf32, #tpu.memory_space<vmem>>, vector<16xf32>,
          %parallel_loop3A_717 = arith.addi %parallel_loop3A_698, %add3A_11 : vector<16xi32>
          %parallel_loop3A_718 = tpu.vector_load_idx %arg5[%parallel_loop3A_717] : memref<704xf32, #tpu.memory_space<vmem>>[vector<16xi32>], vector<16xf32>,
          %parallel_loop3A_719 = arith.constant 16 : i32
          %parallel_loop3A_720 = arith.muli %parallel_loop3A_109, %parallel_loop3A_719 : i32
          %parallel_loop3A_721 = arith.constant 12 : i32
          %parallel_loop3A_722 = arith.addi %parallel_loop3A_720, %parallel_loop3A_721 : i32
          %parallel_loop3A_723 = arith.index_cast %parallel_loop3A_722 : i32 to index
          %parallel_loop3A_724 = arith.constant 32 : index
          %parallel_loop3A_725 = tpu.vector_load %arg8[%parallel_loop3A_723, %parallel_loop3A_724] {strides = array<i32>} : memref<400x64xf32, #tpu.memory_space<vmem>>, vector<16xf32>,
          tpu.vector_store %arg8[%parallel_loop3A_723, %parallel_loop3A_724], %parallel_loop3A_718 {strides = array<i32>} : memref<400x64xf32, #tpu.memory_space<vmem>>, vector<16xf32>,
          %parallel_loop3A_726 = arith.addi %parallel_loop3A_698, %add3A_15 : vector<16xi32>
          %parallel_loop3A_727 = tpu.vector_load_idx %arg5[%parallel_loop3A_726] : memref<704xf32, #tpu.memory_space<vmem>>[vector<16xi32>], vector<16xf32>,
          %parallel_loop3A_728 = arith.constant 16 : i32
          %parallel_loop3A_729 = arith.muli %parallel_loop3A_109, %parallel_loop3A_728 : i32
          %parallel_loop3A_730 = arith.constant 12 : i32
          %parallel_loop3A_731 = arith.addi %parallel_loop3A_729, %parallel_loop3A_730 : i32
          %parallel_loop3A_732 = arith.index_cast %parallel_loop3A_731 : i32 to index
          %parallel_loop3A_733 = arith.constant 48 : index
          %parallel_loop3A_734 = tpu.vector_load %arg8[%parallel_loop3A_732, %parallel_loop3A_733] {strides = array<i32>} : memref<400x64xf32, #tpu.memory_space<vmem>>, vector<16xf32>,
          tpu.vector_store %arg8[%parallel_loop3A_732, %parallel_loop3A_733], %parallel_loop3A_727 {strides = array<i32>} : memref<400x64xf32, #tpu.memory_space<vmem>>, vector<16xf32>,
          %parallel_loop3A_735 = arith.constant 0 : i32
          %parallel_loop3A_736 = vector.broadcast %parallel_loop3A_735 : i32 to vector<16xi32>
          %parallel_loop3A_737 = arith.cmpi slt, %broadcast_in_dim3A_42, %parallel_loop3A_736 : vector<16xi32>
          %parallel_loop3A_738 = arith.constant 16 : i32
          %parallel_loop3A_739 = vector.broadcast %parallel_loop3A_738 : i32 to vector<16xi32>
          %parallel_loop3A_740 = arith.addi %broadcast_in_dim3A_42, %parallel_loop3A_739 : vector<16xi32>
          %parallel_loop3A_741 = arith.select %parallel_loop3A_737, %parallel_loop3A_740, %broadcast_in_dim3A_42 : vector<16xi1>, vector<16xi32>
          %parallel_loop3A_742 = vector.shape_cast %parallel_loop3A_741 : vector<16xi32> to vector<16x1xi32>
          %parallel_loop3A_743 = vector.shape_cast %parallel_loop3A_742 : vector<16x1xi32> to vector<16xi32>
          %parallel_loop3A_744 = tpu.dynamic_gather %parallel_loop3A_136[%parallel_loop3A_743] in [0] : vector<16xi32>, vector<16xi32> -> vector<16xi32>
          %parallel_loop3A_745 = arith.addi %parallel_loop3A_744, %add3A_3 : vector<16xi32>
          %parallel_loop3A_746 = tpu.vector_load_idx %arg5[%parallel_loop3A_745] : memref<704xf32, #tpu.memory_space<vmem>>[vector<16xi32>], vector<16xf32>,
          %parallel_loop3A_747 = arith.constant 16 : i32
          %parallel_loop3A_748 = arith.muli %parallel_loop3A_109, %parallel_loop3A_747 : i32
          %parallel_loop3A_749 = arith.constant 13 : i32
          %parallel_loop3A_750 = arith.addi %parallel_loop3A_748, %parallel_loop3A_749 : i32
          %parallel_loop3A_751 = arith.index_cast %parallel_loop3A_750 : i32 to index
          %parallel_loop3A_752 = arith.constant 0 : index
          %parallel_loop3A_753 = tpu.vector_load %arg8[%parallel_loop3A_751, %parallel_loop3A_752] {strides = array<i32>} : memref<400x64xf32, #tpu.memory_space<vmem>>, vector<16xf32>,
          tpu.vector_store %arg8[%parallel_loop3A_751, %parallel_loop3A_752], %parallel_loop3A_746 {strides = array<i32>} : memref<400x64xf32, #tpu.memory_space<vmem>>, vector<16xf32>,
          %parallel_loop3A_754 = arith.addi %parallel_loop3A_744, %add3A_7 : vector<16xi32>
          %parallel_loop3A_755 = tpu.vector_load_idx %arg5[%parallel_loop3A_754] : memref<704xf32, #tpu.memory_space<vmem>>[vector<16xi32>], vector<16xf32>,
          %parallel_loop3A_756 = arith.constant 16 : i32
          %parallel_loop3A_757 = arith.muli %parallel_loop3A_109, %parallel_loop3A_756 : i32
          %parallel_loop3A_758 = arith.constant 13 : i32
          %parallel_loop3A_759 = arith.addi %parallel_loop3A_757, %parallel_loop3A_758 : i32
          %parallel_loop3A_760 = arith.index_cast %parallel_loop3A_759 : i32 to index
          %parallel_loop3A_761 = arith.constant 16 : index
          %parallel_loop3A_762 = tpu.vector_load %arg8[%parallel_loop3A_760, %parallel_loop3A_761] {strides = array<i32>} : memref<400x64xf32, #tpu.memory_space<vmem>>, vector<16xf32>,
          tpu.vector_store %arg8[%parallel_loop3A_760, %parallel_loop3A_761], %parallel_loop3A_755 {strides = array<i32>} : memref<400x64xf32, #tpu.memory_space<vmem>>, vector<16xf32>,
          %parallel_loop3A_763 = arith.addi %parallel_loop3A_744, %add3A_11 : vector<16xi32>
          %parallel_loop3A_764 = tpu.vector_load_idx %arg5[%parallel_loop3A_763] : memref<704xf32, #tpu.memory_space<vmem>>[vector<16xi32>], vector<16xf32>,
          %parallel_loop3A_765 = arith.constant 16 : i32
          %parallel_loop3A_766 = arith.muli %parallel_loop3A_109, %parallel_loop3A_765 : i32
          %parallel_loop3A_767 = arith.constant 13 : i32
          %parallel_loop3A_768 = arith.addi %parallel_loop3A_766, %parallel_loop3A_767 : i32
          %parallel_loop3A_769 = arith.index_cast %parallel_loop3A_768 : i32 to index
          %parallel_loop3A_770 = arith.constant 32 : index
          %parallel_loop3A_771 = tpu.vector_load %arg8[%parallel_loop3A_769, %parallel_loop3A_770] {strides = array<i32>} : memref<400x64xf32, #tpu.memory_space<vmem>>, vector<16xf32>,
          tpu.vector_store %arg8[%parallel_loop3A_769, %parallel_loop3A_770], %parallel_loop3A_764 {strides = array<i32>} : memref<400x64xf32, #tpu.memory_space<vmem>>, vector<16xf32>,
          %parallel_loop3A_772 = arith.addi %parallel_loop3A_744, %add3A_15 : vector<16xi32>
          %parallel_loop3A_773 = tpu.vector_load_idx %arg5[%parallel_loop3A_772] : memref<704xf32, #tpu.memory_space<vmem>>[vector<16xi32>], vector<16xf32>,
          %parallel_loop3A_774 = arith.constant 16 : i32
          %parallel_loop3A_775 = arith.muli %parallel_loop3A_109, %parallel_loop3A_774 : i32
          %parallel_loop3A_776 = arith.constant 13 : i32
          %parallel_loop3A_777 = arith.addi %parallel_loop3A_775, %parallel_loop3A_776 : i32
          %parallel_loop3A_778 = arith.index_cast %parallel_loop3A_777 : i32 to index
          %parallel_loop3A_779 = arith.constant 48 : index
          %parallel_loop3A_780 = tpu.vector_load %arg8[%parallel_loop3A_778, %parallel_loop3A_779] {strides = array<i32>} : memref<400x64xf32, #tpu.memory_space<vmem>>, vector<16xf32>,
          tpu.vector_store %arg8[%parallel_loop3A_778, %parallel_loop3A_779], %parallel_loop3A_773 {strides = array<i32>} : memref<400x64xf32, #tpu.memory_space<vmem>>, vector<16xf32>,
          %parallel_loop3A_781 = arith.constant 0 : i32
          %parallel_loop3A_782 = vector.broadcast %parallel_loop3A_781 : i32 to vector<16xi32>
          %parallel_loop3A_783 = arith.cmpi slt, %broadcast_in_dim3A_44, %parallel_loop3A_782 : vector<16xi32>
          %parallel_loop3A_784 = arith.constant 16 : i32
          %parallel_loop3A_785 = vector.broadcast %parallel_loop3A_784 : i32 to vector<16xi32>
          %parallel_loop3A_786 = arith.addi %broadcast_in_dim3A_44, %parallel_loop3A_785 : vector<16xi32>
          %parallel_loop3A_787 = arith.select %parallel_loop3A_783, %parallel_loop3A_786, %broadcast_in_dim3A_44 : vector<16xi1>, vector<16xi32>
          %parallel_loop3A_788 = vector.shape_cast %parallel_loop3A_787 : vector<16xi32> to vector<16x1xi32>
          %parallel_loop3A_789 = vector.shape_cast %parallel_loop3A_788 : vector<16x1xi32> to vector<16xi32>
          %parallel_loop3A_790 = tpu.dynamic_gather %parallel_loop3A_136[%parallel_loop3A_789] in [0] : vector<16xi32>, vector<16xi32> -> vector<16xi32>
          %parallel_loop3A_791 = arith.addi %parallel_loop3A_790, %add3A_3 : vector<16xi32>
          %parallel_loop3A_792 = tpu.vector_load_idx %arg5[%parallel_loop3A_791] : memref<704xf32, #tpu.memory_space<vmem>>[vector<16xi32>], vector<16xf32>,
          %parallel_loop3A_793 = arith.constant 16 : i32
          %parallel_loop3A_794 = arith.muli %parallel_loop3A_109, %parallel_loop3A_793 : i32
          %parallel_loop3A_795 = arith.constant 14 : i32
          %parallel_loop3A_796 = arith.addi %parallel_loop3A_794, %parallel_loop3A_795 : i32
          %parallel_loop3A_797 = arith.index_cast %parallel_loop3A_796 : i32 to index
          %parallel_loop3A_798 = arith.constant 0 : index
          %parallel_loop3A_799 = tpu.vector_load %arg8[%parallel_loop3A_797, %parallel_loop3A_798] {strides = array<i32>} : memref<400x64xf32, #tpu.memory_space<vmem>>, vector<16xf32>,
          tpu.vector_store %arg8[%parallel_loop3A_797, %parallel_loop3A_798], %parallel_loop3A_792 {strides = array<i32>} : memref<400x64xf32, #tpu.memory_space<vmem>>, vector<16xf32>,
          %parallel_loop3A_800 = arith.addi %parallel_loop3A_790, %add3A_7 : vector<16xi32>
          %parallel_loop3A_801 = tpu.vector_load_idx %arg5[%parallel_loop3A_800] : memref<704xf32, #tpu.memory_space<vmem>>[vector<16xi32>], vector<16xf32>,
          %parallel_loop3A_802 = arith.constant 16 : i32
          %parallel_loop3A_803 = arith.muli %parallel_loop3A_109, %parallel_loop3A_802 : i32
          %parallel_loop3A_804 = arith.constant 14 : i32
          %parallel_loop3A_805 = arith.addi %parallel_loop3A_803, %parallel_loop3A_804 : i32
          %parallel_loop3A_806 = arith.index_cast %parallel_loop3A_805 : i32 to index
          %parallel_loop3A_807 = arith.constant 16 : index
          %parallel_loop3A_808 = tpu.vector_load %arg8[%parallel_loop3A_806, %parallel_loop3A_807] {strides = array<i32>} : memref<400x64xf32, #tpu.memory_space<vmem>>, vector<16xf32>,
          tpu.vector_store %arg8[%parallel_loop3A_806, %parallel_loop3A_807], %parallel_loop3A_801 {strides = array<i32>} : memref<400x64xf32, #tpu.memory_space<vmem>>, vector<16xf32>,
          %parallel_loop3A_809 = arith.addi %parallel_loop3A_790, %add3A_11 : vector<16xi32>
          %parallel_loop3A_810 = tpu.vector_load_idx %arg5[%parallel_loop3A_809] : memref<704xf32, #tpu.memory_space<vmem>>[vector<16xi32>], vector<16xf32>,
          %parallel_loop3A_811 = arith.constant 16 : i32
          %parallel_loop3A_812 = arith.muli %parallel_loop3A_109, %parallel_loop3A_811 : i32
          %parallel_loop3A_813 = arith.constant 14 : i32
          %parallel_loop3A_814 = arith.addi %parallel_loop3A_812, %parallel_loop3A_813 : i32
          %parallel_loop3A_815 = arith.index_cast %parallel_loop3A_814 : i32 to index
          %parallel_loop3A_816 = arith.constant 32 : index
          %parallel_loop3A_817 = tpu.vector_load %arg8[%parallel_loop3A_815, %parallel_loop3A_816] {strides = array<i32>} : memref<400x64xf32, #tpu.memory_space<vmem>>, vector<16xf32>,
          tpu.vector_store %arg8[%parallel_loop3A_815, %parallel_loop3A_816], %parallel_loop3A_810 {strides = array<i32>} : memref<400x64xf32, #tpu.memory_space<vmem>>, vector<16xf32>,
          %parallel_loop3A_818 = arith.addi %parallel_loop3A_790, %add3A_15 : vector<16xi32>
          %parallel_loop3A_819 = tpu.vector_load_idx %arg5[%parallel_loop3A_818] : memref<704xf32, #tpu.memory_space<vmem>>[vector<16xi32>], vector<16xf32>,
          %parallel_loop3A_820 = arith.constant 16 : i32
          %parallel_loop3A_821 = arith.muli %parallel_loop3A_109, %parallel_loop3A_820 : i32
          %parallel_loop3A_822 = arith.constant 14 : i32
          %parallel_loop3A_823 = arith.addi %parallel_loop3A_821, %parallel_loop3A_822 : i32
          %parallel_loop3A_824 = arith.index_cast %parallel_loop3A_823 : i32 to index
          %parallel_loop3A_825 = arith.constant 48 : index
          %parallel_loop3A_826 = tpu.vector_load %arg8[%parallel_loop3A_824, %parallel_loop3A_825] {strides = array<i32>} : memref<400x64xf32, #tpu.memory_space<vmem>>, vector<16xf32>,
          tpu.vector_store %arg8[%parallel_loop3A_824, %parallel_loop3A_825], %parallel_loop3A_819 {strides = array<i32>} : memref<400x64xf32, #tpu.memory_space<vmem>>, vector<16xf32>,
          %parallel_loop3A_827 = arith.constant 0 : i32
          %parallel_loop3A_828 = vector.broadcast %parallel_loop3A_827 : i32 to vector<16xi32>
          %parallel_loop3A_829 = arith.cmpi slt, %broadcast_in_dim3A_46, %parallel_loop3A_828 : vector<16xi32>
          %parallel_loop3A_830 = arith.constant 16 : i32
          %parallel_loop3A_831 = vector.broadcast %parallel_loop3A_830 : i32 to vector<16xi32>
          %parallel_loop3A_832 = arith.addi %broadcast_in_dim3A_46, %parallel_loop3A_831 : vector<16xi32>
          %parallel_loop3A_833 = arith.select %parallel_loop3A_829, %parallel_loop3A_832, %broadcast_in_dim3A_46 : vector<16xi1>, vector<16xi32>
          %parallel_loop3A_834 = vector.shape_cast %parallel_loop3A_833 : vector<16xi32> to vector<16x1xi32>
          %parallel_loop3A_835 = vector.shape_cast %parallel_loop3A_834 : vector<16x1xi32> to vector<16xi32>
          %parallel_loop3A_836 = tpu.dynamic_gather %parallel_loop3A_136[%parallel_loop3A_835] in [0] : vector<16xi32>, vector<16xi32> -> vector<16xi32>
          %parallel_loop3A_837 = arith.addi %parallel_loop3A_836, %add3A_3 : vector<16xi32>
          %parallel_loop3A_838 = tpu.vector_load_idx %arg5[%parallel_loop3A_837] : memref<704xf32, #tpu.memory_space<vmem>>[vector<16xi32>], vector<16xf32>,
          %parallel_loop3A_839 = arith.constant 16 : i32
          %parallel_loop3A_840 = arith.muli %parallel_loop3A_109, %parallel_loop3A_839 : i32
          %parallel_loop3A_841 = arith.constant 15 : i32
          %parallel_loop3A_842 = arith.addi %parallel_loop3A_840, %parallel_loop3A_841 : i32
          %parallel_loop3A_843 = arith.index_cast %parallel_loop3A_842 : i32 to index
          %parallel_loop3A_844 = arith.constant 0 : index
          %parallel_loop3A_845 = tpu.vector_load %arg8[%parallel_loop3A_843, %parallel_loop3A_844] {strides = array<i32>} : memref<400x64xf32, #tpu.memory_space<vmem>>, vector<16xf32>,
          tpu.vector_store %arg8[%parallel_loop3A_843, %parallel_loop3A_844], %parallel_loop3A_838 {strides = array<i32>} : memref<400x64xf32, #tpu.memory_space<vmem>>, vector<16xf32>,
          %parallel_loop3A_846 = arith.addi %parallel_loop3A_836, %add3A_7 : vector<16xi32>
          %parallel_loop3A_847 = tpu.vector_load_idx %arg5[%parallel_loop3A_846] : memref<704xf32, #tpu.memory_space<vmem>>[vector<16xi32>], vector<16xf32>,
          %parallel_loop3A_848 = arith.constant 16 : i32
          %parallel_loop3A_849 = arith.muli %parallel_loop3A_109, %parallel_loop3A_848 : i32
          %parallel_loop3A_850 = arith.constant 15 : i32
          %parallel_loop3A_851 = arith.addi %parallel_loop3A_849, %parallel_loop3A_850 : i32
          %parallel_loop3A_852 = arith.index_cast %parallel_loop3A_851 : i32 to index
          %parallel_loop3A_853 = arith.constant 16 : index
          %parallel_loop3A_854 = tpu.vector_load %arg8[%parallel_loop3A_852, %parallel_loop3A_853] {strides = array<i32>} : memref<400x64xf32, #tpu.memory_space<vmem>>, vector<16xf32>,
          tpu.vector_store %arg8[%parallel_loop3A_852, %parallel_loop3A_853], %parallel_loop3A_847 {strides = array<i32>} : memref<400x64xf32, #tpu.memory_space<vmem>>, vector<16xf32>,
          %parallel_loop3A_855 = arith.addi %parallel_loop3A_836, %add3A_11 : vector<16xi32>
          %parallel_loop3A_856 = tpu.vector_load_idx %arg5[%parallel_loop3A_855] : memref<704xf32, #tpu.memory_space<vmem>>[vector<16xi32>], vector<16xf32>,
          %parallel_loop3A_857 = arith.constant 16 : i32
          %parallel_loop3A_858 = arith.muli %parallel_loop3A_109, %parallel_loop3A_857 : i32
          %parallel_loop3A_859 = arith.constant 15 : i32
          %parallel_loop3A_860 = arith.addi %parallel_loop3A_858, %parallel_loop3A_859 : i32
          %parallel_loop3A_861 = arith.index_cast %parallel_loop3A_860 : i32 to index
          %parallel_loop3A_862 = arith.constant 32 : index
          %parallel_loop3A_863 = tpu.vector_load %arg8[%parallel_loop3A_861, %parallel_loop3A_862] {strides = array<i32>} : memref<400x64xf32, #tpu.memory_space<vmem>>, vector<16xf32>,
          tpu.vector_store %arg8[%parallel_loop3A_861, %parallel_loop3A_862], %parallel_loop3A_856 {strides = array<i32>} : memref<400x64xf32, #tpu.memory_space<vmem>>, vector<16xf32>,
          %parallel_loop3A_864 = arith.addi %parallel_loop3A_836, %add3A_15 : vector<16xi32>
          %parallel_loop3A_865 = tpu.vector_load_idx %arg5[%parallel_loop3A_864] : memref<704xf32, #tpu.memory_space<vmem>>[vector<16xi32>], vector<16xf32>,
          %parallel_loop3A_866 = arith.constant 16 : i32
          %parallel_loop3A_867 = arith.muli %parallel_loop3A_109, %parallel_loop3A_866 : i32
          %parallel_loop3A_868 = arith.constant 15 : i32
          %parallel_loop3A_869 = arith.addi %parallel_loop3A_867, %parallel_loop3A_868 : i32
          %parallel_loop3A_870 = arith.index_cast %parallel_loop3A_869 : i32 to index
          %parallel_loop3A_871 = arith.constant 48 : index
          %parallel_loop3A_872 = tpu.vector_load %arg8[%parallel_loop3A_870, %parallel_loop3A_871] {strides = array<i32>} : memref<400x64xf32, #tpu.memory_space<vmem>>, vector<16xf32>,
          tpu.vector_store %arg8[%parallel_loop3A_870, %parallel_loop3A_871], %parallel_loop3A_865 {strides = array<i32>} : memref<400x64xf32, #tpu.memory_space<vmem>>, vector<16xf32>,
        } {sc.loop_unroll_factor = 4 : i64, sc.parallel_access}
        %mul3A_103 = arith.constant 400 : i32
        %mul3A_104 = arith.muli %add3A_71, %mul3A_103 : i32
        %dma_start3A_105 = arith.constant 0 : i32
        %dma_start3A_106 = tpu.memref_slice %arg4[%mul3A_104, %dma_start3A_105] : memref<1000000x64xf32, #tpu.memory_space<hbm>> -> memref<400x64xf32, #tpu.memory_space<hbm>>
        %dma_start3A_107 = arith.constant 0 : i32
        %dma_start3A_108 = tpu.memref_slice %arg4[%mul3A_104, %dma_start3A_107] : memref<1000000x64xf32, #tpu.memory_space<hbm>> -> memref<400x64xf32, #tpu.memory_space<hbm>>
        tpu.enqueue_dma source(%arg8 : memref<400x64xf32, #tpu.memory_space<vmem>>) target(%dma_start3A_108 : memref<400x64xf32, #tpu.memory_space<hbm>>) target_semaphore(%arg12 : memref<!tpu.dma_semaphore, #tpu.memory_space<semaphore_mem>>)
      } else {
      }
      %mul3A_74 = arith.constant 2 : i32
      %mul3A_75 = arith.muli %mul3A_74, %scan3A_66 : i32
      %add3A_76 = arith.constant 1 : i32
      %add3A_77 = arith.addi %mul3A_75, %add3A_76 : i32
      %mul3A_78 = arith.constant 32 : i32
      %mul3A_79 = arith.muli %add3A_77, %mul3A_78 : i32
      %add3A_80 = arith.addi %add3A, %mul3A_79 : i32
      %lt3A_81 = arith.constant 2500 : i32
      %lt3A_82 = arith.cmpi slt, %add3A_80, %lt3A_81 : i32
      %convert_element_type3A_83 = arith.extui %lt3A_82 : i1 to i32
      %cond3A_84 = arith.constant 0 : i32
      %cond3A_85 = arith.cmpi ne, %convert_element_type3A_83, %cond3A_84 : i32
      scf.if %cond3A_85 {
        %add3A_86 = arith.constant 32 : i32
        %add3A_87 = arith.addi %add3A_80, %add3A_86 : i32
        %lt3A_88 = arith.constant 2500 : i32
        %lt3A_89 = arith.cmpi slt, %add3A_87, %lt3A_88 : i32
        %convert_element_type3A_90 = arith.extui %lt3A_89 : i1 to i32
        %cond3A_91 = arith.constant 0 : i32
        %cond3A_92 = arith.cmpi ne, %convert_element_type3A_90, %cond3A_91 : i32
        scf.if %cond3A_92 {
          %mul3A_109 = arith.constant 400 : i32
          %mul3A_110 = arith.muli %add3A_87, %mul3A_109 : i32
          %dma_start3A_111 = tpu.memref_slice %arg2[%mul3A_110] : memref<1000000xi32, #tpu.memory_space<hbm>> -> memref<400xi32, #tpu.memory_space<hbm>>
          %dma_start3A_112 = tpu.memref_slice %arg2[%mul3A_110] : memref<1000000xi32, #tpu.memory_space<hbm>> -> memref<400xi32, #tpu.memory_space<hbm>>
          tpu.enqueue_dma source(%dma_start3A_112 : memref<400xi32, #tpu.memory_space<hbm>>) target(%arg6 : memref<400xi32, #tpu.memory_space<vmem>>) target_semaphore(%arg10 : memref<!tpu.dma_semaphore, #tpu.memory_space<semaphore_mem>>)
        } else {
        }
        %mul3A_93 = arith.constant 400 : i32
        %mul3A_94 = arith.muli %add3A_80, %mul3A_93 : i32
        %dma_wait3A_95 = tpu.memref_slice %arg2[%mul3A_94] : memref<1000000xi32, #tpu.memory_space<hbm>> -> memref<400xi32, #tpu.memory_space<hbm>>
        %dma_wait3A_96 = tpu.memref_slice %arg2[%mul3A_94] : memref<1000000xi32, #tpu.memory_space<hbm>> -> memref<400xi32, #tpu.memory_space<hbm>>
        tpu.wait_dma2 semaphore(%arg11 : memref<!tpu.dma_semaphore, #tpu.memory_space<semaphore_mem>>) src(%dma_wait3A_96 : memref<400xi32, #tpu.memory_space<hbm>>) dst(%arg7 : memref<400xi32, #tpu.memory_space<vmem>>)
        %gt3A = arith.constant 0 : i32
        %gt3A_97 = arith.cmpi sgt, %scan3A_66, %gt3A : i32
        %convert_element_type3A_98 = arith.extui %gt3A_97 : i1 to i32
        %cond3A_99 = arith.constant 0 : i32
        %cond3A_100 = arith.cmpi ne, %convert_element_type3A_98, %cond3A_99 : i32
        scf.if %cond3A_100 {
          %mul3A_109 = arith.constant 400 : i32
          %mul3A_110 = arith.muli %add3A_80, %mul3A_109 : i32
          %dma_wait3A_111 = arith.constant 0 : i32
          %dma_wait3A_112 = tpu.memref_slice %arg4[%mul3A_110, %dma_wait3A_111] : memref<1000000x64xf32, #tpu.memory_space<hbm>> -> memref<400x64xf32, #tpu.memory_space<hbm>>
          %dma_wait3A_113 = arith.constant 0 : i32
          %dma_wait3A_114 = tpu.memref_slice %arg4[%mul3A_110, %dma_wait3A_113] : memref<1000000x64xf32, #tpu.memory_space<hbm>> -> memref<400x64xf32, #tpu.memory_space<hbm>>
          tpu.wait_dma2 semaphore(%arg13 : memref<!tpu.dma_semaphore, #tpu.memory_space<semaphore_mem>>) src(%arg9 : memref<400x64xf32, #tpu.memory_space<vmem>>) dst(%dma_wait3A_114 : memref<400x64xf32, #tpu.memory_space<hbm>>)
        } else {
        }
        %parallel_loop3A = arith.constant 0 : i32
        %parallel_loop3A_101 = arith.constant 25 : i32
        %parallel_loop3A_102 = arith.constant 1 : i32
        scf.for %parallel_loop3A_109 = %parallel_loop3A to %parallel_loop3A_101 step %parallel_loop3A_102  : i32 {
          %parallel_loop3A_110 = arith.constant 16 : i32
          %parallel_loop3A_111 = arith.muli %parallel_loop3A_109, %parallel_loop3A_110 : i32
          %parallel_loop3A_112 = arith.index_cast %parallel_loop3A_111 : i32 to index
          %parallel_loop3A_113 = tpu.vector_load %arg7[%parallel_loop3A_112] {strides = array<i32>} : memref<400xi32, #tpu.memory_space<vmem>>, vector<16xi32>,
          %parallel_loop3A_114 = arith.constant 1 : i32
          %parallel_loop3A_115 = vector.broadcast %parallel_loop3A_114 : i32 to vector<16xi32>
          %parallel_loop3A_116 = arith.subi %parallel_loop3A_113, %parallel_loop3A_115 : vector<16xi32>
          %parallel_loop3A_117 = arith.constant 0 : i32
          %parallel_loop3A_118 = vector.broadcast %parallel_loop3A_117 : i32 to vector<16xi32>
          %parallel_loop3A_119 = arith.maxsi %parallel_loop3A_116, %parallel_loop3A_118 : vector<16xi32>
          %parallel_loop3A_120 = arith.sitofp %parallel_loop3A_119 : vector<16xi32> to vector<16xf32>
          %parallel_loop3A_121 = tpu.bitcast %parallel_loop3A_120 : vector<16xf32> -> vector<16xi32>
          %parallel_loop3A_122 = arith.constant 23 : i32
          %parallel_loop3A_123 = vector.broadcast %parallel_loop3A_122 : i32 to vector<16xi32>
          %parallel_loop3A_124 = arith.shrsi %parallel_loop3A_121, %parallel_loop3A_123 : vector<16xi32>
          %parallel_loop3A_125 = arith.constant 126 : i32
          %parallel_loop3A_126 = vector.broadcast %parallel_loop3A_125 : i32 to vector<16xi32>
          %parallel_loop3A_127 = arith.subi %parallel_loop3A_124, %parallel_loop3A_126 : vector<16xi32>
          %parallel_loop3A_128 = arith.constant 0 : i32
          %parallel_loop3A_129 = arith.constant 10 : i32
          %parallel_loop3A_130 = vector.broadcast %parallel_loop3A_128 : i32 to vector<16xi32>
          %parallel_loop3A_131 = arith.maxsi %parallel_loop3A_130, %parallel_loop3A_127 : vector<16xi32>
          %parallel_loop3A_132 = vector.broadcast %parallel_loop3A_129 : i32 to vector<16xi32>
          %parallel_loop3A_133 = arith.minsi %parallel_loop3A_132, %parallel_loop3A_131 : vector<16xi32>
          %parallel_loop3A_134 = arith.constant 64 : i32
          %parallel_loop3A_135 = vector.broadcast %parallel_loop3A_134 : i32 to vector<16xi32>
          %parallel_loop3A_136 = arith.muli %parallel_loop3A_133, %parallel_loop3A_135 : vector<16xi32>
          %parallel_loop3A_137 = arith.constant 0 : i32
          %parallel_loop3A_138 = vector.broadcast %parallel_loop3A_137 : i32 to vector<16xi32>
          %parallel_loop3A_139 = arith.cmpi slt, %broadcast_in_dim3A_16, %parallel_loop3A_138 : vector<16xi32>
          %parallel_loop3A_140 = arith.constant 16 : i32
          %parallel_loop3A_141 = vector.broadcast %parallel_loop3A_140 : i32 to vector<16xi32>
          %parallel_loop3A_142 = arith.addi %broadcast_in_dim3A_16, %parallel_loop3A_141 : vector<16xi32>
          %parallel_loop3A_143 = arith.select %parallel_loop3A_139, %parallel_loop3A_142, %broadcast_in_dim3A_16 : vector<16xi1>, vector<16xi32>
          %parallel_loop3A_144 = vector.shape_cast %parallel_loop3A_143 : vector<16xi32> to vector<16x1xi32>
          %parallel_loop3A_145 = vector.shape_cast %parallel_loop3A_144 : vector<16x1xi32> to vector<16xi32>
          %parallel_loop3A_146 = tpu.dynamic_gather %parallel_loop3A_136[%parallel_loop3A_145] in [0] : vector<16xi32>, vector<16xi32> -> vector<16xi32>
          %parallel_loop3A_147 = arith.addi %parallel_loop3A_146, %add3A_3 : vector<16xi32>
          %parallel_loop3A_148 = tpu.vector_load_idx %arg5[%parallel_loop3A_147] : memref<704xf32, #tpu.memory_space<vmem>>[vector<16xi32>], vector<16xf32>,
          %parallel_loop3A_149 = arith.constant 16 : i32
          %parallel_loop3A_150 = arith.muli %parallel_loop3A_109, %parallel_loop3A_149 : i32
          %parallel_loop3A_151 = arith.constant 0 : i32
          %parallel_loop3A_152 = arith.addi %parallel_loop3A_150, %parallel_loop3A_151 : i32
          %parallel_loop3A_153 = arith.index_cast %parallel_loop3A_152 : i32 to index
          %parallel_loop3A_154 = arith.constant 0 : index
          %parallel_loop3A_155 = tpu.vector_load %arg9[%parallel_loop3A_153, %parallel_loop3A_154] {strides = array<i32>} : memref<400x64xf32, #tpu.memory_space<vmem>>, vector<16xf32>,
          tpu.vector_store %arg9[%parallel_loop3A_153, %parallel_loop3A_154], %parallel_loop3A_148 {strides = array<i32>} : memref<400x64xf32, #tpu.memory_space<vmem>>, vector<16xf32>,
          %parallel_loop3A_156 = arith.addi %parallel_loop3A_146, %add3A_7 : vector<16xi32>
          %parallel_loop3A_157 = tpu.vector_load_idx %arg5[%parallel_loop3A_156] : memref<704xf32, #tpu.memory_space<vmem>>[vector<16xi32>], vector<16xf32>,
          %parallel_loop3A_158 = arith.constant 16 : i32
          %parallel_loop3A_159 = arith.muli %parallel_loop3A_109, %parallel_loop3A_158 : i32
          %parallel_loop3A_160 = arith.constant 0 : i32
          %parallel_loop3A_161 = arith.addi %parallel_loop3A_159, %parallel_loop3A_160 : i32
          %parallel_loop3A_162 = arith.index_cast %parallel_loop3A_161 : i32 to index
          %parallel_loop3A_163 = arith.constant 16 : index
          %parallel_loop3A_164 = tpu.vector_load %arg9[%parallel_loop3A_162, %parallel_loop3A_163] {strides = array<i32>} : memref<400x64xf32, #tpu.memory_space<vmem>>, vector<16xf32>,
          tpu.vector_store %arg9[%parallel_loop3A_162, %parallel_loop3A_163], %parallel_loop3A_157 {strides = array<i32>} : memref<400x64xf32, #tpu.memory_space<vmem>>, vector<16xf32>,
          %parallel_loop3A_165 = arith.addi %parallel_loop3A_146, %add3A_11 : vector<16xi32>
          %parallel_loop3A_166 = tpu.vector_load_idx %arg5[%parallel_loop3A_165] : memref<704xf32, #tpu.memory_space<vmem>>[vector<16xi32>], vector<16xf32>,
          %parallel_loop3A_167 = arith.constant 16 : i32
          %parallel_loop3A_168 = arith.muli %parallel_loop3A_109, %parallel_loop3A_167 : i32
          %parallel_loop3A_169 = arith.constant 0 : i32
          %parallel_loop3A_170 = arith.addi %parallel_loop3A_168, %parallel_loop3A_169 : i32
          %parallel_loop3A_171 = arith.index_cast %parallel_loop3A_170 : i32 to index
          %parallel_loop3A_172 = arith.constant 32 : index
          %parallel_loop3A_173 = tpu.vector_load %arg9[%parallel_loop3A_171, %parallel_loop3A_172] {strides = array<i32>} : memref<400x64xf32, #tpu.memory_space<vmem>>, vector<16xf32>,
          tpu.vector_store %arg9[%parallel_loop3A_171, %parallel_loop3A_172], %parallel_loop3A_166 {strides = array<i32>} : memref<400x64xf32, #tpu.memory_space<vmem>>, vector<16xf32>,
          %parallel_loop3A_174 = arith.addi %parallel_loop3A_146, %add3A_15 : vector<16xi32>
          %parallel_loop3A_175 = tpu.vector_load_idx %arg5[%parallel_loop3A_174] : memref<704xf32, #tpu.memory_space<vmem>>[vector<16xi32>], vector<16xf32>,
          %parallel_loop3A_176 = arith.constant 16 : i32
          %parallel_loop3A_177 = arith.muli %parallel_loop3A_109, %parallel_loop3A_176 : i32
          %parallel_loop3A_178 = arith.constant 0 : i32
          %parallel_loop3A_179 = arith.addi %parallel_loop3A_177, %parallel_loop3A_178 : i32
          %parallel_loop3A_180 = arith.index_cast %parallel_loop3A_179 : i32 to index
          %parallel_loop3A_181 = arith.constant 48 : index
          %parallel_loop3A_182 = tpu.vector_load %arg9[%parallel_loop3A_180, %parallel_loop3A_181] {strides = array<i32>} : memref<400x64xf32, #tpu.memory_space<vmem>>, vector<16xf32>,
          tpu.vector_store %arg9[%parallel_loop3A_180, %parallel_loop3A_181], %parallel_loop3A_175 {strides = array<i32>} : memref<400x64xf32, #tpu.memory_space<vmem>>, vector<16xf32>,
          %parallel_loop3A_183 = arith.constant 0 : i32
          %parallel_loop3A_184 = vector.broadcast %parallel_loop3A_183 : i32 to vector<16xi32>
          %parallel_loop3A_185 = arith.cmpi slt, %broadcast_in_dim3A_18, %parallel_loop3A_184 : vector<16xi32>
          %parallel_loop3A_186 = arith.constant 16 : i32
          %parallel_loop3A_187 = vector.broadcast %parallel_loop3A_186 : i32 to vector<16xi32>
          %parallel_loop3A_188 = arith.addi %broadcast_in_dim3A_18, %parallel_loop3A_187 : vector<16xi32>
          %parallel_loop3A_189 = arith.select %parallel_loop3A_185, %parallel_loop3A_188, %broadcast_in_dim3A_18 : vector<16xi1>, vector<16xi32>
          %parallel_loop3A_190 = vector.shape_cast %parallel_loop3A_189 : vector<16xi32> to vector<16x1xi32>
          %parallel_loop3A_191 = vector.shape_cast %parallel_loop3A_190 : vector<16x1xi32> to vector<16xi32>
          %parallel_loop3A_192 = tpu.dynamic_gather %parallel_loop3A_136[%parallel_loop3A_191] in [0] : vector<16xi32>, vector<16xi32> -> vector<16xi32>
          %parallel_loop3A_193 = arith.addi %parallel_loop3A_192, %add3A_3 : vector<16xi32>
          %parallel_loop3A_194 = tpu.vector_load_idx %arg5[%parallel_loop3A_193] : memref<704xf32, #tpu.memory_space<vmem>>[vector<16xi32>], vector<16xf32>,
          %parallel_loop3A_195 = arith.constant 16 : i32
          %parallel_loop3A_196 = arith.muli %parallel_loop3A_109, %parallel_loop3A_195 : i32
          %parallel_loop3A_197 = arith.constant 1 : i32
          %parallel_loop3A_198 = arith.addi %parallel_loop3A_196, %parallel_loop3A_197 : i32
          %parallel_loop3A_199 = arith.index_cast %parallel_loop3A_198 : i32 to index
          %parallel_loop3A_200 = arith.constant 0 : index
          %parallel_loop3A_201 = tpu.vector_load %arg9[%parallel_loop3A_199, %parallel_loop3A_200] {strides = array<i32>} : memref<400x64xf32, #tpu.memory_space<vmem>>, vector<16xf32>,
          tpu.vector_store %arg9[%parallel_loop3A_199, %parallel_loop3A_200], %parallel_loop3A_194 {strides = array<i32>} : memref<400x64xf32, #tpu.memory_space<vmem>>, vector<16xf32>,
          %parallel_loop3A_202 = arith.addi %parallel_loop3A_192, %add3A_7 : vector<16xi32>
          %parallel_loop3A_203 = tpu.vector_load_idx %arg5[%parallel_loop3A_202] : memref<704xf32, #tpu.memory_space<vmem>>[vector<16xi32>], vector<16xf32>,
          %parallel_loop3A_204 = arith.constant 16 : i32
          %parallel_loop3A_205 = arith.muli %parallel_loop3A_109, %parallel_loop3A_204 : i32
          %parallel_loop3A_206 = arith.constant 1 : i32
          %parallel_loop3A_207 = arith.addi %parallel_loop3A_205, %parallel_loop3A_206 : i32
          %parallel_loop3A_208 = arith.index_cast %parallel_loop3A_207 : i32 to index
          %parallel_loop3A_209 = arith.constant 16 : index
          %parallel_loop3A_210 = tpu.vector_load %arg9[%parallel_loop3A_208, %parallel_loop3A_209] {strides = array<i32>} : memref<400x64xf32, #tpu.memory_space<vmem>>, vector<16xf32>,
          tpu.vector_store %arg9[%parallel_loop3A_208, %parallel_loop3A_209], %parallel_loop3A_203 {strides = array<i32>} : memref<400x64xf32, #tpu.memory_space<vmem>>, vector<16xf32>,
          %parallel_loop3A_211 = arith.addi %parallel_loop3A_192, %add3A_11 : vector<16xi32>
          %parallel_loop3A_212 = tpu.vector_load_idx %arg5[%parallel_loop3A_211] : memref<704xf32, #tpu.memory_space<vmem>>[vector<16xi32>], vector<16xf32>,
          %parallel_loop3A_213 = arith.constant 16 : i32
          %parallel_loop3A_214 = arith.muli %parallel_loop3A_109, %parallel_loop3A_213 : i32
          %parallel_loop3A_215 = arith.constant 1 : i32
          %parallel_loop3A_216 = arith.addi %parallel_loop3A_214, %parallel_loop3A_215 : i32
          %parallel_loop3A_217 = arith.index_cast %parallel_loop3A_216 : i32 to index
          %parallel_loop3A_218 = arith.constant 32 : index
          %parallel_loop3A_219 = tpu.vector_load %arg9[%parallel_loop3A_217, %parallel_loop3A_218] {strides = array<i32>} : memref<400x64xf32, #tpu.memory_space<vmem>>, vector<16xf32>,
          tpu.vector_store %arg9[%parallel_loop3A_217, %parallel_loop3A_218], %parallel_loop3A_212 {strides = array<i32>} : memref<400x64xf32, #tpu.memory_space<vmem>>, vector<16xf32>,
          %parallel_loop3A_220 = arith.addi %parallel_loop3A_192, %add3A_15 : vector<16xi32>
          %parallel_loop3A_221 = tpu.vector_load_idx %arg5[%parallel_loop3A_220] : memref<704xf32, #tpu.memory_space<vmem>>[vector<16xi32>], vector<16xf32>,
          %parallel_loop3A_222 = arith.constant 16 : i32
          %parallel_loop3A_223 = arith.muli %parallel_loop3A_109, %parallel_loop3A_222 : i32
          %parallel_loop3A_224 = arith.constant 1 : i32
          %parallel_loop3A_225 = arith.addi %parallel_loop3A_223, %parallel_loop3A_224 : i32
          %parallel_loop3A_226 = arith.index_cast %parallel_loop3A_225 : i32 to index
          %parallel_loop3A_227 = arith.constant 48 : index
          %parallel_loop3A_228 = tpu.vector_load %arg9[%parallel_loop3A_226, %parallel_loop3A_227] {strides = array<i32>} : memref<400x64xf32, #tpu.memory_space<vmem>>, vector<16xf32>,
          tpu.vector_store %arg9[%parallel_loop3A_226, %parallel_loop3A_227], %parallel_loop3A_221 {strides = array<i32>} : memref<400x64xf32, #tpu.memory_space<vmem>>, vector<16xf32>,
          %parallel_loop3A_229 = arith.constant 0 : i32
          %parallel_loop3A_230 = vector.broadcast %parallel_loop3A_229 : i32 to vector<16xi32>
          %parallel_loop3A_231 = arith.cmpi slt, %broadcast_in_dim3A_20, %parallel_loop3A_230 : vector<16xi32>
          %parallel_loop3A_232 = arith.constant 16 : i32
          %parallel_loop3A_233 = vector.broadcast %parallel_loop3A_232 : i32 to vector<16xi32>
          %parallel_loop3A_234 = arith.addi %broadcast_in_dim3A_20, %parallel_loop3A_233 : vector<16xi32>
          %parallel_loop3A_235 = arith.select %parallel_loop3A_231, %parallel_loop3A_234, %broadcast_in_dim3A_20 : vector<16xi1>, vector<16xi32>
          %parallel_loop3A_236 = vector.shape_cast %parallel_loop3A_235 : vector<16xi32> to vector<16x1xi32>
          %parallel_loop3A_237 = vector.shape_cast %parallel_loop3A_236 : vector<16x1xi32> to vector<16xi32>
          %parallel_loop3A_238 = tpu.dynamic_gather %parallel_loop3A_136[%parallel_loop3A_237] in [0] : vector<16xi32>, vector<16xi32> -> vector<16xi32>
          %parallel_loop3A_239 = arith.addi %parallel_loop3A_238, %add3A_3 : vector<16xi32>
          %parallel_loop3A_240 = tpu.vector_load_idx %arg5[%parallel_loop3A_239] : memref<704xf32, #tpu.memory_space<vmem>>[vector<16xi32>], vector<16xf32>,
          %parallel_loop3A_241 = arith.constant 16 : i32
          %parallel_loop3A_242 = arith.muli %parallel_loop3A_109, %parallel_loop3A_241 : i32
          %parallel_loop3A_243 = arith.constant 2 : i32
          %parallel_loop3A_244 = arith.addi %parallel_loop3A_242, %parallel_loop3A_243 : i32
          %parallel_loop3A_245 = arith.index_cast %parallel_loop3A_244 : i32 to index
          %parallel_loop3A_246 = arith.constant 0 : index
          %parallel_loop3A_247 = tpu.vector_load %arg9[%parallel_loop3A_245, %parallel_loop3A_246] {strides = array<i32>} : memref<400x64xf32, #tpu.memory_space<vmem>>, vector<16xf32>,
          tpu.vector_store %arg9[%parallel_loop3A_245, %parallel_loop3A_246], %parallel_loop3A_240 {strides = array<i32>} : memref<400x64xf32, #tpu.memory_space<vmem>>, vector<16xf32>,
          %parallel_loop3A_248 = arith.addi %parallel_loop3A_238, %add3A_7 : vector<16xi32>
          %parallel_loop3A_249 = tpu.vector_load_idx %arg5[%parallel_loop3A_248] : memref<704xf32, #tpu.memory_space<vmem>>[vector<16xi32>], vector<16xf32>,
          %parallel_loop3A_250 = arith.constant 16 : i32
          %parallel_loop3A_251 = arith.muli %parallel_loop3A_109, %parallel_loop3A_250 : i32
          %parallel_loop3A_252 = arith.constant 2 : i32
          %parallel_loop3A_253 = arith.addi %parallel_loop3A_251, %parallel_loop3A_252 : i32
          %parallel_loop3A_254 = arith.index_cast %parallel_loop3A_253 : i32 to index
          %parallel_loop3A_255 = arith.constant 16 : index
          %parallel_loop3A_256 = tpu.vector_load %arg9[%parallel_loop3A_254, %parallel_loop3A_255] {strides = array<i32>} : memref<400x64xf32, #tpu.memory_space<vmem>>, vector<16xf32>,
          tpu.vector_store %arg9[%parallel_loop3A_254, %parallel_loop3A_255], %parallel_loop3A_249 {strides = array<i32>} : memref<400x64xf32, #tpu.memory_space<vmem>>, vector<16xf32>,
          %parallel_loop3A_257 = arith.addi %parallel_loop3A_238, %add3A_11 : vector<16xi32>
          %parallel_loop3A_258 = tpu.vector_load_idx %arg5[%parallel_loop3A_257] : memref<704xf32, #tpu.memory_space<vmem>>[vector<16xi32>], vector<16xf32>,
          %parallel_loop3A_259 = arith.constant 16 : i32
          %parallel_loop3A_260 = arith.muli %parallel_loop3A_109, %parallel_loop3A_259 : i32
          %parallel_loop3A_261 = arith.constant 2 : i32
          %parallel_loop3A_262 = arith.addi %parallel_loop3A_260, %parallel_loop3A_261 : i32
          %parallel_loop3A_263 = arith.index_cast %parallel_loop3A_262 : i32 to index
          %parallel_loop3A_264 = arith.constant 32 : index
          %parallel_loop3A_265 = tpu.vector_load %arg9[%parallel_loop3A_263, %parallel_loop3A_264] {strides = array<i32>} : memref<400x64xf32, #tpu.memory_space<vmem>>, vector<16xf32>,
          tpu.vector_store %arg9[%parallel_loop3A_263, %parallel_loop3A_264], %parallel_loop3A_258 {strides = array<i32>} : memref<400x64xf32, #tpu.memory_space<vmem>>, vector<16xf32>,
          %parallel_loop3A_266 = arith.addi %parallel_loop3A_238, %add3A_15 : vector<16xi32>
          %parallel_loop3A_267 = tpu.vector_load_idx %arg5[%parallel_loop3A_266] : memref<704xf32, #tpu.memory_space<vmem>>[vector<16xi32>], vector<16xf32>,
          %parallel_loop3A_268 = arith.constant 16 : i32
          %parallel_loop3A_269 = arith.muli %parallel_loop3A_109, %parallel_loop3A_268 : i32
          %parallel_loop3A_270 = arith.constant 2 : i32
          %parallel_loop3A_271 = arith.addi %parallel_loop3A_269, %parallel_loop3A_270 : i32
          %parallel_loop3A_272 = arith.index_cast %parallel_loop3A_271 : i32 to index
          %parallel_loop3A_273 = arith.constant 48 : index
          %parallel_loop3A_274 = tpu.vector_load %arg9[%parallel_loop3A_272, %parallel_loop3A_273] {strides = array<i32>} : memref<400x64xf32, #tpu.memory_space<vmem>>, vector<16xf32>,
          tpu.vector_store %arg9[%parallel_loop3A_272, %parallel_loop3A_273], %parallel_loop3A_267 {strides = array<i32>} : memref<400x64xf32, #tpu.memory_space<vmem>>, vector<16xf32>,
          %parallel_loop3A_275 = arith.constant 0 : i32
          %parallel_loop3A_276 = vector.broadcast %parallel_loop3A_275 : i32 to vector<16xi32>
          %parallel_loop3A_277 = arith.cmpi slt, %broadcast_in_dim3A_22, %parallel_loop3A_276 : vector<16xi32>
          %parallel_loop3A_278 = arith.constant 16 : i32
          %parallel_loop3A_279 = vector.broadcast %parallel_loop3A_278 : i32 to vector<16xi32>
          %parallel_loop3A_280 = arith.addi %broadcast_in_dim3A_22, %parallel_loop3A_279 : vector<16xi32>
          %parallel_loop3A_281 = arith.select %parallel_loop3A_277, %parallel_loop3A_280, %broadcast_in_dim3A_22 : vector<16xi1>, vector<16xi32>
          %parallel_loop3A_282 = vector.shape_cast %parallel_loop3A_281 : vector<16xi32> to vector<16x1xi32>
          %parallel_loop3A_283 = vector.shape_cast %parallel_loop3A_282 : vector<16x1xi32> to vector<16xi32>
          %parallel_loop3A_284 = tpu.dynamic_gather %parallel_loop3A_136[%parallel_loop3A_283] in [0] : vector<16xi32>, vector<16xi32> -> vector<16xi32>
          %parallel_loop3A_285 = arith.addi %parallel_loop3A_284, %add3A_3 : vector<16xi32>
          %parallel_loop3A_286 = tpu.vector_load_idx %arg5[%parallel_loop3A_285] : memref<704xf32, #tpu.memory_space<vmem>>[vector<16xi32>], vector<16xf32>,
          %parallel_loop3A_287 = arith.constant 16 : i32
          %parallel_loop3A_288 = arith.muli %parallel_loop3A_109, %parallel_loop3A_287 : i32
          %parallel_loop3A_289 = arith.constant 3 : i32
          %parallel_loop3A_290 = arith.addi %parallel_loop3A_288, %parallel_loop3A_289 : i32
          %parallel_loop3A_291 = arith.index_cast %parallel_loop3A_290 : i32 to index
          %parallel_loop3A_292 = arith.constant 0 : index
          %parallel_loop3A_293 = tpu.vector_load %arg9[%parallel_loop3A_291, %parallel_loop3A_292] {strides = array<i32>} : memref<400x64xf32, #tpu.memory_space<vmem>>, vector<16xf32>,
          tpu.vector_store %arg9[%parallel_loop3A_291, %parallel_loop3A_292], %parallel_loop3A_286 {strides = array<i32>} : memref<400x64xf32, #tpu.memory_space<vmem>>, vector<16xf32>,
          %parallel_loop3A_294 = arith.addi %parallel_loop3A_284, %add3A_7 : vector<16xi32>
          %parallel_loop3A_295 = tpu.vector_load_idx %arg5[%parallel_loop3A_294] : memref<704xf32, #tpu.memory_space<vmem>>[vector<16xi32>], vector<16xf32>,
          %parallel_loop3A_296 = arith.constant 16 : i32
          %parallel_loop3A_297 = arith.muli %parallel_loop3A_109, %parallel_loop3A_296 : i32
          %parallel_loop3A_298 = arith.constant 3 : i32
          %parallel_loop3A_299 = arith.addi %parallel_loop3A_297, %parallel_loop3A_298 : i32
          %parallel_loop3A_300 = arith.index_cast %parallel_loop3A_299 : i32 to index
          %parallel_loop3A_301 = arith.constant 16 : index
          %parallel_loop3A_302 = tpu.vector_load %arg9[%parallel_loop3A_300, %parallel_loop3A_301] {strides = array<i32>} : memref<400x64xf32, #tpu.memory_space<vmem>>, vector<16xf32>,
          tpu.vector_store %arg9[%parallel_loop3A_300, %parallel_loop3A_301], %parallel_loop3A_295 {strides = array<i32>} : memref<400x64xf32, #tpu.memory_space<vmem>>, vector<16xf32>,
          %parallel_loop3A_303 = arith.addi %parallel_loop3A_284, %add3A_11 : vector<16xi32>
          %parallel_loop3A_304 = tpu.vector_load_idx %arg5[%parallel_loop3A_303] : memref<704xf32, #tpu.memory_space<vmem>>[vector<16xi32>], vector<16xf32>,
          %parallel_loop3A_305 = arith.constant 16 : i32
          %parallel_loop3A_306 = arith.muli %parallel_loop3A_109, %parallel_loop3A_305 : i32
          %parallel_loop3A_307 = arith.constant 3 : i32
          %parallel_loop3A_308 = arith.addi %parallel_loop3A_306, %parallel_loop3A_307 : i32
          %parallel_loop3A_309 = arith.index_cast %parallel_loop3A_308 : i32 to index
          %parallel_loop3A_310 = arith.constant 32 : index
          %parallel_loop3A_311 = tpu.vector_load %arg9[%parallel_loop3A_309, %parallel_loop3A_310] {strides = array<i32>} : memref<400x64xf32, #tpu.memory_space<vmem>>, vector<16xf32>,
          tpu.vector_store %arg9[%parallel_loop3A_309, %parallel_loop3A_310], %parallel_loop3A_304 {strides = array<i32>} : memref<400x64xf32, #tpu.memory_space<vmem>>, vector<16xf32>,
          %parallel_loop3A_312 = arith.addi %parallel_loop3A_284, %add3A_15 : vector<16xi32>
          %parallel_loop3A_313 = tpu.vector_load_idx %arg5[%parallel_loop3A_312] : memref<704xf32, #tpu.memory_space<vmem>>[vector<16xi32>], vector<16xf32>,
          %parallel_loop3A_314 = arith.constant 16 : i32
          %parallel_loop3A_315 = arith.muli %parallel_loop3A_109, %parallel_loop3A_314 : i32
          %parallel_loop3A_316 = arith.constant 3 : i32
          %parallel_loop3A_317 = arith.addi %parallel_loop3A_315, %parallel_loop3A_316 : i32
          %parallel_loop3A_318 = arith.index_cast %parallel_loop3A_317 : i32 to index
          %parallel_loop3A_319 = arith.constant 48 : index
          %parallel_loop3A_320 = tpu.vector_load %arg9[%parallel_loop3A_318, %parallel_loop3A_319] {strides = array<i32>} : memref<400x64xf32, #tpu.memory_space<vmem>>, vector<16xf32>,
          tpu.vector_store %arg9[%parallel_loop3A_318, %parallel_loop3A_319], %parallel_loop3A_313 {strides = array<i32>} : memref<400x64xf32, #tpu.memory_space<vmem>>, vector<16xf32>,
          %parallel_loop3A_321 = arith.constant 0 : i32
          %parallel_loop3A_322 = vector.broadcast %parallel_loop3A_321 : i32 to vector<16xi32>
          %parallel_loop3A_323 = arith.cmpi slt, %broadcast_in_dim3A_24, %parallel_loop3A_322 : vector<16xi32>
          %parallel_loop3A_324 = arith.constant 16 : i32
          %parallel_loop3A_325 = vector.broadcast %parallel_loop3A_324 : i32 to vector<16xi32>
          %parallel_loop3A_326 = arith.addi %broadcast_in_dim3A_24, %parallel_loop3A_325 : vector<16xi32>
          %parallel_loop3A_327 = arith.select %parallel_loop3A_323, %parallel_loop3A_326, %broadcast_in_dim3A_24 : vector<16xi1>, vector<16xi32>
          %parallel_loop3A_328 = vector.shape_cast %parallel_loop3A_327 : vector<16xi32> to vector<16x1xi32>
          %parallel_loop3A_329 = vector.shape_cast %parallel_loop3A_328 : vector<16x1xi32> to vector<16xi32>
          %parallel_loop3A_330 = tpu.dynamic_gather %parallel_loop3A_136[%parallel_loop3A_329] in [0] : vector<16xi32>, vector<16xi32> -> vector<16xi32>
          %parallel_loop3A_331 = arith.addi %parallel_loop3A_330, %add3A_3 : vector<16xi32>
          %parallel_loop3A_332 = tpu.vector_load_idx %arg5[%parallel_loop3A_331] : memref<704xf32, #tpu.memory_space<vmem>>[vector<16xi32>], vector<16xf32>,
          %parallel_loop3A_333 = arith.constant 16 : i32
          %parallel_loop3A_334 = arith.muli %parallel_loop3A_109, %parallel_loop3A_333 : i32
          %parallel_loop3A_335 = arith.constant 4 : i32
          %parallel_loop3A_336 = arith.addi %parallel_loop3A_334, %parallel_loop3A_335 : i32
          %parallel_loop3A_337 = arith.index_cast %parallel_loop3A_336 : i32 to index
          %parallel_loop3A_338 = arith.constant 0 : index
          %parallel_loop3A_339 = tpu.vector_load %arg9[%parallel_loop3A_337, %parallel_loop3A_338] {strides = array<i32>} : memref<400x64xf32, #tpu.memory_space<vmem>>, vector<16xf32>,
          tpu.vector_store %arg9[%parallel_loop3A_337, %parallel_loop3A_338], %parallel_loop3A_332 {strides = array<i32>} : memref<400x64xf32, #tpu.memory_space<vmem>>, vector<16xf32>,
          %parallel_loop3A_340 = arith.addi %parallel_loop3A_330, %add3A_7 : vector<16xi32>
          %parallel_loop3A_341 = tpu.vector_load_idx %arg5[%parallel_loop3A_340] : memref<704xf32, #tpu.memory_space<vmem>>[vector<16xi32>], vector<16xf32>,
          %parallel_loop3A_342 = arith.constant 16 : i32
          %parallel_loop3A_343 = arith.muli %parallel_loop3A_109, %parallel_loop3A_342 : i32
          %parallel_loop3A_344 = arith.constant 4 : i32
          %parallel_loop3A_345 = arith.addi %parallel_loop3A_343, %parallel_loop3A_344 : i32
          %parallel_loop3A_346 = arith.index_cast %parallel_loop3A_345 : i32 to index
          %parallel_loop3A_347 = arith.constant 16 : index
          %parallel_loop3A_348 = tpu.vector_load %arg9[%parallel_loop3A_346, %parallel_loop3A_347] {strides = array<i32>} : memref<400x64xf32, #tpu.memory_space<vmem>>, vector<16xf32>,
          tpu.vector_store %arg9[%parallel_loop3A_346, %parallel_loop3A_347], %parallel_loop3A_341 {strides = array<i32>} : memref<400x64xf32, #tpu.memory_space<vmem>>, vector<16xf32>,
          %parallel_loop3A_349 = arith.addi %parallel_loop3A_330, %add3A_11 : vector<16xi32>
          %parallel_loop3A_350 = tpu.vector_load_idx %arg5[%parallel_loop3A_349] : memref<704xf32, #tpu.memory_space<vmem>>[vector<16xi32>], vector<16xf32>,
          %parallel_loop3A_351 = arith.constant 16 : i32
          %parallel_loop3A_352 = arith.muli %parallel_loop3A_109, %parallel_loop3A_351 : i32
          %parallel_loop3A_353 = arith.constant 4 : i32
          %parallel_loop3A_354 = arith.addi %parallel_loop3A_352, %parallel_loop3A_353 : i32
          %parallel_loop3A_355 = arith.index_cast %parallel_loop3A_354 : i32 to index
          %parallel_loop3A_356 = arith.constant 32 : index
          %parallel_loop3A_357 = tpu.vector_load %arg9[%parallel_loop3A_355, %parallel_loop3A_356] {strides = array<i32>} : memref<400x64xf32, #tpu.memory_space<vmem>>, vector<16xf32>,
          tpu.vector_store %arg9[%parallel_loop3A_355, %parallel_loop3A_356], %parallel_loop3A_350 {strides = array<i32>} : memref<400x64xf32, #tpu.memory_space<vmem>>, vector<16xf32>,
          %parallel_loop3A_358 = arith.addi %parallel_loop3A_330, %add3A_15 : vector<16xi32>
          %parallel_loop3A_359 = tpu.vector_load_idx %arg5[%parallel_loop3A_358] : memref<704xf32, #tpu.memory_space<vmem>>[vector<16xi32>], vector<16xf32>,
          %parallel_loop3A_360 = arith.constant 16 : i32
          %parallel_loop3A_361 = arith.muli %parallel_loop3A_109, %parallel_loop3A_360 : i32
          %parallel_loop3A_362 = arith.constant 4 : i32
          %parallel_loop3A_363 = arith.addi %parallel_loop3A_361, %parallel_loop3A_362 : i32
          %parallel_loop3A_364 = arith.index_cast %parallel_loop3A_363 : i32 to index
          %parallel_loop3A_365 = arith.constant 48 : index
          %parallel_loop3A_366 = tpu.vector_load %arg9[%parallel_loop3A_364, %parallel_loop3A_365] {strides = array<i32>} : memref<400x64xf32, #tpu.memory_space<vmem>>, vector<16xf32>,
          tpu.vector_store %arg9[%parallel_loop3A_364, %parallel_loop3A_365], %parallel_loop3A_359 {strides = array<i32>} : memref<400x64xf32, #tpu.memory_space<vmem>>, vector<16xf32>,
          %parallel_loop3A_367 = arith.constant 0 : i32
          %parallel_loop3A_368 = vector.broadcast %parallel_loop3A_367 : i32 to vector<16xi32>
          %parallel_loop3A_369 = arith.cmpi slt, %broadcast_in_dim3A_26, %parallel_loop3A_368 : vector<16xi32>
          %parallel_loop3A_370 = arith.constant 16 : i32
          %parallel_loop3A_371 = vector.broadcast %parallel_loop3A_370 : i32 to vector<16xi32>
          %parallel_loop3A_372 = arith.addi %broadcast_in_dim3A_26, %parallel_loop3A_371 : vector<16xi32>
          %parallel_loop3A_373 = arith.select %parallel_loop3A_369, %parallel_loop3A_372, %broadcast_in_dim3A_26 : vector<16xi1>, vector<16xi32>
          %parallel_loop3A_374 = vector.shape_cast %parallel_loop3A_373 : vector<16xi32> to vector<16x1xi32>
          %parallel_loop3A_375 = vector.shape_cast %parallel_loop3A_374 : vector<16x1xi32> to vector<16xi32>
          %parallel_loop3A_376 = tpu.dynamic_gather %parallel_loop3A_136[%parallel_loop3A_375] in [0] : vector<16xi32>, vector<16xi32> -> vector<16xi32>
          %parallel_loop3A_377 = arith.addi %parallel_loop3A_376, %add3A_3 : vector<16xi32>
          %parallel_loop3A_378 = tpu.vector_load_idx %arg5[%parallel_loop3A_377] : memref<704xf32, #tpu.memory_space<vmem>>[vector<16xi32>], vector<16xf32>,
          %parallel_loop3A_379 = arith.constant 16 : i32
          %parallel_loop3A_380 = arith.muli %parallel_loop3A_109, %parallel_loop3A_379 : i32
          %parallel_loop3A_381 = arith.constant 5 : i32
          %parallel_loop3A_382 = arith.addi %parallel_loop3A_380, %parallel_loop3A_381 : i32
          %parallel_loop3A_383 = arith.index_cast %parallel_loop3A_382 : i32 to index
          %parallel_loop3A_384 = arith.constant 0 : index
          %parallel_loop3A_385 = tpu.vector_load %arg9[%parallel_loop3A_383, %parallel_loop3A_384] {strides = array<i32>} : memref<400x64xf32, #tpu.memory_space<vmem>>, vector<16xf32>,
          tpu.vector_store %arg9[%parallel_loop3A_383, %parallel_loop3A_384], %parallel_loop3A_378 {strides = array<i32>} : memref<400x64xf32, #tpu.memory_space<vmem>>, vector<16xf32>,
          %parallel_loop3A_386 = arith.addi %parallel_loop3A_376, %add3A_7 : vector<16xi32>
          %parallel_loop3A_387 = tpu.vector_load_idx %arg5[%parallel_loop3A_386] : memref<704xf32, #tpu.memory_space<vmem>>[vector<16xi32>], vector<16xf32>,
          %parallel_loop3A_388 = arith.constant 16 : i32
          %parallel_loop3A_389 = arith.muli %parallel_loop3A_109, %parallel_loop3A_388 : i32
          %parallel_loop3A_390 = arith.constant 5 : i32
          %parallel_loop3A_391 = arith.addi %parallel_loop3A_389, %parallel_loop3A_390 : i32
          %parallel_loop3A_392 = arith.index_cast %parallel_loop3A_391 : i32 to index
          %parallel_loop3A_393 = arith.constant 16 : index
          %parallel_loop3A_394 = tpu.vector_load %arg9[%parallel_loop3A_392, %parallel_loop3A_393] {strides = array<i32>} : memref<400x64xf32, #tpu.memory_space<vmem>>, vector<16xf32>,
          tpu.vector_store %arg9[%parallel_loop3A_392, %parallel_loop3A_393], %parallel_loop3A_387 {strides = array<i32>} : memref<400x64xf32, #tpu.memory_space<vmem>>, vector<16xf32>,
          %parallel_loop3A_395 = arith.addi %parallel_loop3A_376, %add3A_11 : vector<16xi32>
          %parallel_loop3A_396 = tpu.vector_load_idx %arg5[%parallel_loop3A_395] : memref<704xf32, #tpu.memory_space<vmem>>[vector<16xi32>], vector<16xf32>,
          %parallel_loop3A_397 = arith.constant 16 : i32
          %parallel_loop3A_398 = arith.muli %parallel_loop3A_109, %parallel_loop3A_397 : i32
          %parallel_loop3A_399 = arith.constant 5 : i32
          %parallel_loop3A_400 = arith.addi %parallel_loop3A_398, %parallel_loop3A_399 : i32
          %parallel_loop3A_401 = arith.index_cast %parallel_loop3A_400 : i32 to index
          %parallel_loop3A_402 = arith.constant 32 : index
          %parallel_loop3A_403 = tpu.vector_load %arg9[%parallel_loop3A_401, %parallel_loop3A_402] {strides = array<i32>} : memref<400x64xf32, #tpu.memory_space<vmem>>, vector<16xf32>,
          tpu.vector_store %arg9[%parallel_loop3A_401, %parallel_loop3A_402], %parallel_loop3A_396 {strides = array<i32>} : memref<400x64xf32, #tpu.memory_space<vmem>>, vector<16xf32>,
          %parallel_loop3A_404 = arith.addi %parallel_loop3A_376, %add3A_15 : vector<16xi32>
          %parallel_loop3A_405 = tpu.vector_load_idx %arg5[%parallel_loop3A_404] : memref<704xf32, #tpu.memory_space<vmem>>[vector<16xi32>], vector<16xf32>,
          %parallel_loop3A_406 = arith.constant 16 : i32
          %parallel_loop3A_407 = arith.muli %parallel_loop3A_109, %parallel_loop3A_406 : i32
          %parallel_loop3A_408 = arith.constant 5 : i32
          %parallel_loop3A_409 = arith.addi %parallel_loop3A_407, %parallel_loop3A_408 : i32
          %parallel_loop3A_410 = arith.index_cast %parallel_loop3A_409 : i32 to index
          %parallel_loop3A_411 = arith.constant 48 : index
          %parallel_loop3A_412 = tpu.vector_load %arg9[%parallel_loop3A_410, %parallel_loop3A_411] {strides = array<i32>} : memref<400x64xf32, #tpu.memory_space<vmem>>, vector<16xf32>,
          tpu.vector_store %arg9[%parallel_loop3A_410, %parallel_loop3A_411], %parallel_loop3A_405 {strides = array<i32>} : memref<400x64xf32, #tpu.memory_space<vmem>>, vector<16xf32>,
          %parallel_loop3A_413 = arith.constant 0 : i32
          %parallel_loop3A_414 = vector.broadcast %parallel_loop3A_413 : i32 to vector<16xi32>
          %parallel_loop3A_415 = arith.cmpi slt, %broadcast_in_dim3A_28, %parallel_loop3A_414 : vector<16xi32>
          %parallel_loop3A_416 = arith.constant 16 : i32
          %parallel_loop3A_417 = vector.broadcast %parallel_loop3A_416 : i32 to vector<16xi32>
          %parallel_loop3A_418 = arith.addi %broadcast_in_dim3A_28, %parallel_loop3A_417 : vector<16xi32>
          %parallel_loop3A_419 = arith.select %parallel_loop3A_415, %parallel_loop3A_418, %broadcast_in_dim3A_28 : vector<16xi1>, vector<16xi32>
          %parallel_loop3A_420 = vector.shape_cast %parallel_loop3A_419 : vector<16xi32> to vector<16x1xi32>
          %parallel_loop3A_421 = vector.shape_cast %parallel_loop3A_420 : vector<16x1xi32> to vector<16xi32>
          %parallel_loop3A_422 = tpu.dynamic_gather %parallel_loop3A_136[%parallel_loop3A_421] in [0] : vector<16xi32>, vector<16xi32> -> vector<16xi32>
          %parallel_loop3A_423 = arith.addi %parallel_loop3A_422, %add3A_3 : vector<16xi32>
          %parallel_loop3A_424 = tpu.vector_load_idx %arg5[%parallel_loop3A_423] : memref<704xf32, #tpu.memory_space<vmem>>[vector<16xi32>], vector<16xf32>,
          %parallel_loop3A_425 = arith.constant 16 : i32
          %parallel_loop3A_426 = arith.muli %parallel_loop3A_109, %parallel_loop3A_425 : i32
          %parallel_loop3A_427 = arith.constant 6 : i32
          %parallel_loop3A_428 = arith.addi %parallel_loop3A_426, %parallel_loop3A_427 : i32
          %parallel_loop3A_429 = arith.index_cast %parallel_loop3A_428 : i32 to index
          %parallel_loop3A_430 = arith.constant 0 : index
          %parallel_loop3A_431 = tpu.vector_load %arg9[%parallel_loop3A_429, %parallel_loop3A_430] {strides = array<i32>} : memref<400x64xf32, #tpu.memory_space<vmem>>, vector<16xf32>,
          tpu.vector_store %arg9[%parallel_loop3A_429, %parallel_loop3A_430], %parallel_loop3A_424 {strides = array<i32>} : memref<400x64xf32, #tpu.memory_space<vmem>>, vector<16xf32>,
          %parallel_loop3A_432 = arith.addi %parallel_loop3A_422, %add3A_7 : vector<16xi32>
          %parallel_loop3A_433 = tpu.vector_load_idx %arg5[%parallel_loop3A_432] : memref<704xf32, #tpu.memory_space<vmem>>[vector<16xi32>], vector<16xf32>,
          %parallel_loop3A_434 = arith.constant 16 : i32
          %parallel_loop3A_435 = arith.muli %parallel_loop3A_109, %parallel_loop3A_434 : i32
          %parallel_loop3A_436 = arith.constant 6 : i32
          %parallel_loop3A_437 = arith.addi %parallel_loop3A_435, %parallel_loop3A_436 : i32
          %parallel_loop3A_438 = arith.index_cast %parallel_loop3A_437 : i32 to index
          %parallel_loop3A_439 = arith.constant 16 : index
          %parallel_loop3A_440 = tpu.vector_load %arg9[%parallel_loop3A_438, %parallel_loop3A_439] {strides = array<i32>} : memref<400x64xf32, #tpu.memory_space<vmem>>, vector<16xf32>,
          tpu.vector_store %arg9[%parallel_loop3A_438, %parallel_loop3A_439], %parallel_loop3A_433 {strides = array<i32>} : memref<400x64xf32, #tpu.memory_space<vmem>>, vector<16xf32>,
          %parallel_loop3A_441 = arith.addi %parallel_loop3A_422, %add3A_11 : vector<16xi32>
          %parallel_loop3A_442 = tpu.vector_load_idx %arg5[%parallel_loop3A_441] : memref<704xf32, #tpu.memory_space<vmem>>[vector<16xi32>], vector<16xf32>,
          %parallel_loop3A_443 = arith.constant 16 : i32
          %parallel_loop3A_444 = arith.muli %parallel_loop3A_109, %parallel_loop3A_443 : i32
          %parallel_loop3A_445 = arith.constant 6 : i32
          %parallel_loop3A_446 = arith.addi %parallel_loop3A_444, %parallel_loop3A_445 : i32
          %parallel_loop3A_447 = arith.index_cast %parallel_loop3A_446 : i32 to index
          %parallel_loop3A_448 = arith.constant 32 : index
          %parallel_loop3A_449 = tpu.vector_load %arg9[%parallel_loop3A_447, %parallel_loop3A_448] {strides = array<i32>} : memref<400x64xf32, #tpu.memory_space<vmem>>, vector<16xf32>,
          tpu.vector_store %arg9[%parallel_loop3A_447, %parallel_loop3A_448], %parallel_loop3A_442 {strides = array<i32>} : memref<400x64xf32, #tpu.memory_space<vmem>>, vector<16xf32>,
          %parallel_loop3A_450 = arith.addi %parallel_loop3A_422, %add3A_15 : vector<16xi32>
          %parallel_loop3A_451 = tpu.vector_load_idx %arg5[%parallel_loop3A_450] : memref<704xf32, #tpu.memory_space<vmem>>[vector<16xi32>], vector<16xf32>,
          %parallel_loop3A_452 = arith.constant 16 : i32
          %parallel_loop3A_453 = arith.muli %parallel_loop3A_109, %parallel_loop3A_452 : i32
          %parallel_loop3A_454 = arith.constant 6 : i32
          %parallel_loop3A_455 = arith.addi %parallel_loop3A_453, %parallel_loop3A_454 : i32
          %parallel_loop3A_456 = arith.index_cast %parallel_loop3A_455 : i32 to index
          %parallel_loop3A_457 = arith.constant 48 : index
          %parallel_loop3A_458 = tpu.vector_load %arg9[%parallel_loop3A_456, %parallel_loop3A_457] {strides = array<i32>} : memref<400x64xf32, #tpu.memory_space<vmem>>, vector<16xf32>,
          tpu.vector_store %arg9[%parallel_loop3A_456, %parallel_loop3A_457], %parallel_loop3A_451 {strides = array<i32>} : memref<400x64xf32, #tpu.memory_space<vmem>>, vector<16xf32>,
          %parallel_loop3A_459 = arith.constant 0 : i32
          %parallel_loop3A_460 = vector.broadcast %parallel_loop3A_459 : i32 to vector<16xi32>
          %parallel_loop3A_461 = arith.cmpi slt, %broadcast_in_dim3A_30, %parallel_loop3A_460 : vector<16xi32>
          %parallel_loop3A_462 = arith.constant 16 : i32
          %parallel_loop3A_463 = vector.broadcast %parallel_loop3A_462 : i32 to vector<16xi32>
          %parallel_loop3A_464 = arith.addi %broadcast_in_dim3A_30, %parallel_loop3A_463 : vector<16xi32>
          %parallel_loop3A_465 = arith.select %parallel_loop3A_461, %parallel_loop3A_464, %broadcast_in_dim3A_30 : vector<16xi1>, vector<16xi32>
          %parallel_loop3A_466 = vector.shape_cast %parallel_loop3A_465 : vector<16xi32> to vector<16x1xi32>
          %parallel_loop3A_467 = vector.shape_cast %parallel_loop3A_466 : vector<16x1xi32> to vector<16xi32>
          %parallel_loop3A_468 = tpu.dynamic_gather %parallel_loop3A_136[%parallel_loop3A_467] in [0] : vector<16xi32>, vector<16xi32> -> vector<16xi32>
          %parallel_loop3A_469 = arith.addi %parallel_loop3A_468, %add3A_3 : vector<16xi32>
          %parallel_loop3A_470 = tpu.vector_load_idx %arg5[%parallel_loop3A_469] : memref<704xf32, #tpu.memory_space<vmem>>[vector<16xi32>], vector<16xf32>,
          %parallel_loop3A_471 = arith.constant 16 : i32
          %parallel_loop3A_472 = arith.muli %parallel_loop3A_109, %parallel_loop3A_471 : i32
          %parallel_loop3A_473 = arith.constant 7 : i32
          %parallel_loop3A_474 = arith.addi %parallel_loop3A_472, %parallel_loop3A_473 : i32
          %parallel_loop3A_475 = arith.index_cast %parallel_loop3A_474 : i32 to index
          %parallel_loop3A_476 = arith.constant 0 : index
          %parallel_loop3A_477 = tpu.vector_load %arg9[%parallel_loop3A_475, %parallel_loop3A_476] {strides = array<i32>} : memref<400x64xf32, #tpu.memory_space<vmem>>, vector<16xf32>,
          tpu.vector_store %arg9[%parallel_loop3A_475, %parallel_loop3A_476], %parallel_loop3A_470 {strides = array<i32>} : memref<400x64xf32, #tpu.memory_space<vmem>>, vector<16xf32>,
          %parallel_loop3A_478 = arith.addi %parallel_loop3A_468, %add3A_7 : vector<16xi32>
          %parallel_loop3A_479 = tpu.vector_load_idx %arg5[%parallel_loop3A_478] : memref<704xf32, #tpu.memory_space<vmem>>[vector<16xi32>], vector<16xf32>,
          %parallel_loop3A_480 = arith.constant 16 : i32
          %parallel_loop3A_481 = arith.muli %parallel_loop3A_109, %parallel_loop3A_480 : i32
          %parallel_loop3A_482 = arith.constant 7 : i32
          %parallel_loop3A_483 = arith.addi %parallel_loop3A_481, %parallel_loop3A_482 : i32
          %parallel_loop3A_484 = arith.index_cast %parallel_loop3A_483 : i32 to index
          %parallel_loop3A_485 = arith.constant 16 : index
          %parallel_loop3A_486 = tpu.vector_load %arg9[%parallel_loop3A_484, %parallel_loop3A_485] {strides = array<i32>} : memref<400x64xf32, #tpu.memory_space<vmem>>, vector<16xf32>,
          tpu.vector_store %arg9[%parallel_loop3A_484, %parallel_loop3A_485], %parallel_loop3A_479 {strides = array<i32>} : memref<400x64xf32, #tpu.memory_space<vmem>>, vector<16xf32>,
          %parallel_loop3A_487 = arith.addi %parallel_loop3A_468, %add3A_11 : vector<16xi32>
          %parallel_loop3A_488 = tpu.vector_load_idx %arg5[%parallel_loop3A_487] : memref<704xf32, #tpu.memory_space<vmem>>[vector<16xi32>], vector<16xf32>,
          %parallel_loop3A_489 = arith.constant 16 : i32
          %parallel_loop3A_490 = arith.muli %parallel_loop3A_109, %parallel_loop3A_489 : i32
          %parallel_loop3A_491 = arith.constant 7 : i32
          %parallel_loop3A_492 = arith.addi %parallel_loop3A_490, %parallel_loop3A_491 : i32
          %parallel_loop3A_493 = arith.index_cast %parallel_loop3A_492 : i32 to index
          %parallel_loop3A_494 = arith.constant 32 : index
          %parallel_loop3A_495 = tpu.vector_load %arg9[%parallel_loop3A_493, %parallel_loop3A_494] {strides = array<i32>} : memref<400x64xf32, #tpu.memory_space<vmem>>, vector<16xf32>,
          tpu.vector_store %arg9[%parallel_loop3A_493, %parallel_loop3A_494], %parallel_loop3A_488 {strides = array<i32>} : memref<400x64xf32, #tpu.memory_space<vmem>>, vector<16xf32>,
          %parallel_loop3A_496 = arith.addi %parallel_loop3A_468, %add3A_15 : vector<16xi32>
          %parallel_loop3A_497 = tpu.vector_load_idx %arg5[%parallel_loop3A_496] : memref<704xf32, #tpu.memory_space<vmem>>[vector<16xi32>], vector<16xf32>,
          %parallel_loop3A_498 = arith.constant 16 : i32
          %parallel_loop3A_499 = arith.muli %parallel_loop3A_109, %parallel_loop3A_498 : i32
          %parallel_loop3A_500 = arith.constant 7 : i32
          %parallel_loop3A_501 = arith.addi %parallel_loop3A_499, %parallel_loop3A_500 : i32
          %parallel_loop3A_502 = arith.index_cast %parallel_loop3A_501 : i32 to index
          %parallel_loop3A_503 = arith.constant 48 : index
          %parallel_loop3A_504 = tpu.vector_load %arg9[%parallel_loop3A_502, %parallel_loop3A_503] {strides = array<i32>} : memref<400x64xf32, #tpu.memory_space<vmem>>, vector<16xf32>,
          tpu.vector_store %arg9[%parallel_loop3A_502, %parallel_loop3A_503], %parallel_loop3A_497 {strides = array<i32>} : memref<400x64xf32, #tpu.memory_space<vmem>>, vector<16xf32>,
          %parallel_loop3A_505 = arith.constant 0 : i32
          %parallel_loop3A_506 = vector.broadcast %parallel_loop3A_505 : i32 to vector<16xi32>
          %parallel_loop3A_507 = arith.cmpi slt, %broadcast_in_dim3A_32, %parallel_loop3A_506 : vector<16xi32>
          %parallel_loop3A_508 = arith.constant 16 : i32
          %parallel_loop3A_509 = vector.broadcast %parallel_loop3A_508 : i32 to vector<16xi32>
          %parallel_loop3A_510 = arith.addi %broadcast_in_dim3A_32, %parallel_loop3A_509 : vector<16xi32>
          %parallel_loop3A_511 = arith.select %parallel_loop3A_507, %parallel_loop3A_510, %broadcast_in_dim3A_32 : vector<16xi1>, vector<16xi32>
          %parallel_loop3A_512 = vector.shape_cast %parallel_loop3A_511 : vector<16xi32> to vector<16x1xi32>
          %parallel_loop3A_513 = vector.shape_cast %parallel_loop3A_512 : vector<16x1xi32> to vector<16xi32>
          %parallel_loop3A_514 = tpu.dynamic_gather %parallel_loop3A_136[%parallel_loop3A_513] in [0] : vector<16xi32>, vector<16xi32> -> vector<16xi32>
          %parallel_loop3A_515 = arith.addi %parallel_loop3A_514, %add3A_3 : vector<16xi32>
          %parallel_loop3A_516 = tpu.vector_load_idx %arg5[%parallel_loop3A_515] : memref<704xf32, #tpu.memory_space<vmem>>[vector<16xi32>], vector<16xf32>,
          %parallel_loop3A_517 = arith.constant 16 : i32
          %parallel_loop3A_518 = arith.muli %parallel_loop3A_109, %parallel_loop3A_517 : i32
          %parallel_loop3A_519 = arith.constant 8 : i32
          %parallel_loop3A_520 = arith.addi %parallel_loop3A_518, %parallel_loop3A_519 : i32
          %parallel_loop3A_521 = arith.index_cast %parallel_loop3A_520 : i32 to index
          %parallel_loop3A_522 = arith.constant 0 : index
          %parallel_loop3A_523 = tpu.vector_load %arg9[%parallel_loop3A_521, %parallel_loop3A_522] {strides = array<i32>} : memref<400x64xf32, #tpu.memory_space<vmem>>, vector<16xf32>,
          tpu.vector_store %arg9[%parallel_loop3A_521, %parallel_loop3A_522], %parallel_loop3A_516 {strides = array<i32>} : memref<400x64xf32, #tpu.memory_space<vmem>>, vector<16xf32>,
          %parallel_loop3A_524 = arith.addi %parallel_loop3A_514, %add3A_7 : vector<16xi32>
          %parallel_loop3A_525 = tpu.vector_load_idx %arg5[%parallel_loop3A_524] : memref<704xf32, #tpu.memory_space<vmem>>[vector<16xi32>], vector<16xf32>,
          %parallel_loop3A_526 = arith.constant 16 : i32
          %parallel_loop3A_527 = arith.muli %parallel_loop3A_109, %parallel_loop3A_526 : i32
          %parallel_loop3A_528 = arith.constant 8 : i32
          %parallel_loop3A_529 = arith.addi %parallel_loop3A_527, %parallel_loop3A_528 : i32
          %parallel_loop3A_530 = arith.index_cast %parallel_loop3A_529 : i32 to index
          %parallel_loop3A_531 = arith.constant 16 : index
          %parallel_loop3A_532 = tpu.vector_load %arg9[%parallel_loop3A_530, %parallel_loop3A_531] {strides = array<i32>} : memref<400x64xf32, #tpu.memory_space<vmem>>, vector<16xf32>,
          tpu.vector_store %arg9[%parallel_loop3A_530, %parallel_loop3A_531], %parallel_loop3A_525 {strides = array<i32>} : memref<400x64xf32, #tpu.memory_space<vmem>>, vector<16xf32>,
          %parallel_loop3A_533 = arith.addi %parallel_loop3A_514, %add3A_11 : vector<16xi32>
          %parallel_loop3A_534 = tpu.vector_load_idx %arg5[%parallel_loop3A_533] : memref<704xf32, #tpu.memory_space<vmem>>[vector<16xi32>], vector<16xf32>,
          %parallel_loop3A_535 = arith.constant 16 : i32
          %parallel_loop3A_536 = arith.muli %parallel_loop3A_109, %parallel_loop3A_535 : i32
          %parallel_loop3A_537 = arith.constant 8 : i32
          %parallel_loop3A_538 = arith.addi %parallel_loop3A_536, %parallel_loop3A_537 : i32
          %parallel_loop3A_539 = arith.index_cast %parallel_loop3A_538 : i32 to index
          %parallel_loop3A_540 = arith.constant 32 : index
          %parallel_loop3A_541 = tpu.vector_load %arg9[%parallel_loop3A_539, %parallel_loop3A_540] {strides = array<i32>} : memref<400x64xf32, #tpu.memory_space<vmem>>, vector<16xf32>,
          tpu.vector_store %arg9[%parallel_loop3A_539, %parallel_loop3A_540], %parallel_loop3A_534 {strides = array<i32>} : memref<400x64xf32, #tpu.memory_space<vmem>>, vector<16xf32>,
          %parallel_loop3A_542 = arith.addi %parallel_loop3A_514, %add3A_15 : vector<16xi32>
          %parallel_loop3A_543 = tpu.vector_load_idx %arg5[%parallel_loop3A_542] : memref<704xf32, #tpu.memory_space<vmem>>[vector<16xi32>], vector<16xf32>,
          %parallel_loop3A_544 = arith.constant 16 : i32
          %parallel_loop3A_545 = arith.muli %parallel_loop3A_109, %parallel_loop3A_544 : i32
          %parallel_loop3A_546 = arith.constant 8 : i32
          %parallel_loop3A_547 = arith.addi %parallel_loop3A_545, %parallel_loop3A_546 : i32
          %parallel_loop3A_548 = arith.index_cast %parallel_loop3A_547 : i32 to index
          %parallel_loop3A_549 = arith.constant 48 : index
          %parallel_loop3A_550 = tpu.vector_load %arg9[%parallel_loop3A_548, %parallel_loop3A_549] {strides = array<i32>} : memref<400x64xf32, #tpu.memory_space<vmem>>, vector<16xf32>,
          tpu.vector_store %arg9[%parallel_loop3A_548, %parallel_loop3A_549], %parallel_loop3A_543 {strides = array<i32>} : memref<400x64xf32, #tpu.memory_space<vmem>>, vector<16xf32>,
          %parallel_loop3A_551 = arith.constant 0 : i32
          %parallel_loop3A_552 = vector.broadcast %parallel_loop3A_551 : i32 to vector<16xi32>
          %parallel_loop3A_553 = arith.cmpi slt, %broadcast_in_dim3A_34, %parallel_loop3A_552 : vector<16xi32>
          %parallel_loop3A_554 = arith.constant 16 : i32
          %parallel_loop3A_555 = vector.broadcast %parallel_loop3A_554 : i32 to vector<16xi32>
          %parallel_loop3A_556 = arith.addi %broadcast_in_dim3A_34, %parallel_loop3A_555 : vector<16xi32>
          %parallel_loop3A_557 = arith.select %parallel_loop3A_553, %parallel_loop3A_556, %broadcast_in_dim3A_34 : vector<16xi1>, vector<16xi32>
          %parallel_loop3A_558 = vector.shape_cast %parallel_loop3A_557 : vector<16xi32> to vector<16x1xi32>
          %parallel_loop3A_559 = vector.shape_cast %parallel_loop3A_558 : vector<16x1xi32> to vector<16xi32>
          %parallel_loop3A_560 = tpu.dynamic_gather %parallel_loop3A_136[%parallel_loop3A_559] in [0] : vector<16xi32>, vector<16xi32> -> vector<16xi32>
          %parallel_loop3A_561 = arith.addi %parallel_loop3A_560, %add3A_3 : vector<16xi32>
          %parallel_loop3A_562 = tpu.vector_load_idx %arg5[%parallel_loop3A_561] : memref<704xf32, #tpu.memory_space<vmem>>[vector<16xi32>], vector<16xf32>,
          %parallel_loop3A_563 = arith.constant 16 : i32
          %parallel_loop3A_564 = arith.muli %parallel_loop3A_109, %parallel_loop3A_563 : i32
          %parallel_loop3A_565 = arith.constant 9 : i32
          %parallel_loop3A_566 = arith.addi %parallel_loop3A_564, %parallel_loop3A_565 : i32
          %parallel_loop3A_567 = arith.index_cast %parallel_loop3A_566 : i32 to index
          %parallel_loop3A_568 = arith.constant 0 : index
          %parallel_loop3A_569 = tpu.vector_load %arg9[%parallel_loop3A_567, %parallel_loop3A_568] {strides = array<i32>} : memref<400x64xf32, #tpu.memory_space<vmem>>, vector<16xf32>,
          tpu.vector_store %arg9[%parallel_loop3A_567, %parallel_loop3A_568], %parallel_loop3A_562 {strides = array<i32>} : memref<400x64xf32, #tpu.memory_space<vmem>>, vector<16xf32>,
          %parallel_loop3A_570 = arith.addi %parallel_loop3A_560, %add3A_7 : vector<16xi32>
          %parallel_loop3A_571 = tpu.vector_load_idx %arg5[%parallel_loop3A_570] : memref<704xf32, #tpu.memory_space<vmem>>[vector<16xi32>], vector<16xf32>,
          %parallel_loop3A_572 = arith.constant 16 : i32
          %parallel_loop3A_573 = arith.muli %parallel_loop3A_109, %parallel_loop3A_572 : i32
          %parallel_loop3A_574 = arith.constant 9 : i32
          %parallel_loop3A_575 = arith.addi %parallel_loop3A_573, %parallel_loop3A_574 : i32
          %parallel_loop3A_576 = arith.index_cast %parallel_loop3A_575 : i32 to index
          %parallel_loop3A_577 = arith.constant 16 : index
          %parallel_loop3A_578 = tpu.vector_load %arg9[%parallel_loop3A_576, %parallel_loop3A_577] {strides = array<i32>} : memref<400x64xf32, #tpu.memory_space<vmem>>, vector<16xf32>,
          tpu.vector_store %arg9[%parallel_loop3A_576, %parallel_loop3A_577], %parallel_loop3A_571 {strides = array<i32>} : memref<400x64xf32, #tpu.memory_space<vmem>>, vector<16xf32>,
          %parallel_loop3A_579 = arith.addi %parallel_loop3A_560, %add3A_11 : vector<16xi32>
          %parallel_loop3A_580 = tpu.vector_load_idx %arg5[%parallel_loop3A_579] : memref<704xf32, #tpu.memory_space<vmem>>[vector<16xi32>], vector<16xf32>,
          %parallel_loop3A_581 = arith.constant 16 : i32
          %parallel_loop3A_582 = arith.muli %parallel_loop3A_109, %parallel_loop3A_581 : i32
          %parallel_loop3A_583 = arith.constant 9 : i32
          %parallel_loop3A_584 = arith.addi %parallel_loop3A_582, %parallel_loop3A_583 : i32
          %parallel_loop3A_585 = arith.index_cast %parallel_loop3A_584 : i32 to index
          %parallel_loop3A_586 = arith.constant 32 : index
          %parallel_loop3A_587 = tpu.vector_load %arg9[%parallel_loop3A_585, %parallel_loop3A_586] {strides = array<i32>} : memref<400x64xf32, #tpu.memory_space<vmem>>, vector<16xf32>,
          tpu.vector_store %arg9[%parallel_loop3A_585, %parallel_loop3A_586], %parallel_loop3A_580 {strides = array<i32>} : memref<400x64xf32, #tpu.memory_space<vmem>>, vector<16xf32>,
          %parallel_loop3A_588 = arith.addi %parallel_loop3A_560, %add3A_15 : vector<16xi32>
          %parallel_loop3A_589 = tpu.vector_load_idx %arg5[%parallel_loop3A_588] : memref<704xf32, #tpu.memory_space<vmem>>[vector<16xi32>], vector<16xf32>,
          %parallel_loop3A_590 = arith.constant 16 : i32
          %parallel_loop3A_591 = arith.muli %parallel_loop3A_109, %parallel_loop3A_590 : i32
          %parallel_loop3A_592 = arith.constant 9 : i32
          %parallel_loop3A_593 = arith.addi %parallel_loop3A_591, %parallel_loop3A_592 : i32
          %parallel_loop3A_594 = arith.index_cast %parallel_loop3A_593 : i32 to index
          %parallel_loop3A_595 = arith.constant 48 : index
          %parallel_loop3A_596 = tpu.vector_load %arg9[%parallel_loop3A_594, %parallel_loop3A_595] {strides = array<i32>} : memref<400x64xf32, #tpu.memory_space<vmem>>, vector<16xf32>,
          tpu.vector_store %arg9[%parallel_loop3A_594, %parallel_loop3A_595], %parallel_loop3A_589 {strides = array<i32>} : memref<400x64xf32, #tpu.memory_space<vmem>>, vector<16xf32>,
          %parallel_loop3A_597 = arith.constant 0 : i32
          %parallel_loop3A_598 = vector.broadcast %parallel_loop3A_597 : i32 to vector<16xi32>
          %parallel_loop3A_599 = arith.cmpi slt, %broadcast_in_dim3A_36, %parallel_loop3A_598 : vector<16xi32>
          %parallel_loop3A_600 = arith.constant 16 : i32
          %parallel_loop3A_601 = vector.broadcast %parallel_loop3A_600 : i32 to vector<16xi32>
          %parallel_loop3A_602 = arith.addi %broadcast_in_dim3A_36, %parallel_loop3A_601 : vector<16xi32>
          %parallel_loop3A_603 = arith.select %parallel_loop3A_599, %parallel_loop3A_602, %broadcast_in_dim3A_36 : vector<16xi1>, vector<16xi32>
          %parallel_loop3A_604 = vector.shape_cast %parallel_loop3A_603 : vector<16xi32> to vector<16x1xi32>
          %parallel_loop3A_605 = vector.shape_cast %parallel_loop3A_604 : vector<16x1xi32> to vector<16xi32>
          %parallel_loop3A_606 = tpu.dynamic_gather %parallel_loop3A_136[%parallel_loop3A_605] in [0] : vector<16xi32>, vector<16xi32> -> vector<16xi32>
          %parallel_loop3A_607 = arith.addi %parallel_loop3A_606, %add3A_3 : vector<16xi32>
          %parallel_loop3A_608 = tpu.vector_load_idx %arg5[%parallel_loop3A_607] : memref<704xf32, #tpu.memory_space<vmem>>[vector<16xi32>], vector<16xf32>,
          %parallel_loop3A_609 = arith.constant 16 : i32
          %parallel_loop3A_610 = arith.muli %parallel_loop3A_109, %parallel_loop3A_609 : i32
          %parallel_loop3A_611 = arith.constant 10 : i32
          %parallel_loop3A_612 = arith.addi %parallel_loop3A_610, %parallel_loop3A_611 : i32
          %parallel_loop3A_613 = arith.index_cast %parallel_loop3A_612 : i32 to index
          %parallel_loop3A_614 = arith.constant 0 : index
          %parallel_loop3A_615 = tpu.vector_load %arg9[%parallel_loop3A_613, %parallel_loop3A_614] {strides = array<i32>} : memref<400x64xf32, #tpu.memory_space<vmem>>, vector<16xf32>,
          tpu.vector_store %arg9[%parallel_loop3A_613, %parallel_loop3A_614], %parallel_loop3A_608 {strides = array<i32>} : memref<400x64xf32, #tpu.memory_space<vmem>>, vector<16xf32>,
          %parallel_loop3A_616 = arith.addi %parallel_loop3A_606, %add3A_7 : vector<16xi32>
          %parallel_loop3A_617 = tpu.vector_load_idx %arg5[%parallel_loop3A_616] : memref<704xf32, #tpu.memory_space<vmem>>[vector<16xi32>], vector<16xf32>,
          %parallel_loop3A_618 = arith.constant 16 : i32
          %parallel_loop3A_619 = arith.muli %parallel_loop3A_109, %parallel_loop3A_618 : i32
          %parallel_loop3A_620 = arith.constant 10 : i32
          %parallel_loop3A_621 = arith.addi %parallel_loop3A_619, %parallel_loop3A_620 : i32
          %parallel_loop3A_622 = arith.index_cast %parallel_loop3A_621 : i32 to index
          %parallel_loop3A_623 = arith.constant 16 : index
          %parallel_loop3A_624 = tpu.vector_load %arg9[%parallel_loop3A_622, %parallel_loop3A_623] {strides = array<i32>} : memref<400x64xf32, #tpu.memory_space<vmem>>, vector<16xf32>,
          tpu.vector_store %arg9[%parallel_loop3A_622, %parallel_loop3A_623], %parallel_loop3A_617 {strides = array<i32>} : memref<400x64xf32, #tpu.memory_space<vmem>>, vector<16xf32>,
          %parallel_loop3A_625 = arith.addi %parallel_loop3A_606, %add3A_11 : vector<16xi32>
          %parallel_loop3A_626 = tpu.vector_load_idx %arg5[%parallel_loop3A_625] : memref<704xf32, #tpu.memory_space<vmem>>[vector<16xi32>], vector<16xf32>,
          %parallel_loop3A_627 = arith.constant 16 : i32
          %parallel_loop3A_628 = arith.muli %parallel_loop3A_109, %parallel_loop3A_627 : i32
          %parallel_loop3A_629 = arith.constant 10 : i32
          %parallel_loop3A_630 = arith.addi %parallel_loop3A_628, %parallel_loop3A_629 : i32
          %parallel_loop3A_631 = arith.index_cast %parallel_loop3A_630 : i32 to index
          %parallel_loop3A_632 = arith.constant 32 : index
          %parallel_loop3A_633 = tpu.vector_load %arg9[%parallel_loop3A_631, %parallel_loop3A_632] {strides = array<i32>} : memref<400x64xf32, #tpu.memory_space<vmem>>, vector<16xf32>,
          tpu.vector_store %arg9[%parallel_loop3A_631, %parallel_loop3A_632], %parallel_loop3A_626 {strides = array<i32>} : memref<400x64xf32, #tpu.memory_space<vmem>>, vector<16xf32>,
          %parallel_loop3A_634 = arith.addi %parallel_loop3A_606, %add3A_15 : vector<16xi32>
          %parallel_loop3A_635 = tpu.vector_load_idx %arg5[%parallel_loop3A_634] : memref<704xf32, #tpu.memory_space<vmem>>[vector<16xi32>], vector<16xf32>,
          %parallel_loop3A_636 = arith.constant 16 : i32
          %parallel_loop3A_637 = arith.muli %parallel_loop3A_109, %parallel_loop3A_636 : i32
          %parallel_loop3A_638 = arith.constant 10 : i32
          %parallel_loop3A_639 = arith.addi %parallel_loop3A_637, %parallel_loop3A_638 : i32
          %parallel_loop3A_640 = arith.index_cast %parallel_loop3A_639 : i32 to index
          %parallel_loop3A_641 = arith.constant 48 : index
          %parallel_loop3A_642 = tpu.vector_load %arg9[%parallel_loop3A_640, %parallel_loop3A_641] {strides = array<i32>} : memref<400x64xf32, #tpu.memory_space<vmem>>, vector<16xf32>,
          tpu.vector_store %arg9[%parallel_loop3A_640, %parallel_loop3A_641], %parallel_loop3A_635 {strides = array<i32>} : memref<400x64xf32, #tpu.memory_space<vmem>>, vector<16xf32>,
          %parallel_loop3A_643 = arith.constant 0 : i32
          %parallel_loop3A_644 = vector.broadcast %parallel_loop3A_643 : i32 to vector<16xi32>
          %parallel_loop3A_645 = arith.cmpi slt, %broadcast_in_dim3A_38, %parallel_loop3A_644 : vector<16xi32>
          %parallel_loop3A_646 = arith.constant 16 : i32
          %parallel_loop3A_647 = vector.broadcast %parallel_loop3A_646 : i32 to vector<16xi32>
          %parallel_loop3A_648 = arith.addi %broadcast_in_dim3A_38, %parallel_loop3A_647 : vector<16xi32>
          %parallel_loop3A_649 = arith.select %parallel_loop3A_645, %parallel_loop3A_648, %broadcast_in_dim3A_38 : vector<16xi1>, vector<16xi32>
          %parallel_loop3A_650 = vector.shape_cast %parallel_loop3A_649 : vector<16xi32> to vector<16x1xi32>
          %parallel_loop3A_651 = vector.shape_cast %parallel_loop3A_650 : vector<16x1xi32> to vector<16xi32>
          %parallel_loop3A_652 = tpu.dynamic_gather %parallel_loop3A_136[%parallel_loop3A_651] in [0] : vector<16xi32>, vector<16xi32> -> vector<16xi32>
          %parallel_loop3A_653 = arith.addi %parallel_loop3A_652, %add3A_3 : vector<16xi32>
          %parallel_loop3A_654 = tpu.vector_load_idx %arg5[%parallel_loop3A_653] : memref<704xf32, #tpu.memory_space<vmem>>[vector<16xi32>], vector<16xf32>,
          %parallel_loop3A_655 = arith.constant 16 : i32
          %parallel_loop3A_656 = arith.muli %parallel_loop3A_109, %parallel_loop3A_655 : i32
          %parallel_loop3A_657 = arith.constant 11 : i32
          %parallel_loop3A_658 = arith.addi %parallel_loop3A_656, %parallel_loop3A_657 : i32
          %parallel_loop3A_659 = arith.index_cast %parallel_loop3A_658 : i32 to index
          %parallel_loop3A_660 = arith.constant 0 : index
          %parallel_loop3A_661 = tpu.vector_load %arg9[%parallel_loop3A_659, %parallel_loop3A_660] {strides = array<i32>} : memref<400x64xf32, #tpu.memory_space<vmem>>, vector<16xf32>,
          tpu.vector_store %arg9[%parallel_loop3A_659, %parallel_loop3A_660], %parallel_loop3A_654 {strides = array<i32>} : memref<400x64xf32, #tpu.memory_space<vmem>>, vector<16xf32>,
          %parallel_loop3A_662 = arith.addi %parallel_loop3A_652, %add3A_7 : vector<16xi32>
          %parallel_loop3A_663 = tpu.vector_load_idx %arg5[%parallel_loop3A_662] : memref<704xf32, #tpu.memory_space<vmem>>[vector<16xi32>], vector<16xf32>,
          %parallel_loop3A_664 = arith.constant 16 : i32
          %parallel_loop3A_665 = arith.muli %parallel_loop3A_109, %parallel_loop3A_664 : i32
          %parallel_loop3A_666 = arith.constant 11 : i32
          %parallel_loop3A_667 = arith.addi %parallel_loop3A_665, %parallel_loop3A_666 : i32
          %parallel_loop3A_668 = arith.index_cast %parallel_loop3A_667 : i32 to index
          %parallel_loop3A_669 = arith.constant 16 : index
          %parallel_loop3A_670 = tpu.vector_load %arg9[%parallel_loop3A_668, %parallel_loop3A_669] {strides = array<i32>} : memref<400x64xf32, #tpu.memory_space<vmem>>, vector<16xf32>,
          tpu.vector_store %arg9[%parallel_loop3A_668, %parallel_loop3A_669], %parallel_loop3A_663 {strides = array<i32>} : memref<400x64xf32, #tpu.memory_space<vmem>>, vector<16xf32>,
          %parallel_loop3A_671 = arith.addi %parallel_loop3A_652, %add3A_11 : vector<16xi32>
          %parallel_loop3A_672 = tpu.vector_load_idx %arg5[%parallel_loop3A_671] : memref<704xf32, #tpu.memory_space<vmem>>[vector<16xi32>], vector<16xf32>,
          %parallel_loop3A_673 = arith.constant 16 : i32
          %parallel_loop3A_674 = arith.muli %parallel_loop3A_109, %parallel_loop3A_673 : i32
          %parallel_loop3A_675 = arith.constant 11 : i32
          %parallel_loop3A_676 = arith.addi %parallel_loop3A_674, %parallel_loop3A_675 : i32
          %parallel_loop3A_677 = arith.index_cast %parallel_loop3A_676 : i32 to index
          %parallel_loop3A_678 = arith.constant 32 : index
          %parallel_loop3A_679 = tpu.vector_load %arg9[%parallel_loop3A_677, %parallel_loop3A_678] {strides = array<i32>} : memref<400x64xf32, #tpu.memory_space<vmem>>, vector<16xf32>,
          tpu.vector_store %arg9[%parallel_loop3A_677, %parallel_loop3A_678], %parallel_loop3A_672 {strides = array<i32>} : memref<400x64xf32, #tpu.memory_space<vmem>>, vector<16xf32>,
          %parallel_loop3A_680 = arith.addi %parallel_loop3A_652, %add3A_15 : vector<16xi32>
          %parallel_loop3A_681 = tpu.vector_load_idx %arg5[%parallel_loop3A_680] : memref<704xf32, #tpu.memory_space<vmem>>[vector<16xi32>], vector<16xf32>,
          %parallel_loop3A_682 = arith.constant 16 : i32
          %parallel_loop3A_683 = arith.muli %parallel_loop3A_109, %parallel_loop3A_682 : i32
          %parallel_loop3A_684 = arith.constant 11 : i32
          %parallel_loop3A_685 = arith.addi %parallel_loop3A_683, %parallel_loop3A_684 : i32
          %parallel_loop3A_686 = arith.index_cast %parallel_loop3A_685 : i32 to index
          %parallel_loop3A_687 = arith.constant 48 : index
          %parallel_loop3A_688 = tpu.vector_load %arg9[%parallel_loop3A_686, %parallel_loop3A_687] {strides = array<i32>} : memref<400x64xf32, #tpu.memory_space<vmem>>, vector<16xf32>,
          tpu.vector_store %arg9[%parallel_loop3A_686, %parallel_loop3A_687], %parallel_loop3A_681 {strides = array<i32>} : memref<400x64xf32, #tpu.memory_space<vmem>>, vector<16xf32>,
          %parallel_loop3A_689 = arith.constant 0 : i32
          %parallel_loop3A_690 = vector.broadcast %parallel_loop3A_689 : i32 to vector<16xi32>
          %parallel_loop3A_691 = arith.cmpi slt, %broadcast_in_dim3A_40, %parallel_loop3A_690 : vector<16xi32>
          %parallel_loop3A_692 = arith.constant 16 : i32
          %parallel_loop3A_693 = vector.broadcast %parallel_loop3A_692 : i32 to vector<16xi32>
          %parallel_loop3A_694 = arith.addi %broadcast_in_dim3A_40, %parallel_loop3A_693 : vector<16xi32>
          %parallel_loop3A_695 = arith.select %parallel_loop3A_691, %parallel_loop3A_694, %broadcast_in_dim3A_40 : vector<16xi1>, vector<16xi32>
          %parallel_loop3A_696 = vector.shape_cast %parallel_loop3A_695 : vector<16xi32> to vector<16x1xi32>
          %parallel_loop3A_697 = vector.shape_cast %parallel_loop3A_696 : vector<16x1xi32> to vector<16xi32>
          %parallel_loop3A_698 = tpu.dynamic_gather %parallel_loop3A_136[%parallel_loop3A_697] in [0] : vector<16xi32>, vector<16xi32> -> vector<16xi32>
          %parallel_loop3A_699 = arith.addi %parallel_loop3A_698, %add3A_3 : vector<16xi32>
          %parallel_loop3A_700 = tpu.vector_load_idx %arg5[%parallel_loop3A_699] : memref<704xf32, #tpu.memory_space<vmem>>[vector<16xi32>], vector<16xf32>,
          %parallel_loop3A_701 = arith.constant 16 : i32
          %parallel_loop3A_702 = arith.muli %parallel_loop3A_109, %parallel_loop3A_701 : i32
          %parallel_loop3A_703 = arith.constant 12 : i32
          %parallel_loop3A_704 = arith.addi %parallel_loop3A_702, %parallel_loop3A_703 : i32
          %parallel_loop3A_705 = arith.index_cast %parallel_loop3A_704 : i32 to index
          %parallel_loop3A_706 = arith.constant 0 : index
          %parallel_loop3A_707 = tpu.vector_load %arg9[%parallel_loop3A_705, %parallel_loop3A_706] {strides = array<i32>} : memref<400x64xf32, #tpu.memory_space<vmem>>, vector<16xf32>,
          tpu.vector_store %arg9[%parallel_loop3A_705, %parallel_loop3A_706], %parallel_loop3A_700 {strides = array<i32>} : memref<400x64xf32, #tpu.memory_space<vmem>>, vector<16xf32>,
          %parallel_loop3A_708 = arith.addi %parallel_loop3A_698, %add3A_7 : vector<16xi32>
          %parallel_loop3A_709 = tpu.vector_load_idx %arg5[%parallel_loop3A_708] : memref<704xf32, #tpu.memory_space<vmem>>[vector<16xi32>], vector<16xf32>,
          %parallel_loop3A_710 = arith.constant 16 : i32
          %parallel_loop3A_711 = arith.muli %parallel_loop3A_109, %parallel_loop3A_710 : i32
          %parallel_loop3A_712 = arith.constant 12 : i32
          %parallel_loop3A_713 = arith.addi %parallel_loop3A_711, %parallel_loop3A_712 : i32
          %parallel_loop3A_714 = arith.index_cast %parallel_loop3A_713 : i32 to index
          %parallel_loop3A_715 = arith.constant 16 : index
          %parallel_loop3A_716 = tpu.vector_load %arg9[%parallel_loop3A_714, %parallel_loop3A_715] {strides = array<i32>} : memref<400x64xf32, #tpu.memory_space<vmem>>, vector<16xf32>,
          tpu.vector_store %arg9[%parallel_loop3A_714, %parallel_loop3A_715], %parallel_loop3A_709 {strides = array<i32>} : memref<400x64xf32, #tpu.memory_space<vmem>>, vector<16xf32>,
          %parallel_loop3A_717 = arith.addi %parallel_loop3A_698, %add3A_11 : vector<16xi32>
          %parallel_loop3A_718 = tpu.vector_load_idx %arg5[%parallel_loop3A_717] : memref<704xf32, #tpu.memory_space<vmem>>[vector<16xi32>], vector<16xf32>,
          %parallel_loop3A_719 = arith.constant 16 : i32
          %parallel_loop3A_720 = arith.muli %parallel_loop3A_109, %parallel_loop3A_719 : i32
          %parallel_loop3A_721 = arith.constant 12 : i32
          %parallel_loop3A_722 = arith.addi %parallel_loop3A_720, %parallel_loop3A_721 : i32
          %parallel_loop3A_723 = arith.index_cast %parallel_loop3A_722 : i32 to index
          %parallel_loop3A_724 = arith.constant 32 : index
          %parallel_loop3A_725 = tpu.vector_load %arg9[%parallel_loop3A_723, %parallel_loop3A_724] {strides = array<i32>} : memref<400x64xf32, #tpu.memory_space<vmem>>, vector<16xf32>,
          tpu.vector_store %arg9[%parallel_loop3A_723, %parallel_loop3A_724], %parallel_loop3A_718 {strides = array<i32>} : memref<400x64xf32, #tpu.memory_space<vmem>>, vector<16xf32>,
          %parallel_loop3A_726 = arith.addi %parallel_loop3A_698, %add3A_15 : vector<16xi32>
          %parallel_loop3A_727 = tpu.vector_load_idx %arg5[%parallel_loop3A_726] : memref<704xf32, #tpu.memory_space<vmem>>[vector<16xi32>], vector<16xf32>,
          %parallel_loop3A_728 = arith.constant 16 : i32
          %parallel_loop3A_729 = arith.muli %parallel_loop3A_109, %parallel_loop3A_728 : i32
          %parallel_loop3A_730 = arith.constant 12 : i32
          %parallel_loop3A_731 = arith.addi %parallel_loop3A_729, %parallel_loop3A_730 : i32
          %parallel_loop3A_732 = arith.index_cast %parallel_loop3A_731 : i32 to index
          %parallel_loop3A_733 = arith.constant 48 : index
          %parallel_loop3A_734 = tpu.vector_load %arg9[%parallel_loop3A_732, %parallel_loop3A_733] {strides = array<i32>} : memref<400x64xf32, #tpu.memory_space<vmem>>, vector<16xf32>,
          tpu.vector_store %arg9[%parallel_loop3A_732, %parallel_loop3A_733], %parallel_loop3A_727 {strides = array<i32>} : memref<400x64xf32, #tpu.memory_space<vmem>>, vector<16xf32>,
          %parallel_loop3A_735 = arith.constant 0 : i32
          %parallel_loop3A_736 = vector.broadcast %parallel_loop3A_735 : i32 to vector<16xi32>
          %parallel_loop3A_737 = arith.cmpi slt, %broadcast_in_dim3A_42, %parallel_loop3A_736 : vector<16xi32>
          %parallel_loop3A_738 = arith.constant 16 : i32
          %parallel_loop3A_739 = vector.broadcast %parallel_loop3A_738 : i32 to vector<16xi32>
          %parallel_loop3A_740 = arith.addi %broadcast_in_dim3A_42, %parallel_loop3A_739 : vector<16xi32>
          %parallel_loop3A_741 = arith.select %parallel_loop3A_737, %parallel_loop3A_740, %broadcast_in_dim3A_42 : vector<16xi1>, vector<16xi32>
          %parallel_loop3A_742 = vector.shape_cast %parallel_loop3A_741 : vector<16xi32> to vector<16x1xi32>
          %parallel_loop3A_743 = vector.shape_cast %parallel_loop3A_742 : vector<16x1xi32> to vector<16xi32>
          %parallel_loop3A_744 = tpu.dynamic_gather %parallel_loop3A_136[%parallel_loop3A_743] in [0] : vector<16xi32>, vector<16xi32> -> vector<16xi32>
          %parallel_loop3A_745 = arith.addi %parallel_loop3A_744, %add3A_3 : vector<16xi32>
          %parallel_loop3A_746 = tpu.vector_load_idx %arg5[%parallel_loop3A_745] : memref<704xf32, #tpu.memory_space<vmem>>[vector<16xi32>], vector<16xf32>,
          %parallel_loop3A_747 = arith.constant 16 : i32
          %parallel_loop3A_748 = arith.muli %parallel_loop3A_109, %parallel_loop3A_747 : i32
          %parallel_loop3A_749 = arith.constant 13 : i32
          %parallel_loop3A_750 = arith.addi %parallel_loop3A_748, %parallel_loop3A_749 : i32
          %parallel_loop3A_751 = arith.index_cast %parallel_loop3A_750 : i32 to index
          %parallel_loop3A_752 = arith.constant 0 : index
          %parallel_loop3A_753 = tpu.vector_load %arg9[%parallel_loop3A_751, %parallel_loop3A_752] {strides = array<i32>} : memref<400x64xf32, #tpu.memory_space<vmem>>, vector<16xf32>,
          tpu.vector_store %arg9[%parallel_loop3A_751, %parallel_loop3A_752], %parallel_loop3A_746 {strides = array<i32>} : memref<400x64xf32, #tpu.memory_space<vmem>>, vector<16xf32>,
          %parallel_loop3A_754 = arith.addi %parallel_loop3A_744, %add3A_7 : vector<16xi32>
          %parallel_loop3A_755 = tpu.vector_load_idx %arg5[%parallel_loop3A_754] : memref<704xf32, #tpu.memory_space<vmem>>[vector<16xi32>], vector<16xf32>,
          %parallel_loop3A_756 = arith.constant 16 : i32
          %parallel_loop3A_757 = arith.muli %parallel_loop3A_109, %parallel_loop3A_756 : i32
          %parallel_loop3A_758 = arith.constant 13 : i32
          %parallel_loop3A_759 = arith.addi %parallel_loop3A_757, %parallel_loop3A_758 : i32
          %parallel_loop3A_760 = arith.index_cast %parallel_loop3A_759 : i32 to index
          %parallel_loop3A_761 = arith.constant 16 : index
          %parallel_loop3A_762 = tpu.vector_load %arg9[%parallel_loop3A_760, %parallel_loop3A_761] {strides = array<i32>} : memref<400x64xf32, #tpu.memory_space<vmem>>, vector<16xf32>,
          tpu.vector_store %arg9[%parallel_loop3A_760, %parallel_loop3A_761], %parallel_loop3A_755 {strides = array<i32>} : memref<400x64xf32, #tpu.memory_space<vmem>>, vector<16xf32>,
          %parallel_loop3A_763 = arith.addi %parallel_loop3A_744, %add3A_11 : vector<16xi32>
          %parallel_loop3A_764 = tpu.vector_load_idx %arg5[%parallel_loop3A_763] : memref<704xf32, #tpu.memory_space<vmem>>[vector<16xi32>], vector<16xf32>,
          %parallel_loop3A_765 = arith.constant 16 : i32
          %parallel_loop3A_766 = arith.muli %parallel_loop3A_109, %parallel_loop3A_765 : i32
          %parallel_loop3A_767 = arith.constant 13 : i32
          %parallel_loop3A_768 = arith.addi %parallel_loop3A_766, %parallel_loop3A_767 : i32
          %parallel_loop3A_769 = arith.index_cast %parallel_loop3A_768 : i32 to index
          %parallel_loop3A_770 = arith.constant 32 : index
          %parallel_loop3A_771 = tpu.vector_load %arg9[%parallel_loop3A_769, %parallel_loop3A_770] {strides = array<i32>} : memref<400x64xf32, #tpu.memory_space<vmem>>, vector<16xf32>,
          tpu.vector_store %arg9[%parallel_loop3A_769, %parallel_loop3A_770], %parallel_loop3A_764 {strides = array<i32>} : memref<400x64xf32, #tpu.memory_space<vmem>>, vector<16xf32>,
          %parallel_loop3A_772 = arith.addi %parallel_loop3A_744, %add3A_15 : vector<16xi32>
          %parallel_loop3A_773 = tpu.vector_load_idx %arg5[%parallel_loop3A_772] : memref<704xf32, #tpu.memory_space<vmem>>[vector<16xi32>], vector<16xf32>,
          %parallel_loop3A_774 = arith.constant 16 : i32
          %parallel_loop3A_775 = arith.muli %parallel_loop3A_109, %parallel_loop3A_774 : i32
          %parallel_loop3A_776 = arith.constant 13 : i32
          %parallel_loop3A_777 = arith.addi %parallel_loop3A_775, %parallel_loop3A_776 : i32
          %parallel_loop3A_778 = arith.index_cast %parallel_loop3A_777 : i32 to index
          %parallel_loop3A_779 = arith.constant 48 : index
          %parallel_loop3A_780 = tpu.vector_load %arg9[%parallel_loop3A_778, %parallel_loop3A_779] {strides = array<i32>} : memref<400x64xf32, #tpu.memory_space<vmem>>, vector<16xf32>,
          tpu.vector_store %arg9[%parallel_loop3A_778, %parallel_loop3A_779], %parallel_loop3A_773 {strides = array<i32>} : memref<400x64xf32, #tpu.memory_space<vmem>>, vector<16xf32>,
          %parallel_loop3A_781 = arith.constant 0 : i32
          %parallel_loop3A_782 = vector.broadcast %parallel_loop3A_781 : i32 to vector<16xi32>
          %parallel_loop3A_783 = arith.cmpi slt, %broadcast_in_dim3A_44, %parallel_loop3A_782 : vector<16xi32>
          %parallel_loop3A_784 = arith.constant 16 : i32
          %parallel_loop3A_785 = vector.broadcast %parallel_loop3A_784 : i32 to vector<16xi32>
          %parallel_loop3A_786 = arith.addi %broadcast_in_dim3A_44, %parallel_loop3A_785 : vector<16xi32>
          %parallel_loop3A_787 = arith.select %parallel_loop3A_783, %parallel_loop3A_786, %broadcast_in_dim3A_44 : vector<16xi1>, vector<16xi32>
          %parallel_loop3A_788 = vector.shape_cast %parallel_loop3A_787 : vector<16xi32> to vector<16x1xi32>
          %parallel_loop3A_789 = vector.shape_cast %parallel_loop3A_788 : vector<16x1xi32> to vector<16xi32>
          %parallel_loop3A_790 = tpu.dynamic_gather %parallel_loop3A_136[%parallel_loop3A_789] in [0] : vector<16xi32>, vector<16xi32> -> vector<16xi32>
          %parallel_loop3A_791 = arith.addi %parallel_loop3A_790, %add3A_3 : vector<16xi32>
          %parallel_loop3A_792 = tpu.vector_load_idx %arg5[%parallel_loop3A_791] : memref<704xf32, #tpu.memory_space<vmem>>[vector<16xi32>], vector<16xf32>,
          %parallel_loop3A_793 = arith.constant 16 : i32
          %parallel_loop3A_794 = arith.muli %parallel_loop3A_109, %parallel_loop3A_793 : i32
          %parallel_loop3A_795 = arith.constant 14 : i32
          %parallel_loop3A_796 = arith.addi %parallel_loop3A_794, %parallel_loop3A_795 : i32
          %parallel_loop3A_797 = arith.index_cast %parallel_loop3A_796 : i32 to index
          %parallel_loop3A_798 = arith.constant 0 : index
          %parallel_loop3A_799 = tpu.vector_load %arg9[%parallel_loop3A_797, %parallel_loop3A_798] {strides = array<i32>} : memref<400x64xf32, #tpu.memory_space<vmem>>, vector<16xf32>,
          tpu.vector_store %arg9[%parallel_loop3A_797, %parallel_loop3A_798], %parallel_loop3A_792 {strides = array<i32>} : memref<400x64xf32, #tpu.memory_space<vmem>>, vector<16xf32>,
          %parallel_loop3A_800 = arith.addi %parallel_loop3A_790, %add3A_7 : vector<16xi32>
          %parallel_loop3A_801 = tpu.vector_load_idx %arg5[%parallel_loop3A_800] : memref<704xf32, #tpu.memory_space<vmem>>[vector<16xi32>], vector<16xf32>,
          %parallel_loop3A_802 = arith.constant 16 : i32
          %parallel_loop3A_803 = arith.muli %parallel_loop3A_109, %parallel_loop3A_802 : i32
          %parallel_loop3A_804 = arith.constant 14 : i32
          %parallel_loop3A_805 = arith.addi %parallel_loop3A_803, %parallel_loop3A_804 : i32
          %parallel_loop3A_806 = arith.index_cast %parallel_loop3A_805 : i32 to index
          %parallel_loop3A_807 = arith.constant 16 : index
          %parallel_loop3A_808 = tpu.vector_load %arg9[%parallel_loop3A_806, %parallel_loop3A_807] {strides = array<i32>} : memref<400x64xf32, #tpu.memory_space<vmem>>, vector<16xf32>,
          tpu.vector_store %arg9[%parallel_loop3A_806, %parallel_loop3A_807], %parallel_loop3A_801 {strides = array<i32>} : memref<400x64xf32, #tpu.memory_space<vmem>>, vector<16xf32>,
          %parallel_loop3A_809 = arith.addi %parallel_loop3A_790, %add3A_11 : vector<16xi32>
          %parallel_loop3A_810 = tpu.vector_load_idx %arg5[%parallel_loop3A_809] : memref<704xf32, #tpu.memory_space<vmem>>[vector<16xi32>], vector<16xf32>,
          %parallel_loop3A_811 = arith.constant 16 : i32
          %parallel_loop3A_812 = arith.muli %parallel_loop3A_109, %parallel_loop3A_811 : i32
          %parallel_loop3A_813 = arith.constant 14 : i32
          %parallel_loop3A_814 = arith.addi %parallel_loop3A_812, %parallel_loop3A_813 : i32
          %parallel_loop3A_815 = arith.index_cast %parallel_loop3A_814 : i32 to index
          %parallel_loop3A_816 = arith.constant 32 : index
          %parallel_loop3A_817 = tpu.vector_load %arg9[%parallel_loop3A_815, %parallel_loop3A_816] {strides = array<i32>} : memref<400x64xf32, #tpu.memory_space<vmem>>, vector<16xf32>,
          tpu.vector_store %arg9[%parallel_loop3A_815, %parallel_loop3A_816], %parallel_loop3A_810 {strides = array<i32>} : memref<400x64xf32, #tpu.memory_space<vmem>>, vector<16xf32>,
          %parallel_loop3A_818 = arith.addi %parallel_loop3A_790, %add3A_15 : vector<16xi32>
          %parallel_loop3A_819 = tpu.vector_load_idx %arg5[%parallel_loop3A_818] : memref<704xf32, #tpu.memory_space<vmem>>[vector<16xi32>], vector<16xf32>,
          %parallel_loop3A_820 = arith.constant 16 : i32
          %parallel_loop3A_821 = arith.muli %parallel_loop3A_109, %parallel_loop3A_820 : i32
          %parallel_loop3A_822 = arith.constant 14 : i32
          %parallel_loop3A_823 = arith.addi %parallel_loop3A_821, %parallel_loop3A_822 : i32
          %parallel_loop3A_824 = arith.index_cast %parallel_loop3A_823 : i32 to index
          %parallel_loop3A_825 = arith.constant 48 : index
          %parallel_loop3A_826 = tpu.vector_load %arg9[%parallel_loop3A_824, %parallel_loop3A_825] {strides = array<i32>} : memref<400x64xf32, #tpu.memory_space<vmem>>, vector<16xf32>,
          tpu.vector_store %arg9[%parallel_loop3A_824, %parallel_loop3A_825], %parallel_loop3A_819 {strides = array<i32>} : memref<400x64xf32, #tpu.memory_space<vmem>>, vector<16xf32>,
          %parallel_loop3A_827 = arith.constant 0 : i32
          %parallel_loop3A_828 = vector.broadcast %parallel_loop3A_827 : i32 to vector<16xi32>
          %parallel_loop3A_829 = arith.cmpi slt, %broadcast_in_dim3A_46, %parallel_loop3A_828 : vector<16xi32>
          %parallel_loop3A_830 = arith.constant 16 : i32
          %parallel_loop3A_831 = vector.broadcast %parallel_loop3A_830 : i32 to vector<16xi32>
          %parallel_loop3A_832 = arith.addi %broadcast_in_dim3A_46, %parallel_loop3A_831 : vector<16xi32>
          %parallel_loop3A_833 = arith.select %parallel_loop3A_829, %parallel_loop3A_832, %broadcast_in_dim3A_46 : vector<16xi1>, vector<16xi32>
          %parallel_loop3A_834 = vector.shape_cast %parallel_loop3A_833 : vector<16xi32> to vector<16x1xi32>
          %parallel_loop3A_835 = vector.shape_cast %parallel_loop3A_834 : vector<16x1xi32> to vector<16xi32>
          %parallel_loop3A_836 = tpu.dynamic_gather %parallel_loop3A_136[%parallel_loop3A_835] in [0] : vector<16xi32>, vector<16xi32> -> vector<16xi32>
          %parallel_loop3A_837 = arith.addi %parallel_loop3A_836, %add3A_3 : vector<16xi32>
          %parallel_loop3A_838 = tpu.vector_load_idx %arg5[%parallel_loop3A_837] : memref<704xf32, #tpu.memory_space<vmem>>[vector<16xi32>], vector<16xf32>,
          %parallel_loop3A_839 = arith.constant 16 : i32
          %parallel_loop3A_840 = arith.muli %parallel_loop3A_109, %parallel_loop3A_839 : i32
          %parallel_loop3A_841 = arith.constant 15 : i32
          %parallel_loop3A_842 = arith.addi %parallel_loop3A_840, %parallel_loop3A_841 : i32
          %parallel_loop3A_843 = arith.index_cast %parallel_loop3A_842 : i32 to index
          %parallel_loop3A_844 = arith.constant 0 : index
          %parallel_loop3A_845 = tpu.vector_load %arg9[%parallel_loop3A_843, %parallel_loop3A_844] {strides = array<i32>} : memref<400x64xf32, #tpu.memory_space<vmem>>, vector<16xf32>,
          tpu.vector_store %arg9[%parallel_loop3A_843, %parallel_loop3A_844], %parallel_loop3A_838 {strides = array<i32>} : memref<400x64xf32, #tpu.memory_space<vmem>>, vector<16xf32>,
          %parallel_loop3A_846 = arith.addi %parallel_loop3A_836, %add3A_7 : vector<16xi32>
          %parallel_loop3A_847 = tpu.vector_load_idx %arg5[%parallel_loop3A_846] : memref<704xf32, #tpu.memory_space<vmem>>[vector<16xi32>], vector<16xf32>,
          %parallel_loop3A_848 = arith.constant 16 : i32
          %parallel_loop3A_849 = arith.muli %parallel_loop3A_109, %parallel_loop3A_848 : i32
          %parallel_loop3A_850 = arith.constant 15 : i32
          %parallel_loop3A_851 = arith.addi %parallel_loop3A_849, %parallel_loop3A_850 : i32
          %parallel_loop3A_852 = arith.index_cast %parallel_loop3A_851 : i32 to index
          %parallel_loop3A_853 = arith.constant 16 : index
          %parallel_loop3A_854 = tpu.vector_load %arg9[%parallel_loop3A_852, %parallel_loop3A_853] {strides = array<i32>} : memref<400x64xf32, #tpu.memory_space<vmem>>, vector<16xf32>,
          tpu.vector_store %arg9[%parallel_loop3A_852, %parallel_loop3A_853], %parallel_loop3A_847 {strides = array<i32>} : memref<400x64xf32, #tpu.memory_space<vmem>>, vector<16xf32>,
          %parallel_loop3A_855 = arith.addi %parallel_loop3A_836, %add3A_11 : vector<16xi32>
          %parallel_loop3A_856 = tpu.vector_load_idx %arg5[%parallel_loop3A_855] : memref<704xf32, #tpu.memory_space<vmem>>[vector<16xi32>], vector<16xf32>,
          %parallel_loop3A_857 = arith.constant 16 : i32
          %parallel_loop3A_858 = arith.muli %parallel_loop3A_109, %parallel_loop3A_857 : i32
          %parallel_loop3A_859 = arith.constant 15 : i32
          %parallel_loop3A_860 = arith.addi %parallel_loop3A_858, %parallel_loop3A_859 : i32
          %parallel_loop3A_861 = arith.index_cast %parallel_loop3A_860 : i32 to index
          %parallel_loop3A_862 = arith.constant 32 : index
          %parallel_loop3A_863 = tpu.vector_load %arg9[%parallel_loop3A_861, %parallel_loop3A_862] {strides = array<i32>} : memref<400x64xf32, #tpu.memory_space<vmem>>, vector<16xf32>,
          tpu.vector_store %arg9[%parallel_loop3A_861, %parallel_loop3A_862], %parallel_loop3A_856 {strides = array<i32>} : memref<400x64xf32, #tpu.memory_space<vmem>>, vector<16xf32>,
          %parallel_loop3A_864 = arith.addi %parallel_loop3A_836, %add3A_15 : vector<16xi32>
          %parallel_loop3A_865 = tpu.vector_load_idx %arg5[%parallel_loop3A_864] : memref<704xf32, #tpu.memory_space<vmem>>[vector<16xi32>], vector<16xf32>,
          %parallel_loop3A_866 = arith.constant 16 : i32
          %parallel_loop3A_867 = arith.muli %parallel_loop3A_109, %parallel_loop3A_866 : i32
          %parallel_loop3A_868 = arith.constant 15 : i32
          %parallel_loop3A_869 = arith.addi %parallel_loop3A_867, %parallel_loop3A_868 : i32
          %parallel_loop3A_870 = arith.index_cast %parallel_loop3A_869 : i32 to index
          %parallel_loop3A_871 = arith.constant 48 : index
          %parallel_loop3A_872 = tpu.vector_load %arg9[%parallel_loop3A_870, %parallel_loop3A_871] {strides = array<i32>} : memref<400x64xf32, #tpu.memory_space<vmem>>, vector<16xf32>,
          tpu.vector_store %arg9[%parallel_loop3A_870, %parallel_loop3A_871], %parallel_loop3A_865 {strides = array<i32>} : memref<400x64xf32, #tpu.memory_space<vmem>>, vector<16xf32>,
        } {sc.loop_unroll_factor = 4 : i64, sc.parallel_access}
        %mul3A_103 = arith.constant 400 : i32
        %mul3A_104 = arith.muli %add3A_80, %mul3A_103 : i32
        %dma_start3A_105 = arith.constant 0 : i32
        %dma_start3A_106 = tpu.memref_slice %arg4[%mul3A_104, %dma_start3A_105] : memref<1000000x64xf32, #tpu.memory_space<hbm>> -> memref<400x64xf32, #tpu.memory_space<hbm>>
        %dma_start3A_107 = arith.constant 0 : i32
        %dma_start3A_108 = tpu.memref_slice %arg4[%mul3A_104, %dma_start3A_107] : memref<1000000x64xf32, #tpu.memory_space<hbm>> -> memref<400x64xf32, #tpu.memory_space<hbm>>
        tpu.enqueue_dma source(%arg9 : memref<400x64xf32, #tpu.memory_space<vmem>>) target(%dma_start3A_108 : memref<400x64xf32, #tpu.memory_space<hbm>>) target_semaphore(%arg13 : memref<!tpu.dma_semaphore, #tpu.memory_space<semaphore_mem>>)
      } else {
      }
    }
    %scan3A_54 = arith.constant 40 : i32
    %mul3A_55 = arith.constant 400 : i32
    %mul3A_56 = arith.muli %add3A, %mul3A_55 : i32
    %dma_wait3A = arith.constant 0 : i32
    %dma_wait3A_57 = tpu.memref_slice %arg4[%mul3A_56, %dma_wait3A] : memref<1000000x64xf32, #tpu.memory_space<hbm>> -> memref<400x64xf32, #tpu.memory_space<hbm>>
    %dma_wait3A_58 = arith.constant 0 : i32
    %dma_wait3A_59 = tpu.memref_slice %arg4[%mul3A_56, %dma_wait3A_58] : memref<1000000x64xf32, #tpu.memory_space<hbm>> -> memref<400x64xf32, #tpu.memory_space<hbm>>
    tpu.wait_dma2 semaphore(%arg12 : memref<!tpu.dma_semaphore, #tpu.memory_space<semaphore_mem>>) src(%arg8 : memref<400x64xf32, #tpu.memory_space<vmem>>) dst(%dma_wait3A_59 : memref<400x64xf32, #tpu.memory_space<hbm>>)
    %mul3A_60 = arith.constant 400 : i32
    %mul3A_61 = arith.muli %add3A, %mul3A_60 : i32
    %dma_wait3A_62 = arith.constant 0 : i32
    %dma_wait3A_63 = tpu.memref_slice %arg4[%mul3A_61, %dma_wait3A_62] : memref<1000000x64xf32, #tpu.memory_space<hbm>> -> memref<400x64xf32, #tpu.memory_space<hbm>>
    %dma_wait3A_64 = arith.constant 0 : i32
    %dma_wait3A_65 = tpu.memref_slice %arg4[%mul3A_61, %dma_wait3A_64] : memref<1000000x64xf32, #tpu.memory_space<hbm>> -> memref<400x64xf32, #tpu.memory_space<hbm>>
    tpu.wait_dma2 semaphore(%arg13 : memref<!tpu.dma_semaphore, #tpu.memory_space<semaphore_mem>>) src(%arg9 : memref<400x64xf32, #tpu.memory_space<vmem>>) dst(%dma_wait3A_65 : memref<400x64xf32, #tpu.memory_space<hbm>>)
    return
  }
}

</mosaic_0001>

<sc_bundles>
// kernel: kernel.3.cloned.1.call-start
scs
__scs_entry_jumppad:
0x0: {  	(pc) =	sbr.rel $0x88, $3  }
0x1: {  	(tag) =	ssettag $0x0;
	lr =	simm.s32 $0x1  }
0x2: {  	[smem:$0x3F9F] =	sst lr;
	_ =	strace $0xD0000000  }
0x3: {  	_ = 	snop  }
0x4: {  	_ = 	snop  }
0x5: {  	_ = 	snop  }
0x6: {  	_ = 	snop  }
0x7: {  	_ = 	snop  }
__scs_overlays_trampoline_lowered:
0x8: {  	[smem:$0x3FAE] =	sst s0  }
0x9: {  	[smem:$0x3FAF] =	sst s1  }
0xa: {  	[smem:$0x3FB0] =	sst s2  }
0xb: {  	[smem:$0x3FB1] =	sst s3  }
0xc: {  	[smem:$0x3FB2] =	sst s4  }
0xd: {  	[smem:$0x3FB3] =	sst s5  }
0xe: {  	[smem:$0x3FB4] =	sst s6  }
0xf: {  	[smem:$0x3FB5] =	sst s7  }
0x10: {  	[smem:$0x3FB6] =	sst s8  }
0x11: {  	[smem:$0x3FB7] =	sst s9;
	s0 =	simm.s32 @!p0 $0x0  }
0x12: {  	s1 =	sld [smem:$0x3F9D];
	s0 =	simm.s32 @p0 $0x1  }
0x13: {  	[smem:$0x3FB8] =	sst s0;
	s0 =	simm.s32 @!p1 $0x0  }
0x14: {  	s2 =	sld [smem:$0x3F9C];
	s0 =	simm.s32 @p1 $0x1  }
0x15: {  	[smem:$0x3FB9] =	sst s0;
	s0 =	simm.s32 @!p2 $0x0  }
0x16: {  	s3 =	sld [smem:$0x3FDB];
	s0 =	simm.s32 @p2 $0x1  }
0x17: {  	s4 =	simm.s32 $0x1BF5;
	[smem:$0x3FBB] =	sst s0  }
0x18: {  	s0 =	sld [smem:$0x3F9E];
	_ =	swait.ge [sflag:s4], $0x0  }
0x19: {  	s7 =	sld [smem:$0x3F9F]  }
0x1a: {  	s8 =	sadd.s32 $0xFFFFE003, lr  }
0x1b: {  	s9 =	sadd.s32 $0xFFFFFEF7, lr;
	s5 =	simm.s32 $0xFFFFFFFF;
	p2 =	slt.u32 s8, $0xFFFFF086  }
0x1c: {  	p1 =	slt.u32 s9, $0xF7A;
	s5 =	simm.s32 @!p2 $0x0  }
0x1d: {  	s5 =	simm.s32 @p1 $0x1;
	p0 =	seq.s32 s7, s2  }
0x1e: {  	s7 =	smul.u32 @!p0 $0xF7A, s2;
	p2 =	seq.s32 @!p0 s5, $0x0  }
0x1f: {  	s9 =	smul.u32 $0xF7A, s1;
	s8 =	simm.s32 @!p0 $0x1BF5;
	p2 =	por !p2, p0  }
0x20: {  	[sflag:s8] =	ssyncset.s32 @!p0 $0xFFFFF086;
	s6 =	sadd.s32 @!p0 s3, s7;
	s7 =	simm.s32 @!p0 $0x108  }
0x21: {  	s3 =	sadd.s32 s3, s9;
	s6 =	sadd.s32 @!p0 $0x88, s6;
	s7 =	simm.s32 @p2 $0x1082  }
0x22: {  	[simem:s7], [sflag:s8] =	dma.local @!p0 [hbm:s6], $0xF7A  }
0x23: {  	s9 =	sor.u32 $0xD0000000, s2;
	s6 =	simm.s32 $0x108;
	_ =	swait.ge @!p0 [sflag:s8], $0x0  }
0x24: {  	s3 =	sadd.s32 $0x88, s3;
	s6 =	simm.s32 @!p1 $0x1082;
	[sflag:s4] =	ssyncset.s32 $0xFFFFF086  }
0x25: {  	[simem:s6], [sflag:s4] =	dma.local [hbm:s3], $0xF7A  }
0x26: {  	[smem:$0x3F9F] =	sst s1;
	(tag) =	ssettag s2;
	_ =	strace s9  }
0x27: {  	s1 =	sld [smem:$0x3FAF]  }
0x28: {  	s2 =	sld [smem:$0x3FB0]  }
0x29: {  	s4 =	sld [smem:$0x3FB2]  }
0x2a: {  	p0 =	seq.s32 s5, $0x0;
	s5 =	sld [smem:$0x3FB3]  }
0x2b: {  	s6 =	sld [smem:$0x3FB4]  }
0x2c: {  	s7 =	sld [smem:$0x3FB5]  }
0x2d: {  	s3 =	simm.s32 $0x108;
	s8 =	sld [smem:$0x3FB6]  }
0x2e: {  	s3 =	simm.s32 @!p0 $0x1082;
	s9 =	sld [smem:$0x3FB7]  }
0x2f: {  	lr =	sadd.s32 s0, s3;
	s0 =	sld [smem:$0x3FAE]  }
0x30: {  	s3 =	sld [smem:$0x3FB1]  }
0x31: {  	[smem:$0x3FBA] =	sst s10  }
0x32: {  	s10 =	sld [smem:$0x3FB8];
	_ =	sdelay $0x3  }
0x33: {  	p0 =	seq.s32 s10, $0x1;
	s10 =	sld [smem:$0x3FBA];
	_ =	sdelay $0x3  }
0x34: {  	[smem:$0x3FBA] =	sst s10  }
0x35: {  	s10 =	sld [smem:$0x3FB9];
	_ =	sdelay $0x3  }
0x36: {  	p1 =	seq.s32 s10, $0x1;
	s10 =	sld [smem:$0x3FBA];
	_ =	sdelay $0x3  }
0x37: {  	[smem:$0x3FBA] =	sst s10  }
0x38: {  	s10 =	sld [smem:$0x3FBB]  }
0x39: {  	_ = 	snop;
	(pc) =	sbr.ind lr, $3  }
0x3a: {  	_ = 	snop  }
0x3b: {  	_ = 	snop  }
0x3c: {  	p2 =	seq.s32 s10, $0x1;
	s10 =	sld [smem:$0x3FBA]  }
0x3d: {  	_ =	shalt  }
0x3e: {  	_ =	shalt  }
0x3f: {  	_ =	shalt  }
0x40: {  	_ =	shalt  }
0x41: {  	_ =	shalt  }
0x42: {  	_ =	shalt  }
0x43: {  	_ =	shalt  }
0x44: {  	_ =	shalt  }
0x45: {  	_ =	shalt  }
0x46: {  	_ =	shalt  }
0x47: {  	_ =	shalt  }
0x48: {  	_ =	shalt  }
0x49: {  	_ =	shalt  }
0x4a: {  	_ =	shalt  }
0x4b: {  	_ =	shalt  }
0x4c: {  	_ =	shalt  }
0x4d: {  	_ =	shalt  }
0x4e: {  	_ =	shalt  }
0x4f: {  	_ =	shalt  }
0x50: {  	_ =	shalt  }
0x51: {  	_ =	shalt  }
0x52: {  	_ =	shalt  }
0x53: {  	_ =	shalt  }
0x54: {  	_ =	shalt  }
0x55: {  	_ =	shalt  }
0x56: {  	_ =	shalt  }
0x57: {  	_ =	shalt  }
0x58: {  	_ =	shalt  }
0x59: {  	_ =	shalt  }
0x5a: {  	_ =	shalt  }
0x5b: {  	_ =	shalt  }
0x5c: {  	_ =	shalt  }
0x5d: {  	_ =	shalt  }
0x5e: {  	_ =	shalt  }
0x5f: {  	_ =	shalt  }
0x60: {  	_ =	shalt  }
0x61: {  	_ =	shalt  }
0x62: {  	_ =	shalt  }
0x63: {  	_ =	shalt  }
0x64: {  	_ =	shalt  }
0x65: {  	_ =	shalt  }
0x66: {  	_ =	shalt  }
0x67: {  	_ =	shalt  }
0x68: {  	_ =	shalt  }
0x69: {  	_ =	shalt  }
0x6a: {  	_ =	shalt  }
0x6b: {  	_ =	shalt  }
0x6c: {  	_ =	shalt  }
0x6d: {  	_ =	shalt  }
0x6e: {  	_ =	shalt  }
0x6f: {  	_ =	shalt  }
0x70: {  	_ =	shalt  }
0x71: {  	_ =	shalt  }
0x72: {  	_ =	shalt  }
0x73: {  	_ =	shalt  }
0x74: {  	_ =	shalt  }
0x75: {  	_ =	shalt  }
0x76: {  	_ =	shalt  }
0x77: {  	_ =	shalt  }
0x78: {  	_ =	shalt  }
0x79: {  	_ =	shalt  }
0x7a: {  	_ =	shalt  }
0x7b: {  	_ =	shalt  }
0x7c: {  	_ =	shalt  }
0x7d: {  	_ =	shalt  }
0x7e: {  	_ =	shalt  }
0x7f: {  	_ =	shalt  }
0x80: {  	_ =	shalt  }
0x81: {  	_ =	shalt  }
0x82: {  	_ =	shalt  }
0x83: {  	_ =	shalt  }
0x84: {  	_ =	shalt  }
0x85: {  	_ =	shalt  }
0x86: {  	_ =	shalt  }
0x87: {  	_ =	shalt  }
.Lfunc_end0:
.L_simem_size_0:
called_computation_lowered:
.L_overlay_start_0:
0x88: {  	s2 =	sld [smem:$0x3FD9]  }
0x89: {  	s3 =	sld [smem:$0x3FFE];
	_ =	sdelay $0x1  }
0x8a: {  	s1 =	srdreg.scid  }
0x8b: {  	s0 =	sand.u32 $0x1, s1  }
0x8c: {  	s17 =	sshll.u32 s0, $0xA;
	s2 =	sadd.s32 s3, s2  }
0x8d: {  	s2 =	sadd.s32 s2, s17  }
0x8e: {  	[smem:$0x3FC6] =	sst s2  }
0x8f: {  	_ = 	snop  }
0x90: {  	s2 =	sld [smem:$0x3FC9]  }
0x91: {  	s18 =	sld [smem:$0x3FD0];
	(tm) =	ssettm $0x1  }
0x92: {  	s4 =	sld [smem:$0x3FFB];
	_ =	sdelay $0x3  }
0x93: {  	_ =	strace s4  }
0x94: {  	s4 =	sld [smem:$0x3FFC];
	_ =	sdelay $0x3  }
0x95: {  	_ =	strace s4  }
0x96: {  	s4 =	sld [smem:$0x3FFD];
	_ =	sdelay $0x3  }
0x97: {  	_ =	strace s4  }
0x98: {  	_ =	strace $0x8FFFFFFF  }
0x99: {  	s19 =	sld [smem:$0x3FDB];
	_ =	sdelay $0x1  }
0x9a: {  	s5 =	simm.s32 $_scs_section_size  }
0x9b: {  	s6 =	simm.s32 $_size__tile_overlayer_lowered;
	s7 =	simm.s32 $_tile_overlayer_lowered  }
0x9c: {  	s22 =	simm.s32 $0x1BFF;
	s21 =	sshll.u32 s7, $0x1;
	s4 =	sadd.s32 s5, s19  }
0x9d: {  	s8 =	simm.s32 $0x0;
	s20 =	sshll.u32 s6, $0x1;
	s6 =	sadd.s32 s21, s4  }
0x9e: {  	[timem:s8], [sflag:s22] =	dma.local [hbm:s6], s20  }
0x9f: {  	_ =	swait.ge [sflag:s22], s20  }
0xa0: {  	s5 =	ssub.s32 $0x0, s20;
	[sflag:s22] =	ssyncset.done $0x0  }
0xa1: {  	[sflag:s22] =	ssyncadd.s32 s5;
	_ =	sdelay $0x1  }
0xa2: {  	s23 =	simm.s32 $0x1B8B  }
0xa3: {  	_ =	swait.ge [sflag:s23], $0x1  }
0xa4: {  	[sflag:s23] =	ssyncset.done $0x0  }
0xa5: {  	s25 =	simm.s32 $0x1B8E;
	s24 =	sld [smem:$0x3FFE];
	[sflag:s23] =	ssyncadd.s32 $0xFFFFFFFF  }
0xa6: {  	s26 =	simm.s32 $execute0_lowered;
	[smem:$0x3FD2] =	sst s25  }
0xa7: {  	s6 =	sshll.u32 s26, $0x1;
	_ =	strace $0x80000046;
	[dreg:$0x1] =	wrdreg $0xFFFFFFFF  }
0xa8: {  	s28 =	simm.s32 $_size_execute0_lowered;
	s4 =	sadd.s32 s4, s6;
	[dreg:$0x0] =	wrdreg $0x0  }
0xa9: {  	s6 =	sshll.u32 s28, $0x1;
	[dreg:$0x2] =	wrdreg s4  }
0xaa: {  	[dreg:$0x3] =	wrdreg s6  }
0xab: {  	[dreg:$0x4] =	wrdreg $0xC0  }
0xac: {  	_ =	task [dreg:s8], $0x5FFFF  }
0xad: {  	[dreg:$0x1] =	wrdreg $0xFFFFFFFF  }
0xae: {  	[dreg:$0x0] =	wrdreg $0x60  }
0xaf: {  	[dreg:$0x2] =	wrdreg s2  }
0xb0: {  	[dreg:$0x3] =	wrdreg s18  }
0xb1: {  	[dreg:$0x4] =	wrdreg s24  }
0xb2: {  	[dreg:$0x5] =	wrdreg $0x9  }
0xb3: {  	_ =	task.clear_ibuf [dreg:s8], $0x6FFFF;
	_ =	strace $0x90000046  }
0xb4: {  	s29 =	simm.s32 $0x9;
	_ =	strace $0x80000048  }
0xb5: {  	_ =	swait.ge [sflag:s29], $0x1  }
0xb6: {  	[sflag:s29] =	ssyncadd.s32 $0xFFFFFFFF  }
0xb7: {  	_ =	strace $0x90000048  }
0xb8: {  	_ =	sfence  }
0xb9: {  	s30 =	sld [smem:$0x0];
	_ =	sdelay $0x2  }
0xba: {  	s31 =	sshll.u32 s1, $0xD;
	s1 =	sshrl.u32 s1, $0x2  }
0xbb: {  	s3 =	sand.u32 $0x4000, s31;
	s1 =	sadd.s32 s1, s30  }
0xbc: {  	s0 =	sor.u32 s3, s0;
	s1 =	sshll.u32 s1, $0x11  }
0xbd: {  	s0 =	sor.u32 s1, s0  }
0xbe: {  	s0 =	sadd.s32 $0x8F2B, s0  }
0xbf: {  	[sflag:s0] =	ssyncadd.remote.s32 $0x1  }
0xc0: {  	_ =	sfence.sel $0xFFFF  }
0xc1: {  	[dreg:$0x0] =	wrdreg $0xFFFFFFFF;
	(pc) =	sbr.abs _section_cstart, $3  }
0xc2: {  	[dreg:$0x1] =	wrdreg $0xFFFFFFFF  }
0xc3: {  	_ =	task.clear_ibuf [dreg:s8], $0x2FFFF;
	_ =	strace $0x9FFFFFFF  }
0xc4: {  	(tm) =	ssettm $0x7FFFFFFF  }
0xc5: {  	_ =	shalt  }
tec
execute0_lowered:
.L_overlay_start_1:
0x0: {  	(tag) =	ssettag $0x1  }
0x1: {  	s2 =	rddreg [dreg:$0x0]  }
0x2: {  	s3 =	rddreg [dreg:$0x1]  }
0x3: {  	s6 =	rddreg [dreg:$0x2]  }
0x4: {  	s4 =	srdreg.scid;
	s1 =	stileid.u32  }
0x5: {  	s0 =	rddreg [dreg:$0x3];
	s10 =	simm.s32 $0x300;
	s11 =	simm.s32 $0x1  }
0x6: {  	s12 =	simm.s32 $0x700;
	s13 =	simm.s32 $0x2;
	s14 =	simm.s32 $0xCF00  }
0x7: {  	s15 =	simm.s32 $0x3;
	s16 =	simm.s32 $0x4;
	s17 =	simm.s32 $0x0  }
.Ltmp0:
0x8: {  	s5 =	sand.u32 $0x1, s4;
	s7 =	sshll.u32 s1, $0x1;
	(pc) =	sbr.rel .LBB2_1-.Ltmp0, $4  }
0x9: {  	v48 =	vlaneseq.u32;
	s4 =	simm.s32 $0x0;
	s8 =	ssub.s32 $0x2, s5;
	s5 =	sor.u32 s5, s7  }
0xa: {  	v40 =	vimm.s32 $0xA;
	v41 =	vimm.s32 $0xB;
	v31 =	vimm.s32 $0xC;
	[smem:$0x7FF] =	sst s4;
	s31 =	sshrl.u32 s8, $0x1;
	s9 =	smul.u32 $0x32, s5  }
0xb: {  	v32 =	vimm.s32 $0xD;
	v35 =	vimm.s32 $0xE;
	v60 =	vimm.s32 $0xF;
	s6 =	sadd.s32 $0x400, s6;
	_ =	strace $0x80000047;
	s8 =	ssub.s32 s8, s31  }
0xc: {  	v3 =	vor.u32 $0x10, v48;
	v4 =	vor.u32 $0x20, v48;
	v5 =	vor.u32 $0x30, v48;
	s7 =	sadd.s32 s2, s9;
	s8 =	smax.u32 s8, $0x1;
	s9 =	simm.s32 $0x5  }
.LBB2_10:
0xd: {  	s17 =	sadd.s32 $0x1, s17  }
0xe: {  	_ =	swait.ge [sflag:s15], $0xC800;
	p0 =	sne.s32 s17, s8  }
.Ltmp1:
0xf: {  	[sflag:s15] =	ssyncset.done $0x0;
	(pc) =	sbr.rel @!p0 .LBB2_11-.Ltmp1, $4  }
0x10: {  	[sflag:s15] =	ssyncadd.s32 $0xFFFF3800  }
0x11: {  	_ =	swait.ge [sflag:s16], $0xC800  }
0x12: {  	[sflag:s16] =	ssyncset.done $0x0  }
0x13: {  	[sflag:s16] =	ssyncadd.s32 $0xFFFF3800  }
.LBB2_1:
0x14: {  	[tilespmem:s4], [sflag:$0x5] =	stream.linear.gather [hbm4b:s3+s4], $0x300, $0x38;
	[tilespmem:$0x19700] =	vst v63  }
.Ltmp2:
0x15: {  	_ = 	snop;
	(pc) =	sbr.rel .LBB2_2-.Ltmp2, $4  }
0x16: {  	_ =	swait.ge [sflag:s9], $0x300  }
0x17: {  	[sflag:s9] =	ssyncset.done $0x0  }
0x18: {  	s18 =	simm.s32 $0x0;
	[sflag:s9] =	ssyncadd.s32 $0xFFFFFD00  }
0x19: {  	[tilespmem:s10], [sflag:$0x1] =	stream.linear.gather [hbm4b:s7+s4], $0x190, $0x38;
	[tilespmem:$0x19700] =	vst v63  }
.LBB2_9:
0x1a: {  	s18 =	sadd.s32 $0x1, s18  }
0x1b: {  	p0 =	sne.s32 s18, $0x28  }
.Ltmp3:
0x1c: {  	_ = 	snop;
	(pc) =	sbr.rel @!p0 .LBB2_10-.Ltmp3, $1  }
0x1d: {  	_ =	sdelay $0x3  }
.LBB2_2:
0x1e: {  	s19 =	sshll.u32 s18, $0x6  }
0x1f: {  	s20 =	sor.u32 s5, s19  }
0x20: {  	p0 =	sgt.u32 s20, $0x9C3  }
.Ltmp4:
0x21: {  	_ = 	snop;
	(pc) =	sbr.rel @p0 .LBB2_9-.Ltmp4, $1  }
0x22: {  	_ =	sdelay $0x3  }
0x23: {  	s19 =	sor.u32 $0x20, s20  }
0x24: {  	p1 =	sgt.u32 s19, $0x9C3  }
0x25: {  	s21 =	smul.u32 @!p1 $0x32, s19;
	_ =	sdelay $0x1  }
0x26: {  	s22 =	simm.s32 @!p1 $0x0;
	s23 =	simm.s32 @!p1 $0x500;
	s21 =	sadd.s32 @!p1 s2, s21  }
0x27: {  	[tilespmem:s23], [sflag:$0x2] =	stream.linear.gather @!p1 [hbm4b:s21+s22], $0x190, $0x38;
	[tilespmem:$0x19700] =	vst v63  }
0x28: {  	_ =	swait.ge [sflag:s11], $0x190  }
0x29: {  	p0 =	seq.s32 s18, $0x0;
	[sflag:s11] =	ssyncset.done $0x0  }
0x2a: {  	s21 =	simm.s32 @!p0 $0x3;
	[sflag:s11] =	ssyncadd.s32 $0xFFFFFE70  }
0x2b: {  	_ =	swait.ge @!p0 [sflag:s21], $0xC800  }
0x2c: {  	s29 =	simm.s32 $0x0;
	[sflag:s21] =	ssyncset.done @!p0 $0x0  }
0x2d: {  	s30 =	sand.u32 $0x3FFFFFF0, s29;
	[sflag:s21] =	ssyncadd.s32 @!p0 $0xFFFF3800  }
0x2e: {  	v0 =	vld [tilespmem:s30+$0x300];
	_ =	sdelay $0x4  }
0x2f: {  	v0 =	vadd.s32 $0xFFFFFFFF, v0  }
0x30: {  	vm0 =	vgt.s32 v0, $0x0  }
0x31: {  	v0 =	vnsel vm0, $0x0, v0  }
0x32: {  	v0 =	vcvt.s32.f32 v0;
	_ =	sdelay $0x1  }
0x33: {  	v0 =	vshrl.u32 v0, $0x17  }
0x34: {  	v0 =	vmax.u32 v0, $0x7E  }
0x35: {  	v0 =	vmin.u32 v0, $0x88  }
0x36: {  	v0 =	vshll.u32 v0, $0x6  }
0x37: {  	v33 =	vimm.s32 $0x0;
	v0 =	vadd.s32 $0xFFFFE080, v0  }
0x38: {  	v2 =	vperm.xlane v0, v33;
	_ =	sdelay $0x1  }
0x39: {  	v6 =	vadd.s32 v48, v2;
	_ =	sdelay $0x4  }
0x3a: {  	v6 =	vld.idx.msk [tilespmem:v6+s4+$0x0], $0xffff  }
0x3b: {  	v7 =	vadd.s32 v3, v2;
	_ =	sdelay $0x1  }
0x3c: {  	s31 =	simm.s32 $0x0  }
0x3d: {  	s21 =	sand.u32 $0x3FFFF800, s31  }
0x3e: {  	[tilespmem:s21+$0x700] =	vst v6  }
0x3f: {  	v6 =	vld.idx.msk [tilespmem:v7+s4+$0x0], $0xffff  }
0x40: {  	v7 =	vadd.s32 v4, v2;
	_ =	sdelay $0x3  }
0x41: {  	[tilespmem:s21+$0x710] =	vst v6  }
0x42: {  	v6 =	vld.idx.msk [tilespmem:v7+s4+$0x0], $0xffff  }
0x43: {  	v2 =	vadd.s32 v5, v2;
	_ =	sdelay $0x2  }
0x44: {  	v37 =	vimm.s32 $0x1  }
0x45: {  	v7 =	vperm.xlane v0, v37;
	[tilespmem:s21+$0x720] =	vst v6  }
0x46: {  	v2 =	vld.idx.msk [tilespmem:v2+s4+$0x0], $0xffff  }
0x47: {  	v6 =	vadd.s32 v48, v7;
	_ =	sdelay $0x3  }
0x48: {  	[tilespmem:s21+$0x730] =	vst v2  }
0x49: {  	v2 =	vld.idx.msk [tilespmem:v6+s4+$0x0], $0xffff  }
0x4a: {  	v6 =	vadd.s32 v3, v7;
	_ =	sdelay $0x3  }
0x4b: {  	[tilespmem:s21+$0x780] =	vst v2  }
0x4c: {  	v2 =	vld.idx.msk [tilespmem:v6+s4+$0x0], $0xffff  }
0x4d: {  	v6 =	vadd.s32 v4, v7;
	_ =	sdelay $0x3  }
0x4e: {  	[tilespmem:s21+$0x790] =	vst v2  }
0x4f: {  	v2 =	vld.idx.msk [tilespmem:v6+s4+$0x0], $0xffff;
	_ =	sdelay $0x2  }
0x50: {  	v6 =	vadd.s32 v5, v7;
	_ =	sdelay $0x1  }
0x51: {  	[tilespmem:s21+$0x7A0] =	vst v2;
	v2 =	vld [tilespmem:s29+$0x310]  }
0x52: {  	v39 =	vimm.s32 $0x2;
	v7 =	vld [tilespmem:s29+$0x330]  }
0x53: {  	v9 =	vld [tilespmem:s29+$0x320];
	v8 =	vperm.xlane v0, v39  }
0x54: {  	v6 =	vld.idx.msk [tilespmem:v6+s4+$0x0], $0xffff  }
0x55: {  	v10 =	vadd.s32 v48, v8  }
0x56: {  	v2 =	vadd.s32 $0xFFFFFFFF, v2  }
0x57: {  	v7 =	vadd.s32 $0xFFFFFFFF, v7;
	vm10 =	vgt.s32 v2, $0x0  }
0x58: {  	vm11 =	vgt.s32 v7, $0x0;
	v2 =	vnsel vm10, $0x0, v2  }
0x59: {  	v7 =	vnsel vm11, $0x0, v7;
	[tilespmem:s21+$0x7B0] =	vst v6;
	v6 =	vadd.s32 $0xFFFFFFFF, v9;
	v2 =	vcvt.s32.f32 v2  }
0x5a: {  	v7 =	vcvt.s32.f32 v7;
	v9 =	vld.idx.msk [tilespmem:v10+s4+$0x0], $0xffff;
	vm1 =	vgt.s32 v6, $0x0  }
0x5b: {  	v10 =	vadd.s32 v3, v8;
	v6 =	vnsel vm1, $0x0, v6;
	v2 =	vshrl.u32 v2, $0x17  }
0x5c: {  	v6 =	vcvt.s32.f32 v6;
	v2 =	vmax.u32 v2, $0x7E  }
0x5d: {  	v7 =	vshrl.u32 v7, $0x17;
	v2 =	vmin.u32 v2, $0x88  }
0x5e: {  	v7 =	vmax.u32 v7, $0x7E;
	v11 =	vshrl.u32 v6, $0x17;
	v2 =	vshll.u32 v2, $0x6  }
0x5f: {  	v7 =	vmin.u32 v7, $0x88;
	[tilespmem:s21+$0x800] =	vst v9;
	v6 =	vadd.s32 $0xFFFFE080, v2;
	v2 =	vmax.u32 v11, $0x7E  }
0x60: {  	v7 =	vshll.u32 v7, $0x6;
	v9 =	vld.idx.msk [tilespmem:v10+s4+$0x0], $0xffff;
	v11 =	vadd.s32 v4, v8;
	v2 =	vmin.u32 v2, $0x88  }
0x61: {  	v10 =	vperm.xlane v6, v33;
	v12 =	vshll.u32 v2, $0x6;
	v2 =	vadd.s32 $0xFFFFE080, v7  }
0x62: {  	v7 =	vadd.s32 $0xFFFFE080, v12;
	v12 =	vperm.xlane v2, v33  }
0x63: {  	v13 =	vadd.s32 v48, v10;
	v14 =	vperm.xlane v7, v33  }
0x64: {  	v15 =	vadd.s32 v48, v12  }
0x65: {  	[tilespmem:s21+$0x810] =	vst v9;
	v9 =	vadd.s32 v48, v14  }
0x66: {  	v11 =	vld.idx.msk [tilespmem:v11+s4+$0x0], $0xffff  }
0x67: {  	v8 =	vadd.s32 v5, v8  }
0x68: {  	v13 =	vld.idx.msk [tilespmem:v13+s4+$0x0], $0xffff  }
0x69: {  	v16 =	vadd.s32 v3, v10;
	v15 =	vld.idx.msk [tilespmem:v15+s4+$0x0], $0xffff  }
0x6a: {  	v42 =	vimm.s32 $0x3;
	v17 =	vadd.s32 v3, v12;
	v9 =	vld.idx.msk [tilespmem:v9+s4+$0x0], $0xffff  }
0x6b: {  	s24 =	sor.u32 $0x800, s31;
	v18 =	vperm.xlane v0, v42;
	[tilespmem:s21+$0x820] =	vst v11;
	v11 =	vadd.s32 v3, v14  }
0x6c: {  	s23 =	sand.u32 $0x3FFFF800, s24;
	s24 =	sor.u32 $0x1800, s31;
	v8 =	vld.idx.msk [tilespmem:v8+s4+$0x0], $0xffff  }
0x6d: {  	s22 =	sor.u32 $0x1000, s31;
	s24 =	sand.u32 $0x3FFFF800, s24;
	[tilespmem:s23+$0x700] =	vst v13;
	v13 =	vadd.s32 v48, v18  }
0x6e: {  	s22 =	sand.u32 $0x3FFFF800, s22;
	v16 =	vld.idx.msk [tilespmem:v16+s4+$0x0], $0xffff;
	[tilespmem:s24+$0x700] =	vst v15  }
0x6f: {  	v15 =	vadd.s32 v4, v10;
	v17 =	vld.idx.msk [tilespmem:v17+s4+$0x0], $0xffff;
	[tilespmem:s22+$0x700] =	vst v9  }
0x70: {  	v9 =	vld.idx.msk [tilespmem:v11+s4+$0x0], $0xffff;
	v11 =	vadd.s32 v4, v12  }
0x71: {  	[tilespmem:s21+$0x830] =	vst v8;
	v8 =	vadd.s32 v4, v14  }
0x72: {  	v13 =	vld.idx.msk [tilespmem:v13+s4+$0x0], $0xffff  }
0x73: {  	[tilespmem:s23+$0x710] =	vst v16;
	v16 =	vadd.s32 v3, v18  }
0x74: {  	v15 =	vld.idx.msk [tilespmem:v15+s4+$0x0], $0xffff;
	[tilespmem:s24+$0x710] =	vst v17  }
0x75: {  	v10 =	vadd.s32 v5, v10;
	v11 =	vld.idx.msk [tilespmem:v11+s4+$0x0], $0xffff;
	[tilespmem:s22+$0x710] =	vst v9  }
0x76: {  	v9 =	vadd.s32 v5, v12;
	v8 =	vld.idx.msk [tilespmem:v8+s4+$0x0], $0xffff  }
0x77: {  	v12 =	vadd.s32 v5, v14;
	[tilespmem:s21+$0x880] =	vst v13  }
0x78: {  	v13 =	vld.idx.msk [tilespmem:v16+s4+$0x0], $0xffff  }
0x79: {  	v14 =	vperm.xlane v6, v37;
	[tilespmem:s23+$0x720] =	vst v15;
	v15 =	vadd.s32 v4, v18  }
0x7a: {  	v10 =	vld.idx.msk [tilespmem:v10+s4+$0x0], $0xffff;
	[tilespmem:s24+$0x720] =	vst v11;
	v11 =	vperm.xlane v2, v37  }
0x7b: {  	v17 =	vperm.xlane v7, v37;
	v16 =	vadd.s32 v48, v14;
	v9 =	vld.idx.msk [tilespmem:v9+s4+$0x0], $0xffff;
	[tilespmem:s22+$0x720] =	vst v8  }
0x7c: {  	v8 =	vld.idx.msk [tilespmem:v12+s4+$0x0], $0xffff;
	v12 =	vadd.s32 v48, v11  }
0x7d: {  	[tilespmem:s21+$0x890] =	vst v13;
	v13 =	vadd.s32 v48, v17  }
0x7e: {  	v15 =	vld.idx.msk [tilespmem:v15+s4+$0x0], $0xffff  }
0x7f: {  	[tilespmem:s23+$0x730] =	vst v10;
	v10 =	vadd.s32 v5, v18  }
0x80: {  	v16 =	vld.idx.msk [tilespmem:v16+s4+$0x0], $0xffff;
	[tilespmem:s24+$0x730] =	vst v9  }
0x81: {  	v9 =	vadd.s32 v3, v14;
	v12 =	vld.idx.msk [tilespmem:v12+s4+$0x0], $0xffff;
	[tilespmem:s22+$0x730] =	vst v8  }
0x82: {  	v36 =	vimm.s32 $0x4;
	v8 =	vld.idx.msk [tilespmem:v13+s4+$0x0], $0xffff;
	v13 =	vadd.s32 v3, v11  }
0x83: {  	v18 =	vperm.xlane v0, v36;
	[tilespmem:s21+$0x8A0] =	vst v15;
	v15 =	vadd.s32 v3, v17  }
0x84: {  	v10 =	vld.idx.msk [tilespmem:v10+s4+$0x0], $0xffff  }
0x85: {  	[tilespmem:s21+$0xF80] =	vst v16;
	v16 =	vadd.s32 v48, v18  }
0x86: {  	v9 =	vld.idx.msk [tilespmem:v9+s4+$0x0], $0xffff;
	[tilespmem:s21+$0x1F80] =	vst v12  }
0x87: {  	v12 =	vadd.s32 v4, v14;
	v13 =	vld.idx.msk [tilespmem:v13+s4+$0x0], $0xffff;
	[tilespmem:s21+$0x1780] =	vst v8  }
0x88: {  	v8 =	vld.idx.msk [tilespmem:v15+s4+$0x0], $0xffff;
	v15 =	vadd.s32 v4, v11  }
0x89: {  	[tilespmem:s21+$0x8B0] =	vst v10;
	v10 =	vadd.s32 v4, v17  }
0x8a: {  	v16 =	vld.idx.msk [tilespmem:v16+s4+$0x0], $0xffff  }
0x8b: {  	[tilespmem:s21+$0xF90] =	vst v9;
	v9 =	vadd.s32 v3, v18  }
0x8c: {  	v12 =	vld.idx.msk [tilespmem:v12+s4+$0x0], $0xffff;
	[tilespmem:s21+$0x1F90] =	vst v13  }
0x8d: {  	v13 =	vadd.s32 v5, v14;
	v14 =	vld.idx.msk [tilespmem:v15+s4+$0x0], $0xffff;
	[tilespmem:s21+$0x1790] =	vst v8  }
0x8e: {  	v8 =	vld.idx.msk [tilespmem:v10+s4+$0x0], $0xffff;
	v10 =	vadd.s32 v5, v11  }
0x8f: {  	[tilespmem:s21+$0x900] =	vst v16;
	v11 =	vadd.s32 v5, v17  }
0x90: {  	v9 =	vld.idx.msk [tilespmem:v9+s4+$0x0], $0xffff  }
0x91: {  	v15 =	vadd.s32 v4, v18;
	[tilespmem:s21+$0xFA0] =	vst v12;
	v12 =	vperm.xlane v6, v39  }
0x92: {  	v16 =	vperm.xlane v2, v39;
	v13 =	vld.idx.msk [tilespmem:v13+s4+$0x0], $0xffff;
	[tilespmem:s21+$0x1FA0] =	vst v14  }
0x93: {  	v14 =	vadd.s32 v48, v12;
	v10 =	vld.idx.msk [tilespmem:v10+s4+$0x0], $0xffff;
	[tilespmem:s21+$0x17A0] =	vst v8;
	v8 =	vperm.xlane v7, v39  }
0x94: {  	v17 =	vadd.s32 v48, v16;
	v11 =	vld.idx.msk [tilespmem:v11+s4+$0x0], $0xffff  }
0x95: {  	[tilespmem:s21+$0x910] =	vst v9;
	v9 =	vadd.s32 v48, v8  }
0x96: {  	v15 =	vld.idx.msk [tilespmem:v15+s4+$0x0], $0xffff  }
0x97: {  	[tilespmem:s21+$0xFB0] =	vst v13;
	v13 =	vadd.s32 v5, v18  }
0x98: {  	v14 =	vld.idx.msk [tilespmem:v14+s4+$0x0], $0xffff;
	[tilespmem:s21+$0x1FB0] =	vst v10  }
0x99: {  	v10 =	vadd.s32 v3, v12;
	v17 =	vld.idx.msk [tilespmem:v17+s4+$0x0], $0xffff;
	[tilespmem:s21+$0x17B0] =	vst v11  }
0x9a: {  	v47 =	vimm.s32 $0x5;
	v11 =	vadd.s32 v3, v16;
	v9 =	vld.idx.msk [tilespmem:v9+s4+$0x0], $0xffff  }
0x9b: {  	v18 =	vperm.xlane v0, v47;
	[tilespmem:s21+$0x920] =	vst v15;
	v15 =	vadd.s32 v3, v8  }
0x9c: {  	v13 =	vld.idx.msk [tilespmem:v13+s4+$0x0], $0xffff  }
0x9d: {  	[tilespmem:s21+$0x1000] =	vst v14;
	v14 =	vadd.s32 v48, v18  }
0x9e: {  	v10 =	vld.idx.msk [tilespmem:v10+s4+$0x0], $0xffff;
	[tilespmem:s21+$0x2000] =	vst v17  }
0x9f: {  	v11 =	vld.idx.msk [tilespmem:v11+s4+$0x0], $0xffff;
	[tilespmem:s21+$0x1800] =	vst v9  }
0xa0: {  	v9 =	vld.idx.msk [tilespmem:v15+s4+$0x0], $0xffff;
	v15 =	vadd.s32 v4, v16  }
0xa1: {  	[tilespmem:s21+$0x930] =	vst v13;
	v13 =	vadd.s32 v4, v8  }
0xa2: {  	v17 =	vadd.s32 v4, v12;
	v14 =	vld.idx.msk [tilespmem:v14+s4+$0x0], $0xffff  }
0xa3: {  	[tilespmem:s21+$0x1010] =	vst v10;
	v10 =	vadd.s32 v3, v18  }
0xa4: {  	[tilespmem:s21+$0x2010] =	vst v11  }
0xa5: {  	v11 =	vadd.s32 v5, v12;
	v12 =	vld.idx.msk [tilespmem:v15+s4+$0x0], $0xffff;
	[tilespmem:s21+$0x1810] =	vst v9  }
0xa6: {  	v9 =	vld.idx.msk [tilespmem:v13+s4+$0x0], $0xffff;
	v13 =	vadd.s32 v5, v16  }
0xa7: {  	v8 =	vadd.s32 v5, v8;
	v17 =	vld.idx.msk [tilespmem:v17+s4+$0x0], $0xffff;
	[tilespmem:s21+$0x980] =	vst v14  }
0xa8: {  	v10 =	vld.idx.msk [tilespmem:v10+s4+$0x0], $0xffff  }
0xa9: {  	v15 =	vadd.s32 v4, v18  }
0xaa: {  	[tilespmem:s21+$0x2020] =	vst v12;
	v12 =	vperm.xlane v2, v42  }
0xab: {  	v13 =	vld.idx.msk [tilespmem:v13+s4+$0x0], $0xffff;
	[tilespmem:s21+$0x1820] =	vst v9;
	v9 =	vperm.xlane v7, v42  }
0xac: {  	[tilespmem:s21+$0x1020] =	vst v17;
	v8 =	vld.idx.msk [tilespmem:v8+s4+$0x0], $0xffff;
	v17 =	vadd.s32 v48, v12  }
0xad: {  	v14 =	vperm.xlane v6, v42;
	v11 =	vld.idx.msk [tilespmem:v11+s4+$0x0], $0xffff;
	[tilespmem:s21+$0x990] =	vst v10;
	v10 =	vadd.s32 v48, v9  }
0xae: {  	v15 =	vld.idx.msk [tilespmem:v15+s4+$0x0], $0xffff  }
0xaf: {  	v16 =	vadd.s32 v48, v14  }
0xb0: {  	[tilespmem:s21+$0x2030] =	vst v13  }
0xb1: {  	v17 =	vld.idx.msk [tilespmem:v17+s4+$0x0], $0xffff;
	[tilespmem:s21+$0x1830] =	vst v8  }
0xb2: {  	[tilespmem:s21+$0x1030] =	vst v11;
	v8 =	vld.idx.msk [tilespmem:v10+s4+$0x0], $0xffff;
	v10 =	vadd.s32 v3, v12  }
0xb3: {  	[tilespmem:s21+$0x9A0] =	vst v15;
	v15 =	vadd.s32 v3, v9  }
0xb4: {  	v16 =	vld.idx.msk [tilespmem:v16+s4+$0x0], $0xffff  }
0xb5: {  	v13 =	vadd.s32 v3, v14  }
0xb6: {  	[tilespmem:s21+$0x2080] =	vst v17  }
0xb7: {  	v10 =	vld.idx.msk [tilespmem:v10+s4+$0x0], $0xffff;
	[tilespmem:s21+$0x1880] =	vst v8  }
0xb8: {  	v8 =	vld.idx.msk [tilespmem:v15+s4+$0x0], $0xffff;
	v15 =	vadd.s32 v4, v12  }
0xb9: {  	[tilespmem:s21+$0x1080] =	vst v16;
	v16 =	vadd.s32 v4, v9  }
0xba: {  	v13 =	vld.idx.msk [tilespmem:v13+s4+$0x0], $0xffff  }
0xbb: {  	v17 =	vadd.s32 v4, v14  }
0xbc: {  	[tilespmem:s21+$0x2090] =	vst v10  }
0xbd: {  	v10 =	vld.idx.msk [tilespmem:v15+s4+$0x0], $0xffff;
	[tilespmem:s21+$0x1890] =	vst v8  }
0xbe: {  	v12 =	vadd.s32 v5, v12;
	v8 =	vld.idx.msk [tilespmem:v16+s4+$0x0], $0xffff  }
0xbf: {  	v9 =	vadd.s32 v5, v9;
	[tilespmem:s21+$0x1090] =	vst v13  }
0xc0: {  	v13 =	vld.idx.msk [tilespmem:v17+s4+$0x0], $0xffff  }
0xc1: {  	v14 =	vadd.s32 v5, v14  }
0xc2: {  	v15 =	vperm.xlane v2, v36;
	[tilespmem:s21+$0x20A0] =	vst v10  }
0xc3: {  	v11 =	vadd.s32 v5, v18;
	v10 =	vld.idx.msk [tilespmem:v12+s4+$0x0], $0xffff;
	[tilespmem:s21+$0x18A0] =	vst v8;
	v8 =	vperm.xlane v7, v36  }
0xc4: {  	v12 =	vadd.s32 v48, v15;
	v9 =	vld.idx.msk [tilespmem:v9+s4+$0x0], $0xffff  }
0xc5: {  	v16 =	vperm.xlane v6, v36;
	[tilespmem:s21+$0x10A0] =	vst v13;
	v13 =	vadd.s32 v48, v8  }
0xc6: {  	v14 =	vld.idx.msk [tilespmem:v14+s4+$0x0], $0xffff  }
0xc7: {  	v17 =	vadd.s32 v48, v16  }
0xc8: {  	v11 =	vld.idx.msk [tilespmem:v11+s4+$0x0], $0xffff;
	[tilespmem:s21+$0x20B0] =	vst v10  }
0xc9: {  	v10 =	vld.idx.msk [tilespmem:v12+s4+$0x0], $0xffff;
	[tilespmem:s21+$0x18B0] =	vst v9  }
0xca: {  	v12 =	vadd.s32 v3, v15;
	v9 =	vld.idx.msk [tilespmem:v13+s4+$0x0], $0xffff  }
0xcb: {  	[tilespmem:s21+$0x10B0] =	vst v14;
	v13 =	vadd.s32 v3, v8  }
0xcc: {  	v52 =	vimm.s32 $0x6;
	v14 =	vld.idx.msk [tilespmem:v17+s4+$0x0], $0xffff  }
0xcd: {  	v18 =	vadd.s32 v3, v16;
	v17 =	vperm.xlane v0, v52  }
0xce: {  	[tilespmem:s21+$0x2100] =	vst v10  }
0xcf: {  	v10 =	vadd.s32 v48, v17;
	v12 =	vld.idx.msk [tilespmem:v12+s4+$0x0], $0xffff;
	[tilespmem:s21+$0x1900] =	vst v9  }
0xd0: {  	v9 =	vld.idx.msk [tilespmem:v13+s4+$0x0], $0xffff;
	v13 =	vadd.s32 v4, v15  }
0xd1: {  	[tilespmem:s21+$0x1100] =	vst v14;
	v14 =	vadd.s32 v4, v8  }
0xd2: {  	v18 =	vld.idx.msk [tilespmem:v18+s4+$0x0], $0xffff  }
0xd3: {  	[tilespmem:s21+$0x9B0] =	vst v11;
	v11 =	vadd.s32 v4, v16  }
0xd4: {  	v10 =	vld.idx.msk [tilespmem:v10+s4+$0x0], $0xffff;
	[tilespmem:s21+$0x2110] =	vst v12  }
0xd5: {  	v12 =	vadd.s32 v3, v17;
	v13 =	vld.idx.msk [tilespmem:v13+s4+$0x0], $0xffff;
	[tilespmem:s21+$0x1910] =	vst v9  }
0xd6: {  	v9 =	vld.idx.msk [tilespmem:v14+s4+$0x0], $0xffff;
	v14 =	vadd.s32 v5, v15  }
0xd7: {  	v8 =	vadd.s32 v5, v8;
	[tilespmem:s21+$0x1110] =	vst v18  }
0xd8: {  	v11 =	vld.idx.msk [tilespmem:v11+s4+$0x0], $0xffff  }
0xd9: {  	[tilespmem:s21+$0xA00] =	vst v10;
	v10 =	vadd.s32 v5, v16  }
0xda: {  	v15 =	vperm.xlane v2, v47;
	v12 =	vld.idx.msk [tilespmem:v12+s4+$0x0], $0xffff;
	[tilespmem:s21+$0x2120] =	vst v13  }
0xdb: {  	v16 =	vadd.s32 v4, v17;
	v13 =	vperm.xlane v7, v47;
	v14 =	vld.idx.msk [tilespmem:v14+s4+$0x0], $0xffff;
	[tilespmem:s21+$0x1920] =	vst v9  }
0xdc: {  	v9 =	vadd.s32 v48, v15;
	v8 =	vld.idx.msk [tilespmem:v8+s4+$0x0], $0xffff  }
0xdd: {  	v18 =	vperm.xlane v6, v47;
	[tilespmem:s21+$0x1120] =	vst v11;
	v11 =	vadd.s32 v48, v13  }
0xde: {  	v10 =	vld.idx.msk [tilespmem:v10+s4+$0x0], $0xffff  }
0xdf: {  	[tilespmem:s21+$0xA10] =	vst v12;
	v12 =	vadd.s32 v48, v18  }
0xe0: {  	v16 =	vld.idx.msk [tilespmem:v16+s4+$0x0], $0xffff;
	[tilespmem:s21+$0x2130] =	vst v14  }
0xe1: {  	v14 =	vadd.s32 v5, v17;
	v9 =	vld.idx.msk [tilespmem:v9+s4+$0x0], $0xffff;
	[tilespmem:s21+$0x1930] =	vst v8  }
0xe2: {  	v8 =	vld.idx.msk [tilespmem:v11+s4+$0x0], $0xffff;
	v11 =	vadd.s32 v3, v15  }
0xe3: {  	[tilespmem:s21+$0x1130] =	vst v10;
	v10 =	vadd.s32 v3, v13  }
0xe4: {  	v34 =	vimm.s32 $0x7;
	v12 =	vld.idx.msk [tilespmem:v12+s4+$0x0], $0xffff  }
0xe5: {  	v17 =	vperm.xlane v0, v34;
	[tilespmem:s21+$0xA20] =	vst v16;
	v16 =	vadd.s32 v3, v18  }
0xe6: {  	v14 =	vld.idx.msk [tilespmem:v14+s4+$0x0], $0xffff;
	[tilespmem:s21+$0x2180] =	vst v9  }
0xe7: {  	v9 =	vadd.s32 v48, v17;
	v11 =	vld.idx.msk [tilespmem:v11+s4+$0x0], $0xffff;
	[tilespmem:s21+$0x1980] =	vst v8  }
0xe8: {  	v8 =	vld.idx.msk [tilespmem:v10+s4+$0x0], $0xffff;
	v10 =	vadd.s32 v4, v15  }
0xe9: {  	[tilespmem:s21+$0x1180] =	vst v12;
	v12 =	vadd.s32 v4, v13  }
0xea: {  	v16 =	vld.idx.msk [tilespmem:v16+s4+$0x0], $0xffff  }
0xeb: {  	[tilespmem:s21+$0xA30] =	vst v14;
	v14 =	vadd.s32 v4, v18  }
0xec: {  	v9 =	vld.idx.msk [tilespmem:v9+s4+$0x0], $0xffff;
	[tilespmem:s21+$0x2190] =	vst v11  }
0xed: {  	s25 =	simm.s32 $0x40;
	v11 =	vadd.s32 v3, v17;
	v10 =	vld.idx.msk [tilespmem:v10+s4+$0x0], $0xffff;
	[tilespmem:s21+$0x1990] =	vst v8  }
0xee: {  	s26 =	sand.u32 $0x3FFFFFF0, s25;
	v8 =	vld.idx.msk [tilespmem:v12+s4+$0x0], $0xffff  }
0xef: {  	[tilespmem:s21+$0x1190] =	vst v16;
	v12 =	vadd.s32 v5, v15;
	v15 =	vld [tilespmem:s26+$0x300]  }
0xf0: {  	v13 =	vadd.s32 v5, v13;
	v14 =	vld.idx.msk [tilespmem:v14+s4+$0x0], $0xffff  }
0xf1: {  	[tilespmem:s21+$0xA80] =	vst v9;
	v9 =	vadd.s32 v5, v18  }
0xf2: {  	v11 =	vld.idx.msk [tilespmem:v11+s4+$0x0], $0xffff  }
0xf3: {  	v16 =	vperm.xlane v2, v52;
	[tilespmem:s21+$0x21A0] =	vst v10;
	v10 =	vadd.s32 v4, v17  }
0xf4: {  	v18 =	vperm.xlane v7, v52;
	v12 =	vld.idx.msk [tilespmem:v12+s4+$0x0], $0xffff;
	[tilespmem:s21+$0x19A0] =	vst v8;
	v8 =	vadd.s32 $0xFFFFFFFF, v15  }
0xf5: {  	v15 =	vperm.xlane v6, v52;
	[tilespmem:s21+$0x11A0] =	vst v14;
	v13 =	vld.idx.msk [tilespmem:v13+s4+$0x0], $0xffff;
	v14 =	vadd.s32 v48, v16;
	vm12 =	vgt.s32 v8, $0x0  }
0xf6: {  	v19 =	vadd.s32 v48, v18;
	v9 =	vld.idx.msk [tilespmem:v9+s4+$0x0], $0xffff;
	v8 =	vnsel vm12, $0x0, v8  }
0xf7: {  	[tilespmem:s21+$0xA90] =	vst v11;
	v11 =	vadd.s32 v48, v15;
	v8 =	vcvt.s32.f32 v8  }
0xf8: {  	v10 =	vld.idx.msk [tilespmem:v10+s4+$0x0], $0xffff  }
0xf9: {  	[tilespmem:s21+$0x21B0] =	vst v12;
	v12 =	vadd.s32 v5, v17;
	v8 =	vshrl.u32 v8, $0x17  }
0xfa: {  	v14 =	vld.idx.msk [tilespmem:v14+s4+$0x0], $0xffff;
	[tilespmem:s21+$0x19B0] =	vst v13;
	v8 =	vmax.u32 v8, $0x7E  }
0xfb: {  	v13 =	vadd.s32 v3, v16;
	[tilespmem:s21+$0x11B0] =	vst v9;
	v9 =	vld.idx.msk [tilespmem:v19+s4+$0x0], $0xffff;
	v8 =	vmin.u32 v8, $0x88  }
0xfc: {  	v46 =	vimm.s32 $0x8;
	v17 =	vadd.s32 v3, v18;
	v11 =	vld.idx.msk [tilespmem:v11+s4+$0x0], $0xffff;
	v8 =	vshll.u32 v8, $0x6  }
0xfd: {  	v19 =	vperm.xlane v0, v46;
	[tilespmem:s21+$0xAA0] =	vst v10;
	v10 =	vadd.s32 v3, v15;
	v8 =	vadd.s32 $0xFFFFE080, v8  }
0xfe: {  	v12 =	vld.idx.msk [tilespmem:v12+s4+$0x0], $0xffff;
	v20 =	vperm.xlane v8, v33  }
0xff: {  	v21 =	vadd.s32 v48, v19;
	[tilespmem:s21+$0x2200] =	vst v14  }
0x100: {  	v13 =	vld.idx.msk [tilespmem:v13+s4+$0x0], $0xffff;
	[tilespmem:s21+$0x1A00] =	vst v9;
	v9 =	vadd.s32 v48, v20  }
0x101: {  	v14 =	vadd.s32 v4, v16;
	[tilespmem:s21+$0x1200] =	vst v11;
	v11 =	vld.idx.msk [tilespmem:v17+s4+$0x0], $0xffff  }
0x102: {  	v17 =	vadd.s32 v4, v18;
	v10 =	vld.idx.msk [tilespmem:v10+s4+$0x0], $0xffff  }
0x103: {  	[tilespmem:s21+$0xAB0] =	vst v12;
	v12 =	vadd.s32 v4, v15  }
0x104: {  	v21 =	vld.idx.msk [tilespmem:v21+s4+$0x0], $0xffff  }
0x105: {  	[tilespmem:s21+$0x2210] =	vst v13;
	v9 =	vld.idx.msk [tilespmem:v9+s4+$0x0], $0xffff;
	v13 =	vadd.s32 v3, v19  }
0x106: {  	[tilespmem:s21+$0x1A10] =	vst v11;
	v11 =	vld.idx.msk [tilespmem:v14+s4+$0x0], $0xffff;
	v14 =	vadd.s32 v3, v20  }
0x107: {  	v16 =	vadd.s32 v5, v16;
	[tilespmem:s21+$0x1210] =	vst v10;
	v10 =	vld.idx.msk [tilespmem:v17+s4+$0x0], $0xffff  }
0x108: {  	s28 =	simm.s32 $0x2000;
	v12 =	vld.idx.msk [tilespmem:v12+s4+$0x0], $0xffff  }
0x109: {  	s22 =	sand.u32 $0x3FFFF800, s28;
	v15 =	vadd.s32 v5, v15;
	[tilespmem:s21+$0xB00] =	vst v21  }
0x10a: {  	v17 =	vadd.s32 v5, v18;
	[tilespmem:s22+$0x700] =	vst v9;
	v9 =	vld.idx.msk [tilespmem:v13+s4+$0x0], $0xffff  }
0x10b: {  	v13 =	vperm.xlane v2, v34;
	v14 =	vld.idx.msk [tilespmem:v14+s4+$0x0], $0xffff;
	[tilespmem:s21+$0x2220] =	vst v11;
	v11 =	vadd.s32 v4, v19  }
0x10c: {  	[tilespmem:s21+$0x1A20] =	vst v10;
	v10 =	vld.idx.msk [tilespmem:v16+s4+$0x0], $0xffff;
	v16 =	vadd.s32 v4, v20  }
0x10d: {  	v21 =	vperm.xlane v6, v34;
	[tilespmem:s21+$0x1220] =	vst v12;
	v12 =	vadd.s32 v48, v13  }
0x10e: {  	v18 =	vperm.xlane v7, v34;
	v15 =	vld.idx.msk [tilespmem:v15+s4+$0x0], $0xffff  }
0x10f: {  	v17 =	vld.idx.msk [tilespmem:v17+s4+$0x0], $0xffff;
	[tilespmem:s21+$0xB10] =	vst v9;
	v9 =	vadd.s32 v48, v21  }
0x110: {  	v22 =	vadd.s32 v48, v18;
	[tilespmem:s22+$0x710] =	vst v14;
	v11 =	vld.idx.msk [tilespmem:v11+s4+$0x0], $0xffff  }
0x111: {  	v14 =	vld.idx.msk [tilespmem:v16+s4+$0x0], $0xffff;
	[tilespmem:s21+$0x2230] =	vst v10;
	v10 =	vadd.s32 v5, v19  }
0x112: {  	v16 =	vadd.s32 v5, v20;
	v12 =	vld.idx.msk [tilespmem:v12+s4+$0x0], $0xffff  }
0x113: {  	[tilespmem:s21+$0x1230] =	vst v15;
	v15 =	vadd.s32 v3, v13  }
0x114: {  	v45 =	vimm.s32 $0x9;
	[tilespmem:s21+$0x1A30] =	vst v17;
	v9 =	vld.idx.msk [tilespmem:v9+s4+$0x0], $0xffff  }
0x115: {  	v20 =	vperm.xlane v0, v45;
	v17 =	vld.idx.msk [tilespmem:v22+s4+$0x0], $0xffff;
	[tilespmem:s21+$0xB20] =	vst v11;
	v11 =	vadd.s32 v3, v21  }
0x116: {  	v19 =	vadd.s32 v3, v18;
	v22 =	vperm.xlane v8, v37;
	[tilespmem:s22+$0x720] =	vst v14;
	v10 =	vld.idx.msk [tilespmem:v10+s4+$0x0], $0xffff  }
0x117: {  	v14 =	vld.idx.msk [tilespmem:v16+s4+$0x0], $0xffff;
	[tilespmem:s21+$0x2280] =	vst v12;
	v12 =	vadd.s32 v48, v20  }
0x118: {  	v16 =	vadd.s32 v48, v22;
	v15 =	vld.idx.msk [tilespmem:v15+s4+$0x0], $0xffff  }
0x119: {  	[tilespmem:s21+$0x1280] =	vst v9;
	v9 =	vadd.s32 v4, v13  }
0x11a: {  	[tilespmem:s21+$0x1A80] =	vst v17;
	v11 =	vld.idx.msk [tilespmem:v11+s4+$0x0], $0xffff  }
0x11b: {  	v17 =	vld.idx.msk [tilespmem:v19+s4+$0x0], $0xffff;
	[tilespmem:s21+$0xB30] =	vst v10;
	v10 =	vadd.s32 v4, v21  }
0x11c: {  	v19 =	vadd.s32 v4, v18;
	[tilespmem:s22+$0x730] =	vst v14;
	v12 =	vld.idx.msk [tilespmem:v12+s4+$0x0], $0xffff  }
0x11d: {  	v14 =	vld.idx.msk [tilespmem:v16+s4+$0x0], $0xffff;
	[tilespmem:s21+$0x2290] =	vst v15;
	v15 =	vadd.s32 v3, v20  }
0x11e: {  	v9 =	vld.idx.msk [tilespmem:v9+s4+$0x0], $0xffff  }
0x11f: {  	[tilespmem:s21+$0x1290] =	vst v11;
	v11 =	vadd.s32 v5, v13  }
0x120: {  	v16 =	vadd.s32 v3, v22;
	[tilespmem:s21+$0x1A90] =	vst v17;
	v10 =	vld.idx.msk [tilespmem:v10+s4+$0x0], $0xffff  }
0x121: {  	v17 =	vld.idx.msk [tilespmem:v19+s4+$0x0], $0xffff;
	[tilespmem:s21+$0xB80] =	vst v12;
	v12 =	vadd.s32 v5, v21  }
0x122: {  	v13 =	vadd.s32 v5, v18;
	[tilespmem:s22+$0x780] =	vst v14;
	v14 =	vld.idx.msk [tilespmem:v15+s4+$0x0], $0xffff  }
0x123: {  	v15 =	vperm.xlane v2, v46;
	[tilespmem:s21+$0x22A0] =	vst v9  }
0x124: {  	v9 =	vadd.s32 v4, v20;
	v11 =	vld.idx.msk [tilespmem:v11+s4+$0x0], $0xffff  }
0x125: {  	v19 =	vperm.xlane v6, v46;
	v16 =	vld.idx.msk [tilespmem:v16+s4+$0x0], $0xffff;
	[tilespmem:s21+$0x12A0] =	vst v10;
	v10 =	vadd.s32 v48, v15  }
0x126: {  	v18 =	vperm.xlane v7, v46;
	[tilespmem:s21+$0x1AA0] =	vst v17;
	v17 =	vadd.s32 v4, v22;
	v12 =	vld.idx.msk [tilespmem:v12+s4+$0x0], $0xffff  }
0x127: {  	v13 =	vld.idx.msk [tilespmem:v13+s4+$0x0], $0xffff;
	[tilespmem:s21+$0xB90] =	vst v14;
	v14 =	vadd.s32 v48, v19  }
0x128: {  	v21 =	vadd.s32 v48, v18  }
0x129: {  	v9 =	vld.idx.msk [tilespmem:v9+s4+$0x0], $0xffff;
	[tilespmem:s21+$0x22B0] =	vst v11  }
0x12a: {  	[tilespmem:s22+$0x790] =	vst v16;
	v10 =	vld.idx.msk [tilespmem:v10+s4+$0x0], $0xffff  }
0x12b: {  	v16 =	vld.idx.msk [tilespmem:v17+s4+$0x0], $0xffff;
	[tilespmem:s21+$0x12B0] =	vst v12;
	v12 =	vadd.s32 v3, v15  }
0x12c: {  	v11 =	vadd.s32 v5, v20;
	[tilespmem:s21+$0x1AB0] =	vst v13;
	v14 =	vld.idx.msk [tilespmem:v14+s4+$0x0], $0xffff  }
0x12d: {  	v13 =	vadd.s32 v5, v22;
	v17 =	vld.idx.msk [tilespmem:v21+s4+$0x0], $0xffff  }
0x12e: {  	v24 =	vld [tilespmem:s25+$0x330];
	v20 =	vadd.s32 v3, v18;
	[tilespmem:s21+$0xBA0] =	vst v9  }
0x12f: {  	v21 =	vld [tilespmem:s25+$0x310];
	v9 =	vadd.s32 v3, v19;
	[tilespmem:s21+$0x2300] =	vst v10  }
0x130: {  	[tilespmem:s22+$0x7A0] =	vst v16;
	v12 =	vld.idx.msk [tilespmem:v12+s4+$0x0], $0xffff  }
0x131: {  	v11 =	vld.idx.msk [tilespmem:v11+s4+$0x0], $0xffff;
	v10 =	vperm.xlane v0, v40;
	[tilespmem:s21+$0x1300] =	vst v14;
	v14 =	vadd.s32 v4, v15  }
0x132: {  	v13 =	vld.idx.msk [tilespmem:v13+s4+$0x0], $0xffff;
	[tilespmem:s21+$0x1B00] =	vst v17  }
0x133: {  	v16 =	vld.idx.msk [tilespmem:v20+s4+$0x0], $0xffff;
	v20 =	vadd.s32 v48, v10  }
0x134: {  	v27 =	vperm.xlane v6, v45;
	v23 =	vadd.s32 v4, v18;
	v22 =	vperm.xlane v8, v39;
	v17 =	vld.idx.msk [tilespmem:v9+s4+$0x0], $0xffff  }
0x135: {  	v25 =	vperm.xlane v2, v45;
	v26 =	vadd.s32 v4, v19;
	[tilespmem:s21+$0x2310] =	vst v12;
	v12 =	vld [tilespmem:s25+$0x320]  }
0x136: {  	v30 =	vadd.s32 v48, v27;
	v18 =	vadd.s32 v5, v18;
	v28 =	vadd.s32 v48, v22;
	v14 =	vld.idx.msk [tilespmem:v14+s4+$0x0], $0xffff  }
0x137: {  	v19 =	vadd.s32 v5, v19;
	v21 =	vadd.s32 $0xFFFFFFFF, v21;
	v15 =	vadd.s32 v5, v15;
	[tilespmem:s21+$0xBB0] =	vst v11  }
0x138: {  	v29 =	vadd.s32 v3, v10;
	vm13 =	vgt.s32 v21, $0x0;
	v9 =	vperm.xlane v7, v45;
	v20 =	vld.idx.msk [tilespmem:v20+s4+$0x0], $0xffff;
	[tilespmem:s21+$0x1B10] =	vst v16  }
0x139: {  	v21 =	vnsel vm13, $0x0, v21;
	v11 =	vadd.s32 v4, v10;
	[tilespmem:s21+$0x1310] =	vst v17;
	v17 =	vld.idx.msk [tilespmem:v23+s4+$0x0], $0xffff;
	v23 =	vadd.s32 $0xFFFFFFFF, v24  }
0x13a: {  	[tilespmem:s22+$0x7B0] =	vst v13;
	v16 =	vadd.s32 v48, v9;
	v13 =	vld.idx.msk [tilespmem:v26+s4+$0x0], $0xffff;
	vm14 =	vgt.s32 v23, $0x0;
	v12 =	vadd.s32 $0xFFFFFFFF, v12  }
0x13b: {  	v56 =	vld.idx.msk [tilespmem:v28+s4+$0x0], $0xffff;
	[tilespmem:s21+$0x2320] =	vst v14;
	v14 =	vcvt.s32.f32 v21;
	vm15 =	vgt.s32 v12, $0x0;
	v21 =	vnsel vm14, $0x0, v23  }
0x13c: {  	v23 =	vadd.s32 v3, v22;
	v15 =	vld.idx.msk [tilespmem:v15+s4+$0x0], $0xffff;
	v12 =	vnsel vm15, $0x0, v12;
	v21 =	vcvt.s32.f32 v21  }
0x13d: {  	[tilespmem:s21+$0xC00] =	vst v20;
	v20 =	vadd.s32 v48, v25;
	v14 =	vshrl.u32 v14, $0x17;
	v12 =	vcvt.s32.f32 v12  }
0x13e: {  	v57 =	vld.idx.msk [tilespmem:v29+s4+$0x0], $0xffff;
	[tilespmem:s21+$0x1B20] =	vst v17;
	v17 =	vadd.s32 v4, v22;
	v14 =	vmax.u32 v14, $0x7E;
	v21 =	vshrl.u32 v21, $0x17  }
0x13f: {  	[tilespmem:s21+$0x1320] =	vst v13;
	v18 =	vld.idx.msk [tilespmem:v18+s4+$0x0], $0xffff;
	v13 =	vmin.u32 v14, $0x88;
	v12 =	vshrl.u32 v12, $0x17;
	v14 =	vmax.u32 v21, $0x7E  }
0x140: {  	[tilespmem:s22+$0x800] =	vst v56;
	v19 =	vld.idx.msk [tilespmem:v19+s4+$0x0], $0xffff;
	v13 =	vshll.u32 v13, $0x6;
	v12 =	vmax.u32 v12, $0x7E;
	v14 =	vmin.u32 v14, $0x88  }
0x141: {  	v21 =	vld.idx.msk [tilespmem:v23+s4+$0x0], $0xffff;
	v13 =	vadd.s32 $0xFFFFE080, v13;
	[tilespmem:s21+$0x2330] =	vst v15;
	v12 =	vmin.u32 v12, $0x88;
	v14 =	vshll.u32 v14, $0x6  }
0x142: {  	v15 =	vperm.xlane v13, v33;
	v20 =	vld.idx.msk [tilespmem:v20+s4+$0x0], $0xffff;
	v12 =	vshll.u32 v12, $0x6;
	v14 =	vadd.s32 $0xFFFFE080, v14  }
0x143: {  	v23 =	vadd.s32 v3, v25;
	[tilespmem:s21+$0xC10] =	vst v57;
	v38 =	vadd.s32 $0xFFFFE080, v12;
	v12 =	vperm.xlane v14, v33  }
0x144: {  	v58 =	vld.idx.msk [tilespmem:v11+s4+$0x0], $0xffff;
	[tilespmem:s21+$0x1B30] =	vst v18;
	v59 =	vadd.s32 v48, v15;
	v18 =	vperm.xlane v38, v33  }
0x145: {  	[tilespmem:s21+$0x1330] =	vst v19;
	v11 =	vld.idx.msk [tilespmem:v16+s4+$0x0], $0xffff;
	v16 =	vadd.s32 v48, v12  }
0x146: {  	v19 =	vld.idx.msk [tilespmem:v30+s4+$0x0], $0xffff;
	[tilespmem:s22+$0x810] =	vst v21;
	v21 =	vadd.s32 v48, v18  }
0x147: {  	v28 =	vadd.s32 v3, v27;
	v17 =	vld.idx.msk [tilespmem:v17+s4+$0x0], $0xffff;
	[tilespmem:s21+$0x2380] =	vst v20  }
0x148: {  	v22 =	vadd.s32 v5, v22;
	v20 =	vld.idx.msk [tilespmem:v23+s4+$0x0], $0xffff  }
0x149: {  	[tilespmem:s21+$0xC20] =	vst v58;
	v23 =	vadd.s32 v4, v25;
	v26 =	vld.idx.msk [tilespmem:v59+s4+$0x0], $0xffff  }
0x14a: {  	v61 =	vadd.s32 v3, v15;
	[tilespmem:s21+$0x1B80] =	vst v11;
	v16 =	vld.idx.msk [tilespmem:v16+s4+$0x0], $0xffff  }
0x14b: {  	[tilespmem:s21+$0x1380] =	vst v19;
	v19 =	vld.idx.msk [tilespmem:v21+s4+$0x0], $0xffff;
	v21 =	vadd.s32 v3, v12  }
0x14c: {  	s29 =	sor.u32 $0x800, s28;
	v29 =	vperm.xlane v8, v42;
	v28 =	vld.idx.msk [tilespmem:v28+s4+$0x0], $0xffff;
	[tilespmem:s22+$0x820] =	vst v17;
	v17 =	vadd.s32 v3, v18  }
0x14d: {  	s24 =	sand.u32 $0x3FFFF800, s29;
	s25 =	sor.u32 $0x1800, s28;
	v22 =	vld.idx.msk [tilespmem:v22+s4+$0x0], $0xffff;
	[tilespmem:s21+$0x2390] =	vst v20;
	v20 =	vadd.s32 v4, v27  }
0x14e: {  	s26 =	sor.u32 $0x1000, s28;
	s30 =	sand.u32 $0x3FFFF800, s25;
	v62 =	vadd.s32 v48, v29;
	[tilespmem:s24+$0x700] =	vst v26;
	v23 =	vld.idx.msk [tilespmem:v23+s4+$0x0], $0xffff  }
0x14f: {  	s31 =	sand.u32 $0x3FFFF800, s26;
	v24 =	vld.idx.msk [tilespmem:v61+s4+$0x0], $0xffff;
	[tilespmem:s30+$0x700] =	vst v16;
	v16 =	vadd.s32 v5, v25  }
0x150: {  	v63 =	vadd.s32 v4, v15;
	v21 =	vld.idx.msk [tilespmem:v21+s4+$0x0], $0xffff;
	[tilespmem:s31+$0x700] =	vst v19  }
0x151: {  	[tilespmem:s21+$0x1390] =	vst v28;
	v19 =	vadd.s32 v4, v12;
	v17 =	vld.idx.msk [tilespmem:v17+s4+$0x0], $0xffff  }
0x152: {  	[tilespmem:s22+$0x830] =	vst v22;
	v22 =	vadd.s32 v4, v18;
	v20 =	vld.idx.msk [tilespmem:v20+s4+$0x0], $0xffff  }
0x153: {  	v28 =	vperm.xlane v2, v40;
	v26 =	vld.idx.msk [tilespmem:v62+s4+$0x0], $0xffff;
	[tilespmem:s21+$0x23A0] =	vst v23;
	v23 =	vadd.s32 v5, v27  }
0x154: {  	v33 =	vadd.s32 v3, v29;
	[tilespmem:s24+$0x710] =	vst v24;
	v16 =	vld.idx.msk [tilespmem:v16+s4+$0x0], $0xffff  }
0x155: {  	v25 =	vld.idx.msk [tilespmem:v63+s4+$0x0], $0xffff;
	[tilespmem:s30+$0x710] =	vst v21;
	v21 =	vadd.s32 v48, v28  }
0x156: {  	v15 =	vadd.s32 v5, v15;
	v19 =	vld.idx.msk [tilespmem:v19+s4+$0x0], $0xffff;
	[tilespmem:s31+$0x710] =	vst v17  }
0x157: {  	v12 =	vadd.s32 v5, v12;
	v17 =	vperm.xlane v6, v40;
	v22 =	vld.idx.msk [tilespmem:v22+s4+$0x0], $0xffff;
	[tilespmem:s21+$0x13A0] =	vst v20  }
0x158: {  	v18 =	vadd.s32 v5, v18;
	[tilespmem:s22+$0x880] =	vst v26;
	v20 =	vld.idx.msk [tilespmem:v23+s4+$0x0], $0xffff  }
0x159: {  	v23 =	vld.idx.msk [tilespmem:v33+s4+$0x0], $0xffff;
	[tilespmem:s21+$0x23B0] =	vst v16;
	v16 =	vadd.s32 v48, v17  }
0x15a: {  	v43 =	vadd.s32 v4, v29;
	v44 =	vperm.xlane v13, v37;
	[tilespmem:s24+$0x720] =	vst v25;
	v21 =	vld.idx.msk [tilespmem:v21+s4+$0x0], $0xffff  }
0x15b: {  	v49 =	vadd.s32 v3, v28;
	v15 =	vld.idx.msk [tilespmem:v15+s4+$0x0], $0xffff;
	[tilespmem:s30+$0x720] =	vst v19;
	v19 =	vperm.xlane v14, v37  }
0x15c: {  	v30 =	vadd.s32 v48, v44;
	v27 =	vperm.xlane v38, v37;
	v12 =	vld.idx.msk [tilespmem:v12+s4+$0x0], $0xffff;
	[tilespmem:s31+$0x720] =	vst v22  }
0x15d: {  	v18 =	vld.idx.msk [tilespmem:v18+s4+$0x0], $0xffff;
	v22 =	vadd.s32 v48, v19;
	[tilespmem:s21+$0x13B0] =	vst v20  }
0x15e: {  	[tilespmem:s22+$0x890] =	vst v23;
	v20 =	vadd.s32 v48, v27;
	v16 =	vld.idx.msk [tilespmem:v16+s4+$0x0], $0xffff  }
0x15f: {  	v23 =	vld.idx.msk [tilespmem:v43+s4+$0x0], $0xffff;
	[tilespmem:s21+$0x2400] =	vst v21;
	v21 =	vadd.s32 v3, v17  }
0x160: {  	v50 =	vadd.s32 v5, v29;
	[tilespmem:s24+$0x730] =	vst v15;
	v15 =	vld.idx.msk [tilespmem:v49+s4+$0x0], $0xffff  }
0x161: {  	v51 =	vld.idx.msk [tilespmem:v30+s4+$0x0], $0xffff;
	[tilespmem:s30+$0x730] =	vst v12;
	v12 =	vadd.s32 v4, v28  }
0x162: {  	v29 =	vadd.s32 v3, v44;
	v22 =	vld.idx.msk [tilespmem:v22+s4+$0x0], $0xffff;
	[tilespmem:s31+$0x730] =	vst v18  }
0x163: {  	v18 =	vld.idx.msk [tilespmem:v20+s4+$0x0], $0xffff;
	v20 =	vadd.s32 v3, v19;
	[tilespmem:s21+$0x1400] =	vst v16  }
0x164: {  	[tilespmem:s22+$0x8A0] =	vst v23;
	v16 =	vadd.s32 v3, v27;
	v23 =	vperm.xlane v8, v36;
	v21 =	vld.idx.msk [tilespmem:v21+s4+$0x0], $0xffff  }
0x165: {  	v24 =	vld.idx.msk [tilespmem:v50+s4+$0x0], $0xffff;
	[tilespmem:s21+$0x2410] =	vst v15;
	v15 =	vadd.s32 v4, v17  }
0x166: {  	v53 =	vadd.s32 v48, v23;
	[tilespmem:s22+$0xF80] =	vst v51;
	v12 =	vld.idx.msk [tilespmem:v12+s4+$0x0], $0xffff  }
0x167: {  	v29 =	vld.idx.msk [tilespmem:v29+s4+$0x0], $0xffff;
	[tilespmem:s22+$0x1F80] =	vst v22;
	v22 =	vadd.s32 v5, v28  }
0x168: {  	v28 =	vadd.s32 v4, v44;
	v20 =	vld.idx.msk [tilespmem:v20+s4+$0x0], $0xffff;
	[tilespmem:s22+$0x1780] =	vst v18  }
0x169: {  	v18 =	vadd.s32 v4, v19;
	v16 =	vld.idx.msk [tilespmem:v16+s4+$0x0], $0xffff;
	[tilespmem:s21+$0x1410] =	vst v21  }
0x16a: {  	[tilespmem:s22+$0x8B0] =	vst v24;
	v21 =	vadd.s32 v4, v27;
	v15 =	vld.idx.msk [tilespmem:v15+s4+$0x0], $0xffff  }
0x16b: {  	v54 =	vperm.xlane v2, v41;
	v26 =	vld.idx.msk [tilespmem:v53+s4+$0x0], $0xffff;
	[tilespmem:s21+$0x2420] =	vst v12;
	v12 =	vadd.s32 v5, v17  }
0x16c: {  	[tilespmem:s22+$0xF90] =	vst v29;
	v17 =	vld.idx.msk [tilespmem:v22+s4+$0x0], $0xffff;
	v22 =	vadd.s32 v3, v23  }
0x16d: {  	v28 =	vld.idx.msk [tilespmem:v28+s4+$0x0], $0xffff;
	[tilespmem:s22+$0x1F90] =	vst v20;
	v20 =	vadd.s32 v48, v54  }
0x16e: {  	v25 =	vadd.s32 v5, v44;
	v18 =	vld.idx.msk [tilespmem:v18+s4+$0x0], $0xffff;
	[tilespmem:s22+$0x1790] =	vst v16  }
0x16f: {  	v19 =	vadd.s32 v5, v19;
	v16 =	vperm.xlane v6, v41;
	v21 =	vld.idx.msk [tilespmem:v21+s4+$0x0], $0xffff;
	[tilespmem:s21+$0x1420] =	vst v15  }
0x170: {  	[tilespmem:s22+$0x900] =	vst v26;
	v15 =	vadd.s32 v5, v27;
	v12 =	vld.idx.msk [tilespmem:v12+s4+$0x0], $0xffff  }
0x171: {  	v22 =	vld.idx.msk [tilespmem:v22+s4+$0x0], $0xffff;
	[tilespmem:s21+$0x2430] =	vst v17;
	v17 =	vadd.s32 v48, v16  }
0x172: {  	v55 =	vadd.s32 v4, v23;
	v27 =	vperm.xlane v13, v39;
	[tilespmem:s22+$0xFA0] =	vst v28;
	v20 =	vld.idx.msk [tilespmem:v20+s4+$0x0], $0xffff  }
0x173: {  	v28 =	vperm.xlane v14, v39;
	v25 =	vld.idx.msk [tilespmem:v25+s4+$0x0], $0xffff;
	[tilespmem:s22+$0x1FA0] =	vst v18;
	v18 =	vadd.s32 v3, v54  }
0x174: {  	v29 =	vadd.s32 v48, v27;
	v19 =	vld.idx.msk [tilespmem:v19+s4+$0x0], $0xffff;
	[tilespmem:s22+$0x17A0] =	vst v21  }
0x175: {  	v21 =	vperm.xlane v38, v39;
	v30 =	vadd.s32 v48, v28;
	v15 =	vld.idx.msk [tilespmem:v15+s4+$0x0], $0xffff;
	[tilespmem:s21+$0x1430] =	vst v12  }
0x176: {  	[tilespmem:s22+$0x910] =	vst v22;
	v12 =	vld.idx.msk [tilespmem:v17+s4+$0x0], $0xffff;
	v17 =	vadd.s32 v3, v9  }
0x177: {  	v22 =	vadd.s32 v48, v21;
	v26 =	vld.idx.msk [tilespmem:v55+s4+$0x0], $0xffff;
	[tilespmem:s21+$0x2480] =	vst v20  }
0x178: {  	v20 =	vadd.s32 v3, v16;
	[tilespmem:s22+$0xFB0] =	vst v25;
	v18 =	vld.idx.msk [tilespmem:v18+s4+$0x0], $0xffff  }
0x179: {  	v23 =	vadd.s32 v5, v23;
	v25 =	vld.idx.msk [tilespmem:v29+s4+$0x0], $0xffff;
	[tilespmem:s22+$0x1FB0] =	vst v19  }
0x17a: {  	v19 =	vadd.s32 v4, v54;
	v11 =	vld.idx.msk [tilespmem:v30+s4+$0x0], $0xffff;
	[tilespmem:s22+$0x17B0] =	vst v15  }
0x17b: {  	v29 =	vadd.s32 v3, v27;
	v15 =	vld.idx.msk [tilespmem:v17+s4+$0x0], $0xffff;
	[tilespmem:s21+$0x1480] =	vst v12  }
0x17c: {  	v17 =	vld.idx.msk [tilespmem:v22+s4+$0x0], $0xffff;
	v22 =	vadd.s32 v3, v28;
	[tilespmem:s22+$0x920] =	vst v26  }
0x17d: {  	v12 =	vld.idx.msk [tilespmem:v20+s4+$0x0], $0xffff;
	v20 =	vadd.s32 v4, v9;
	[tilespmem:s21+$0x2490] =	vst v18  }
0x17e: {  	v56 =	vadd.s32 v3, v21;
	v30 =	vperm.xlane v8, v47;
	v23 =	vld.idx.msk [tilespmem:v23+s4+$0x0], $0xffff;
	[tilespmem:s22+$0x1000] =	vst v25  }
0x17f: {  	v18 =	vadd.s32 v4, v16;
	v19 =	vld.idx.msk [tilespmem:v19+s4+$0x0], $0xffff;
	[tilespmem:s22+$0x2000] =	vst v11  }
0x180: {  	v57 =	vadd.s32 v48, v30;
	v29 =	vld.idx.msk [tilespmem:v29+s4+$0x0], $0xffff;
	[tilespmem:s21+$0x1B90] =	vst v15  }
0x181: {  	v11 =	vld.idx.msk [tilespmem:v22+s4+$0x0], $0xffff;
	v15 =	vadd.s32 v5, v54;
	[tilespmem:s22+$0x1800] =	vst v17  }
0x182: {  	v22 =	vadd.s32 v4, v27;
	v17 =	vld.idx.msk [tilespmem:v20+s4+$0x0], $0xffff;
	[tilespmem:s21+$0x1490] =	vst v12  }
0x183: {  	v58 =	vadd.s32 v4, v28;
	v20 =	vld.idx.msk [tilespmem:v56+s4+$0x0], $0xffff;
	[tilespmem:s22+$0x930] =	vst v23  }
0x184: {  	v9 =	vadd.s32 v5, v9;
	v12 =	vld.idx.msk [tilespmem:v18+s4+$0x0], $0xffff;
	[tilespmem:s21+$0x24A0] =	vst v19  }
0x185: {  	v18 =	vadd.s32 v4, v21;
	v23 =	vld.idx.msk [tilespmem:v57+s4+$0x0], $0xffff;
	[tilespmem:s22+$0x1010] =	vst v29  }
0x186: {  	v16 =	vadd.s32 v5, v16;
	v19 =	vperm.xlane v2, v31;
	v15 =	vld.idx.msk [tilespmem:v15+s4+$0x0], $0xffff;
	[tilespmem:s22+$0x2010] =	vst v11  }
0x187: {  	v59 =	vadd.s32 v3, v30;
	v22 =	vld.idx.msk [tilespmem:v22+s4+$0x0], $0xffff;
	[tilespmem:s21+$0x1BA0] =	vst v17  }
0x188: {  	v11 =	vld.idx.msk [tilespmem:v58+s4+$0x0], $0xffff;
	v17 =	vadd.s32 v48, v19;
	[tilespmem:s22+$0x1810] =	vst v20  }
0x189: {  	v61 =	vperm.xlane v7, v40;
	v62 =	vadd.s32 v5, v27;
	v9 =	vld.idx.msk [tilespmem:v9+s4+$0x0], $0xffff;
	[tilespmem:s21+$0x14A0] =	vst v12  }
0x18a: {  	v20 =	vadd.s32 v5, v28;
	v18 =	vld.idx.msk [tilespmem:v18+s4+$0x0], $0xffff;
	[tilespmem:s22+$0x980] =	vst v23  }
0x18b: {  	v12 =	vperm.xlane v6, v31;
	v16 =	vld.idx.msk [tilespmem:v16+s4+$0x0], $0xffff;
	v23 =	vadd.s32 v48, v61;
	[tilespmem:s21+$0x24B0] =	vst v15  }
0x18c: {  	v21 =	vadd.s32 v5, v21;
	v25 =	vld.idx.msk [tilespmem:v59+s4+$0x0], $0xffff;
	[tilespmem:s22+$0x1020] =	vst v22  }
0x18d: {  	v15 =	vadd.s32 v48, v12;
	v17 =	vld.idx.msk [tilespmem:v17+s4+$0x0], $0xffff;
	[tilespmem:s22+$0x2020] =	vst v11  }
0x18e: {  	v27 =	vperm.xlane v13, v42;
	v22 =	vadd.s32 v4, v30;
	v26 =	vld.idx.msk [tilespmem:v62+s4+$0x0], $0xffff;
	[tilespmem:s21+$0x1BB0] =	vst v9  }
0x18f: {  	v11 =	vld.idx.msk [tilespmem:v20+s4+$0x0], $0xffff;
	v20 =	vperm.xlane v14, v42;
	v9 =	vadd.s32 v3, v19;
	[tilespmem:s22+$0x1820] =	vst v18  }
0x190: {  	v28 =	vadd.s32 v48, v27;
	v18 =	vld.idx.msk [tilespmem:v23+s4+$0x0], $0xffff;
	[tilespmem:s21+$0x14B0] =	vst v16  }
0x191: {  	v23 =	vperm.xlane v38, v42;
	v21 =	vld.idx.msk [tilespmem:v21+s4+$0x0], $0xffff;
	v29 =	vadd.s32 v48, v20;
	[tilespmem:s22+$0x990] =	vst v25  }
0x192: {  	v16 =	vadd.s32 v3, v61;
	v15 =	vld.idx.msk [tilespmem:v15+s4+$0x0], $0xffff;
	[tilespmem:s21+$0x2500] =	vst v17  }
0x193: {  	v63 =	vadd.s32 v48, v23;
	v22 =	vld.idx.msk [tilespmem:v22+s4+$0x0], $0xffff;
	[tilespmem:s22+$0x1030] =	vst v26  }
0x194: {  	v17 =	vadd.s32 v3, v12;
	v9 =	vld.idx.msk [tilespmem:v9+s4+$0x0], $0xffff;
	[tilespmem:s22+$0x2030] =	vst v11  }
0x195: {  	v33 =	vadd.s32 v5, v30;
	v28 =	vld.idx.msk [tilespmem:v28+s4+$0x0], $0xffff;
	[tilespmem:s21+$0x1C00] =	vst v18  }
0x196: {  	v18 =	vadd.s32 v4, v19;
	[tilespmem:s22+$0x1830] =	vst v21;
	v11 =	vld.idx.msk [tilespmem:v29+s4+$0x0], $0xffff  }
0x197: {  	v29 =	vadd.s32 v3, v27;
	v16 =	vld.idx.msk [tilespmem:v16+s4+$0x0], $0xffff;
	[tilespmem:s21+$0x1500] =	vst v15  }
0x198: {  	v37 =	vadd.s32 v3, v20;
	v21 =	vld.idx.msk [tilespmem:v63+s4+$0x0], $0xffff;
	[tilespmem:s22+$0x9A0] =	vst v22  }
0x199: {  	v22 =	vperm.xlane v8, v52;
	v15 =	vld.idx.msk [tilespmem:v17+s4+$0x0], $0xffff;
	v17 =	vadd.s32 v4, v61;
	[tilespmem:s21+$0x2510] =	vst v9  }
0x19a: {  	v30 =	vadd.s32 v3, v23;
	v26 =	vld.idx.msk [tilespmem:v33+s4+$0x0], $0xffff;
	[tilespmem:s22+$0x1080] =	vst v28  }
0x19b: {  	v28 =	vadd.s32 v48, v22;
	v18 =	vld.idx.msk [tilespmem:v18+s4+$0x0], $0xffff;
	[tilespmem:s22+$0x2080] =	vst v11  }
0x19c: {  	v9 =	vadd.s32 v4, v12;
	v29 =	vld.idx.msk [tilespmem:v29+s4+$0x0], $0xffff;
	[tilespmem:s21+$0x1C10] =	vst v16  }
0x19d: {  	v16 =	vadd.s32 v5, v19;
	v11 =	vld.idx.msk [tilespmem:v37+s4+$0x0], $0xffff;
	[tilespmem:s22+$0x1880] =	vst v21  }
0x19e: {  	v17 =	vld.idx.msk [tilespmem:v17+s4+$0x0], $0xffff;
	[tilespmem:s21+$0x1510] =	vst v15  }
0x19f: {  	v21 =	vld.idx.msk [tilespmem:v30+s4+$0x0], $0xffff;
	[tilespmem:s22+$0x9B0] =	vst v26  }
0x1a0: {  	v19 =	vadd.s32 v4, v27;
	v26 =	vld.idx.msk [tilespmem:v28+s4+$0x0], $0xffff;
	v28 =	vperm.xlane v0, v41;
	[tilespmem:s21+$0x2520] =	vst v18  }
0x1a1: {  	v9 =	vld.idx.msk [tilespmem:v9+s4+$0x0], $0xffff;
	[tilespmem:s22+$0x1090] =	vst v29  }
0x1a2: {  	v39 =	vadd.s32 v4, v20;
	v16 =	vld.idx.msk [tilespmem:v16+s4+$0x0], $0xffff;
	[tilespmem:$0x1FED0] =	vst v28  }
0x1a3: {  	v15 =	vadd.s32 v5, v61;
	[tilespmem:s22+$0x2090] =	vst v11;
	v11 =	vperm.xlane v0, v31  }
0x1a4: {  	v42 =	vadd.s32 v4, v23  }
0x1a5: {  	v12 =	vadd.s32 v5, v12;
	v19 =	vld.idx.msk [tilespmem:v19+s4+$0x0], $0xffff;
	[tilespmem:$0x1FEE0] =	vst v11  }
0x1a6: {  	v18 =	vperm.xlane v2, v32;
	v28 =	vadd.s32 v3, v22;
	[tilespmem:s21+$0x1C20] =	vst v17  }
0x1a7: {  	v43 =	vadd.s32 v5, v27;
	v11 =	vld.idx.msk [tilespmem:v39+s4+$0x0], $0xffff;
	[tilespmem:s22+$0x1890] =	vst v21  }
0x1a8: {  	v30 =	vperm.xlane v7, v41;
	v17 =	vadd.s32 v48, v18;
	[tilespmem:s21+$0x1520] =	vst v9;
	v15 =	vld.idx.msk [tilespmem:v15+s4+$0x0], $0xffff  }
0x1a9: {  	v51 =	vperm.xlane v0, v60;
	v20 =	vadd.s32 v5, v20;
	[tilespmem:s22+$0xA00] =	vst v26;
	v21 =	vld.idx.msk [tilespmem:v42+s4+$0x0], $0xffff  }
0x1aa: {  	v44 =	vadd.s32 v48, v30;
	v9 =	vperm.xlane v6, v32;
	[tilespmem:s21+$0x2530] =	vst v16;
	v12 =	vld.idx.msk [tilespmem:v12+s4+$0x0], $0xffff  }
0x1ab: {  	v54 =	vperm.xlane v0, v35;
	v23 =	vadd.s32 v5, v23;
	v26 =	vld.idx.msk [tilespmem:v28+s4+$0x0], $0xffff;
	[tilespmem:s22+$0x10A0] =	vst v19  }
0x1ac: {  	v58 =	vperm.xlane v0, v32;
	v0 =	vadd.s32 v48, v9;
	v25 =	vld.idx.msk [tilespmem:v43+s4+$0x0], $0xffff;
	[tilespmem:s22+$0x20A0] =	vst v11  }
0x1ad: {  	v28 =	vadd.s32 v4, v22;
	v19 =	vld.idx.msk [tilespmem:v17+s4+$0x0], $0xffff;
	[tilespmem:s21+$0x1C30] =	vst v15  }
0x1ae: {  	v27 =	vperm.xlane v13, v36;
	v11 =	vld.idx.msk [tilespmem:v20+s4+$0x0], $0xffff;
	v20 =	vadd.s32 v3, v18;
	[tilespmem:s22+$0x18A0] =	vst v21  }
0x1af: {  	[tilespmem:s21+$0x1530] =	vst v12;
	v21 =	vld.idx.msk [tilespmem:v44+s4+$0x0], $0xffff  }
0x1b0: {  	v56 =	vadd.s32 v48, v27;
	v29 =	vimm.s32 $0xE;
	v31 =	vperm.xlane v14, v36;
	[tilespmem:s22+$0xA10] =	vst v26;
	v23 =	vld.idx.msk [tilespmem:v23+s4+$0x0], $0xffff  }
0x1b1: {  	v15 =	vperm.xlane v6, v29;
	v6 =	vperm.xlane v6, v60;
	v0 =	vld.idx.msk [tilespmem:v0+s4+$0x0], $0xffff;
	[tilespmem:s22+$0x10B0] =	vst v25  }
0x1b2: {  	v33 =	vld.idx.msk [tilespmem:v28+s4+$0x0], $0xffff;
	[tilespmem:s21+$0x2580] =	vst v19  }
0x1b3: {  	v24 =	vperm.xlane v38, v36;
	v57 =	vadd.s32 v48, v31;
	v20 =	vld.idx.msk [tilespmem:v20+s4+$0x0], $0xffff;
	[tilespmem:$0x1FEF0] =	vst v6  }
0x1b4: {  	v12 =	vadd.s32 v3, v30;
	[tilespmem:s22+$0x20B0] =	vst v11;
	v11 =	vperm.xlane v7, v29  }
0x1b5: {  	v59 =	vadd.s32 v48, v24  }
0x1b6: {  	v19 =	vadd.s32 v3, v9;
	v6 =	vadd.s32 v5, v22;
	v22 =	vld.idx.msk [tilespmem:v56+s4+$0x0], $0xffff;
	[tilespmem:$0x1FF00] =	vst v11  }
0x1b7: {  	[tilespmem:s21+$0x1C80] =	vst v21  }
0x1b8: {  	v11 =	vld.idx.msk [tilespmem:v57+s4+$0x0], $0xffff;
	[tilespmem:s22+$0x18B0] =	vst v23  }
0x1b9: {  	v61 =	vperm.xlane v7, v60;
	v42 =	vperm.xlane v8, v46;
	[tilespmem:s21+$0x1580] =	vst v0;
	v12 =	vld.idx.msk [tilespmem:v12+s4+$0x0], $0xffff  }
0x1ba: {  	v50 =	vimm.s32 $0xC;
	v17 =	vperm.xlane v2, v35;
	v28 =	vperm.xlane v2, v60;
	[tilespmem:s22+$0xA20] =	vst v33;
	v2 =	vld.idx.msk [tilespmem:v59+s4+$0x0], $0xffff  }
0x1bb: {  	v49 =	vimm.s32 $0xD;
	v16 =	vperm.xlane v7, v50;
	v21 =	vadd.s32 v4, v18;
	v0 =	vld.idx.msk [tilespmem:v19+s4+$0x0], $0xffff;
	[tilespmem:$0x1FF10] =	vst v42  }
0x1bc: {  	v43 =	vperm.xlane v7, v49;
	v7 =	vadd.s32 v3, v27;
	[tilespmem:s21+$0x2590] =	vst v20;
	v20 =	vperm.xlane v8, v45;
	_ =	sdelay $0x1  }
0x1bd: {  	v6 =	vld.idx.msk [tilespmem:v6+s4+$0x0], $0xffff;
	[tilespmem:$0x1FF20] =	vst v20  }
0x1be: {  	v23 =	vadd.s32 v3, v31;
	[tilespmem:s22+$0x2100] =	vst v11;
	v11 =	vperm.xlane v8, v41  }
0x1bf: {  	[tilespmem:s22+$0x1100] =	vst v22;
	v21 =	vld.idx.msk [tilespmem:v21+s4+$0x0], $0xffff  }
0x1c0: {  	v19 =	vadd.s32 v4, v30;
	v7 =	vld.idx.msk [tilespmem:v7+s4+$0x0], $0xffff;
	[tilespmem:$0x1FF30] =	vst v11  }
0x1c1: {  	[tilespmem:s21+$0x1C90] =	vst v12;
	v12 =	vadd.s32 v5, v18;
	v18 =	vperm.xlane v8, v50  }
0x1c2: {  	v44 =	vadd.s32 v3, v24  }
0x1c3: {  	v20 =	vadd.s32 v4, v9;
	v11 =	vld.idx.msk [tilespmem:v23+s4+$0x0], $0xffff;
	[tilespmem:$0x1FF40] =	vst v18;
	v18 =	vperm.xlane v8, v49  }
0x1c4: {  	[tilespmem:s22+$0x1900] =	vst v2  }
0x1c5: {  	v37 =	vperm.xlane v8, v40;
	v1 =	vperm.xlane v8, v29;
	v2 =	vld.idx.msk [tilespmem:v19+s4+$0x0], $0xffff;
	[tilespmem:$0x1FF50] =	vst v18  }
0x1c6: {  	v36 =	vperm.xlane v8, v34;
	v23 =	vadd.s32 v4, v27;
	v8 =	vperm.xlane v8, v60;
	[tilespmem:s21+$0x1590] =	vst v0  }
0x1c7: {  	v53 =	vadd.s32 v4, v31;
	v19 =	vld.idx.msk [tilespmem:v44+s4+$0x0], $0xffff;
	[tilespmem:s22+$0xA30] =	vst v6  }
0x1c8: {  	v22 =	vadd.s32 v48, v36;
	v0 =	vld.idx.msk [tilespmem:v20+s4+$0x0], $0xffff;
	[tilespmem:$0x1FF60] =	vst v8  }
0x1c9: {  	v6 =	vadd.s32 v5, v30;
	[tilespmem:s21+$0x25A0] =	vst v21  }
0x1ca: {  	v20 =	vadd.s32 v4, v24;
	[tilespmem:s22+$0x1110] =	vst v7;
	v12 =	vld.idx.msk [tilespmem:v12+s4+$0x0], $0xffff  }
0x1cb: {  	v7 =	vadd.s32 v5, v9;
	[tilespmem:s22+$0x2110] =	vst v11;
	v23 =	vld.idx.msk [tilespmem:v23+s4+$0x0], $0xffff  }
0x1cc: {  	v30 =	vadd.s32 v48, v17;
	v26 =	vld.idx.msk [tilespmem:v53+s4+$0x0], $0xffff;
	[tilespmem:s21+$0x1CA0] =	vst v2  }
0x1cd: {  	v27 =	vadd.s32 v5, v27;
	v18 =	vld.idx.msk [tilespmem:v22+s4+$0x0], $0xffff;
	[tilespmem:s22+$0x1910] =	vst v19  }
0x1ce: {  	v19 =	vld.idx.msk [tilespmem:v6+s4+$0x0], $0xffff;
	[tilespmem:s21+$0x15A0] =	vst v0  }
0x1cf: {  	v31 =	vadd.s32 v5, v31;
	v20 =	vld.idx.msk [tilespmem:v20+s4+$0x0], $0xffff;
	[tilespmem:s21+$0x25B0] =	vst v12  }
0x1d0: {  	v0 =	vperm.xlane v14, v46;
	v7 =	vld.idx.msk [tilespmem:v7+s4+$0x0], $0xffff;
	[tilespmem:s22+$0x1120] =	vst v23  }
0x1d1: {  	v55 =	vadd.s32 v48, v16;
	[tilespmem:s22+$0x2120] =	vst v26;
	v23 =	vld.idx.msk [tilespmem:v30+s4+$0x0], $0xffff  }
0x1d2: {  	v24 =	vadd.s32 v5, v24;
	v27 =	vld.idx.msk [tilespmem:v27+s4+$0x0], $0xffff;
	[tilespmem:$0x1FF70] =	vst v0;
	v0 =	vperm.xlane v13, v46  }
0x1d3: {  	[tilespmem:s21+$0x1CB0] =	vst v19  }
0x1d4: {  	v12 =	vadd.s32 v48, v15;
	v30 =	vld.idx.msk [tilespmem:v31+s4+$0x0], $0xffff;
	[tilespmem:$0x1FF80] =	vst v0  }
0x1d5: {  	v0 =	vperm.xlane v14, v45;
	[tilespmem:s22+$0x1920] =	vst v20  }
0x1d6: {  	v56 =	vadd.s32 v3, v17;
	v11 =	vperm.xlane v13, v47;
	v20 =	vld.idx.msk [tilespmem:v55+s4+$0x0], $0xffff;
	[tilespmem:s21+$0x15B0] =	vst v7  }
0x1d7: {  	v22 =	vperm.xlane v14, v47;
	v24 =	vld.idx.msk [tilespmem:v24+s4+$0x0], $0xffff;
	[tilespmem:$0x1FF90] =	vst v0;
	v0 =	vperm.xlane v13, v45  }
0x1d8: {  	v19 =	vadd.s32 v48, v11;
	[tilespmem:s21+$0x2600] =	vst v23  }
0x1d9: {  	v31 =	vadd.s32 v48, v22;
	v63 =	vld.idx.msk [tilespmem:v12+s4+$0x0], $0xffff;
	v12 =	vperm.xlane v14, v40;
	[tilespmem:$0x1FFA0] =	vst v0  }
0x1da: {  	v21 =	vperm.xlane v38, v47;
	[tilespmem:s22+$0x1130] =	vst v27  }
0x1db: {  	v7 =	vadd.s32 v3, v16;
	v26 =	vld.idx.msk [tilespmem:v56+s4+$0x0], $0xffff;
	[tilespmem:$0x1FFB0] =	vst v12  }
0x1dc: {  	v59 =	vadd.s32 v48, v21;
	v12 =	vperm.xlane v13, v40;
	[tilespmem:s22+$0x2130] =	vst v30  }
0x1dd: {  	v23 =	vadd.s32 v3, v15;
	v19 =	vld.idx.msk [tilespmem:v19+s4+$0x0], $0xffff;
	[tilespmem:s21+$0x1D00] =	vst v20  }
0x1de: {  	v62 =	vperm.xlane v14, v41;
	v27 =	vadd.s32 v4, v17;
	v30 =	vld.idx.msk [tilespmem:v31+s4+$0x0], $0xffff;
	[tilespmem:$0x1FFC0] =	vst v12  }
0x1df: {  	v20 =	vadd.s32 v3, v11;
	[tilespmem:s22+$0x1930] =	vst v24  }
0x1e0: {  	v57 =	vperm.xlane v14, v34;
	v39 =	vadd.s32 v3, v22;
	v7 =	vld.idx.msk [tilespmem:v7+s4+$0x0], $0xffff;
	[tilespmem:$0x1FFD0] =	vst v62  }
0x1e1: {  	v44 =	vperm.xlane v13, v60;
	v31 =	vld.idx.msk [tilespmem:v59+s4+$0x0], $0xffff;
	[tilespmem:s21+$0x1600] =	vst v63;
	v63 =	vadd.s32 v4, v16  }
0x1e2: {  	v8 =	vperm.xlane v13, v52;
	v9 =	vperm.xlane v14, v52;
	[tilespmem:s21+$0x2610] =	vst v26;
	v23 =	vld.idx.msk [tilespmem:v23+s4+$0x0], $0xffff  }
0x1e3: {  	v46 =	vperm.xlane v38, v45;
	v45 =	vadd.s32 v3, v21;
	[tilespmem:s22+$0x1180] =	vst v19;
	v26 =	vld.idx.msk [tilespmem:v27+s4+$0x0], $0xffff  }
0x1e4: {  	v47 =	vperm.xlane v13, v41;
	v19 =	vadd.s32 v4, v15;
	v20 =	vld.idx.msk [tilespmem:v20+s4+$0x0], $0xffff;
	[tilespmem:s22+$0x2180] =	vst v30  }
0x1e5: {  	v52 =	vperm.xlane v13, v50;
	v17 =	vadd.s32 v5, v17;
	v24 =	vld.idx.msk [tilespmem:v39+s4+$0x0], $0xffff;
	[tilespmem:s21+$0x1D10] =	vst v7  }
0x1e6: {  	v41 =	vperm.xlane v14, v49;
	v7 =	vadd.s32 v4, v11;
	[tilespmem:s22+$0x1980] =	vst v31;
	v27 =	vld.idx.msk [tilespmem:v63+s4+$0x0], $0xffff  }
0x1e7: {  	v2 =	vperm.xlane v13, v34;
	v53 =	vperm.xlane v38, v40;
	v30 =	vadd.s32 v4, v22;
	[tilespmem:s21+$0x1610] =	vst v23  }
0x1e8: {  	v42 =	vadd.s32 v5, v21;
	v6 =	vperm.xlane v38, v34;
	v35 =	vld.idx.msk [tilespmem:v45+s4+$0x0], $0xffff;
	[tilespmem:s21+$0x2620] =	vst v26  }
0x1e9: {  	v55 =	vperm.xlane v13, v49;
	v16 =	vadd.s32 v5, v16;
	v19 =	vld.idx.msk [tilespmem:v19+s4+$0x0], $0xffff;
	[tilespmem:s22+$0x1190] =	vst v20  }
0x1ea: {  	v21 =	vadd.s32 v4, v21;
	v0 =	vperm.xlane v38, v29;
	v32 =	vld.idx.msk [tilespmem:v17+s4+$0x0], $0xffff;
	[tilespmem:s22+$0x2190] =	vst v24  }
0x1eb: {  	v23 =	vadd.s32 v5, v15;
	v15 =	vperm.xlane v38, v60;
	v7 =	vld.idx.msk [tilespmem:v7+s4+$0x0], $0xffff;
	[tilespmem:s21+$0x1D20] =	vst v27  }
0x1ec: {  	v49 =	vperm.xlane v38, v49;
	v40 =	vperm.xlane v13, v29;
	v13 =	vld.idx.msk [tilespmem:v30+s4+$0x0], $0xffff;
	[tilespmem:$0x1FFE0] =	vst v0  }
0x1ed: {  	v59 =	vperm.xlane v14, v50;
	v39 =	vperm.xlane v38, v50;
	[tilespmem:$0x1FFF0] =	vst v15  }
0x1ee: {  	v63 =	vimm.s32 $0xB;
	v31 =	vperm.xlane v14, v29;
	v29 =	vperm.xlane v14, v60;
	[tilespmem:s22+$0x1990] =	vst v35;
	v15 =	vld.idx.msk [tilespmem:v16+s4+$0x0], $0xffff  }
0x1ef: {  	v14 =	vadd.s32 v48, v43;
	v62 =	vperm.xlane v38, v63;
	[tilespmem:s21+$0x1620] =	vst v19;
	v16 =	vld.idx.msk [tilespmem:v21+s4+$0x0], $0xffff  }
0x1f0: {  	s23 =	simm.s32 $0x8;
	v20 =	vadd.s32 v5, v10;
	v17 =	vadd.s32 v5, v22;
	v19 =	vadd.s32 v3, v36;
	v10 =	vld.idx.msk [tilespmem:v23+s4+$0x0], $0xffff  }
.LBB2_4:
0x1f1: {  	[tilespmem:$0x1FE80] =	vst v29  }
0x1f2: {  	[tilespmem:$0x1FE10] =	vst v55  }
0x1f3: {  	[tilespmem:$0x1FE00] =	vst v41  }
0x1f4: {  	[tilespmem:$0x1FE60] =	vst v40;
	v56 =	vld [tilespmem:$0x1FEF0]  }
0x1f5: {  	[tilespmem:s22+$0xA80] =	vst v18;
	v25 =	vld [tilespmem:$0x1FED0]  }
0x1f6: {  	[tilespmem:$0x1FE40] =	vst v39;
	v18 =	vld.idx.msk [tilespmem:v20+s4+$0x0], $0xffff  }
0x1f7: {  	s26 =	sshll.u32 s23, $0x4;
	v19 =	vld.idx.msk [tilespmem:v19+s4+$0x0], $0xffff;
	[tilespmem:s22+$0x11A0] =	vst v7  }
0x1f8: {  	v22 =	vadd.s32 v5, v36;
	s25 =	sand.u32 $0x3FFFFFF0, s26;
	v20 =	vadd.s32 v4, v36;
	v36 =	vld [tilespmem:$0x1FF10];
	v7 =	vadd.s32 v5, v11;
	[tilespmem:s22+$0x21A0] =	vst v13  }
0x1f9: {  	v11 =	vld [tilespmem:s25+$0x300];
	[tilespmem:s21+$0x1D30] =	vst v15  }
0x1fa: {  	v13 =	vadd.s32 v48, v56;
	v17 =	vld.idx.msk [tilespmem:v17+s4+$0x0], $0xffff;
	[tilespmem:s22+$0x19A0] =	vst v16  }
0x1fb: {  	v33 =	vimm.s32 $0x6;
	[tilespmem:s21+$0x1630] =	vst v10;
	v15 =	vadd.s32 v48, v25;
	v14 =	vld.idx.msk [tilespmem:v14+s4+$0x0], $0xffff  }
0x1fc: {  	v21 =	vadd.s32 v48, v9;
	v16 =	vperm.xlane v38, v33;
	v12 =	vld.idx.msk [tilespmem:v42+s4+$0x0], $0xffff;
	[tilespmem:s21+$0xC30] =	vst v18  }
0x1fd: {  	v10 =	vadd.s32 v3, v43;
	[tilespmem:s22+$0xA90] =	vst v19;
	v7 =	vld.idx.msk [tilespmem:v7+s4+$0x0], $0xffff  }
0x1fe: {  	[tilespmem:$0x1FE30] =	vst v31;
	v18 =	vadd.s32 v48, v16;
	v19 =	vld.idx.msk [tilespmem:v20+s4+$0x0], $0xffff  }
0x1ff: {  	v11 =	vadd.s32 $0xFFFFFFFF, v11;
	v20 =	vadd.s32 v48, v8;
	v13 =	vld.idx.msk [tilespmem:v13+s4+$0x0], $0xffff;
	[tilespmem:s22+$0x21B0] =	vst v17  }
0x200: {  	vm0 =	vgt.s32 v11, $0x0;
	v15 =	vld.idx.msk [tilespmem:v15+s4+$0x0], $0xffff;
	[tilespmem:s21+$0x1D80] =	vst v14  }
0x201: {  	v11 =	vnsel vm0, $0x0, v11;
	v21 =	vld.idx.msk [tilespmem:v21+s4+$0x0], $0xffff;
	[tilespmem:s22+$0x19B0] =	vst v12  }
0x202: {  	v17 =	vadd.s32 v3, v56;
	v11 =	vcvt.s32.f32 v11;
	v10 =	vld.idx.msk [tilespmem:v10+s4+$0x0], $0xffff;
	[tilespmem:s22+$0x11B0] =	vst v7  }
0x203: {  	v12 =	vadd.s32 v3, v25;
	v7 =	vld.idx.msk [tilespmem:v18+s4+$0x0], $0xffff;
	[tilespmem:s22+$0xAA0] =	vst v19  }
0x204: {  	v14 =	vadd.s32 v3, v9;
	v11 =	vshrl.u32 v11, $0x17;
	v18 =	vld.idx.msk [tilespmem:v20+s4+$0x0], $0xffff;
	[tilespmem:s21+$0x1680] =	vst v13  }
0x205: {  	v11 =	vmax.u32 v11, $0x7E;
	v20 =	vadd.s32 v4, v43;
	v22 =	vld.idx.msk [tilespmem:v22+s4+$0x0], $0xffff;
	[tilespmem:s21+$0xC80] =	vst v15  }
0x206: {  	v19 =	vadd.s32 v3, v16;
	v11 =	vmin.u32 v11, $0x88;
	[tilespmem:s22+$0x2200] =	vst v21  }
0x207: {  	v23 =	vadd.s32 v3, v8;
	v17 =	vld.idx.msk [tilespmem:v17+s4+$0x0], $0xffff;
	v11 =	vshll.u32 v11, $0x6;
	[tilespmem:s21+$0x1D90] =	vst v10  }
0x208: {  	v39 =	vimm.s32 $0x7;
	v13 =	vadd.s32 $0xFFFFE080, v11;
	v11 =	vadd.s32 v48, v36;
	v15 =	vld.idx.msk [tilespmem:v12+s4+$0x0], $0xffff;
	[tilespmem:s22+$0x1A00] =	vst v7  }
0x209: {  	v27 =	vld.idx.msk [tilespmem:v14+s4+$0x0], $0xffff;
	v0 =	vperm.xlane v13, v39;
	[tilespmem:s22+$0x1200] =	vst v18  }
0x20a: {  	v63 =	vimm.s32 $0x0;
	v21 =	vadd.s32 v4, v56;
	[tilespmem:s22+$0xAB0] =	vst v22;
	v7 =	vld.idx.msk [tilespmem:v20+s4+$0x0], $0xffff  }
0x20b: {  	v26 =	vperm.xlane v13, v63;
	[tilespmem:$0x1FDB0] =	vst v0;
	v18 =	vld.idx.msk [tilespmem:v19+s4+$0x0], $0xffff  }
0x20c: {  	v24 =	vadd.s32 v4, v25;
	v19 =	vld.idx.msk [tilespmem:v23+s4+$0x0], $0xffff;
	[tilespmem:s21+$0x1690] =	vst v17  }
0x20d: {  	v20 =	vadd.s32 v48, v26;
	v35 =	vld.idx.msk [tilespmem:v11+s4+$0x0], $0xffff;
	[tilespmem:s21+$0xC90] =	vst v15  }
0x20e: {  	v0 =	vmov v49;
	[tilespmem:s22+$0x2210] =	vst v27  }
0x20f: {  	v21 =	vld.idx.msk [tilespmem:v21+s4+$0x0], $0xffff;
	[tilespmem:$0x1FD90] =	vst v0  }
0x210: {  	v23 =	vadd.s32 v4, v9;
	[tilespmem:s21+$0x1DA0] =	vst v7  }
0x211: {  	v17 =	vadd.s32 v4, v16;
	v24 =	vld.idx.msk [tilespmem:v24+s4+$0x0], $0xffff;
	v7 =	vmov v44;
	[tilespmem:s22+$0x1210] =	vst v19  }
0x212: {  	v55 =	vadd.s32 v4, v8;
	v20 =	vld.idx.msk [tilespmem:v20+s4+$0x0], $0xffff;
	[tilespmem:$0x1FEF0] =	vst v7  }
0x213: {  	v27 =	vadd.s32 v5, v56;
	v56 =	vadd.s32 v3, v36;
	[tilespmem:s22+$0x1A10] =	vst v18  }
0x214: {  	s24 =	smov.u32 s23;
	v44 =	vld [tilespmem:$0x1FF30];
	[tilespmem:s21+$0x16A0] =	vst v21  }
0x215: {  	v45 =	vimm.s32 $0xA;
	v60 =	vmovc v47;
	v47 =	vimm.s32 $0xB;
	v40 =	vadd.s32 v5, v43;
	s28 =	sshll.u32 s24, $0xB;
	v18 =	vld.idx.msk [tilespmem:v23+s4+$0x0], $0xffff;
	[tilespmem:s22+$0xB00] =	vst v35  }
0x216: {  	s24 =	sand.u32 $0x3FFFF800, s28;
	v29 =	vperm.xlane v13, v45;
	v22 =	vperm.xlane v13, v47;
	v0 =	vimm.s32 $0xE;
	v17 =	vld.idx.msk [tilespmem:v17+s4+$0x0], $0xffff;
	[tilespmem:s21+$0xCA0] =	vst v24  }
0x217: {  	v7 =	vperm.xlane v13, v0;
	v23 =	vadd.s32 v3, v26;
	v0 =	vimm.s32 $0xF;
	v21 =	vld.idx.msk [tilespmem:v55+s4+$0x0], $0xffff;
	[tilespmem:s24+$0x700] =	vst v20  }
0x218: {  	[tilespmem:$0x1FEC0] =	vst v29;
	v9 =	vadd.s32 v5, v9;
	v29 =	vperm.xlane v13, v0;
	v20 =	vld.idx.msk [tilespmem:v56+s4+$0x0], $0xffff  }
0x219: {  	[tilespmem:$0x1FE50] =	vst v32;
	v41 =	vadd.s32 v5, v25;
	v56 =	vld [tilespmem:$0x1FF00]  }
0x21a: {  	v19 =	vld.idx.msk [tilespmem:v40+s4+$0x0], $0xffff;
	v55 =	vmov v22;
	[tilespmem:$0x1FDA0] =	vst v29  }
0x21b: {  	v16 =	vadd.s32 v5, v16;
	v27 =	vld.idx.msk [tilespmem:v27+s4+$0x0], $0xffff;
	[tilespmem:$0x1FF30] =	vst v55  }
0x21c: {  	v8 =	vadd.s32 v5, v8;
	v0 =	vmov v44;
	v22 =	vld.idx.msk [tilespmem:v23+s4+$0x0], $0xffff;
	[tilespmem:s22+$0x2220] =	vst v18  }
0x21d: {  	[tilespmem:$0x1FED0] =	vst v0;
	v9 =	vld.idx.msk [tilespmem:v9+s4+$0x0], $0xffff  }
0x21e: {  	[tilespmem:s22+$0x1220] =	vst v21;
	v21 =	vld.idx.msk [tilespmem:v41+s4+$0x0], $0xffff;
	v18 =	vadd.s32 v48, v56  }
0x21f: {  	v23 =	vadd.s32 v4, v36;
	[tilespmem:s22+$0x1A20] =	vst v17;
	v41 =	vld [tilespmem:$0x1FEE0]  }
0x220: {  	v17 =	vadd.s32 v4, v26;
	v16 =	vld.idx.msk [tilespmem:v16+s4+$0x0], $0xffff;
	[tilespmem:s21+$0x1DB0] =	vst v19  }
0x221: {  	v8 =	vld.idx.msk [tilespmem:v8+s4+$0x0], $0xffff;
	[tilespmem:s21+$0x16B0] =	vst v27  }
0x222: {  	v19 =	vadd.s32 v48, v57;
	[tilespmem:s22+$0xB10] =	vst v20  }
0x223: {  	v40 =	vadd.s32 v48, v6;
	[tilespmem:s24+$0x710] =	vst v22;
	v18 =	vld.idx.msk [tilespmem:v18+s4+$0x0], $0xffff  }
0x224: {  	v34 =	vimm.s32 $0x8;
	v20 =	vadd.s32 v48, v41;
	v22 =	vld.idx.msk [tilespmem:v23+s4+$0x0], $0xffff;
	[tilespmem:s22+$0x2230] =	vst v9  }
0x225: {  	v30 =	vperm.xlane v13, v34;
	v23 =	vadd.s32 v48, v2;
	v17 =	vld.idx.msk [tilespmem:v17+s4+$0x0], $0xffff;
	[tilespmem:s22+$0x1A30] =	vst v16  }
0x226: {  	v9 =	vadd.s32 v3, v56;
	[tilespmem:s21+$0xCB0] =	vst v21;
	v0 =	vld [tilespmem:$0x1FFE0]  }
0x227: {  	v27 =	vadd.s32 v5, v36;
	[tilespmem:s22+$0x1230] =	vst v8;
	v16 =	vld.idx.msk [tilespmem:v19+s4+$0x0], $0xffff;
	v19 =	vmov v30  }
0x228: {  	v24 =	vld.idx.msk [tilespmem:v40+s4+$0x0], $0xffff;
	[tilespmem:$0x1FF10] =	vst v19  }
0x229: {  	v8 =	vadd.s32 v3, v57;
	v20 =	vld.idx.msk [tilespmem:v20+s4+$0x0], $0xffff;
	[tilespmem:s21+$0x1E00] =	vst v18  }
0x22a: {  	v19 =	vadd.s32 v5, v26;
	v21 =	vld.idx.msk [tilespmem:v23+s4+$0x0], $0xffff;
	[tilespmem:s22+$0xB20] =	vst v22  }
0x22b: {  	v23 =	vadd.s32 v3, v6;
	v9 =	vld.idx.msk [tilespmem:v9+s4+$0x0], $0xffff;
	[tilespmem:s24+$0x720] =	vst v17  }
0x22c: {  	v22 =	vadd.s32 v3, v2;
	v17 =	vld.idx.msk [tilespmem:v27+s4+$0x0], $0xffff  }
0x22d: {  	v18 =	vadd.s32 v3, v41;
	[tilespmem:s22+$0x2280] =	vst v16;
	v27 =	vld [tilespmem:$0x1FF20]  }
0x22e: {  	[tilespmem:s22+$0x1A80] =	vst v24;
	v8 =	vld.idx.msk [tilespmem:v8+s4+$0x0], $0xffff  }
0x22f: {  	v16 =	vadd.s32 v4, v56;
	v19 =	vld.idx.msk [tilespmem:v19+s4+$0x0], $0xffff;
	[tilespmem:s21+$0xD00] =	vst v20  }
0x230: {  	v31 =	vimm.s32 $0x1;
	v20 =	vadd.s32 v4, v57;
	v23 =	vld.idx.msk [tilespmem:v23+s4+$0x0], $0xffff;
	[tilespmem:s22+$0x1280] =	vst v21  }
0x231: {  	v12 =	vperm.xlane v13, v31;
	v21 =	vld.idx.msk [tilespmem:v22+s4+$0x0], $0xffff;
	v22 =	vadd.s32 v4, v6;
	[tilespmem:s21+$0x1E10] =	vst v9  }
0x232: {  	v18 =	vld.idx.msk [tilespmem:v18+s4+$0x0], $0xffff;
	v43 =	vadd.s32 v48, v27;
	[tilespmem:s22+$0xB30] =	vst v17  }
0x233: {  	v44 =	vadd.s32 v48, v12;
	v55 =	vmov v0;
	v0 =	vadd.s32 v5, v57;
	v57 =	vld [tilespmem:$0x1FF70];
	[tilespmem:s22+$0x2290] =	vst v8  }
0x234: {  	v16 =	vld.idx.msk [tilespmem:v16+s4+$0x0], $0xffff;
	[tilespmem:s24+$0x730] =	vst v19;
	v19 =	vadd.s32 v4, v2  }
0x235: {  	v20 =	vld.idx.msk [tilespmem:v20+s4+$0x0], $0xffff;
	[tilespmem:s22+$0x1A90] =	vst v23  }
0x236: {  	v8 =	vadd.s32 v5, v56;
	v22 =	vld.idx.msk [tilespmem:v22+s4+$0x0], $0xffff  }
0x237: {  	v9 =	vadd.s32 v4, v41;
	[tilespmem:s22+$0x1290] =	vst v21;
	v17 =	vld.idx.msk [tilespmem:v43+s4+$0x0], $0xffff  }
0x238: {  	v24 =	vld.idx.msk [tilespmem:v44+s4+$0x0], $0xffff;
	[tilespmem:s21+$0xD10] =	vst v18  }
0x239: {  	v49 =	vimm.s32 $0xC;
	[tilespmem:s21+$0x1E20] =	vst v16;
	v18 =	vld.idx.msk [tilespmem:v19+s4+$0x0], $0xffff  }
0x23a: {  	v15 =	vperm.xlane v13, v49;
	v56 =	vadd.s32 v3, v27;
	v19 =	vld [tilespmem:$0x1FF40];
	[tilespmem:s22+$0x22A0] =	vst v20  }
0x23b: {  	v6 =	vadd.s32 v5, v6;
	v8 =	vld.idx.msk [tilespmem:v8+s4+$0x0], $0xffff;
	[tilespmem:s22+$0x1AA0] =	vst v22  }
0x23c: {  	v23 =	vadd.s32 v3, v12;
	v9 =	vld.idx.msk [tilespmem:v9+s4+$0x0], $0xffff;
	[tilespmem:s22+$0xB80] =	vst v17;
	v17 =	vmov v15  }
0x23d: {  	v25 =	vld [tilespmem:$0x1FF80];
	[tilespmem:$0x1FF40] =	vst v17  }
0x23e: {  	v2 =	vadd.s32 v5, v2;
	v0 =	vld.idx.msk [tilespmem:v0+s4+$0x0], $0xffff;
	[tilespmem:s24+$0x780] =	vst v24  }
0x23f: {  	v16 =	vadd.s32 v5, v41;
	v19 =	vmov v19;
	[tilespmem:s22+$0x12A0] =	vst v18;
	v15 =	vld.idx.msk [tilespmem:v56+s4+$0x0], $0xffff  }
0x240: {  	v22 =	vperm.xlane v38, v34;
	v6 =	vld.idx.msk [tilespmem:v6+s4+$0x0], $0xffff;
	[tilespmem:$0x1FEE0] =	vst v19;
	v19 =	vadd.s32 v48, v61  }
0x241: {  	v17 =	vld.idx.msk [tilespmem:v23+s4+$0x0], $0xffff;
	[tilespmem:s21+$0xD20] =	vst v9;
	v9 =	vadd.s32 v48, v57  }
0x242: {  	v18 =	vadd.s32 v48, v22;
	[tilespmem:s21+$0x1E30] =	vst v8  }
0x243: {  	v42 =	vimm.s32 $0x9;
	v20 =	vadd.s32 v4, v27;
	v2 =	vld.idx.msk [tilespmem:v2+s4+$0x0], $0xffff;
	[tilespmem:s22+$0x22B0] =	vst v0  }
0x244: {  	v14 =	vperm.xlane v13, v42;
	v21 =	vadd.s32 v4, v12;
	v16 =	vld.idx.msk [tilespmem:v16+s4+$0x0], $0xffff;
	[tilespmem:s22+$0xB90] =	vst v15  }
0x245: {  	v8 =	vadd.s32 v48, v58;
	v15 =	vld.idx.msk [tilespmem:v19+s4+$0x0], $0xffff;
	[tilespmem:s22+$0x1AB0] =	vst v6  }
0x246: {  	v19 =	vadd.s32 v48, v25;
	v6 =	vld.idx.msk [tilespmem:v9+s4+$0x0], $0xffff;
	v9 =	vmov v14;
	[tilespmem:s24+$0x790] =	vst v17  }
0x247: {  	v0 =	vadd.s32 v3, v61;
	[tilespmem:$0x1FF20] =	vst v9;
	v9 =	vadd.s32 v5, v12;
	v12 =	vld.idx.msk [tilespmem:v18+s4+$0x0], $0xffff  }
0x248: {  	[tilespmem:s22+$0x12B0] =	vst v2;
	v17 =	vld.idx.msk [tilespmem:v20+s4+$0x0], $0xffff  }
0x249: {  	v20 =	vld.idx.msk [tilespmem:v21+s4+$0x0], $0xffff;
	[tilespmem:s21+$0xD30] =	vst v16;
	v16 =	vadd.s32 v3, v22  }
0x24a: {  	v21 =	vadd.s32 v5, v27;
	v8 =	vld.idx.msk [tilespmem:v8+s4+$0x0], $0xffff;
	[tilespmem:s21+$0x1E80] =	vst v15  }
0x24b: {  	v14 =	vld.idx.msk [tilespmem:v19+s4+$0x0], $0xffff;
	[tilespmem:s22+$0x2300] =	vst v6  }
0x24c: {  	v2 =	vadd.s32 v3, v57;
	v0 =	vld.idx.msk [tilespmem:v0+s4+$0x0], $0xffff;
	[tilespmem:s22+$0x1B00] =	vst v12  }
0x24d: {  	v56 =	vld [tilespmem:$0x1FFA0];
	v15 =	vadd.s32 v3, v58;
	[tilespmem:s22+$0xBA0] =	vst v17  }
0x24e: {  	v6 =	vadd.s32 v4, v61;
	v16 =	vld.idx.msk [tilespmem:v16+s4+$0x0], $0xffff;
	[tilespmem:s24+$0x7A0] =	vst v20  }
0x24f: {  	v18 =	vadd.s32 v3, v25;
	v17 =	vld.idx.msk [tilespmem:v21+s4+$0x0], $0xffff  }
0x250: {  	v9 =	vld.idx.msk [tilespmem:v9+s4+$0x0], $0xffff;
	[tilespmem:s21+$0xD80] =	vst v8  }
0x251: {  	v12 =	vld.idx.msk [tilespmem:v2+s4+$0x0], $0xffff;
	[tilespmem:s22+$0x1300] =	vst v14  }
0x252: {  	v8 =	vadd.s32 v4, v57;
	v14 =	vld.idx.msk [tilespmem:v15+s4+$0x0], $0xffff;
	[tilespmem:s21+$0x1E90] =	vst v0  }
0x253: {  	v19 =	vadd.s32 v48, v37;
	v0 =	vld.idx.msk [tilespmem:v6+s4+$0x0], $0xffff;
	[tilespmem:s22+$0x1B10] =	vst v16  }
0x254: {  	v15 =	vld.idx.msk [tilespmem:v18+s4+$0x0], $0xffff;
	[tilespmem:s22+$0xBB0] =	vst v17  }
0x255: {  	v43 =	vadd.s32 v48, v46;
	v16 =	vmovc v1;
	v1 =	vmov v46;
	v46 =	vld [tilespmem:$0x1FF90];
	[tilespmem:s24+$0x7B0] =	vst v9;
	v9 =	vadd.s32 v4, v22  }
0x256: {  	[tilespmem:s22+$0x2310] =	vst v12;
	v36 =	vld [tilespmem:s26+$0x320]  }
0x257: {  	[tilespmem:$0x1FEB0] =	vst v37;
	v8 =	vld.idx.msk [tilespmem:v8+s4+$0x0], $0xffff  }
0x258: {  	v18 =	vadd.s32 v4, v25;
	[tilespmem:$0x1FE70] =	vst v16;
	v6 =	vld.idx.msk [tilespmem:v19+s4+$0x0], $0xffff  }
0x259: {  	v32 =	vimm.s32 $0x2;
	v17 =	vld [tilespmem:s26+$0x310];
	[tilespmem:s22+$0x1310] =	vst v15;
	v15 =	vadd.s32 v5, v57  }
0x25a: {  	v50 =	vimm.s32 $0xD;
	v2 =	vperm.xlane v13, v32;
	[tilespmem:s21+$0xD90] =	vst v14;
	v9 =	vld.idx.msk [tilespmem:v9+s4+$0x0], $0xffff  }
0x25b: {  	v11 =	vperm.xlane v13, v50;
	v30 =	vadd.s32 v4, v37;
	[tilespmem:s21+$0x1EA0] =	vst v0;
	v0 =	vld [tilespmem:$0x1FF50]  }
0x25c: {  	v26 =	vadd.s32 v4, v54;
	v38 =	vadd.s32 v5, v61;
	v16 =	vld [tilespmem:s26+$0x330];
	v19 =	vadd.s32 v48, v2;
	[tilespmem:s22+$0x2320] =	vst v8  }
0x25d: {  	v23 =	vadd.s32 v5, v58;
	v21 =	vadd.s32 v3, v37;
	v8 =	vmov v7;
	[tilespmem:s22+$0xC00] =	vst v6;
	v6 =	vld.idx.msk [tilespmem:v18+s4+$0x0], $0xffff  }
0x25e: {  	v27 =	vadd.s32 v3, v54;
	v14 =	vadd.s32 v4, v58;
	[tilespmem:$0x1FDC0] =	vst v8;
	v8 =	vld.idx.msk [tilespmem:v15+s4+$0x0], $0xffff  }
0x25f: {  	v20 =	vadd.s32 v5, v54;
	v12 =	vadd.s32 v48, v54;
	v54 =	vmovc v11;
	v11 =	vadd.s32 v3, v2;
	v15 =	vld [tilespmem:$0x1FFF0]  }
0x260: {  	[tilespmem:$0x1FF00] =	vst v55;
	v22 =	vadd.s32 v5, v22;
	v58 =	vadd.s32 v3, v56;
	v29 =	vmovc v0;
	v0 =	vadd.s32 $0xFFFFFFFF, v17  }
0x261: {  	v7 =	vadd.s32 $0xFFFFFFFF, v36;
	[tilespmem:$0x1FF50] =	vst v54;
	v17 =	vld.idx.msk [tilespmem:v19+s4+$0x0], $0xffff;
	v19 =	vadd.s32 v5, v25;
	vm14 =	vgt.s32 v0, $0x0  }
0x262: {  	v16 =	vadd.s32 $0xFFFFFFFF, v16;
	vm1 =	vgt.s32 v7, $0x0;
	v21 =	vld.idx.msk [tilespmem:v21+s4+$0x0], $0xffff;
	[tilespmem:s22+$0x1B20] =	vst v9;
	v0 =	vnsel vm14, $0x0, v0  }
0x263: {  	vm15 =	vgt.s32 v16, $0x0;
	v7 =	vnsel vm1, $0x0, v7;
	v14 =	vld.idx.msk [tilespmem:v14+s4+$0x0], $0xffff;
	[tilespmem:$0x1FDE0] =	vst v29;
	v0 =	vcvt.s32.f32 v0  }
0x264: {  	v7 =	vcvt.s32.f32 v7;
	v55 =	vmovc v15;
	v15 =	vnsel vm15, $0x0, v16;
	v16 =	vadd.s32 v48, v46;
	v9 =	vld.idx.msk [tilespmem:v38+s4+$0x0], $0xffff;
	[tilespmem:s22+$0x1320] =	vst v6  }
0x265: {  	v57 =	vadd.s32 v4, v2;
	v6 =	vld.idx.msk [tilespmem:v22+s4+$0x0], $0xffff;
	[tilespmem:s22+$0x2330] =	vst v8;
	v15 =	vcvt.s32.f32 v15;
	v0 =	vshrl.u32 v0, $0x17  }
0x266: {  	v18 =	vadd.s32 v48, v56;
	v7 =	vshrl.u32 v7, $0x17;
	[tilespmem:s24+$0x800] =	vst v17;
	v17 =	vld.idx.msk [tilespmem:v19+s4+$0x0], $0xffff;
	v0 =	vmax.u32 v0, $0x7E  }
0x267: {  	v22 =	vadd.s32 v3, v46;
	v15 =	vshrl.u32 v15, $0x17;
	v11 =	vld.idx.msk [tilespmem:v11+s4+$0x0], $0xffff;
	[tilespmem:s22+$0xC10] =	vst v21;
	v0 =	vmin.u32 v0, $0x88  }
0x268: {  	v15 =	vmax.u32 v15, $0x7E;
	v19 =	vld.idx.msk [tilespmem:v30+s4+$0x0], $0xffff;
	[tilespmem:s21+$0xDA0] =	vst v14;
	v14 =	vimm.s32 $0x4;
	v0 =	vshll.u32 v0, $0x6  }
0x269: {  	v8 =	vld.idx.msk [tilespmem:v16+s4+$0x0], $0xffff;
	[tilespmem:s21+$0x1EB0] =	vst v9;
	v40 =	vadd.s32 $0xFFFFE080, v0;
	v0 =	vmax.u32 v7, $0x7E;
	v7 =	vmin.u32 v15, $0x88  }
0x26a: {  	[tilespmem:s22+$0x1B30] =	vst v6;
	v25 =	vperm.xlane v40, v63;
	v0 =	vmin.u32 v0, $0x88;
	v7 =	vshll.u32 v7, $0x6  }
0x26b: {  	v54 =	vmovc v28;
	[tilespmem:$0x1FDD0] =	vst v55;
	v30 =	vld.idx.msk [tilespmem:v43+s4+$0x0], $0xffff;
	v16 =	vperm.xlane v40, v14;
	v0 =	vshll.u32 v0, $0x6;
	v41 =	vadd.s32 $0xFFFFE080, v7  }
0x26c: {  	[tilespmem:s22+$0x1330] =	vst v17;
	v7 =	vld.idx.msk [tilespmem:v23+s4+$0x0], $0xffff;
	v23 =	vadd.s32 v48, v25;
	v38 =	vadd.s32 $0xFFFFE080, v0;
	v28 =	vperm.xlane v41, v63  }
0x26d: {  	[tilespmem:s24+$0x810] =	vst v11;
	v17 =	vperm.xlane v41, v14;
	v0 =	vimm.s32 $0x5;
	v29 =	vperm.xlane v38, v63  }
0x26e: {  	v18 =	vld.idx.msk [tilespmem:v18+s4+$0x0], $0xffff;
	[tilespmem:s22+$0x2380] =	vst v8;
	v15 =	vperm.xlane v38, v0;
	v14 =	vperm.xlane v41, v0  }
0x26f: {  	v24 =	vld.idx.msk [tilespmem:v57+s4+$0x0], $0xffff;
	[tilespmem:s22+$0xC20] =	vst v19;
	v11 =	vperm.xlane v40, v0;
	v0 =	vperm.xlane v41, v34  }
0x270: {  	[tilespmem:s22+$0x1B80] =	vst v30;
	v36 =	vadd.s32 v48, v28  }
0x271: {  	v19 =	vld.idx.msk [tilespmem:v22+s4+$0x0], $0xffff;
	v37 =	vadd.s32 v48, v29;
	[tilespmem:$0x1FF70] =	vst v0  }
0x272: {  	v22 =	vadd.s32 v5, v2;
	v0 =	vperm.xlane v40, v34;
	[tilespmem:s21+$0xDB0] =	vst v7;
	v23 =	vld.idx.msk [tilespmem:v23+s4+$0x0], $0xffff  }
0x273: {  	v10 =	vperm.xlane v13, v33;
	v61 =	vadd.s32 v4, v46;
	[tilespmem:s22+$0x1380] =	vst v18;
	v35 =	vld.idx.msk [tilespmem:v12+s4+$0x0], $0xffff;
	v12 =	vimm.s32 $0x3  }
0x274: {  	v63 =	vperm.xlane v41, v32;
	v32 =	vperm.xlane v41, v42;
	[tilespmem:$0x1FF80] =	vst v0;
	v58 =	vld.idx.msk [tilespmem:v58+s4+$0x0], $0xffff  }
0x275: {  	v8 =	vperm.xlane v40, v33;
	v30 =	vadd.s32 v3, v25;
	[tilespmem:s24+$0x820] =	vst v24;
	v7 =	vld.idx.msk [tilespmem:v36+s4+$0x0], $0xffff  }
0x276: {  	s29 =	sor.u32 $0x800, s28;
	v9 =	vperm.xlane v41, v33;
	[tilespmem:s22+$0x2390] =	vst v19;
	v43 =	vld.idx.msk [tilespmem:v37+s4+$0x0], $0xffff;
	v37 =	vperm.xlane v13, v12;
	v12 =	vmov v32  }
0x277: {  	s26 =	sand.u32 $0x3FFFF800, s29;
	v57 =	vperm.xlane v41, v39;
	v2 =	vperm.xlane v40, v39;
	v36 =	vld.idx.msk [tilespmem:v22+s4+$0x0], $0xffff;
	[tilespmem:$0x1FF90] =	vst v12  }
0x278: {  	v33 =	vperm.xlane v40, v42;
	v21 =	vperm.xlane v38, v31;
	[tilespmem:s26+$0x700] =	vst v23  }
0x279: {  	s31 =	sor.u32 $0x1800, s28;
	v31 =	vadd.s32 v3, v28;
	v18 =	vperm.xlane v38, v42;
	v42 =	vld.idx.msk [tilespmem:v61+s4+$0x0], $0xffff;
	[tilespmem:s21+$0xE00] =	vst v35  }
0x27a: {  	s30 =	sand.u32 $0x3FFFF800, s31;
	v6 =	vperm.xlane v38, v39;
	v39 =	vadd.s32 v4, v56;
	v30 =	vld.idx.msk [tilespmem:v30+s4+$0x0], $0xffff;
	[tilespmem:s22+$0x1390] =	vst v58  }
0x27b: {  	[tilespmem:s30+$0x700] =	vst v7  }
0x27c: {  	s28 =	sor.u32 $0x1000, s28;
	v44 =	vadd.s32 v48, v37;
	v27 =	vld.idx.msk [tilespmem:v27+s4+$0x0], $0xffff;
	v12 =	vmov v33;
	[tilespmem:s24+$0x830] =	vst v36  }
0x27d: {  	s31 =	sand.u32 $0x3FFFF800, s28;
	v34 =	vadd.s32 v3, v29;
	[tilespmem:$0x1FFA0] =	vst v12  }
0x27e: {  	v7 =	vld.idx.msk [tilespmem:v31+s4+$0x0], $0xffff;
	v31 =	vadd.s32 v5, v46;
	[tilespmem:s31+$0x700] =	vst v43;
	v46 =	vperm.xlane v41, v50  }
0x27f: {  	v32 =	vadd.s32 v4, v25;
	v39 =	vld.idx.msk [tilespmem:v39+s4+$0x0], $0xffff;
	[tilespmem:s22+$0x23A0] =	vst v42  }
0x280: {  	v24 =	vperm.xlane v41, v45;
	v22 =	vperm.xlane v40, v45;
	[tilespmem:$0x1FE20] =	vst v46  }
0x281: {  	v58 =	vperm.xlane v38, v45;
	v45 =	vld.idx.msk [tilespmem:v44+s4+$0x0], $0xffff;
	v44 =	vperm.xlane v40, v49;
	[tilespmem:s26+$0x710] =	vst v30  }
0x282: {  	v34 =	vld.idx.msk [tilespmem:v34+s4+$0x0], $0xffff;
	[tilespmem:s21+$0xE10] =	vst v27  }
0x283: {  	v35 =	vadd.s32 v4, v28;
	v12 =	vld [tilespmem:$0x1FFB0];
	[tilespmem:$0x1FDF0] =	vst v44  }
0x284: {  	v27 =	vperm.xlane v38, v49;
	v46 =	vld.idx.msk [tilespmem:v32+s4+$0x0], $0xffff;
	[tilespmem:s22+$0x13A0] =	vst v39  }
0x285: {  	v61 =	vperm.xlane v41, v49;
	v42 =	vadd.s32 v5, v56;
	v49 =	vimm.s32 $0xE;
	v31 =	vld.idx.msk [tilespmem:v31+s4+$0x0], $0xffff;
	[tilespmem:s30+$0x710] =	vst v7  }
0x286: {  	v36 =	vadd.s32 v4, v29;
	v56 =	vimm.s32 $0xE;
	v43 =	vld [tilespmem:$0x1FD90];
	v49 =	vperm.xlane v38, v49;
	[tilespmem:$0x1FE90] =	vst v27  }
0x287: {  	v33 =	vadd.s32 v3, v37;
	v26 =	vld.idx.msk [tilespmem:v26+s4+$0x0], $0xffff;
	v27 =	vperm.xlane v40, v56;
	[tilespmem:s31+$0x710] =	vst v34  }
0x288: {  	v19 =	vperm.xlane v40, v47;
	v25 =	vadd.s32 v5, v25;
	v35 =	vld.idx.msk [tilespmem:v35+s4+$0x0], $0xffff;
	[tilespmem:$0x1FFE0] =	vst v49  }
0x289: {  	v23 =	vperm.xlane v41, v47;
	v30 =	vperm.xlane v38, v47;
	v47 =	vadd.s32 v48, v12;
	v49 =	vld [tilespmem:$0x1FFC0];
	[tilespmem:$0x1FEA0] =	vst v27  }
0x28a: {  	v34 =	vld.idx.msk [tilespmem:v42+s4+$0x0], $0xffff;
	[tilespmem:s24+$0x880] =	vst v45  }
0x28b: {  	v28 =	vadd.s32 v5, v28;
	v29 =	vadd.s32 v5, v29;
	v27 =	vld.idx.msk [tilespmem:v36+s4+$0x0], $0xffff;
	v45 =	vimm.s32 $0xF;
	[tilespmem:s26+$0x720] =	vst v46  }
0x28c: {  	v39 =	vadd.s32 v4, v37;
	v33 =	vld.idx.msk [tilespmem:v33+s4+$0x0], $0xffff;
	[tilespmem:s22+$0x23B0] =	vst v31;
	v31 =	vperm.xlane v38, v45  }
0x28d: {  	v7 =	vperm.xlane v41, v56;
	v56 =	vperm.xlane v40, v45;
	[tilespmem:s21+$0xE20] =	vst v26;
	v45 =	vimm.s32 $0x1;
	v25 =	vld.idx.msk [tilespmem:v25+s4+$0x0], $0xffff  }
0x28e: {  	v36 =	vld.idx.msk [tilespmem:v47+s4+$0x0], $0xffff;
	v42 =	vperm.xlane v40, v45;
	[tilespmem:$0x1FFF0] =	vst v31;
	v31 =	vadd.s32 v48, v49  }
0x28f: {  	v20 =	vld.idx.msk [tilespmem:v20+s4+$0x0], $0xffff;
	[tilespmem:s30+$0x720] =	vst v35;
	v35 =	vperm.xlane v41, v45;
	v45 =	vadd.s32 v3, v12  }
0x290: {  	v28 =	vld.idx.msk [tilespmem:v28+s4+$0x0], $0xffff;
	[tilespmem:s31+$0x720] =	vst v27;
	v46 =	vadd.s32 v48, v42  }
0x291: {  	v27 =	vld.idx.msk [tilespmem:v29+s4+$0x0], $0xffff;
	v29 =	vadd.s32 v48, v35;
	[tilespmem:s24+$0x890] =	vst v33  }
0x292: {  	[tilespmem:s22+$0x13B0] =	vst v34;
	v34 =	vadd.s32 v48, v51;
	v39 =	vld.idx.msk [tilespmem:v39+s4+$0x0], $0xffff  }
0x293: {  	v32 =	vperm.xlane v40, v50;
	[tilespmem:s22+$0x2400] =	vst v36;
	v31 =	vld.idx.msk [tilespmem:v31+s4+$0x0], $0xffff  }
0x294: {  	v44 =	vperm.xlane v38, v50;
	v50 =	vimm.s32 $0xF;
	v33 =	vadd.s32 v48, v21;
	[tilespmem:s26+$0x730] =	vst v25;
	v36 =	vld.idx.msk [tilespmem:v45+s4+$0x0], $0xffff  }
0x295: {  	v37 =	vadd.s32 v5, v37;
	v26 =	vperm.xlane v41, v50;
	[tilespmem:s30+$0x730] =	vst v28;
	v50 =	vld.idx.msk [tilespmem:v46+s4+$0x0], $0xffff  }
0x296: {  	[tilespmem:s21+$0xE30] =	vst v20;
	v25 =	vadd.s32 v3, v49;
	v28 =	vld.idx.msk [tilespmem:v29+s4+$0x0], $0xffff  }
0x297: {  	v0 =	vimm.s32 $0x4;
	v29 =	vadd.s32 v4, v12;
	[tilespmem:s31+$0x730] =	vst v27;
	v27 =	vld.idx.msk [tilespmem:v34+s4+$0x0], $0xffff  }
0x298: {  	v34 =	vadd.s32 v3, v35;
	v46 =	vperm.xlane v13, v0;
	v0 =	vld [tilespmem:$0x1FF60];
	[tilespmem:s24+$0x8A0] =	vst v39  }
0x299: {  	v20 =	vadd.s32 v3, v42;
	v33 =	vld.idx.msk [tilespmem:v33+s4+$0x0], $0xffff;
	[tilespmem:s22+$0x1400] =	vst v31  }
0x29a: {  	v39 =	vadd.s32 v3, v51;
	v37 =	vld.idx.msk [tilespmem:v37+s4+$0x0], $0xffff;
	[tilespmem:s22+$0x2410] =	vst v36  }
0x29b: {  	v31 =	vadd.s32 v3, v21;
	v25 =	vld.idx.msk [tilespmem:v25+s4+$0x0], $0xffff;
	[tilespmem:s24+$0xF80] =	vst v50  }
0x29c: {  	v36 =	vadd.s32 v4, v49;
	v29 =	vld.idx.msk [tilespmem:v29+s4+$0x0], $0xffff;
	[tilespmem:s24+$0x1F80] =	vst v28  }
0x29d: {  	[tilespmem:s21+$0xE80] =	vst v27;
	v27 =	vmov v24;
	v28 =	vld.idx.msk [tilespmem:v34+s4+$0x0], $0xffff;
	v34 =	vadd.s32 v5, v12  }
0x29e: {  	v47 =	vadd.s32 v4, v35;
	v20 =	vld.idx.msk [tilespmem:v20+s4+$0x0], $0xffff;
	[tilespmem:$0x1FFB0] =	vst v27  }
0x29f: {  	[tilespmem:s24+$0x1780] =	vst v33;
	v27 =	vld.idx.msk [tilespmem:v39+s4+$0x0], $0xffff  }
0x2a0: {  	v50 =	vadd.s32 v48, v46;
	v31 =	vld.idx.msk [tilespmem:v31+s4+$0x0], $0xffff;
	[tilespmem:s22+$0x1410] =	vst v25  }
0x2a1: {  	v24 =	vadd.s32 v4, v42;
	[tilespmem:s22+$0x2420] =	vst v29;
	v36 =	vld.idx.msk [tilespmem:v36+s4+$0x0], $0xffff  }
0x2a2: {  	v25 =	vadd.s32 v4, v21;
	v29 =	vld.idx.msk [tilespmem:v34+s4+$0x0], $0xffff;
	[tilespmem:s24+$0x1F90] =	vst v28  }
0x2a3: {  	v12 =	vmov v22;
	[tilespmem:s24+$0x8B0] =	vst v37;
	v37 =	vadd.s32 v4, v51;
	v28 =	vld.idx.msk [tilespmem:v47+s4+$0x0], $0xffff  }
0x2a4: {  	[tilespmem:$0x1FFC0] =	vst v12;
	v47 =	vld [tilespmem:$0x1FFD0]  }
0x2a5: {  	v39 =	vld.idx.msk [tilespmem:v50+s4+$0x0], $0xffff;
	[tilespmem:s24+$0xF90] =	vst v20;
	v20 =	vadd.s32 v5, v49  }
0x2a6: {  	v22 =	vadd.s32 v3, v46;
	v24 =	vld.idx.msk [tilespmem:v24+s4+$0x0], $0xffff;
	[tilespmem:s24+$0x1790] =	vst v31  }
0x2a7: {  	[tilespmem:s21+$0xE90] =	vst v27;
	v27 =	vadd.s32 v5, v42;
	v25 =	vld.idx.msk [tilespmem:v25+s4+$0x0], $0xffff  }
0x2a8: {  	v21 =	vadd.s32 v5, v21;
	v31 =	vld.idx.msk [tilespmem:v37+s4+$0x0], $0xffff;
	[tilespmem:s22+$0x1420] =	vst v36  }
0x2a9: {  	v55 =	vadd.s32 v5, v15;
	[tilespmem:s22+$0x2430] =	vst v29;
	v29 =	vld [tilespmem:$0x1FDA0];
	v33 =	vadd.s32 v48, v47  }
0x2aa: {  	v12 =	vimm.s32 $0x2;
	v42 =	vmov v55;
	v55 =	vadd.s32 v5, v51;
	[tilespmem:s24+$0x900] =	vst v39;
	v20 =	vld.idx.msk [tilespmem:v20+s4+$0x0], $0xffff  }
0x2ab: {  	v34 =	vadd.s32 v5, v35;
	v22 =	vld.idx.msk [tilespmem:v22+s4+$0x0], $0xffff;
	v36 =	vperm.xlane v40, v12;
	[tilespmem:s24+$0xFA0] =	vst v24  }
0x2ac: {  	v45 =	vadd.s32 v48, v60;
	v27 =	vld.idx.msk [tilespmem:v27+s4+$0x0], $0xffff;
	[tilespmem:s24+$0x17A0] =	vst v25  }
0x2ad: {  	[tilespmem:s21+$0xEA0] =	vst v31;
	v31 =	vadd.s32 v48, v36;
	v25 =	vperm.xlane v38, v12;
	v21 =	vld.idx.msk [tilespmem:v21+s4+$0x0], $0xffff  }
0x2ae: {  	v51 =	vmov v0;
	v0 =	vmov v29;
	v29 =	vld.idx.msk [tilespmem:v33+s4+$0x0], $0xffff;
	v33 =	vadd.s32 v4, v46;
	[tilespmem:s24+$0x1FA0] =	vst v28  }
0x2af: {  	v35 =	vld.idx.msk [tilespmem:v55+s4+$0x0], $0xffff;
	[tilespmem:s22+$0x1430] =	vst v20;
	v20 =	vadd.s32 v48, v25  }
0x2b0: {  	[tilespmem:s24+$0x910] =	vst v22;
	v28 =	vld.idx.msk [tilespmem:v34+s4+$0x0], $0xffff;
	v34 =	vadd.s32 v3, v47  }
0x2b1: {  	v22 =	vld.idx.msk [tilespmem:v45+s4+$0x0], $0xffff;
	v45 =	vadd.s32 v3, v1;
	[tilespmem:s24+$0xFB0] =	vst v27  }
0x2b2: {  	v55 =	vadd.s32 v48, v63;
	[tilespmem:$0x1FF60] =	vst v0;
	v31 =	vld.idx.msk [tilespmem:v31+s4+$0x0], $0xffff  }
0x2b3: {  	v27 =	vadd.s32 v3, v60;
	[tilespmem:s24+$0x17B0] =	vst v21;
	v33 =	vld.idx.msk [tilespmem:v33+s4+$0x0], $0xffff  }
0x2b4: {  	[tilespmem:s22+$0x2480] =	vst v29;
	v20 =	vld.idx.msk [tilespmem:v20+s4+$0x0], $0xffff  }
0x2b5: {  	[tilespmem:s21+$0xEB0] =	vst v35;
	v35 =	vadd.s32 v3, v36;
	v29 =	vld.idx.msk [tilespmem:v34+s4+$0x0], $0xffff  }
0x2b6: {  	v46 =	vadd.s32 v5, v46;
	[tilespmem:s24+$0x1FB0] =	vst v28;
	v21 =	vld.idx.msk [tilespmem:v45+s4+$0x0], $0xffff  }
0x2b7: {  	v37 =	vadd.s32 v4, v47;
	[tilespmem:s22+$0x1480] =	vst v22;
	v28 =	vld.idx.msk [tilespmem:v55+s4+$0x0], $0xffff  }
0x2b8: {  	v24 =	vadd.s32 v3, v63;
	v27 =	vld.idx.msk [tilespmem:v27+s4+$0x0], $0xffff;
	[tilespmem:s24+$0x1000] =	vst v31  }
0x2b9: {  	v0 =	vld [tilespmem:$0x1FDF0];
	v55 =	vadd.s32 v4, v1;
	[tilespmem:s24+$0x920] =	vst v33  }
0x2ba: {  	v50 =	vimm.s32 $0x5;
	v22 =	vadd.s32 v3, v25;
	v35 =	vld.idx.msk [tilespmem:v35+s4+$0x0], $0xffff;
	[tilespmem:s22+$0x2490] =	vst v29  }
0x2bb: {  	v13 =	vperm.xlane v13, v50;
	v34 =	vld.idx.msk [tilespmem:v46+s4+$0x0], $0xffff;
	[tilespmem:s22+$0x1B90] =	vst v21  }
0x2bc: {  	v29 =	vadd.s32 v4, v60;
	v31 =	vld.idx.msk [tilespmem:v37+s4+$0x0], $0xffff;
	[tilespmem:s24+$0x2000] =	vst v28  }
0x2bd: {  	v50 =	vadd.s32 v48, v13;
	[tilespmem:s24+$0x1800] =	vst v20;
	v24 =	vld.idx.msk [tilespmem:v24+s4+$0x0], $0xffff  }
0x2be: {  	v28 =	vmov v23;
	v23 =	vadd.s32 v4, v36;
	v20 =	vld.idx.msk [tilespmem:v55+s4+$0x0], $0xffff  }
0x2bf: {  	v21 =	vadd.s32 v5, v47;
	[tilespmem:s22+$0x1490] =	vst v27;
	v22 =	vld.idx.msk [tilespmem:v22+s4+$0x0], $0xffff  }
0x2c0: {  	[tilespmem:$0x1FFD0] =	vst v28;
	v28 =	vadd.s32 v4, v63;
	v55 =	vadd.s32 v5, v1;
	v1 =	vld [tilespmem:$0x1FDC0]  }
0x2c1: {  	[tilespmem:s24+$0x930] =	vst v34;
	v29 =	vld.idx.msk [tilespmem:v29+s4+$0x0], $0xffff  }
0x2c2: {  	v46 =	vmov v18;
	[tilespmem:s24+$0x1010] =	vst v35;
	v18 =	vld.idx.msk [tilespmem:v50+s4+$0x0], $0xffff  }
0x2c3: {  	v27 =	vadd.s32 v4, v25;
	[tilespmem:s22+$0x24A0] =	vst v31;
	v23 =	vld.idx.msk [tilespmem:v23+s4+$0x0], $0xffff  }
0x2c4: {  	v31 =	vadd.s32 v5, v60;
	v21 =	vld.idx.msk [tilespmem:v21+s4+$0x0], $0xffff;
	[tilespmem:s24+$0x2010] =	vst v24  }
0x2c5: {  	v47 =	vmov v19;
	v19 =	vadd.s32 v3, v13;
	[tilespmem:s22+$0x1BA0] =	vst v20;
	v24 =	vld.idx.msk [tilespmem:v28+s4+$0x0], $0xffff  }
0x2c6: {  	v20 =	vadd.s32 v48, v59;
	v28 =	vadd.s32 v5, v36;
	v36 =	vld [tilespmem:$0x1FDB0];
	[tilespmem:s24+$0x1810] =	vst v22  }
0x2c7: {  	v22 =	vld.idx.msk [tilespmem:v55+s4+$0x0], $0xffff;
	[tilespmem:s22+$0x14A0] =	vst v29  }
0x2c8: {  	v37 =	vadd.s32 v5, v63;
	v27 =	vld.idx.msk [tilespmem:v27+s4+$0x0], $0xffff;
	[tilespmem:s24+$0x980] =	vst v18  }
0x2c9: {  	v29 =	vadd.s32 v48, v53;
	v39 =	vld.idx.msk [tilespmem:v31+s4+$0x0], $0xffff;
	[tilespmem:s24+$0x1020] =	vst v23  }
0x2ca: {  	v18 =	vadd.s32 v5, v25;
	v19 =	vld.idx.msk [tilespmem:v19+s4+$0x0], $0xffff;
	[tilespmem:s22+$0x24B0] =	vst v21  }
0x2cb: {  	v49 =	vimm.s32 $0x3;
	v21 =	vadd.s32 v48, v52;
	v20 =	vld.idx.msk [tilespmem:v20+s4+$0x0], $0xffff;
	[tilespmem:s24+$0x2020] =	vst v24  }
0x2cc: {  	v23 =	vadd.s32 v4, v13;
	v31 =	vperm.xlane v40, v49;
	v28 =	vld.idx.msk [tilespmem:v28+s4+$0x0], $0xffff;
	[tilespmem:s22+$0x1BB0] =	vst v22  }
0x2cd: {  	v40 =	vperm.xlane v41, v49;
	v24 =	vld.idx.msk [tilespmem:v37+s4+$0x0], $0xffff;
	v22 =	vadd.s32 v3, v59;
	[tilespmem:s24+$0x1820] =	vst v27  }
0x2ce: {  	v41 =	vadd.s32 v48, v31;
	v29 =	vld.idx.msk [tilespmem:v29+s4+$0x0], $0xffff;
	[tilespmem:s22+$0x14B0] =	vst v39  }
0x2cf: {  	v27 =	vperm.xlane v38, v49;
	v49 =	vmov v44;
	v44 =	vadd.s32 v48, v40;
	v18 =	vld.idx.msk [tilespmem:v18+s4+$0x0], $0xffff;
	[tilespmem:s24+$0x990] =	vst v19  }
0x2d0: {  	v50 =	vadd.s32 v3, v53;
	v21 =	vld.idx.msk [tilespmem:v21+s4+$0x0], $0xffff;
	[tilespmem:s22+$0x2500] =	vst v20  }
0x2d1: {  	v23 =	vld.idx.msk [tilespmem:v23+s4+$0x0], $0xffff;
	[tilespmem:s24+$0x1030] =	vst v28;
	v20 =	vadd.s32 v3, v52  }
0x2d2: {  	v19 =	vadd.s32 v48, v27;
	v22 =	vld.idx.msk [tilespmem:v22+s4+$0x0], $0xffff;
	[tilespmem:s24+$0x2030] =	vst v24  }
0x2d3: {  	v13 =	vadd.s32 v5, v13;
	v28 =	vld.idx.msk [tilespmem:v41+s4+$0x0], $0xffff;
	[tilespmem:s22+$0x1C00] =	vst v29  }
0x2d4: {  	v24 =	vld.idx.msk [tilespmem:v44+s4+$0x0], $0xffff;
	v29 =	vadd.s32 v4, v59;
	[tilespmem:s24+$0x1830] =	vst v18  }
0x2d5: {  	v55 =	vadd.s32 v3, v31;
	[tilespmem:s22+$0x1500] =	vst v21;
	v18 =	vld.idx.msk [tilespmem:v50+s4+$0x0], $0xffff  }
0x2d6: {  	v60 =	vadd.s32 v3, v40;
	[tilespmem:s24+$0x9A0] =	vst v23;
	v20 =	vld.idx.msk [tilespmem:v20+s4+$0x0], $0xffff  }
0x2d7: {  	v19 =	vld.idx.msk [tilespmem:v19+s4+$0x0], $0xffff;
	[tilespmem:s22+$0x2510] =	vst v22;
	v22 =	vadd.s32 v4, v52  }
0x2d8: {  	v23 =	vadd.s32 v4, v53;
	v13 =	vld.idx.msk [tilespmem:v13+s4+$0x0], $0xffff;
	[tilespmem:s24+$0x1080] =	vst v28  }
0x2d9: {  	v21 =	vadd.s32 v3, v27;
	v28 =	vld.idx.msk [tilespmem:v29+s4+$0x0], $0xffff;
	[tilespmem:s24+$0x2080] =	vst v24  }
0x2da: {  	v34 =	vld.idx.msk [tilespmem:v55+s4+$0x0], $0xffff;
	v29 =	vadd.s32 v48, v10;
	[tilespmem:s22+$0x1C10] =	vst v18  }
0x2db: {  	v24 =	vld.idx.msk [tilespmem:v60+s4+$0x0], $0xffff;
	[tilespmem:s22+$0x1510] =	vst v20  }
0x2dc: {  	v18 =	vadd.s32 v5, v59;
	[tilespmem:s24+$0x1880] =	vst v19;
	v20 =	vld.idx.msk [tilespmem:v22+s4+$0x0], $0xffff  }
0x2dd: {  	v63 =	vadd.s32 v4, v31;
	v19 =	vld.idx.msk [tilespmem:v23+s4+$0x0], $0xffff  }
0x2de: {  	[tilespmem:s24+$0x9B0] =	vst v13;
	v21 =	vld.idx.msk [tilespmem:v21+s4+$0x0], $0xffff;
	v23 =	vadd.s32 v4, v40  }
0x2df: {  	v29 =	vld.idx.msk [tilespmem:v29+s4+$0x0], $0xffff;
	[tilespmem:s22+$0x2520] =	vst v28;
	v28 =	vadd.s32 v5, v52  }
0x2e0: {  	v22 =	vadd.s32 v5, v53;
	[tilespmem:s24+$0x1090] =	vst v34;
	v52 =	vmov v0;
	v0 =	vld [tilespmem:$0x1FE00]  }
0x2e1: {  	v18 =	vld.idx.msk [tilespmem:v18+s4+$0x0], $0xffff;
	[tilespmem:s24+$0x2090] =	vst v24  }
0x2e2: {  	v37 =	vadd.s32 v3, v10;
	v25 =	vld.idx.msk [tilespmem:v63+s4+$0x0], $0xffff;
	[tilespmem:s22+$0x1520] =	vst v20  }
0x2e3: {  	v13 =	vadd.s32 v4, v27;
	v23 =	vld.idx.msk [tilespmem:v23+s4+$0x0], $0xffff;
	[tilespmem:s22+$0x1C20] =	vst v19  }
0x2e4: {  	v20 =	vadd.s32 v5, v27;
	[tilespmem:s24+$0x1890] =	vst v21;
	v27 =	vld.idx.msk [tilespmem:v28+s4+$0x0], $0xffff  }
0x2e5: {  	v19 =	vadd.s32 v48, v0;
	v21 =	vld.idx.msk [tilespmem:v22+s4+$0x0], $0xffff  }
0x2e6: {  	v39 =	vadd.s32 v5, v31;
	[tilespmem:s24+$0xA00] =	vst v29;
	v22 =	vadd.s32 v5, v40;
	v40 =	vld [tilespmem:$0x1FE10]  }
0x2e7: {  	v29 =	vld.idx.msk [tilespmem:v37+s4+$0x0], $0xffff  }
0x2e8: {  	v41 =	vadd.s32 v4, v10;
	[tilespmem:s24+$0x10A0] =	vst v25;
	v13 =	vld.idx.msk [tilespmem:v13+s4+$0x0], $0xffff  }
0x2e9: {  	v59 =	vmov v61;
	v61 =	vld [tilespmem:$0x1FDD0];
	v28 =	vadd.s32 v48, v62;
	[tilespmem:s22+$0x2530] =	vst v18  }
0x2ea: {  	v19 =	vld.idx.msk [tilespmem:v19+s4+$0x0], $0xffff;
	[tilespmem:s24+$0x20A0] =	vst v23  }
0x2eb: {  	v24 =	vld.idx.msk [tilespmem:v39+s4+$0x0], $0xffff;
	v18 =	vadd.s32 v48, v40;
	[tilespmem:s22+$0x1C30] =	vst v21  }
0x2ec: {  	v22 =	vld.idx.msk [tilespmem:v22+s4+$0x0], $0xffff;
	v21 =	vadd.s32 v3, v0;
	[tilespmem:s24+$0xA10] =	vst v29  }
0x2ed: {  	v23 =	vadd.s32 v48, v16;
	[tilespmem:s24+$0x18A0] =	vst v13;
	v25 =	vld.idx.msk [tilespmem:v41+s4+$0x0], $0xffff  }
0x2ee: {  	v12 =	vimm.s32 $0x4;
	v31 =	vadd.s32 v48, v17;
	[tilespmem:s22+$0x1530] =	vst v27;
	v28 =	vld.idx.msk [tilespmem:v28+s4+$0x0], $0xffff  }
0x2ef: {  	v10 =	vadd.s32 v5, v10;
	v13 =	vperm.xlane v38, v12;
	v20 =	vld.idx.msk [tilespmem:v20+s4+$0x0], $0xffff;
	[tilespmem:s22+$0x2580] =	vst v19  }
0x2f0: {  	v29 =	vadd.s32 v3, v62;
	v18 =	vld.idx.msk [tilespmem:v18+s4+$0x0], $0xffff;
	[tilespmem:s24+$0x10B0] =	vst v24  }
0x2f1: {  	v27 =	vadd.s32 v48, v13;
	v21 =	vld.idx.msk [tilespmem:v21+s4+$0x0], $0xffff;
	[tilespmem:s24+$0x20B0] =	vst v22  }
0x2f2: {  	v19 =	vadd.s32 v3, v40;
	v23 =	vld.idx.msk [tilespmem:v23+s4+$0x0], $0xffff;
	[tilespmem:s24+$0xA20] =	vst v25  }
0x2f3: {  	v50 =	vadd.s32 v4, v0;
	v22 =	vld.idx.msk [tilespmem:v31+s4+$0x0], $0xffff;
	[tilespmem:s22+$0x1C80] =	vst v28  }
0x2f4: {  	v28 =	vadd.s32 v3, v16;
	v10 =	vld.idx.msk [tilespmem:v10+s4+$0x0], $0xffff;
	[tilespmem:s24+$0x18B0] =	vst v20  }
0x2f5: {  	v20 =	vld.idx.msk [tilespmem:v29+s4+$0x0], $0xffff;
	v29 =	vadd.s32 v3, v17  }
0x2f6: {  	v27 =	vld.idx.msk [tilespmem:v27+s4+$0x0], $0xffff;
	[tilespmem:s22+$0x1580] =	vst v18  }
0x2f7: {  	v55 =	vadd.s32 v4, v62;
	[tilespmem:s22+$0x2590] =	vst v21;
	v19 =	vld.idx.msk [tilespmem:v19+s4+$0x0], $0xffff  }
0x2f8: {  	v18 =	vadd.s32 v3, v13;
	[tilespmem:s24+$0x1100] =	vst v23;
	v23 =	vld.idx.msk [tilespmem:v50+s4+$0x0], $0xffff  }
0x2f9: {  	[tilespmem:s24+$0x2100] =	vst v22;
	v28 =	vld.idx.msk [tilespmem:v28+s4+$0x0], $0xffff  }
0x2fa: {  	v21 =	vadd.s32 v4, v40;
	v22 =	vld.idx.msk [tilespmem:v29+s4+$0x0], $0xffff;
	[tilespmem:s22+$0x1C90] =	vst v20  }
0x2fb: {  	v20 =	vadd.s32 v5, v0;
	v0 =	vld [tilespmem:$0x1FE20];
	[tilespmem:s24+$0x1900] =	vst v27  }
0x2fc: {  	v29 =	vadd.s32 v4, v16;
	v25 =	vld.idx.msk [tilespmem:v55+s4+$0x0], $0xffff  }
0x2fd: {  	v12 =	vmov v40;
	v27 =	vld.idx.msk [tilespmem:v18+s4+$0x0], $0xffff;
	[tilespmem:s22+$0x1590] =	vst v19  }
0x2fe: {  	[tilespmem:s22+$0x25A0] =	vst v23;
	v23 =	vadd.s32 v5, v12;
	v12 =	vld [tilespmem:$0x1FE50]  }
0x2ff: {  	v31 =	vadd.s32 v4, v17;
	v19 =	vld.idx.msk [tilespmem:v21+s4+$0x0], $0xffff  }
0x300: {  	v21 =	vadd.s32 v5, v62;
	[tilespmem:s24+$0x1110] =	vst v28;
	v20 =	vld.idx.msk [tilespmem:v20+s4+$0x0], $0xffff  }
0x301: {  	[tilespmem:s24+$0xA30] =	vst v10;
	v10 =	vadd.s32 v4, v13;
	v60 =	vld.idx.msk [tilespmem:v29+s4+$0x0], $0xffff  }
0x302: {  	[tilespmem:s24+$0x2110] =	vst v22;
	v29 =	vld [tilespmem:$0x1FE40]  }
0x303: {  	v41 =	vmov v0;
	v0 =	vld [tilespmem:$0x1FE30];
	[tilespmem:s22+$0x1CA0] =	vst v25  }
0x304: {  	v28 =	vld.idx.msk [tilespmem:v31+s4+$0x0], $0xffff;
	[tilespmem:s24+$0x1910] =	vst v27  }
0x305: {  	v22 =	vadd.s32 v48, v54;
	v21 =	vld.idx.msk [tilespmem:v21+s4+$0x0], $0xffff  }
0x306: {  	v16 =	vadd.s32 v5, v16;
	[tilespmem:s22+$0x15A0] =	vst v19;
	v10 =	vld.idx.msk [tilespmem:v10+s4+$0x0], $0xffff  }
0x307: {  	[tilespmem:s21+$0x2630] =	vst v12;
	v19 =	vld.idx.msk [tilespmem:v23+s4+$0x0], $0xffff;
	v23 =	vadd.s32 v48, v29  }
0x308: {  	v13 =	vadd.s32 v5, v13;
	v62 =	vmov v30;
	v30 =	vld [tilespmem:$0x1FE60];
	[tilespmem:s22+$0x25B0] =	vst v20  }
0x309: {  	v53 =	vmov v58;
	v58 =	vld [tilespmem:$0x1FDE0];
	v63 =	vadd.s32 v48, v0;
	[tilespmem:s24+$0x1120] =	vst v60  }
0x30a: {  	v44 =	vmov v56;
	v56 =	vadd.s32 v48, v36;
	v20 =	vld.idx.msk [tilespmem:v22+s4+$0x0], $0xffff;
	[tilespmem:s22+$0x1CB0] =	vst v21  }
0x30b: {  	v17 =	vadd.s32 v5, v17;
	v16 =	vld.idx.msk [tilespmem:v16+s4+$0x0], $0xffff;
	[tilespmem:s24+$0x1920] =	vst v10  }
0x30c: {  	v10 =	vld.idx.msk [tilespmem:v23+s4+$0x0], $0xffff  }
0x30d: {  	v22 =	vadd.s32 v48, v30;
	v13 =	vld.idx.msk [tilespmem:v13+s4+$0x0], $0xffff  }
0x30e: {  	v37 =	vld.idx.msk [tilespmem:v63+s4+$0x0], $0xffff;
	[tilespmem:s24+$0x2120] =	vst v28;
	v28 =	vadd.s32 v3, v29  }
0x30f: {  	v18 =	vld.idx.msk [tilespmem:v56+s4+$0x0], $0xffff;
	v27 =	vadd.s32 v48, v11;
	[tilespmem:s22+$0x15B0] =	vst v19  }
0x310: {  	v39 =	vadd.s32 v3, v54;
	v17 =	vld.idx.msk [tilespmem:v17+s4+$0x0], $0xffff;
	[tilespmem:s21+$0x2680] =	vst v20  }
0x311: {  	v56 =	vld [tilespmem:$0x1FE80];
	v21 =	vadd.s32 v3, v0;
	[tilespmem:s22+$0x1D00] =	vst v10  }
0x312: {  	v19 =	vadd.s32 v48, v15;
	v22 =	vld.idx.msk [tilespmem:v22+s4+$0x0], $0xffff;
	[tilespmem:s24+$0x1930] =	vst v13  }
0x313: {  	[tilespmem:s24+$0x1130] =	vst v16;
	v13 =	vld.idx.msk [tilespmem:v28+s4+$0x0], $0xffff  }
0x314: {  	v16 =	vadd.s32 v3, v30;
	v40 =	vld.idx.msk [tilespmem:v27+s4+$0x0], $0xffff;
	[tilespmem:s22+$0x2600] =	vst v37  }
0x315: {  	v23 =	vadd.s32 v48, v14;
	v20 =	vld.idx.msk [tilespmem:v39+s4+$0x0], $0xffff  }
0x316: {  	v50 =	vadd.s32 v3, v11;
	v21 =	vld.idx.msk [tilespmem:v21+s4+$0x0], $0xffff;
	[tilespmem:s24+$0x2130] =	vst v17  }
0x317: {  	v17 =	vadd.s32 v4, v54;
	[tilespmem:s22+$0x1600] =	vst v22;
	v19 =	vld.idx.msk [tilespmem:v19+s4+$0x0], $0xffff  }
0x318: {  	v10 =	vadd.s32 v4, v0;
	[tilespmem:s22+$0x1D10] =	vst v13;
	v13 =	vadd.s32 v5, v0;
	v0 =	vld [tilespmem:$0x1FE90]  }
0x319: {  	v16 =	vld.idx.msk [tilespmem:v16+s4+$0x0], $0xffff;
	[tilespmem:s24+$0x1180] =	vst v40  }
0x31a: {  	v23 =	vld.idx.msk [tilespmem:v23+s4+$0x0], $0xffff;
	[tilespmem:s21+$0x2690] =	vst v20  }
0x31b: {  	v27 =	vadd.s32 v3, v14;
	v24 =	vld.idx.msk [tilespmem:v50+s4+$0x0], $0xffff;
	[tilespmem:s22+$0x2610] =	vst v21  }
0x31c: {  	v22 =	vadd.s32 v4, v29;
	v17 =	vld.idx.msk [tilespmem:v17+s4+$0x0], $0xffff  }
0x31d: {  	v39 =	vmov v0;
	v0 =	vld [tilespmem:$0x1FEA0]  }
0x31e: {  	v20 =	vadd.s32 v3, v15;
	v10 =	vld.idx.msk [tilespmem:v10+s4+$0x0], $0xffff  }
0x31f: {  	v21 =	vadd.s32 v4, v30;
	[tilespmem:s24+$0x2180] =	vst v23;
	v23 =	vadd.s32 v5, v54;
	v54 =	vld [tilespmem:$0x1FE70]  }
0x320: {  	v60 =	vld.idx.msk [tilespmem:v27+s4+$0x0], $0xffff;
	[tilespmem:s24+$0x1980] =	vst v19  }
0x321: {  	v22 =	vld.idx.msk [tilespmem:v22+s4+$0x0], $0xffff  }
0x322: {  	[tilespmem:s22+$0x1610] =	vst v16;
	v40 =	vmov v0;
	v0 =	vld [tilespmem:$0x1FEB0]  }
0x323: {  	v31 =	vmov v7;
	v7 =	vadd.s32 v4, v11;
	v63 =	vld.idx.msk [tilespmem:v20+s4+$0x0], $0xffff;
	[tilespmem:s21+$0x26A0] =	vst v17  }
0x324: {  	v12 =	vmov v29;
	v27 =	vadd.s32 v4, v14;
	v21 =	vld.idx.msk [tilespmem:v21+s4+$0x0], $0xffff;
	[tilespmem:s22+$0x2620] =	vst v10  }
0x325: {  	v16 =	vadd.s32 v4, v15;
	v15 =	vadd.s32 v5, v12;
	v23 =	vld.idx.msk [tilespmem:v23+s4+$0x0], $0xffff  }
0x326: {  	v55 =	vmov v32;
	[tilespmem:s24+$0x1190] =	vst v24;
	v32 =	vld.idx.msk [tilespmem:v13+s4+$0x0], $0xffff  }
0x327: {  	p2 =	slt.u32 s23, $0x14;
	v10 =	vadd.s32 v5, v30;
	[tilespmem:s24+$0x2190] =	vst v60;
	v20 =	vadd.s32 v5, v0;
	v0 =	vld [tilespmem:$0x1FEC0]  }
.Ltmp5:
0x328: {  	v7 =	vld.idx.msk [tilespmem:v7+s4+$0x0], $0xffff;
	[tilespmem:s22+$0x1D20] =	vst v22;
	(pc) =	sbr.rel @p2 .LBB2_4-.Ltmp5, $4  }
0x329: {  	v13 =	vld.idx.msk [tilespmem:v27+s4+$0x0], $0xffff;
	[tilespmem:s24+$0x1990] =	vst v63  }
0x32a: {  	v45 =	vimm.s32 $0x5;
	v15 =	vld.idx.msk [tilespmem:v15+s4+$0x0], $0xffff  }
0x32b: {  	v33 =	vimm.s32 $0x0;
	v35 =	vimm.s32 $0x4;
	v29 =	vmovc v26;
	v28 =	vmovc v56;
	v19 =	vadd.s32 v3, v36;
	v16 =	vld.idx.msk [tilespmem:v16+s4+$0x0], $0xffff;
	[tilespmem:s22+$0x1620] =	vst v21  }
0x32c: {  	s23 =	sadd.s32 $0x4, s23;
	v34 =	vimm.s32 $0x7;
	v17 =	vadd.s32 v5, v14;
	v14 =	vadd.s32 v48, v43;
	v10 =	vld.idx.msk [tilespmem:v10+s4+$0x0], $0xffff;
	[tilespmem:s21+$0x26B0] =	vst v23;
	s21 =	smov.u32 s22;
	s22 =	smov.u32 s24;
	v37 =	vmovc v0  }
0x32d: {  	_ =	sdelay $0x1  }
0x32e: {  	[tilespmem:s22+$0xA80] =	vst v18  }
0x32f: {  	[tilespmem:s22+$0x11A0] =	vst v7  }
0x330: {  	v63 =	vld.idx.msk [tilespmem:v20+s4+$0x0], $0xffff;
	v7 =	vadd.s32 v5, v11;
	[tilespmem:s22+$0x21A0] =	vst v13  }
0x331: {  	v23 =	vld [tilespmem:$0x1FEF0];
	[tilespmem:s21+$0x1D30] =	vst v15  }
0x332: {  	v17 =	vld.idx.msk [tilespmem:v17+s4+$0x0], $0xffff;
	[tilespmem:s22+$0x19A0] =	vst v16  }
0x333: {  	v22 =	vld [tilespmem:$0x1FED0]  }
0x334: {  	v24 =	vimm.s32 $0x6;
	v60 =	vadd.s32 v48, v9;
	v14 =	vld.idx.msk [tilespmem:v14+s4+$0x0], $0xffff  }
0x335: {  	v16 =	vperm.xlane v38, v24;
	v7 =	vld.idx.msk [tilespmem:v7+s4+$0x0], $0xffff;
	[tilespmem:s21+$0xC30] =	vst v63;
	v63 =	vadd.s32 v3, v43  }
0x336: {  	v26 =	vadd.s32 v48, v8;
	v12 =	vld.idx.msk [tilespmem:v42+s4+$0x0], $0xffff  }
0x337: {  	[tilespmem:s21+$0x1630] =	vst v10;
	v25 =	vadd.s32 v48, v16  }
0x338: {  	v11 =	vld.idx.msk [tilespmem:v19+s4+$0x0], $0xffff;
	[tilespmem:s22+$0x21B0] =	vst v17;
	v56 =	vadd.s32 v48, v22  }
0x339: {  	v50 =	vadd.s32 v4, v36;
	[tilespmem:s21+$0x1D80] =	vst v14;
	v10 =	vld.idx.msk [tilespmem:v60+s4+$0x0], $0xffff  }
0x33a: {  	v13 =	vadd.s32 v48, v23;
	[tilespmem:s22+$0x11B0] =	vst v7;
	v18 =	vld.idx.msk [tilespmem:v63+s4+$0x0], $0xffff  }
0x33b: {  	[tilespmem:s22+$0x19B0] =	vst v12;
	v17 =	vld.idx.msk [tilespmem:v26+s4+$0x0], $0xffff  }
0x33c: {  	v60 =	vadd.s32 v3, v8;
	v21 =	vld.idx.msk [tilespmem:v25+s4+$0x0], $0xffff  }
0x33d: {  	[tilespmem:s22+$0xA90] =	vst v11;
	v63 =	vadd.s32 v3, v16;
	v15 =	vld.idx.msk [tilespmem:v56+s4+$0x0], $0xffff  }
0x33e: {  	v19 =	vld.idx.msk [tilespmem:v50+s4+$0x0], $0xffff  }
0x33f: {  	v50 =	vadd.s32 v3, v9;
	v13 =	vld.idx.msk [tilespmem:v13+s4+$0x0], $0xffff  }
0x340: {  	v27 =	vadd.s32 v3, v23;
	[tilespmem:s22+$0x1200] =	vst v17  }
0x341: {  	v36 =	vadd.s32 v5, v36;
	[tilespmem:s22+$0x1A00] =	vst v21;
	v14 =	vld.idx.msk [tilespmem:v60+s4+$0x0], $0xffff  }
0x342: {  	v25 =	vadd.s32 v4, v8;
	[tilespmem:s21+$0xC80] =	vst v15;
	v15 =	vld.idx.msk [tilespmem:v63+s4+$0x0], $0xffff  }
0x343: {  	v26 =	vadd.s32 v4, v16;
	[tilespmem:s22+$0x2200] =	vst v10  }
0x344: {  	v42 =	vadd.s32 v3, v22;
	[tilespmem:s21+$0x1680] =	vst v13;
	v13 =	vld.idx.msk [tilespmem:v50+s4+$0x0], $0xffff  }
0x345: {  	[tilespmem:s22+$0xAA0] =	vst v19;
	v7 =	vld.idx.msk [tilespmem:v27+s4+$0x0], $0xffff;
	v27 =	vadd.s32 v4, v9  }
0x346: {  	v12 =	vld.idx.msk [tilespmem:v36+s4+$0x0], $0xffff;
	v56 =	vadd.s32 v4, v43;
	[tilespmem:s22+$0x1210] =	vst v14  }
0x347: {  	v14 =	vld.idx.msk [tilespmem:v25+s4+$0x0], $0xffff;
	[tilespmem:s22+$0x1A10] =	vst v15  }
0x348: {  	v36 =	vadd.s32 v5, v8;
	v15 =	vld.idx.msk [tilespmem:v26+s4+$0x0], $0xffff  }
0x349: {  	v11 =	vld.idx.msk [tilespmem:v42+s4+$0x0], $0xffff;
	v42 =	vadd.s32 v5, v16;
	[tilespmem:s22+$0x2210] =	vst v13  }
0x34a: {  	[tilespmem:s21+$0x1D90] =	vst v18;
	v50 =	vld.idx.msk [tilespmem:v27+s4+$0x0], $0xffff  }
0x34b: {  	v10 =	vld.idx.msk [tilespmem:v56+s4+$0x0], $0xffff;
	v56 =	vadd.s32 v5, v9  }
0x34c: {  	[tilespmem:s22+$0x1220] =	vst v14  }
0x34d: {  	v8 =	vld.idx.msk [tilespmem:v36+s4+$0x0], $0xffff;
	[tilespmem:s22+$0x1A20] =	vst v15  }
0x34e: {  	v13 =	vld.idx.msk [tilespmem:v42+s4+$0x0], $0xffff  }
0x34f: {  	v60 =	vadd.s32 v48, v2;
	[tilespmem:s22+$0x2220] =	vst v50  }
0x350: {  	v63 =	vadd.s32 v48, v6;
	v9 =	vld.idx.msk [tilespmem:v56+s4+$0x0], $0xffff  }
0x351: {  	v20 =	vadd.s32 v48, v57  }
0x352: {  	[tilespmem:s22+$0x1230] =	vst v8  }
0x353: {  	[tilespmem:s22+$0x1A30] =	vst v13  }
0x354: {  	v21 =	vld.idx.msk [tilespmem:v60+s4+$0x0], $0xffff  }
0x355: {  	v25 =	vadd.s32 v3, v2;
	[tilespmem:s22+$0x2230] =	vst v9;
	v13 =	vld.idx.msk [tilespmem:v63+s4+$0x0], $0xffff  }
0x356: {  	v26 =	vadd.s32 v3, v6;
	v27 =	vld.idx.msk [tilespmem:v20+s4+$0x0], $0xffff  }
0x357: {  	v36 =	vadd.s32 v3, v57;
	_ =	sdelay $0x1  }
0x358: {  	[tilespmem:s22+$0x1280] =	vst v21  }
0x359: {  	[tilespmem:s22+$0x1A80] =	vst v13;
	v8 =	vld.idx.msk [tilespmem:v25+s4+$0x0], $0xffff  }
0x35a: {  	v42 =	vadd.s32 v4, v2;
	[tilespmem:s22+$0x2280] =	vst v27;
	v9 =	vld.idx.msk [tilespmem:v26+s4+$0x0], $0xffff  }
0x35b: {  	v50 =	vadd.s32 v4, v6;
	v15 =	vld.idx.msk [tilespmem:v36+s4+$0x0], $0xffff  }
0x35c: {  	v56 =	vadd.s32 v4, v57;
	_ =	sdelay $0x1  }
0x35d: {  	[tilespmem:s22+$0x1290] =	vst v8  }
0x35e: {  	[tilespmem:s22+$0x1A90] =	vst v9;
	v8 =	vld.idx.msk [tilespmem:v42+s4+$0x0], $0xffff  }
0x35f: {  	[tilespmem:s22+$0x2290] =	vst v15;
	v9 =	vld.idx.msk [tilespmem:v50+s4+$0x0], $0xffff  }
0x360: {  	v60 =	vld.idx.msk [tilespmem:v56+s4+$0x0], $0xffff;
	_ =	sdelay $0x2  }
0x361: {  	v6 =	vadd.s32 v5, v6;
	[tilespmem:s22+$0x12A0] =	vst v8  }
0x362: {  	v2 =	vadd.s32 v5, v2;
	[tilespmem:s22+$0x1AA0] =	vst v9  }
0x363: {  	v0 =	vadd.s32 v5, v57;
	v18 =	vld [tilespmem:$0x1FF80];
	[tilespmem:s22+$0x22A0] =	vst v60  }
0x364: {  	v17 =	vimm.s32 $0x8;
	v25 =	vld [tilespmem:$0x1FF10]  }
0x365: {  	v8 =	vperm.xlane v38, v17;
	v27 =	vld [tilespmem:$0x1FF70]  }
0x366: {  	v6 =	vld.idx.msk [tilespmem:v6+s4+$0x0], $0xffff  }
0x367: {  	v2 =	vld.idx.msk [tilespmem:v2+s4+$0x0], $0xffff;
	v21 =	vadd.s32 v48, v8  }
0x368: {  	v0 =	vld.idx.msk [tilespmem:v0+s4+$0x0], $0xffff;
	v63 =	vadd.s32 v48, v18  }
0x369: {  	v26 =	vadd.s32 v48, v25  }
0x36a: {  	[tilespmem:s22+$0xAB0] =	vst v12;
	v36 =	vadd.s32 v48, v27  }
0x36b: {  	[tilespmem:s22+$0x1AB0] =	vst v6  }
0x36c: {  	[tilespmem:s22+$0x12B0] =	vst v2;
	v6 =	vld.idx.msk [tilespmem:v21+s4+$0x0], $0xffff  }
0x36d: {  	[tilespmem:s22+$0x22B0] =	vst v0;
	v0 =	vadd.s32 v3, v8;
	v2 =	vld.idx.msk [tilespmem:v63+s4+$0x0], $0xffff  }
0x36e: {  	v38 =	vadd.s32 v3, v18;
	v12 =	vld.idx.msk [tilespmem:v26+s4+$0x0], $0xffff  }
0x36f: {  	v42 =	vadd.s32 v3, v25;
	v50 =	vld.idx.msk [tilespmem:v36+s4+$0x0], $0xffff  }
0x370: {  	v56 =	vadd.s32 v3, v27  }
0x371: {  	[tilespmem:s22+$0x1B00] =	vst v6  }
0x372: {  	v0 =	vld.idx.msk [tilespmem:v0+s4+$0x0], $0xffff;
	[tilespmem:s22+$0x1300] =	vst v2  }
0x373: {  	v60 =	vadd.s32 v4, v8;
	v2 =	vld.idx.msk [tilespmem:v38+s4+$0x0], $0xffff;
	[tilespmem:s22+$0xB00] =	vst v12  }
0x374: {  	v6 =	vadd.s32 v4, v18;
	[tilespmem:s22+$0x2300] =	vst v50;
	v57 =	vld.idx.msk [tilespmem:v42+s4+$0x0], $0xffff  }
0x375: {  	v63 =	vadd.s32 v4, v25;
	v14 =	vld.idx.msk [tilespmem:v56+s4+$0x0], $0xffff  }
0x376: {  	v20 =	vadd.s32 v4, v27  }
0x377: {  	[tilespmem:s22+$0x1B10] =	vst v0  }
0x378: {  	[tilespmem:s22+$0x1310] =	vst v2;
	v2 =	vld.idx.msk [tilespmem:v60+s4+$0x0], $0xffff  }
0x379: {  	v0 =	vld.idx.msk [tilespmem:v6+s4+$0x0], $0xffff;
	[tilespmem:s22+$0xB10] =	vst v57  }
0x37a: {  	v6 =	vadd.s32 v5, v18;
	[tilespmem:s22+$0x2310] =	vst v14;
	v9 =	vld.idx.msk [tilespmem:v63+s4+$0x0], $0xffff  }
0x37b: {  	v21 =	vadd.s32 v5, v25;
	v25 =	vld.idx.msk [tilespmem:v20+s4+$0x0], $0xffff;
	_ =	sdelay $0x1  }
0x37c: {  	[tilespmem:s22+$0x1B20] =	vst v2  }
0x37d: {  	v8 =	vadd.s32 v5, v8;
	[tilespmem:s22+$0x1320] =	vst v0  }
0x37e: {  	v0 =	vld.idx.msk [tilespmem:v6+s4+$0x0], $0xffff;
	[tilespmem:s22+$0xB20] =	vst v9  }
0x37f: {  	v26 =	vadd.s32 v5, v27;
	v27 =	vld [tilespmem:$0x1FFA0];
	[tilespmem:s22+$0x2320] =	vst v25  }
0x380: {  	v42 =	vld [tilespmem:$0x1FF20]  }
0x381: {  	v56 =	vld [tilespmem:$0x1FF90]  }
0x382: {  	v6 =	vld.idx.msk [tilespmem:v8+s4+$0x0], $0xffff  }
0x383: {  	v38 =	vadd.s32 v48, v46  }
0x384: {  	v36 =	vld.idx.msk [tilespmem:v21+s4+$0x0], $0xffff;
	v2 =	vadd.s32 v48, v27  }
0x385: {  	v13 =	vld.idx.msk [tilespmem:v26+s4+$0x0], $0xffff;
	v50 =	vadd.s32 v48, v42  }
0x386: {  	v57 =	vadd.s32 v48, v56  }
0x387: {  	[tilespmem:s22+$0x1B30] =	vst v6  }
0x388: {  	[tilespmem:s22+$0x1330] =	vst v0;
	v6 =	vld.idx.msk [tilespmem:v38+s4+$0x0], $0xffff  }
0x389: {  	v60 =	vadd.s32 v3, v46;
	[tilespmem:s22+$0xB30] =	vst v36;
	v0 =	vld.idx.msk [tilespmem:v2+s4+$0x0], $0xffff  }
0x38a: {  	[tilespmem:s22+$0x2330] =	vst v13;
	v2 =	vadd.s32 v3, v27;
	v8 =	vld.idx.msk [tilespmem:v50+s4+$0x0], $0xffff  }
0x38b: {  	v63 =	vadd.s32 v3, v42;
	v13 =	vld.idx.msk [tilespmem:v57+s4+$0x0], $0xffff  }
0x38c: {  	v19 =	vadd.s32 v3, v56  }
0x38d: {  	[tilespmem:s22+$0x1B80] =	vst v6  }
0x38e: {  	v6 =	vld.idx.msk [tilespmem:v60+s4+$0x0], $0xffff;
	[tilespmem:s22+$0x1380] =	vst v0  }
0x38f: {  	v20 =	vadd.s32 v4, v46;
	v0 =	vld.idx.msk [tilespmem:v2+s4+$0x0], $0xffff;
	[tilespmem:s22+$0xB80] =	vst v8  }
0x390: {  	v2 =	vadd.s32 v4, v27;
	[tilespmem:s22+$0x2380] =	vst v13;
	v8 =	vld.idx.msk [tilespmem:v63+s4+$0x0], $0xffff  }
0x391: {  	v21 =	vadd.s32 v4, v42;
	v13 =	vld.idx.msk [tilespmem:v19+s4+$0x0], $0xffff  }
0x392: {  	v25 =	vadd.s32 v4, v56  }
0x393: {  	[tilespmem:s22+$0x1B90] =	vst v6  }
0x394: {  	v6 =	vld.idx.msk [tilespmem:v20+s4+$0x0], $0xffff;
	[tilespmem:s22+$0x1390] =	vst v0  }
0x395: {  	v0 =	vld.idx.msk [tilespmem:v2+s4+$0x0], $0xffff;
	[tilespmem:s22+$0xB90] =	vst v8  }
0x396: {  	[tilespmem:s22+$0x2390] =	vst v13;
	v8 =	vld.idx.msk [tilespmem:v21+s4+$0x0], $0xffff  }
0x397: {  	v13 =	vld.idx.msk [tilespmem:v25+s4+$0x0], $0xffff;
	_ =	sdelay $0x1  }
0x398: {  	v26 =	vadd.s32 v5, v46;
	[tilespmem:s22+$0x1BA0] =	vst v6  }
0x399: {  	v2 =	vadd.s32 v5, v27;
	v27 =	vadd.s32 v5, v42;
	[tilespmem:s22+$0x13A0] =	vst v0  }
0x39a: {  	[tilespmem:s22+$0xBA0] =	vst v8  }
0x39b: {  	v36 =	vadd.s32 v5, v56;
	v38 =	vld [tilespmem:$0x1FFC0];
	[tilespmem:s22+$0x23A0] =	vst v13  }
0x39c: {  	v50 =	vld [tilespmem:$0x1FFB0]  }
0x39d: {  	v6 =	vld.idx.msk [tilespmem:v26+s4+$0x0], $0xffff  }
0x39e: {  	v42 =	vadd.s32 v48, v53;
	v8 =	vld.idx.msk [tilespmem:v27+s4+$0x0], $0xffff  }
0x39f: {  	v46 =	vadd.s32 v48, v37;
	v0 =	vld.idx.msk [tilespmem:v2+s4+$0x0], $0xffff  }
0x3a0: {  	v13 =	vld.idx.msk [tilespmem:v36+s4+$0x0], $0xffff;
	v2 =	vadd.s32 v48, v38  }
0x3a1: {  	v56 =	vadd.s32 v48, v50  }
0x3a2: {  	[tilespmem:s22+$0x1BB0] =	vst v6  }
0x3a3: {  	v6 =	vld.idx.msk [tilespmem:v42+s4+$0x0], $0xffff;
	[tilespmem:s22+$0xBB0] =	vst v8  }
0x3a4: {  	v57 =	vadd.s32 v3, v53;
	[tilespmem:s22+$0x13B0] =	vst v0;
	v8 =	vld.idx.msk [tilespmem:v46+s4+$0x0], $0xffff  }
0x3a5: {  	v60 =	vadd.s32 v3, v37;
	[tilespmem:s22+$0x23B0] =	vst v13;
	v0 =	vld.idx.msk [tilespmem:v2+s4+$0x0], $0xffff  }
0x3a6: {  	v2 =	vadd.s32 v3, v38;
	v13 =	vld.idx.msk [tilespmem:v56+s4+$0x0], $0xffff  }
0x3a7: {  	v63 =	vadd.s32 v3, v50  }
0x3a8: {  	[tilespmem:s22+$0x1C00] =	vst v6  }
0x3a9: {  	v6 =	vld.idx.msk [tilespmem:v57+s4+$0x0], $0xffff;
	[tilespmem:s22+$0xC00] =	vst v8  }
0x3aa: {  	v18 =	vadd.s32 v4, v53;
	v8 =	vld.idx.msk [tilespmem:v60+s4+$0x0], $0xffff;
	[tilespmem:s22+$0x1400] =	vst v0  }
0x3ab: {  	v19 =	vadd.s32 v4, v37;
	v0 =	vld.idx.msk [tilespmem:v2+s4+$0x0], $0xffff;
	[tilespmem:s22+$0x2400] =	vst v13  }
0x3ac: {  	v2 =	vadd.s32 v4, v38;
	v13 =	vld.idx.msk [tilespmem:v63+s4+$0x0], $0xffff  }
0x3ad: {  	v20 =	vadd.s32 v4, v50  }
0x3ae: {  	[tilespmem:s22+$0x1C10] =	vst v6  }
0x3af: {  	v6 =	vld.idx.msk [tilespmem:v18+s4+$0x0], $0xffff;
	[tilespmem:s22+$0xC10] =	vst v8  }
0x3b0: {  	v8 =	vld.idx.msk [tilespmem:v19+s4+$0x0], $0xffff;
	[tilespmem:s22+$0x1410] =	vst v0  }
0x3b1: {  	v0 =	vld.idx.msk [tilespmem:v2+s4+$0x0], $0xffff;
	[tilespmem:s22+$0x2410] =	vst v13  }
0x3b2: {  	v2 =	vadd.s32 v5, v38;
	v25 =	vld.idx.msk [tilespmem:v20+s4+$0x0], $0xffff;
	_ =	sdelay $0x1  }
0x3b3: {  	[tilespmem:s22+$0x1C20] =	vst v6  }
0x3b4: {  	[tilespmem:s22+$0xC20] =	vst v8  }
0x3b5: {  	v21 =	vadd.s32 v5, v53;
	[tilespmem:s22+$0x1420] =	vst v0  }
0x3b6: {  	v26 =	vadd.s32 v5, v37;
	v0 =	vld.idx.msk [tilespmem:v2+s4+$0x0], $0xffff;
	[tilespmem:s22+$0x2420] =	vst v25  }
0x3b7: {  	v27 =	vadd.s32 v5, v50;
	v38 =	vld [tilespmem:$0x1FF30]  }
0x3b8: {  	v2 =	vadd.s32 v48, v47;
	v46 =	vld [tilespmem:$0x1FFD0];
	_ =	sdelay $0x1  }
0x3b9: {  	v6 =	vld.idx.msk [tilespmem:v21+s4+$0x0], $0xffff  }
0x3ba: {  	v36 =	vadd.s32 v48, v62;
	v37 =	vld.idx.msk [tilespmem:v26+s4+$0x0], $0xffff  }
0x3bb: {  	v12 =	vld.idx.msk [tilespmem:v27+s4+$0x0], $0xffff;
	[tilespmem:s22+$0x1430] =	vst v0;
	v42 =	vadd.s32 v48, v38  }
0x3bc: {  	v50 =	vadd.s32 v48, v46;
	v0 =	vld.idx.msk [tilespmem:v2+s4+$0x0], $0xffff  }
0x3bd: {  	v2 =	vadd.s32 v3, v47  }
0x3be: {  	[tilespmem:s22+$0x1C30] =	vst v6  }
0x3bf: {  	[tilespmem:s22+$0xC30] =	vst v37;
	v6 =	vld.idx.msk [tilespmem:v36+s4+$0x0], $0xffff  }
0x3c0: {  	v53 =	vadd.s32 v3, v62;
	[tilespmem:s22+$0x2430] =	vst v12;
	v9 =	vld.idx.msk [tilespmem:v42+s4+$0x0], $0xffff  }
0x3c1: {  	v12 =	vld.idx.msk [tilespmem:v50+s4+$0x0], $0xffff;
	[tilespmem:s22+$0x1480] =	vst v0;
	v0 =	vadd.s32 v4, v22  }
0x3c2: {  	v56 =	vadd.s32 v3, v38;
	v2 =	vld.idx.msk [tilespmem:v2+s4+$0x0], $0xffff  }
0x3c3: {  	[tilespmem:s21+$0xC90] =	vst v11;
	v57 =	vadd.s32 v3, v46  }
0x3c4: {  	[tilespmem:s22+$0x1C80] =	vst v6  }
0x3c5: {  	v6 =	vadd.s32 v4, v47;
	v8 =	vld.idx.msk [tilespmem:v53+s4+$0x0], $0xffff;
	[tilespmem:s22+$0xC80] =	vst v9  }
0x3c6: {  	v60 =	vadd.s32 v4, v62;
	[tilespmem:s22+$0x2480] =	vst v12;
	v0 =	vld.idx.msk [tilespmem:v0+s4+$0x0], $0xffff  }
0x3c7: {  	v63 =	vld.idx.msk [tilespmem:v56+s4+$0x0], $0xffff;
	[tilespmem:s22+$0x1490] =	vst v2;
	v2 =	vadd.s32 v5, v22  }
0x3c8: {  	v19 =	vadd.s32 v4, v38;
	v18 =	vld.idx.msk [tilespmem:v57+s4+$0x0], $0xffff  }
0x3c9: {  	v20 =	vadd.s32 v4, v46  }
0x3ca: {  	[tilespmem:s22+$0x1C90] =	vst v8;
	v6 =	vld.idx.msk [tilespmem:v6+s4+$0x0], $0xffff  }
0x3cb: {  	v9 =	vld.idx.msk [tilespmem:v60+s4+$0x0], $0xffff;
	[tilespmem:s21+$0xCA0] =	vst v0  }
0x3cc: {  	v21 =	vadd.s32 v5, v47;
	[tilespmem:s22+$0xC90] =	vst v63;
	v2 =	vld.idx.msk [tilespmem:v2+s4+$0x0], $0xffff  }
0x3cd: {  	[tilespmem:s22+$0x2490] =	vst v18;
	v12 =	vld.idx.msk [tilespmem:v19+s4+$0x0], $0xffff  }
0x3ce: {  	[tilespmem:s21+$0x1690] =	vst v7;
	v0 =	vld.idx.msk [tilespmem:v20+s4+$0x0], $0xffff  }
0x3cf: {  	[tilespmem:s22+$0x14A0] =	vst v6  }
0x3d0: {  	v22 =	vadd.s32 v5, v62;
	v26 =	vld [tilespmem:$0x1FEE0];
	[tilespmem:s22+$0x1CA0] =	vst v9  }
0x3d1: {  	v7 =	vadd.s32 v5, v46;
	v8 =	vld.idx.msk [tilespmem:v21+s4+$0x0], $0xffff;
	[tilespmem:s21+$0xCB0] =	vst v2  }
0x3d2: {  	v36 =	vadd.s32 v48, v52;
	[tilespmem:s22+$0xCA0] =	vst v12  }
0x3d3: {  	v25 =	vadd.s32 v5, v38;
	[tilespmem:s22+$0x24A0] =	vst v0  }
0x3d4: {  	v27 =	vadd.s32 v4, v23;
	v37 =	vld [tilespmem:$0x1FF40]  }
0x3d5: {  	v11 =	vld.idx.msk [tilespmem:v22+s4+$0x0], $0xffff;
	v6 =	vadd.s32 v48, v26  }
0x3d6: {  	v0 =	vadd.s32 v48, v39;
	v2 =	vld.idx.msk [tilespmem:v7+s4+$0x0], $0xffff;
	[tilespmem:s22+$0x14B0] =	vst v8  }
0x3d7: {  	v46 =	vadd.s32 v5, v43;
	v12 =	vld.idx.msk [tilespmem:v36+s4+$0x0], $0xffff  }
0x3d8: {  	v47 =	vadd.s32 v3, v52;
	v13 =	vld.idx.msk [tilespmem:v25+s4+$0x0], $0xffff  }
0x3d9: {  	v9 =	vld.idx.msk [tilespmem:v27+s4+$0x0], $0xffff;
	[tilespmem:s21+$0x1DA0] =	vst v10;
	v7 =	vadd.s32 v48, v37  }
0x3da: {  	v38 =	vadd.s32 v48, v59;
	[tilespmem:s22+$0x1CB0] =	vst v11;
	v6 =	vld.idx.msk [tilespmem:v6+s4+$0x0], $0xffff  }
0x3db: {  	v42 =	vadd.s32 v3, v26;
	v0 =	vld.idx.msk [tilespmem:v0+s4+$0x0], $0xffff;
	[tilespmem:s22+$0x24B0] =	vst v2  }
0x3dc: {  	v11 =	vld.idx.msk [tilespmem:v46+s4+$0x0], $0xffff;
	v2 =	vadd.s32 v3, v39;
	[tilespmem:s22+$0x1500] =	vst v12  }
0x3dd: {  	[tilespmem:s22+$0xCB0] =	vst v13;
	v13 =	vld.idx.msk [tilespmem:v47+s4+$0x0], $0xffff  }
0x3de: {  	[tilespmem:s21+$0x16A0] =	vst v9;
	v7 =	vld.idx.msk [tilespmem:v7+s4+$0x0], $0xffff  }
0x3df: {  	v50 =	vadd.s32 v3, v37;
	[tilespmem:s21+$0xD00] =	vst v6;
	v6 =	vld.idx.msk [tilespmem:v38+s4+$0x0], $0xffff  }
0x3e0: {  	v53 =	vadd.s32 v3, v59;
	[tilespmem:s22+$0x1D00] =	vst v0;
	v8 =	vld.idx.msk [tilespmem:v42+s4+$0x0], $0xffff  }
0x3e1: {  	v56 =	vadd.s32 v4, v26;
	[tilespmem:s21+$0x1DB0] =	vst v11;
	v2 =	vld.idx.msk [tilespmem:v2+s4+$0x0], $0xffff  }
0x3e2: {  	[tilespmem:s22+$0x1510] =	vst v13  }
0x3e3: {  	v0 =	vadd.s32 v5, v23;
	[tilespmem:s22+$0xD00] =	vst v7  }
0x3e4: {  	v7 =	vadd.s32 v4, v52;
	[tilespmem:s22+$0x2500] =	vst v6;
	v10 =	vld.idx.msk [tilespmem:v50+s4+$0x0], $0xffff  }
0x3e5: {  	v6 =	vadd.s32 v4, v39;
	[tilespmem:s21+$0xD10] =	vst v8;
	v57 =	vld.idx.msk [tilespmem:v53+s4+$0x0], $0xffff  }
0x3e6: {  	v60 =	vadd.s32 v4, v37;
	[tilespmem:s22+$0x1D10] =	vst v2;
	v62 =	vld.idx.msk [tilespmem:v56+s4+$0x0], $0xffff  }
0x3e7: {  	v63 =	vadd.s32 v4, v59;
	v18 =	vld [tilespmem:$0x1FF00]  }
0x3e8: {  	v16 =	vadd.s32 v5, v26;
	v0 =	vld.idx.msk [tilespmem:v0+s4+$0x0], $0xffff  }
0x3e9: {  	v7 =	vld.idx.msk [tilespmem:v7+s4+$0x0], $0xffff  }
0x3ea: {  	v6 =	vld.idx.msk [tilespmem:v6+s4+$0x0], $0xffff;
	[tilespmem:s22+$0xD10] =	vst v10  }
0x3eb: {  	v19 =	vadd.s32 v5, v52;
	[tilespmem:s22+$0x2510] =	vst v57;
	v9 =	vld.idx.msk [tilespmem:v60+s4+$0x0], $0xffff  }
0x3ec: {  	v2 =	vadd.s32 v48, v18;
	[tilespmem:s21+$0xD20] =	vst v62;
	v21 =	vld.idx.msk [tilespmem:v63+s4+$0x0], $0xffff  }
0x3ed: {  	v20 =	vadd.s32 v5, v39;
	[tilespmem:s21+$0x16B0] =	vst v0;
	v0 =	vld.idx.msk [tilespmem:v16+s4+$0x0], $0xffff  }
0x3ee: {  	[tilespmem:s22+$0x1520] =	vst v7  }
0x3ef: {  	v22 =	vadd.s32 v5, v37;
	[tilespmem:s22+$0x1D20] =	vst v6  }
0x3f0: {  	v23 =	vadd.s32 v5, v59;
	v10 =	vld.idx.msk [tilespmem:v19+s4+$0x0], $0xffff;
	[tilespmem:s22+$0xD20] =	vst v9  }
0x3f1: {  	v7 =	vadd.s32 v48, v58;
	v2 =	vld.idx.msk [tilespmem:v2+s4+$0x0], $0xffff;
	[tilespmem:s22+$0x2520] =	vst v21  }
0x3f2: {  	v6 =	vadd.s32 v3, v18;
	v8 =	vld.idx.msk [tilespmem:v20+s4+$0x0], $0xffff;
	[tilespmem:s21+$0xD30] =	vst v0  }
0x3f3: {  	v27 =	vld [tilespmem:$0x1FF50]  }
0x3f4: {  	v25 =	vadd.s32 v48, v55;
	v12 =	vld.idx.msk [tilespmem:v22+s4+$0x0], $0xffff  }
0x3f5: {  	v26 =	vadd.s32 v48, v49;
	v0 =	vld.idx.msk [tilespmem:v23+s4+$0x0], $0xffff  }
0x3f6: {  	[tilespmem:s21+$0x1E00] =	vst v2;
	v2 =	vld.idx.msk [tilespmem:v7+s4+$0x0], $0xffff;
	v7 =	vadd.s32 v48, v41  }
0x3f7: {  	v37 =	vadd.s32 v3, v58;
	[tilespmem:s22+$0x1530] =	vst v10;
	v6 =	vld.idx.msk [tilespmem:v6+s4+$0x0], $0xffff  }
0x3f8: {  	[tilespmem:s22+$0x1D30] =	vst v8;
	v36 =	vadd.s32 v48, v27  }
0x3f9: {  	v9 =	vld.idx.msk [tilespmem:v25+s4+$0x0], $0xffff;
	[tilespmem:s22+$0xD30] =	vst v12  }
0x3fa: {  	v38 =	vadd.s32 v4, v18;
	v11 =	vld.idx.msk [tilespmem:v26+s4+$0x0], $0xffff;
	[tilespmem:s22+$0x2530] =	vst v0  }
0x3fb: {  	v0 =	vadd.s32 v3, v49;
	[tilespmem:s21+$0xD80] =	vst v2;
	v2 =	vld.idx.msk [tilespmem:v7+s4+$0x0], $0xffff  }
0x3fc: {  	v39 =	vadd.s32 v3, v55;
	[tilespmem:s21+$0x1E10] =	vst v6;
	v6 =	vld.idx.msk [tilespmem:v37+s4+$0x0], $0xffff  }
0x3fd: {  	v42 =	vadd.s32 v3, v41;
	v13 =	vld.idx.msk [tilespmem:v36+s4+$0x0], $0xffff  }
0x3fe: {  	v7 =	vadd.s32 v3, v27;
	[tilespmem:s22+$0x1580] =	vst v9  }
0x3ff: {  	v43 =	vadd.s32 v4, v58;
	[tilespmem:s22+$0x1D80] =	vst v11;
	v8 =	vld.idx.msk [tilespmem:v38+s4+$0x0], $0xffff  }
0x400: {  	v46 =	vadd.s32 v5, v18;
	v0 =	vld.idx.msk [tilespmem:v0+s4+$0x0], $0xffff;
	[tilespmem:s22+$0x2580] =	vst v2  }
0x401: {  	v12 =	vld.idx.msk [tilespmem:v39+s4+$0x0], $0xffff;
	v2 =	vadd.s32 v4, v49;
	[tilespmem:s21+$0xD90] =	vst v6  }
0x402: {  	v47 =	vadd.s32 v4, v55;
	v6 =	vld.idx.msk [tilespmem:v42+s4+$0x0], $0xffff;
	[tilespmem:s22+$0xD80] =	vst v13  }
0x403: {  	v53 =	vadd.s32 v4, v41;
	v7 =	vld.idx.msk [tilespmem:v7+s4+$0x0], $0xffff  }
0x404: {  	v50 =	vadd.s32 v4, v27;
	[tilespmem:s21+$0x1E20] =	vst v8;
	v52 =	vld.idx.msk [tilespmem:v43+s4+$0x0], $0xffff  }
0x405: {  	v56 =	vadd.s32 v5, v58;
	[tilespmem:s22+$0x1D90] =	vst v0;
	v11 =	vld.idx.msk [tilespmem:v46+s4+$0x0], $0xffff  }
0x406: {  	[tilespmem:s22+$0x1590] =	vst v12;
	v0 =	vadd.s32 v48, v61;
	v2 =	vld.idx.msk [tilespmem:v2+s4+$0x0], $0xffff  }
0x407: {  	v13 =	vld.idx.msk [tilespmem:v47+s4+$0x0], $0xffff;
	[tilespmem:s22+$0x2590] =	vst v6;
	v6 =	vadd.s32 v5, v49  }
0x408: {  	v57 =	vld.idx.msk [tilespmem:v53+s4+$0x0], $0xffff;
	[tilespmem:s22+$0xD90] =	vst v7;
	v7 =	vadd.s32 v5, v55  }
0x409: {  	v60 =	vadd.s32 v5, v41;
	[tilespmem:s21+$0xDA0] =	vst v52;
	v10 =	vld.idx.msk [tilespmem:v50+s4+$0x0], $0xffff  }
0x40a: {  	[tilespmem:s21+$0x1E30] =	vst v11;
	v59 =	vld.idx.msk [tilespmem:v56+s4+$0x0], $0xffff  }
0x40b: {  	v58 =	vadd.s32 v5, v27;
	v0 =	vld.idx.msk [tilespmem:v0+s4+$0x0], $0xffff;
	[tilespmem:s22+$0x1DA0] =	vst v2  }
0x40c: {  	v62 =	vadd.s32 v48, v54;
	[tilespmem:s22+$0x15A0] =	vst v13;
	v6 =	vld.idx.msk [tilespmem:v6+s4+$0x0], $0xffff  }
0x40d: {  	v2 =	vadd.s32 v3, v61;
	[tilespmem:s22+$0x25A0] =	vst v57;
	v7 =	vld.idx.msk [tilespmem:v7+s4+$0x0], $0xffff  }
0x40e: {  	v19 =	vld.idx.msk [tilespmem:v60+s4+$0x0], $0xffff;
	[tilespmem:s22+$0xDA0] =	vst v10  }
0x40f: {  	v16 =	vld [tilespmem:$0x1FFE0]  }
0x410: {  	v63 =	vadd.s32 v48, v40;
	v9 =	vld.idx.msk [tilespmem:v58+s4+$0x0], $0xffff;
	[tilespmem:s21+$0xDB0] =	vst v59  }
0x411: {  	v20 =	vadd.s32 v48, v1;
	[tilespmem:s21+$0x1E80] =	vst v0;
	v0 =	vld.idx.msk [tilespmem:v62+s4+$0x0], $0xffff  }
0x412: {  	v21 =	vadd.s32 v48, v31;
	v2 =	vld.idx.msk [tilespmem:v2+s4+$0x0], $0xffff;
	[tilespmem:s22+$0x1DB0] =	vst v6  }
0x413: {  	v6 =	vadd.s32 v4, v61;
	[tilespmem:s22+$0x15B0] =	vst v7  }
0x414: {  	v7 =	vadd.s32 v3, v54;
	[tilespmem:s22+$0x25B0] =	vst v19  }
0x415: {  	v10 =	vld.idx.msk [tilespmem:v63+s4+$0x0], $0xffff;
	v18 =	vadd.s32 v48, v16;
	[tilespmem:s22+$0xDB0] =	vst v9  }
0x416: {  	v12 =	vld.idx.msk [tilespmem:v20+s4+$0x0], $0xffff;
	[tilespmem:s21+$0xE00] =	vst v0  }
0x417: {  	v22 =	vadd.s32 v3, v40;
	v0 =	vld.idx.msk [tilespmem:v21+s4+$0x0], $0xffff;
	[tilespmem:s21+$0x1E90] =	vst v2  }
0x418: {  	v25 =	vadd.s32 v3, v1;
	v6 =	vld.idx.msk [tilespmem:v6+s4+$0x0], $0xffff  }
0x419: {  	v2 =	vld.idx.msk [tilespmem:v7+s4+$0x0], $0xffff;
	v7 =	vadd.s32 v3, v31  }
0x41a: {  	v26 =	vadd.s32 v4, v54;
	[tilespmem:s22+$0x1600] =	vst v10;
	v8 =	vld.idx.msk [tilespmem:v18+s4+$0x0], $0xffff  }
0x41b: {  	v23 =	vadd.s32 v3, v16;
	[tilespmem:s22+$0xE00] =	vst v12  }
0x41c: {  	v9 =	vld.idx.msk [tilespmem:v22+s4+$0x0], $0xffff;
	[tilespmem:s22+$0x2600] =	vst v0  }
0x41d: {  	v27 =	vadd.s32 v5, v61;
	v13 =	vld.idx.msk [tilespmem:v25+s4+$0x0], $0xffff;
	[tilespmem:s21+$0x1EA0] =	vst v6  }
0x41e: {  	v36 =	vadd.s32 v4, v40;
	[tilespmem:s21+$0xE10] =	vst v2;
	v2 =	vld.idx.msk [tilespmem:v7+s4+$0x0], $0xffff  }
0x41f: {  	v7 =	vadd.s32 v4, v1;
	v6 =	vld.idx.msk [tilespmem:v26+s4+$0x0], $0xffff;
	[tilespmem:s22+$0x1E00] =	vst v8  }
0x420: {  	v37 =	vadd.s32 v4, v31;
	v11 =	vld.idx.msk [tilespmem:v23+s4+$0x0], $0xffff  }
0x421: {  	v0 =	vadd.s32 v4, v16;
	[tilespmem:s22+$0x1610] =	vst v9  }
0x422: {  	v38 =	vadd.s32 v5, v54;
	v8 =	vld.idx.msk [tilespmem:v27+s4+$0x0], $0xffff;
	[tilespmem:s22+$0xE10] =	vst v13  }
0x423: {  	v39 =	vld.idx.msk [tilespmem:v36+s4+$0x0], $0xffff;
	[tilespmem:s22+$0x2610] =	vst v2  }
0x424: {  	v7 =	vld.idx.msk [tilespmem:v7+s4+$0x0], $0xffff;
	[tilespmem:s21+$0xE20] =	vst v6  }
0x425: {  	v6 =	vld.idx.msk [tilespmem:v37+s4+$0x0], $0xffff;
	[tilespmem:s22+$0x1E10] =	vst v11  }
0x426: {  	v40 =	vadd.s32 v5, v40;
	v0 =	vld.idx.msk [tilespmem:v0+s4+$0x0], $0xffff  }
0x427: {  	[tilespmem:s21+$0x1EB0] =	vst v8;
	v42 =	vld.idx.msk [tilespmem:v38+s4+$0x0], $0xffff  }
0x428: {  	[tilespmem:s22+$0x1620] =	vst v39  }
0x429: {  	v41 =	vadd.s32 v5, v1;
	[tilespmem:s22+$0xE20] =	vst v7  }
0x42a: {  	v46 =	vadd.s32 v48, v51;
	[tilespmem:s22+$0x2620] =	vst v6  }
0x42b: {  	v2 =	vadd.s32 v5, v16;
	v12 =	vld.idx.msk [tilespmem:v40+s4+$0x0], $0xffff;
	[tilespmem:s22+$0x1E20] =	vst v0  }
0x42c: {  	v7 =	vadd.s32 v48, v44;
	v47 =	vld [tilespmem:$0x1FFF0];
	[tilespmem:s21+$0xE30] =	vst v42  }
0x42d: {  	v43 =	vadd.s32 v5, v31;
	v1 =	vld [tilespmem:$0x1FF60]  }
0x42e: {  	v10 =	vld.idx.msk [tilespmem:v41+s4+$0x0], $0xffff  }
0x42f: {  	v0 =	vadd.s32 v48, v28;
	v11 =	vld.idx.msk [tilespmem:v46+s4+$0x0], $0xffff  }
0x430: {  	v53 =	vadd.s32 v3, v51;
	v2 =	vld.idx.msk [tilespmem:v2+s4+$0x0], $0xffff;
	[tilespmem:s22+$0x1630] =	vst v12  }
0x431: {  	v7 =	vld.idx.msk [tilespmem:v7+s4+$0x0], $0xffff;
	v6 =	vadd.s32 v48, v47  }
0x432: {  	v49 =	vld.idx.msk [tilespmem:v43+s4+$0x0], $0xffff;
	[tilespmem:s21+$0x2630] =	vst v32;
	v50 =	vadd.s32 v48, v1  }
0x433: {  	v52 =	vadd.s32 v48, v29;
	[tilespmem:s22+$0xE30] =	vst v10  }
0x434: {  	v54 =	vadd.s32 v3, v44;
	v0 =	vld.idx.msk [tilespmem:v0+s4+$0x0], $0xffff;
	[tilespmem:s21+$0xE80] =	vst v11  }
0x435: {  	[tilespmem:s22+$0x1E30] =	vst v2;
	v2 =	vadd.s32 v3, v28;
	v12 =	vld.idx.msk [tilespmem:v53+s4+$0x0], $0xffff  }
0x436: {  	[tilespmem:s22+$0x1680] =	vst v7;
	v7 =	vadd.s32 v4, v51;
	v6 =	vld.idx.msk [tilespmem:v6+s4+$0x0], $0xffff  }
0x437: {  	[tilespmem:s22+$0x2630] =	vst v49;
	v55 =	vadd.s32 v3, v47;
	v9 =	vld.idx.msk [tilespmem:v50+s4+$0x0], $0xffff  }
0x438: {  	v13 =	vld.idx.msk [tilespmem:v52+s4+$0x0], $0xffff;
	v56 =	vadd.s32 v3, v1  }
0x439: {  	v10 =	vld.idx.msk [tilespmem:v54+s4+$0x0], $0xffff;
	[tilespmem:s21+$0x2680] =	vst v0;
	v0 =	vadd.s32 v3, v29  }
0x43a: {  	v57 =	vadd.s32 v4, v44;
	v2 =	vld.idx.msk [tilespmem:v2+s4+$0x0], $0xffff;
	[tilespmem:s21+$0xE90] =	vst v12  }
0x43b: {  	v7 =	vld.idx.msk [tilespmem:v7+s4+$0x0], $0xffff;
	[tilespmem:s22+$0x1E80] =	vst v6;
	v6 =	vadd.s32 v4, v28  }
0x43c: {  	[tilespmem:s22+$0xE80] =	vst v9;
	v8 =	vld.idx.msk [tilespmem:v55+s4+$0x0], $0xffff  }
0x43d: {  	v58 =	vadd.s32 v4, v47;
	[tilespmem:s22+$0x2680] =	vst v13;
	v11 =	vld.idx.msk [tilespmem:v56+s4+$0x0], $0xffff  }
0x43e: {  	v59 =	vadd.s32 v4, v1;
	[tilespmem:s22+$0x1690] =	vst v10;
	v0 =	vld.idx.msk [tilespmem:v0+s4+$0x0], $0xffff  }
0x43f: {  	[tilespmem:s21+$0x2690] =	vst v2;
	v2 =	vadd.s32 v4, v29;
	v9 =	vld.idx.msk [tilespmem:v57+s4+$0x0], $0xffff  }
0x440: {  	v60 =	vadd.s32 v5, v51;
	[tilespmem:s21+$0xEA0] =	vst v7;
	v6 =	vld.idx.msk [tilespmem:v6+s4+$0x0], $0xffff  }
0x441: {  	v62 =	vadd.s32 v5, v44;
	[tilespmem:s22+$0x1E90] =	vst v8  }
0x442: {  	v61 =	vadd.s32 v5, v28;
	[tilespmem:s22+$0xE90] =	vst v11;
	v13 =	vld.idx.msk [tilespmem:v58+s4+$0x0], $0xffff  }
0x443: {  	[tilespmem:s22+$0x2690] =	vst v0;
	v0 =	vadd.s32 v5, v47;
	v12 =	vld.idx.msk [tilespmem:v59+s4+$0x0], $0xffff  }
0x444: {  	v7 =	vadd.s32 v5, v1;
	v2 =	vld.idx.msk [tilespmem:v2+s4+$0x0], $0xffff;
	[tilespmem:s22+$0x16A0] =	vst v9  }
0x445: {  	v63 =	vadd.s32 v5, v29;
	[tilespmem:s21+$0x26A0] =	vst v6;
	v6 =	vld.idx.msk [tilespmem:v60+s4+$0x0], $0xffff  }
0x446: {  	v9 =	vld.idx.msk [tilespmem:v62+s4+$0x0], $0xffff  }
0x447: {  	v8 =	vld.idx.msk [tilespmem:v61+s4+$0x0], $0xffff;
	[tilespmem:s22+$0x1EA0] =	vst v13  }
0x448: {  	[tilespmem:s22+$0xEA0] =	vst v12;
	v0 =	vld.idx.msk [tilespmem:v0+s4+$0x0], $0xffff  }
0x449: {  	[tilespmem:s22+$0x26A0] =	vst v2;
	v2 =	vld.idx.msk [tilespmem:v7+s4+$0x0], $0xffff  }
0x44a: {  	[tilespmem:s21+$0xEB0] =	vst v6;
	v6 =	vld.idx.msk [tilespmem:v63+s4+$0x0], $0xffff  }
0x44b: {  	[tilespmem:s22+$0x16B0] =	vst v9  }
0x44c: {  	[tilespmem:s21+$0x26B0] =	vst v8  }
0x44d: {  	[tilespmem:s22+$0x1EB0] =	vst v0  }
0x44e: {  	[tilespmem:s22+$0xEB0] =	vst v2  }
0x44f: {  	[tilespmem:s22+$0x26B0] =	vst v6  }
0x450: {  	v0 =	vld [tilespmem:$0x480];
	_ =	sdelay $0x4  }
0x451: {  	v0 =	vadd.s32 $0xFFFFFFFF, v0  }
0x452: {  	vm0 =	vgt.s32 v0, $0x0  }
0x453: {  	v0 =	vnsel vm0, $0x0, v0  }
0x454: {  	v0 =	vcvt.s32.f32 v0;
	_ =	sdelay $0x1  }
0x455: {  	v0 =	vshrl.u32 v0, $0x17  }
0x456: {  	v0 =	vmax.u32 v0, $0x7E  }
0x457: {  	v0 =	vmin.u32 v0, $0x88  }
0x458: {  	v0 =	vshll.u32 v0, $0x6  }
0x459: {  	v0 =	vadd.s32 $0xFFFFE080, v0  }
0x45a: {  	v2 =	vperm.xlane v0, v33;
	_ =	sdelay $0x1  }
0x45b: {  	v6 =	vadd.s32 v48, v2;
	_ =	sdelay $0x4  }
0x45c: {  	v6 =	vld.idx.msk [tilespmem:v6+s4+$0x0], $0xffff  }
0x45d: {  	v7 =	vadd.s32 v3, v2;
	_ =	sdelay $0x3  }
0x45e: {  	[tilespmem:$0xC700] =	vst v6  }
0x45f: {  	v6 =	vld.idx.msk [tilespmem:v7+s4+$0x0], $0xffff  }
0x460: {  	v7 =	vadd.s32 v4, v2;
	_ =	sdelay $0x3  }
0x461: {  	[tilespmem:$0xC710] =	vst v6  }
0x462: {  	v6 =	vld.idx.msk [tilespmem:v7+s4+$0x0], $0xffff;
	_ =	sdelay $0x1  }
0x463: {  	v2 =	vadd.s32 v5, v2;
	_ =	sdelay $0x2  }
0x464: {  	[tilespmem:$0xC720] =	vst v6;
	v6 =	vimm.s32 $0x1  }
0x465: {  	v6 =	vperm.xlane v0, v6  }
0x466: {  	v2 =	vld.idx.msk [tilespmem:v2+s4+$0x0], $0xffff  }
0x467: {  	v7 =	vadd.s32 v48, v6;
	_ =	sdelay $0x3  }
0x468: {  	[tilespmem:$0xC730] =	vst v2  }
0x469: {  	v2 =	vld.idx.msk [tilespmem:v7+s4+$0x0], $0xffff  }
0x46a: {  	v7 =	vadd.s32 v3, v6;
	_ =	sdelay $0x3  }
0x46b: {  	[tilespmem:$0xC780] =	vst v2  }
0x46c: {  	v2 =	vld.idx.msk [tilespmem:v7+s4+$0x0], $0xffff  }
0x46d: {  	v7 =	vadd.s32 v4, v6;
	_ =	sdelay $0x3  }
0x46e: {  	[tilespmem:$0xC790] =	vst v2  }
0x46f: {  	v2 =	vld.idx.msk [tilespmem:v7+s4+$0x0], $0xffff;
	_ =	sdelay $0x1  }
0x470: {  	v6 =	vadd.s32 v5, v6;
	_ =	sdelay $0x2  }
0x471: {  	[tilespmem:$0xC7A0] =	vst v2;
	v2 =	vimm.s32 $0x2  }
0x472: {  	v2 =	vperm.xlane v0, v2  }
0x473: {  	v6 =	vld.idx.msk [tilespmem:v6+s4+$0x0], $0xffff  }
0x474: {  	v7 =	vadd.s32 v48, v2;
	_ =	sdelay $0x3  }
0x475: {  	[tilespmem:$0xC7B0] =	vst v6  }
0x476: {  	v6 =	vld.idx.msk [tilespmem:v7+s4+$0x0], $0xffff  }
0x477: {  	v7 =	vadd.s32 v3, v2;
	_ =	sdelay $0x3  }
0x478: {  	[tilespmem:$0xC800] =	vst v6  }
0x479: {  	v6 =	vld.idx.msk [tilespmem:v7+s4+$0x0], $0xffff  }
0x47a: {  	v7 =	vadd.s32 v4, v2;
	_ =	sdelay $0x3  }
0x47b: {  	[tilespmem:$0xC810] =	vst v6  }
0x47c: {  	v6 =	vld.idx.msk [tilespmem:v7+s4+$0x0], $0xffff  }
0x47d: {  	v2 =	vadd.s32 v5, v2;
	_ =	sdelay $0x2  }
0x47e: {  	v1 =	vimm.s32 $0x3  }
0x47f: {  	[tilespmem:$0xC820] =	vst v6;
	v6 =	vperm.xlane v0, v1  }
0x480: {  	v2 =	vld.idx.msk [tilespmem:v2+s4+$0x0], $0xffff  }
0x481: {  	v7 =	vadd.s32 v48, v6;
	_ =	sdelay $0x3  }
0x482: {  	[tilespmem:$0xC830] =	vst v2  }
0x483: {  	v2 =	vld.idx.msk [tilespmem:v7+s4+$0x0], $0xffff  }
0x484: {  	v7 =	vadd.s32 v3, v6;
	_ =	sdelay $0x3  }
0x485: {  	[tilespmem:$0xC880] =	vst v2  }
0x486: {  	v2 =	vld.idx.msk [tilespmem:v7+s4+$0x0], $0xffff  }
0x487: {  	v7 =	vadd.s32 v4, v6;
	_ =	sdelay $0x3  }
0x488: {  	[tilespmem:$0xC890] =	vst v2  }
0x489: {  	v2 =	vld.idx.msk [tilespmem:v7+s4+$0x0], $0xffff  }
0x48a: {  	v6 =	vadd.s32 v5, v6;
	_ =	sdelay $0x3  }
0x48b: {  	[tilespmem:$0xC8A0] =	vst v2;
	v2 =	vperm.xlane v0, v35  }
0x48c: {  	v6 =	vld.idx.msk [tilespmem:v6+s4+$0x0], $0xffff  }
0x48d: {  	v7 =	vadd.s32 v48, v2;
	_ =	sdelay $0x3  }
0x48e: {  	[tilespmem:$0xC8B0] =	vst v6  }
0x48f: {  	v6 =	vld.idx.msk [tilespmem:v7+s4+$0x0], $0xffff  }
0x490: {  	v7 =	vadd.s32 v3, v2;
	_ =	sdelay $0x3  }
0x491: {  	[tilespmem:$0xC900] =	vst v6  }
0x492: {  	v6 =	vld.idx.msk [tilespmem:v7+s4+$0x0], $0xffff  }
0x493: {  	v7 =	vadd.s32 v4, v2;
	_ =	sdelay $0x3  }
0x494: {  	[tilespmem:$0xC910] =	vst v6  }
0x495: {  	v6 =	vld.idx.msk [tilespmem:v7+s4+$0x0], $0xffff  }
0x496: {  	v2 =	vadd.s32 v5, v2;
	_ =	sdelay $0x3  }
0x497: {  	[tilespmem:$0xC920] =	vst v6;
	v6 =	vperm.xlane v0, v45  }
0x498: {  	v2 =	vld.idx.msk [tilespmem:v2+s4+$0x0], $0xffff  }
0x499: {  	v7 =	vadd.s32 v48, v6;
	_ =	sdelay $0x3  }
0x49a: {  	[tilespmem:$0xC930] =	vst v2  }
0x49b: {  	v2 =	vld.idx.msk [tilespmem:v7+s4+$0x0], $0xffff  }
0x49c: {  	v7 =	vadd.s32 v3, v6;
	_ =	sdelay $0x3  }
0x49d: {  	[tilespmem:$0xC980] =	vst v2  }
0x49e: {  	v2 =	vld.idx.msk [tilespmem:v7+s4+$0x0], $0xffff  }
0x49f: {  	v7 =	vadd.s32 v4, v6;
	_ =	sdelay $0x3  }
0x4a0: {  	[tilespmem:$0xC990] =	vst v2  }
0x4a1: {  	v2 =	vld.idx.msk [tilespmem:v7+s4+$0x0], $0xffff  }
0x4a2: {  	v6 =	vadd.s32 v5, v6;
	_ =	sdelay $0x3  }
0x4a3: {  	[tilespmem:$0xC9A0] =	vst v2;
	v2 =	vperm.xlane v0, v24  }
0x4a4: {  	v6 =	vld.idx.msk [tilespmem:v6+s4+$0x0], $0xffff  }
0x4a5: {  	v7 =	vadd.s32 v48, v2;
	_ =	sdelay $0x3  }
0x4a6: {  	[tilespmem:$0xC9B0] =	vst v6  }
0x4a7: {  	v6 =	vld.idx.msk [tilespmem:v7+s4+$0x0], $0xffff  }
0x4a8: {  	v7 =	vadd.s32 v3, v2;
	_ =	sdelay $0x3  }
0x4a9: {  	[tilespmem:$0xCA00] =	vst v6  }
0x4aa: {  	v6 =	vld.idx.msk [tilespmem:v7+s4+$0x0], $0xffff  }
0x4ab: {  	v7 =	vadd.s32 v4, v2;
	_ =	sdelay $0x3  }
0x4ac: {  	[tilespmem:$0xCA10] =	vst v6  }
0x4ad: {  	v6 =	vld.idx.msk [tilespmem:v7+s4+$0x0], $0xffff  }
0x4ae: {  	v2 =	vadd.s32 v5, v2;
	_ =	sdelay $0x3  }
0x4af: {  	[tilespmem:$0xCA20] =	vst v6;
	v6 =	vperm.xlane v0, v34  }
0x4b0: {  	v2 =	vld.idx.msk [tilespmem:v2+s4+$0x0], $0xffff  }
0x4b1: {  	v7 =	vadd.s32 v48, v6;
	_ =	sdelay $0x3  }
0x4b2: {  	[tilespmem:$0xCA30] =	vst v2  }
0x4b3: {  	v2 =	vld.idx.msk [tilespmem:v7+s4+$0x0], $0xffff  }
0x4b4: {  	v7 =	vadd.s32 v3, v6;
	_ =	sdelay $0x3  }
0x4b5: {  	[tilespmem:$0xCA80] =	vst v2  }
0x4b6: {  	v2 =	vld.idx.msk [tilespmem:v7+s4+$0x0], $0xffff  }
0x4b7: {  	v7 =	vadd.s32 v4, v6;
	_ =	sdelay $0x3  }
0x4b8: {  	[tilespmem:$0xCA90] =	vst v2  }
0x4b9: {  	v2 =	vld.idx.msk [tilespmem:v7+s4+$0x0], $0xffff  }
0x4ba: {  	v6 =	vadd.s32 v5, v6;
	_ =	sdelay $0x3  }
0x4bb: {  	[tilespmem:$0xCAA0] =	vst v2;
	v2 =	vperm.xlane v0, v17  }
0x4bc: {  	v6 =	vld.idx.msk [tilespmem:v6+s4+$0x0], $0xffff  }
0x4bd: {  	v7 =	vadd.s32 v48, v2;
	_ =	sdelay $0x3  }
0x4be: {  	[tilespmem:$0xCAB0] =	vst v6  }
0x4bf: {  	v6 =	vld.idx.msk [tilespmem:v7+s4+$0x0], $0xffff  }
0x4c0: {  	v7 =	vadd.s32 v3, v2;
	_ =	sdelay $0x3  }
0x4c1: {  	[tilespmem:$0xCB00] =	vst v6  }
0x4c2: {  	v6 =	vld.idx.msk [tilespmem:v7+s4+$0x0], $0xffff  }
0x4c3: {  	v7 =	vadd.s32 v4, v2;
	_ =	sdelay $0x3  }
0x4c4: {  	[tilespmem:$0xCB10] =	vst v6  }
0x4c5: {  	v6 =	vld.idx.msk [tilespmem:v7+s4+$0x0], $0xffff;
	_ =	sdelay $0x1  }
0x4c6: {  	v2 =	vadd.s32 v5, v2;
	_ =	sdelay $0x2  }
0x4c7: {  	[tilespmem:$0xCB20] =	vst v6;
	v6 =	vimm.s32 $0x9  }
0x4c8: {  	v6 =	vperm.xlane v0, v6  }
0x4c9: {  	v2 =	vld.idx.msk [tilespmem:v2+s4+$0x0], $0xffff  }
0x4ca: {  	v7 =	vadd.s32 v48, v6;
	_ =	sdelay $0x3  }
0x4cb: {  	[tilespmem:$0xCB30] =	vst v2  }
0x4cc: {  	v2 =	vld.idx.msk [tilespmem:v7+s4+$0x0], $0xffff  }
0x4cd: {  	v7 =	vadd.s32 v3, v6;
	_ =	sdelay $0x3  }
0x4ce: {  	[tilespmem:$0xCB80] =	vst v2  }
0x4cf: {  	v2 =	vld.idx.msk [tilespmem:v7+s4+$0x0], $0xffff  }
0x4d0: {  	v7 =	vadd.s32 v4, v6;
	_ =	sdelay $0x3  }
0x4d1: {  	[tilespmem:$0xCB90] =	vst v2  }
0x4d2: {  	v2 =	vld.idx.msk [tilespmem:v7+s4+$0x0], $0xffff;
	_ =	sdelay $0x1  }
0x4d3: {  	v6 =	vadd.s32 v5, v6;
	_ =	sdelay $0x2  }
0x4d4: {  	[tilespmem:$0xCBA0] =	vst v2;
	v2 =	vimm.s32 $0xA  }
0x4d5: {  	v2 =	vperm.xlane v0, v2  }
0x4d6: {  	v6 =	vld.idx.msk [tilespmem:v6+s4+$0x0], $0xffff  }
0x4d7: {  	v7 =	vadd.s32 v48, v2;
	_ =	sdelay $0x3  }
0x4d8: {  	[tilespmem:$0xCBB0] =	vst v6  }
0x4d9: {  	v6 =	vld.idx.msk [tilespmem:v7+s4+$0x0], $0xffff  }
0x4da: {  	v7 =	vadd.s32 v3, v2;
	_ =	sdelay $0x3  }
0x4db: {  	[tilespmem:$0xCC00] =	vst v6  }
0x4dc: {  	v6 =	vld.idx.msk [tilespmem:v7+s4+$0x0], $0xffff  }
0x4dd: {  	v7 =	vadd.s32 v4, v2;
	_ =	sdelay $0x3  }
0x4de: {  	[tilespmem:$0xCC10] =	vst v6  }
0x4df: {  	v6 =	vld.idx.msk [tilespmem:v7+s4+$0x0], $0xffff;
	_ =	sdelay $0x1  }
0x4e0: {  	v2 =	vadd.s32 v5, v2;
	_ =	sdelay $0x2  }
0x4e1: {  	[tilespmem:$0xCC20] =	vst v6;
	v6 =	vimm.s32 $0xB  }
0x4e2: {  	v6 =	vperm.xlane v0, v6  }
0x4e3: {  	v2 =	vld.idx.msk [tilespmem:v2+s4+$0x0], $0xffff  }
0x4e4: {  	v7 =	vadd.s32 v48, v6;
	_ =	sdelay $0x3  }
0x4e5: {  	[tilespmem:$0xCC30] =	vst v2  }
0x4e6: {  	v2 =	vld.idx.msk [tilespmem:v7+s4+$0x0], $0xffff  }
0x4e7: {  	v7 =	vadd.s32 v3, v6;
	_ =	sdelay $0x3  }
0x4e8: {  	[tilespmem:$0xCC80] =	vst v2  }
0x4e9: {  	v2 =	vld.idx.msk [tilespmem:v7+s4+$0x0], $0xffff  }
0x4ea: {  	v7 =	vadd.s32 v4, v6;
	_ =	sdelay $0x3  }
0x4eb: {  	[tilespmem:$0xCC90] =	vst v2  }
0x4ec: {  	v2 =	vld.idx.msk [tilespmem:v7+s4+$0x0], $0xffff;
	_ =	sdelay $0x1  }
0x4ed: {  	v6 =	vadd.s32 v5, v6;
	_ =	sdelay $0x2  }
0x4ee: {  	[tilespmem:$0xCCA0] =	vst v2;
	v2 =	vimm.s32 $0xC  }
0x4ef: {  	v2 =	vperm.xlane v0, v2  }
0x4f0: {  	v6 =	vld.idx.msk [tilespmem:v6+s4+$0x0], $0xffff  }
0x4f1: {  	v7 =	vadd.s32 v48, v2;
	_ =	sdelay $0x3  }
0x4f2: {  	[tilespmem:$0xCCB0] =	vst v6  }
0x4f3: {  	v6 =	vld.idx.msk [tilespmem:v7+s4+$0x0], $0xffff  }
0x4f4: {  	v7 =	vadd.s32 v3, v2;
	_ =	sdelay $0x3  }
0x4f5: {  	[tilespmem:$0xCD00] =	vst v6  }
0x4f6: {  	v6 =	vld.idx.msk [tilespmem:v7+s4+$0x0], $0xffff  }
0x4f7: {  	v7 =	vadd.s32 v4, v2;
	_ =	sdelay $0x3  }
0x4f8: {  	[tilespmem:$0xCD10] =	vst v6  }
0x4f9: {  	v6 =	vld.idx.msk [tilespmem:v7+s4+$0x0], $0xffff;
	_ =	sdelay $0x1  }
0x4fa: {  	v2 =	vadd.s32 v5, v2;
	_ =	sdelay $0x2  }
0x4fb: {  	[tilespmem:$0xCD20] =	vst v6;
	v6 =	vimm.s32 $0xD  }
0x4fc: {  	v6 =	vperm.xlane v0, v6  }
0x4fd: {  	v2 =	vld.idx.msk [tilespmem:v2+s4+$0x0], $0xffff  }
0x4fe: {  	v7 =	vadd.s32 v48, v6;
	_ =	sdelay $0x3  }
0x4ff: {  	[tilespmem:$0xCD30] =	vst v2  }
0x500: {  	v2 =	vld.idx.msk [tilespmem:v7+s4+$0x0], $0xffff  }
0x501: {  	v7 =	vadd.s32 v3, v6;
	_ =	sdelay $0x3  }
0x502: {  	[tilespmem:$0xCD80] =	vst v2  }
0x503: {  	v2 =	vld.idx.msk [tilespmem:v7+s4+$0x0], $0xffff  }
0x504: {  	v7 =	vadd.s32 v4, v6;
	_ =	sdelay $0x3  }
0x505: {  	[tilespmem:$0xCD90] =	vst v2  }
0x506: {  	v2 =	vld.idx.msk [tilespmem:v7+s4+$0x0], $0xffff;
	_ =	sdelay $0x1  }
0x507: {  	v6 =	vadd.s32 v5, v6;
	_ =	sdelay $0x2  }
0x508: {  	[tilespmem:$0xCDA0] =	vst v2;
	v2 =	vimm.s32 $0xE  }
0x509: {  	v2 =	vperm.xlane v0, v2  }
0x50a: {  	v6 =	vld.idx.msk [tilespmem:v6+s4+$0x0], $0xffff  }
0x50b: {  	v7 =	vadd.s32 v48, v2;
	_ =	sdelay $0x3  }
0x50c: {  	[tilespmem:$0xCDB0] =	vst v6  }
0x50d: {  	v6 =	vld.idx.msk [tilespmem:v7+s4+$0x0], $0xffff  }
0x50e: {  	v7 =	vadd.s32 v3, v2;
	_ =	sdelay $0x3  }
0x50f: {  	[tilespmem:$0xCE00] =	vst v6  }
0x510: {  	v6 =	vld.idx.msk [tilespmem:v7+s4+$0x0], $0xffff  }
0x511: {  	v7 =	vadd.s32 v4, v2;
	_ =	sdelay $0x3  }
0x512: {  	[tilespmem:$0xCE10] =	vst v6  }
0x513: {  	v6 =	vld.idx.msk [tilespmem:v7+s4+$0x0], $0xffff;
	_ =	sdelay $0x1  }
0x514: {  	v2 =	vadd.s32 v5, v2;
	_ =	sdelay $0x2  }
0x515: {  	[tilespmem:$0xCE20] =	vst v6;
	v6 =	vimm.s32 $0xF  }
0x516: {  	v0 =	vperm.xlane v0, v6  }
0x517: {  	v2 =	vld.idx.msk [tilespmem:v2+s4+$0x0], $0xffff  }
0x518: {  	v6 =	vadd.s32 v48, v0;
	_ =	sdelay $0x3  }
0x519: {  	[tilespmem:$0xCE30] =	vst v2  }
0x51a: {  	v2 =	vld.idx.msk [tilespmem:v6+s4+$0x0], $0xffff  }
0x51b: {  	v6 =	vadd.s32 v3, v0;
	_ =	sdelay $0x3  }
0x51c: {  	[tilespmem:$0xCE80] =	vst v2  }
0x51d: {  	v2 =	vld.idx.msk [tilespmem:v6+s4+$0x0], $0xffff  }
0x51e: {  	v6 =	vadd.s32 v4, v0;
	_ =	sdelay $0x3  }
0x51f: {  	[tilespmem:$0xCE90] =	vst v2  }
0x520: {  	v2 =	vld.idx.msk [tilespmem:v6+s4+$0x0], $0xffff  }
0x521: {  	v0 =	vadd.s32 v5, v0;
	_ =	sdelay $0x3  }
0x522: {  	[tilespmem:$0xCEA0] =	vst v2  }
0x523: {  	v0 =	vld.idx.msk [tilespmem:v0+s4+$0x0], $0xffff;
	_ =	sdelay $0x1  }
.Ltmp6:
0x524: {  	_ = 	snop;
	(pc) =	sbr.rel @p1 .LBB2_9-.Ltmp6, $3  }
0x525: {  	s20 =	smul.u32 $0x1900, s20;
	_ =	sdelay $0x1  }
0x526: {  	s20 =	sadd.s32 s6, s20;
	v31 =	vimm.s32 $0xC;
	v40 =	vimm.s32 $0xA;
	v41 =	vimm.s32 $0xB;
	[tilespmem:$0xCEB0] =	vst v0  }
0x527: {  	v32 =	vimm.s32 $0xD;
	v60 =	vimm.s32 $0xF;
	v35 =	vimm.s32 $0xE;
	[hbm4b:s20+s4] =	stream.linear.scatter [tilespmem:s12], [sflag:$0x3], $0xC800, $0x38;
	[tilespmem:$0x19700] =	vst v63  }
0x528: {  	p1 =	sgt.u32 s19, $0x9A3  }
0x529: {  	s20 =	smul.u32 @!p1 $0x190, s19;
	_ =	sdelay $0x1  }
0x52a: {  	s20 =	sshrl.u32 @!p1 s20, $0x3  }
0x52b: {  	s20 =	sadd.s32 @!p1 s2, s20  }
0x52c: {  	s21 =	simm.s32 @!p1 $0x0;
	s22 =	simm.s32 @!p1 $0x300;
	s20 =	sadd.s32 @!p1 $0x640, s20  }
0x52d: {  	[tilespmem:s22], [sflag:$0x1] =	stream.linear.gather @!p1 [hbm4b:s20+s21], $0x190, $0x38;
	[tilespmem:$0x19700] =	vst v63  }
0x52e: {  	_ =	swait.ge [sflag:s13], $0x190  }
0x52f: {  	[sflag:s13] =	ssyncset.done $0x0  }
0x530: {  	s20 =	simm.s32 @!p0 $0x4;
	[sflag:s13] =	ssyncadd.s32 $0xFFFFFE70  }
0x531: {  	_ =	swait.ge @!p0 [sflag:s20], $0xC800  }
0x532: {  	s29 =	simm.s32 $0x0;
	[sflag:s20] =	ssyncset.done @!p0 $0x0  }
0x533: {  	s30 =	sand.u32 $0x3FFFFFF0, s29;
	[sflag:s20] =	ssyncadd.s32 @!p0 $0xFFFF3800  }
0x534: {  	v0 =	vld [tilespmem:s30+$0x500];
	_ =	sdelay $0x4  }
0x535: {  	v0 =	vadd.s32 $0xFFFFFFFF, v0  }
0x536: {  	vm0 =	vgt.s32 v0, $0x0  }
0x537: {  	v0 =	vnsel vm0, $0x0, v0  }
0x538: {  	v0 =	vcvt.s32.f32 v0;
	_ =	sdelay $0x1  }
0x539: {  	v0 =	vshrl.u32 v0, $0x17  }
0x53a: {  	v0 =	vmax.u32 v0, $0x7E  }
0x53b: {  	v0 =	vmin.u32 v0, $0x88  }
0x53c: {  	v0 =	vshll.u32 v0, $0x6  }
0x53d: {  	v33 =	vimm.s32 $0x0;
	v0 =	vadd.s32 $0xFFFFE080, v0  }
0x53e: {  	v2 =	vperm.xlane v0, v33;
	_ =	sdelay $0x1  }
0x53f: {  	v6 =	vadd.s32 v48, v2;
	_ =	sdelay $0x4  }
0x540: {  	v6 =	vld.idx.msk [tilespmem:v6+s4+$0x0], $0xffff  }
0x541: {  	v7 =	vadd.s32 v3, v2;
	_ =	sdelay $0x1  }
0x542: {  	s31 =	simm.s32 $0x0  }
0x543: {  	s20 =	sand.u32 $0x3FFFF800, s31  }
0x544: {  	[tilespmem:s20+$0xCF00] =	vst v6  }
0x545: {  	v6 =	vld.idx.msk [tilespmem:v7+s4+$0x0], $0xffff  }
0x546: {  	v7 =	vadd.s32 v4, v2;
	_ =	sdelay $0x3  }
0x547: {  	[tilespmem:s20+$0xCF10] =	vst v6  }
0x548: {  	v6 =	vld.idx.msk [tilespmem:v7+s4+$0x0], $0xffff  }
0x549: {  	v2 =	vadd.s32 v5, v2;
	_ =	sdelay $0x2  }
0x54a: {  	v37 =	vimm.s32 $0x1  }
0x54b: {  	v7 =	vperm.xlane v0, v37;
	[tilespmem:s20+$0xCF20] =	vst v6  }
0x54c: {  	v2 =	vld.idx.msk [tilespmem:v2+s4+$0x0], $0xffff  }
0x54d: {  	v6 =	vadd.s32 v48, v7;
	_ =	sdelay $0x3  }
0x54e: {  	[tilespmem:s20+$0xCF30] =	vst v2  }
0x54f: {  	v2 =	vld.idx.msk [tilespmem:v6+s4+$0x0], $0xffff  }
0x550: {  	v6 =	vadd.s32 v3, v7;
	_ =	sdelay $0x3  }
0x551: {  	[tilespmem:s20+$0xCF80] =	vst v2  }
0x552: {  	v2 =	vld.idx.msk [tilespmem:v6+s4+$0x0], $0xffff  }
0x553: {  	v6 =	vadd.s32 v4, v7;
	_ =	sdelay $0x3  }
0x554: {  	[tilespmem:s20+$0xCF90] =	vst v2  }
0x555: {  	v2 =	vld.idx.msk [tilespmem:v6+s4+$0x0], $0xffff;
	_ =	sdelay $0x2  }
0x556: {  	v6 =	vadd.s32 v5, v7;
	_ =	sdelay $0x1  }
0x557: {  	[tilespmem:s20+$0xCFA0] =	vst v2;
	v2 =	vld [tilespmem:s29+$0x510]  }
0x558: {  	v39 =	vimm.s32 $0x2;
	v7 =	vld [tilespmem:s29+$0x530]  }
0x559: {  	v9 =	vld [tilespmem:s29+$0x520];
	v8 =	vperm.xlane v0, v39  }
0x55a: {  	v6 =	vld.idx.msk [tilespmem:v6+s4+$0x0], $0xffff  }
0x55b: {  	v10 =	vadd.s32 v48, v8  }
0x55c: {  	v2 =	vadd.s32 $0xFFFFFFFF, v2  }
0x55d: {  	v7 =	vadd.s32 $0xFFFFFFFF, v7;
	vm10 =	vgt.s32 v2, $0x0  }
0x55e: {  	vm11 =	vgt.s32 v7, $0x0;
	v2 =	vnsel vm10, $0x0, v2  }
0x55f: {  	v7 =	vnsel vm11, $0x0, v7;
	[tilespmem:s20+$0xCFB0] =	vst v6;
	v6 =	vadd.s32 $0xFFFFFFFF, v9;
	v2 =	vcvt.s32.f32 v2  }
0x560: {  	v7 =	vcvt.s32.f32 v7;
	v9 =	vld.idx.msk [tilespmem:v10+s4+$0x0], $0xffff;
	vm1 =	vgt.s32 v6, $0x0  }
0x561: {  	v10 =	vadd.s32 v3, v8;
	v6 =	vnsel vm1, $0x0, v6;
	v2 =	vshrl.u32 v2, $0x17  }
0x562: {  	v6 =	vcvt.s32.f32 v6;
	v2 =	vmax.u32 v2, $0x7E  }
0x563: {  	v7 =	vshrl.u32 v7, $0x17;
	v2 =	vmin.u32 v2, $0x88  }
0x564: {  	v7 =	vmax.u32 v7, $0x7E;
	v11 =	vshrl.u32 v6, $0x17;
	v2 =	vshll.u32 v2, $0x6  }
0x565: {  	v7 =	vmin.u32 v7, $0x88;
	[tilespmem:s20+$0xD000] =	vst v9;
	v6 =	vadd.s32 $0xFFFFE080, v2;
	v2 =	vmax.u32 v11, $0x7E  }
0x566: {  	v7 =	vshll.u32 v7, $0x6;
	v9 =	vld.idx.msk [tilespmem:v10+s4+$0x0], $0xffff;
	v11 =	vadd.s32 v4, v8;
	v2 =	vmin.u32 v2, $0x88  }
0x567: {  	v10 =	vperm.xlane v6, v33;
	v12 =	vshll.u32 v2, $0x6;
	v2 =	vadd.s32 $0xFFFFE080, v7  }
0x568: {  	v7 =	vadd.s32 $0xFFFFE080, v12;
	v12 =	vperm.xlane v2, v33  }
0x569: {  	v13 =	vadd.s32 v48, v10;
	v14 =	vperm.xlane v7, v33  }
0x56a: {  	v15 =	vadd.s32 v48, v12  }
0x56b: {  	[tilespmem:s20+$0xD010] =	vst v9;
	v9 =	vadd.s32 v48, v14  }
0x56c: {  	v11 =	vld.idx.msk [tilespmem:v11+s4+$0x0], $0xffff  }
0x56d: {  	v8 =	vadd.s32 v5, v8  }
0x56e: {  	v13 =	vld.idx.msk [tilespmem:v13+s4+$0x0], $0xffff  }
0x56f: {  	v16 =	vadd.s32 v3, v10;
	v15 =	vld.idx.msk [tilespmem:v15+s4+$0x0], $0xffff  }
0x570: {  	v47 =	vimm.s32 $0x3;
	v17 =	vadd.s32 v3, v12;
	v9 =	vld.idx.msk [tilespmem:v9+s4+$0x0], $0xffff  }
0x571: {  	s24 =	sor.u32 $0x800, s31;
	v18 =	vperm.xlane v0, v47;
	[tilespmem:s20+$0xD020] =	vst v11;
	v11 =	vadd.s32 v3, v14  }
0x572: {  	s23 =	sor.u32 $0x1800, s31;
	s22 =	sand.u32 $0x3FFFF800, s24;
	v8 =	vld.idx.msk [tilespmem:v8+s4+$0x0], $0xffff  }
0x573: {  	s23 =	sand.u32 $0x3FFFF800, s23;
	s21 =	sor.u32 $0x1000, s31;
	[tilespmem:s22+$0xCF00] =	vst v13;
	v13 =	vadd.s32 v48, v18  }
0x574: {  	s21 =	sand.u32 $0x3FFFF800, s21;
	v16 =	vld.idx.msk [tilespmem:v16+s4+$0x0], $0xffff;
	[tilespmem:s23+$0xCF00] =	vst v15  }
0x575: {  	v15 =	vadd.s32 v4, v10;
	v17 =	vld.idx.msk [tilespmem:v17+s4+$0x0], $0xffff;
	[tilespmem:s21+$0xCF00] =	vst v9  }
0x576: {  	v9 =	vld.idx.msk [tilespmem:v11+s4+$0x0], $0xffff;
	v11 =	vadd.s32 v4, v12  }
0x577: {  	[tilespmem:s20+$0xD030] =	vst v8;
	v8 =	vadd.s32 v4, v14  }
0x578: {  	v13 =	vld.idx.msk [tilespmem:v13+s4+$0x0], $0xffff  }
0x579: {  	[tilespmem:s22+$0xCF10] =	vst v16;
	v16 =	vadd.s32 v3, v18  }
0x57a: {  	v15 =	vld.idx.msk [tilespmem:v15+s4+$0x0], $0xffff;
	[tilespmem:s23+$0xCF10] =	vst v17  }
0x57b: {  	v10 =	vadd.s32 v5, v10;
	v11 =	vld.idx.msk [tilespmem:v11+s4+$0x0], $0xffff;
	[tilespmem:s21+$0xCF10] =	vst v9  }
0x57c: {  	v9 =	vadd.s32 v5, v12;
	v8 =	vld.idx.msk [tilespmem:v8+s4+$0x0], $0xffff  }
0x57d: {  	v12 =	vadd.s32 v5, v14;
	[tilespmem:s20+$0xD080] =	vst v13  }
0x57e: {  	v13 =	vld.idx.msk [tilespmem:v16+s4+$0x0], $0xffff  }
0x57f: {  	v14 =	vperm.xlane v6, v37;
	[tilespmem:s22+$0xCF20] =	vst v15;
	v15 =	vadd.s32 v4, v18  }
0x580: {  	v10 =	vld.idx.msk [tilespmem:v10+s4+$0x0], $0xffff;
	[tilespmem:s23+$0xCF20] =	vst v11;
	v11 =	vperm.xlane v2, v37  }
0x581: {  	v17 =	vperm.xlane v7, v37;
	v16 =	vadd.s32 v48, v14;
	v9 =	vld.idx.msk [tilespmem:v9+s4+$0x0], $0xffff;
	[tilespmem:s21+$0xCF20] =	vst v8  }
0x582: {  	v8 =	vld.idx.msk [tilespmem:v12+s4+$0x0], $0xffff;
	v12 =	vadd.s32 v48, v11  }
0x583: {  	[tilespmem:s20+$0xD090] =	vst v13;
	v13 =	vadd.s32 v48, v17  }
0x584: {  	v15 =	vld.idx.msk [tilespmem:v15+s4+$0x0], $0xffff  }
0x585: {  	[tilespmem:s22+$0xCF30] =	vst v10;
	v10 =	vadd.s32 v5, v18  }
0x586: {  	v16 =	vld.idx.msk [tilespmem:v16+s4+$0x0], $0xffff;
	[tilespmem:s23+$0xCF30] =	vst v9  }
0x587: {  	v9 =	vadd.s32 v3, v14;
	v12 =	vld.idx.msk [tilespmem:v12+s4+$0x0], $0xffff;
	[tilespmem:s21+$0xCF30] =	vst v8  }
0x588: {  	v36 =	vimm.s32 $0x4;
	v8 =	vld.idx.msk [tilespmem:v13+s4+$0x0], $0xffff;
	v13 =	vadd.s32 v3, v11  }
0x589: {  	v18 =	vperm.xlane v0, v36;
	[tilespmem:s20+$0xD0A0] =	vst v15;
	v15 =	vadd.s32 v3, v17  }
0x58a: {  	v10 =	vld.idx.msk [tilespmem:v10+s4+$0x0], $0xffff  }
0x58b: {  	[tilespmem:s20+$0xD780] =	vst v16;
	v16 =	vadd.s32 v48, v18  }
0x58c: {  	v9 =	vld.idx.msk [tilespmem:v9+s4+$0x0], $0xffff;
	[tilespmem:s20+$0xE780] =	vst v12  }
0x58d: {  	v12 =	vadd.s32 v4, v14;
	v13 =	vld.idx.msk [tilespmem:v13+s4+$0x0], $0xffff;
	[tilespmem:s20+$0xDF80] =	vst v8  }
0x58e: {  	v8 =	vld.idx.msk [tilespmem:v15+s4+$0x0], $0xffff;
	v15 =	vadd.s32 v4, v11  }
0x58f: {  	[tilespmem:s20+$0xD0B0] =	vst v10;
	v10 =	vadd.s32 v4, v17  }
0x590: {  	v16 =	vld.idx.msk [tilespmem:v16+s4+$0x0], $0xffff  }
0x591: {  	[tilespmem:s20+$0xD790] =	vst v9;
	v9 =	vadd.s32 v3, v18  }
0x592: {  	v12 =	vld.idx.msk [tilespmem:v12+s4+$0x0], $0xffff;
	[tilespmem:s20+$0xE790] =	vst v13  }
0x593: {  	v13 =	vadd.s32 v5, v14;
	v14 =	vld.idx.msk [tilespmem:v15+s4+$0x0], $0xffff;
	[tilespmem:s20+$0xDF90] =	vst v8  }
0x594: {  	v8 =	vld.idx.msk [tilespmem:v10+s4+$0x0], $0xffff;
	v10 =	vadd.s32 v5, v11  }
0x595: {  	[tilespmem:s20+$0xD100] =	vst v16;
	v11 =	vadd.s32 v5, v17  }
0x596: {  	v9 =	vld.idx.msk [tilespmem:v9+s4+$0x0], $0xffff  }
0x597: {  	v15 =	vadd.s32 v4, v18;
	[tilespmem:s20+$0xD7A0] =	vst v12;
	v12 =	vperm.xlane v6, v39  }
0x598: {  	v16 =	vperm.xlane v2, v39;
	v13 =	vld.idx.msk [tilespmem:v13+s4+$0x0], $0xffff;
	[tilespmem:s20+$0xE7A0] =	vst v14  }
0x599: {  	v14 =	vadd.s32 v48, v12;
	v10 =	vld.idx.msk [tilespmem:v10+s4+$0x0], $0xffff;
	[tilespmem:s20+$0xDFA0] =	vst v8;
	v8 =	vperm.xlane v7, v39  }
0x59a: {  	v17 =	vadd.s32 v48, v16;
	v11 =	vld.idx.msk [tilespmem:v11+s4+$0x0], $0xffff  }
0x59b: {  	[tilespmem:s20+$0xD110] =	vst v9;
	v9 =	vadd.s32 v48, v8  }
0x59c: {  	v15 =	vld.idx.msk [tilespmem:v15+s4+$0x0], $0xffff  }
0x59d: {  	[tilespmem:s20+$0xD7B0] =	vst v13;
	v13 =	vadd.s32 v5, v18  }
0x59e: {  	v14 =	vld.idx.msk [tilespmem:v14+s4+$0x0], $0xffff;
	[tilespmem:s20+$0xE7B0] =	vst v10  }
0x59f: {  	v10 =	vadd.s32 v3, v12;
	v17 =	vld.idx.msk [tilespmem:v17+s4+$0x0], $0xffff;
	[tilespmem:s20+$0xDFB0] =	vst v11  }
0x5a0: {  	v55 =	vimm.s32 $0x5;
	v11 =	vadd.s32 v3, v16;
	v9 =	vld.idx.msk [tilespmem:v9+s4+$0x0], $0xffff  }
0x5a1: {  	v18 =	vperm.xlane v0, v55;
	[tilespmem:s20+$0xD120] =	vst v15;
	v15 =	vadd.s32 v3, v8  }
0x5a2: {  	v13 =	vld.idx.msk [tilespmem:v13+s4+$0x0], $0xffff  }
0x5a3: {  	[tilespmem:s20+$0xD800] =	vst v14;
	v14 =	vadd.s32 v48, v18  }
0x5a4: {  	v10 =	vld.idx.msk [tilespmem:v10+s4+$0x0], $0xffff;
	[tilespmem:s20+$0xE800] =	vst v17  }
0x5a5: {  	v11 =	vld.idx.msk [tilespmem:v11+s4+$0x0], $0xffff;
	[tilespmem:s20+$0xE000] =	vst v9  }
0x5a6: {  	v9 =	vld.idx.msk [tilespmem:v15+s4+$0x0], $0xffff;
	v15 =	vadd.s32 v4, v16  }
0x5a7: {  	[tilespmem:s20+$0xD130] =	vst v13;
	v13 =	vadd.s32 v4, v8  }
0x5a8: {  	v17 =	vadd.s32 v4, v12;
	v14 =	vld.idx.msk [tilespmem:v14+s4+$0x0], $0xffff  }
0x5a9: {  	[tilespmem:s20+$0xD810] =	vst v10;
	v10 =	vadd.s32 v3, v18  }
0x5aa: {  	[tilespmem:s20+$0xE810] =	vst v11  }
0x5ab: {  	v11 =	vadd.s32 v5, v12;
	v12 =	vld.idx.msk [tilespmem:v15+s4+$0x0], $0xffff;
	[tilespmem:s20+$0xE010] =	vst v9  }
0x5ac: {  	v9 =	vld.idx.msk [tilespmem:v13+s4+$0x0], $0xffff;
	v13 =	vadd.s32 v5, v16  }
0x5ad: {  	v8 =	vadd.s32 v5, v8;
	v17 =	vld.idx.msk [tilespmem:v17+s4+$0x0], $0xffff;
	[tilespmem:s20+$0xD180] =	vst v14  }
0x5ae: {  	v10 =	vld.idx.msk [tilespmem:v10+s4+$0x0], $0xffff  }
0x5af: {  	v15 =	vadd.s32 v4, v18  }
0x5b0: {  	[tilespmem:s20+$0xE820] =	vst v12;
	v12 =	vperm.xlane v2, v47  }
0x5b1: {  	v13 =	vld.idx.msk [tilespmem:v13+s4+$0x0], $0xffff;
	[tilespmem:s20+$0xE020] =	vst v9;
	v9 =	vperm.xlane v7, v47  }
0x5b2: {  	[tilespmem:s20+$0xD820] =	vst v17;
	v8 =	vld.idx.msk [tilespmem:v8+s4+$0x0], $0xffff;
	v17 =	vadd.s32 v48, v12  }
0x5b3: {  	v14 =	vperm.xlane v6, v47;
	v11 =	vld.idx.msk [tilespmem:v11+s4+$0x0], $0xffff;
	[tilespmem:s20+$0xD190] =	vst v10;
	v10 =	vadd.s32 v48, v9  }
0x5b4: {  	v15 =	vld.idx.msk [tilespmem:v15+s4+$0x0], $0xffff  }
0x5b5: {  	v16 =	vadd.s32 v48, v14  }
0x5b6: {  	[tilespmem:s20+$0xE830] =	vst v13  }
0x5b7: {  	v17 =	vld.idx.msk [tilespmem:v17+s4+$0x0], $0xffff;
	[tilespmem:s20+$0xE030] =	vst v8  }
0x5b8: {  	[tilespmem:s20+$0xD830] =	vst v11;
	v8 =	vld.idx.msk [tilespmem:v10+s4+$0x0], $0xffff;
	v10 =	vadd.s32 v3, v12  }
0x5b9: {  	[tilespmem:s20+$0xD1A0] =	vst v15;
	v15 =	vadd.s32 v3, v9  }
0x5ba: {  	v16 =	vld.idx.msk [tilespmem:v16+s4+$0x0], $0xffff  }
0x5bb: {  	v13 =	vadd.s32 v3, v14  }
0x5bc: {  	[tilespmem:s20+$0xE880] =	vst v17  }
0x5bd: {  	v10 =	vld.idx.msk [tilespmem:v10+s4+$0x0], $0xffff;
	[tilespmem:s20+$0xE080] =	vst v8  }
0x5be: {  	v8 =	vld.idx.msk [tilespmem:v15+s4+$0x0], $0xffff;
	v15 =	vadd.s32 v4, v12  }
0x5bf: {  	[tilespmem:s20+$0xD880] =	vst v16;
	v16 =	vadd.s32 v4, v9  }
0x5c0: {  	v13 =	vld.idx.msk [tilespmem:v13+s4+$0x0], $0xffff  }
0x5c1: {  	v17 =	vadd.s32 v4, v14  }
0x5c2: {  	[tilespmem:s20+$0xE890] =	vst v10  }
0x5c3: {  	v10 =	vld.idx.msk [tilespmem:v15+s4+$0x0], $0xffff;
	[tilespmem:s20+$0xE090] =	vst v8  }
0x5c4: {  	v12 =	vadd.s32 v5, v12;
	v8 =	vld.idx.msk [tilespmem:v16+s4+$0x0], $0xffff  }
0x5c5: {  	v9 =	vadd.s32 v5, v9;
	[tilespmem:s20+$0xD890] =	vst v13  }
0x5c6: {  	v13 =	vld.idx.msk [tilespmem:v17+s4+$0x0], $0xffff  }
0x5c7: {  	v14 =	vadd.s32 v5, v14  }
0x5c8: {  	v15 =	vperm.xlane v2, v36;
	[tilespmem:s20+$0xE8A0] =	vst v10  }
0x5c9: {  	v11 =	vadd.s32 v5, v18;
	v10 =	vld.idx.msk [tilespmem:v12+s4+$0x0], $0xffff;
	[tilespmem:s20+$0xE0A0] =	vst v8;
	v8 =	vperm.xlane v7, v36  }
0x5ca: {  	v12 =	vadd.s32 v48, v15;
	v9 =	vld.idx.msk [tilespmem:v9+s4+$0x0], $0xffff  }
0x5cb: {  	v16 =	vperm.xlane v6, v36;
	[tilespmem:s20+$0xD8A0] =	vst v13;
	v13 =	vadd.s32 v48, v8  }
0x5cc: {  	v14 =	vld.idx.msk [tilespmem:v14+s4+$0x0], $0xffff  }
0x5cd: {  	v17 =	vadd.s32 v48, v16  }
0x5ce: {  	v11 =	vld.idx.msk [tilespmem:v11+s4+$0x0], $0xffff;
	[tilespmem:s20+$0xE8B0] =	vst v10  }
0x5cf: {  	v10 =	vld.idx.msk [tilespmem:v12+s4+$0x0], $0xffff;
	[tilespmem:s20+$0xE0B0] =	vst v9  }
0x5d0: {  	v12 =	vadd.s32 v3, v15;
	v9 =	vld.idx.msk [tilespmem:v13+s4+$0x0], $0xffff  }
0x5d1: {  	[tilespmem:s20+$0xD8B0] =	vst v14;
	v13 =	vadd.s32 v3, v8  }
0x5d2: {  	v1 =	vimm.s32 $0x6;
	v14 =	vld.idx.msk [tilespmem:v17+s4+$0x0], $0xffff  }
0x5d3: {  	v18 =	vadd.s32 v3, v16;
	v17 =	vperm.xlane v0, v1  }
0x5d4: {  	[tilespmem:s20+$0xE900] =	vst v10  }
0x5d5: {  	v10 =	vadd.s32 v48, v17;
	v12 =	vld.idx.msk [tilespmem:v12+s4+$0x0], $0xffff;
	[tilespmem:s20+$0xE100] =	vst v9  }
0x5d6: {  	v9 =	vld.idx.msk [tilespmem:v13+s4+$0x0], $0xffff;
	v13 =	vadd.s32 v4, v15  }
0x5d7: {  	[tilespmem:s20+$0xD900] =	vst v14;
	v14 =	vadd.s32 v4, v8  }
0x5d8: {  	v18 =	vld.idx.msk [tilespmem:v18+s4+$0x0], $0xffff  }
0x5d9: {  	[tilespmem:s20+$0xD1B0] =	vst v11;
	v11 =	vadd.s32 v4, v16  }
0x5da: {  	v10 =	vld.idx.msk [tilespmem:v10+s4+$0x0], $0xffff;
	[tilespmem:s20+$0xE910] =	vst v12  }
0x5db: {  	v12 =	vadd.s32 v3, v17;
	v13 =	vld.idx.msk [tilespmem:v13+s4+$0x0], $0xffff;
	[tilespmem:s20+$0xE110] =	vst v9  }
0x5dc: {  	v9 =	vld.idx.msk [tilespmem:v14+s4+$0x0], $0xffff;
	v14 =	vadd.s32 v5, v15  }
0x5dd: {  	v8 =	vadd.s32 v5, v8;
	[tilespmem:s20+$0xD910] =	vst v18  }
0x5de: {  	v11 =	vld.idx.msk [tilespmem:v11+s4+$0x0], $0xffff  }
0x5df: {  	[tilespmem:s20+$0xD200] =	vst v10;
	v10 =	vadd.s32 v5, v16  }
0x5e0: {  	v15 =	vperm.xlane v2, v55;
	v12 =	vld.idx.msk [tilespmem:v12+s4+$0x0], $0xffff;
	[tilespmem:s20+$0xE920] =	vst v13  }
0x5e1: {  	v16 =	vadd.s32 v4, v17;
	v13 =	vperm.xlane v7, v55;
	v14 =	vld.idx.msk [tilespmem:v14+s4+$0x0], $0xffff;
	[tilespmem:s20+$0xE120] =	vst v9  }
0x5e2: {  	v9 =	vadd.s32 v48, v15;
	v8 =	vld.idx.msk [tilespmem:v8+s4+$0x0], $0xffff  }
0x5e3: {  	v18 =	vperm.xlane v6, v55;
	[tilespmem:s20+$0xD920] =	vst v11;
	v11 =	vadd.s32 v48, v13  }
0x5e4: {  	v10 =	vld.idx.msk [tilespmem:v10+s4+$0x0], $0xffff  }
0x5e5: {  	[tilespmem:s20+$0xD210] =	vst v12;
	v12 =	vadd.s32 v48, v18  }
0x5e6: {  	v16 =	vld.idx.msk [tilespmem:v16+s4+$0x0], $0xffff;
	[tilespmem:s20+$0xE930] =	vst v14  }
0x5e7: {  	v14 =	vadd.s32 v5, v17;
	v9 =	vld.idx.msk [tilespmem:v9+s4+$0x0], $0xffff;
	[tilespmem:s20+$0xE130] =	vst v8  }
0x5e8: {  	v8 =	vld.idx.msk [tilespmem:v11+s4+$0x0], $0xffff;
	v11 =	vadd.s32 v3, v15  }
0x5e9: {  	[tilespmem:s20+$0xD930] =	vst v10;
	v10 =	vadd.s32 v3, v13  }
0x5ea: {  	v34 =	vimm.s32 $0x7;
	v12 =	vld.idx.msk [tilespmem:v12+s4+$0x0], $0xffff  }
0x5eb: {  	v17 =	vperm.xlane v0, v34;
	[tilespmem:s20+$0xD220] =	vst v16;
	v16 =	vadd.s32 v3, v18  }
0x5ec: {  	v14 =	vld.idx.msk [tilespmem:v14+s4+$0x0], $0xffff;
	[tilespmem:s20+$0xE980] =	vst v9  }
0x5ed: {  	v9 =	vadd.s32 v48, v17;
	v11 =	vld.idx.msk [tilespmem:v11+s4+$0x0], $0xffff;
	[tilespmem:s20+$0xE180] =	vst v8  }
0x5ee: {  	v8 =	vld.idx.msk [tilespmem:v10+s4+$0x0], $0xffff;
	v10 =	vadd.s32 v4, v15  }
0x5ef: {  	[tilespmem:s20+$0xD980] =	vst v12;
	v12 =	vadd.s32 v4, v13  }
0x5f0: {  	v16 =	vld.idx.msk [tilespmem:v16+s4+$0x0], $0xffff  }
0x5f1: {  	[tilespmem:s20+$0xD230] =	vst v14;
	v14 =	vadd.s32 v4, v18  }
0x5f2: {  	v9 =	vld.idx.msk [tilespmem:v9+s4+$0x0], $0xffff;
	[tilespmem:s20+$0xE990] =	vst v11  }
0x5f3: {  	s25 =	simm.s32 $0x40;
	v11 =	vadd.s32 v3, v17;
	v10 =	vld.idx.msk [tilespmem:v10+s4+$0x0], $0xffff;
	[tilespmem:s20+$0xE190] =	vst v8  }
0x5f4: {  	s26 =	sand.u32 $0x3FFFFFF0, s25;
	v8 =	vld.idx.msk [tilespmem:v12+s4+$0x0], $0xffff  }
0x5f5: {  	[tilespmem:s20+$0xD990] =	vst v16;
	v12 =	vadd.s32 v5, v15;
	v15 =	vld [tilespmem:s26+$0x500]  }
0x5f6: {  	v13 =	vadd.s32 v5, v13;
	v14 =	vld.idx.msk [tilespmem:v14+s4+$0x0], $0xffff  }
0x5f7: {  	[tilespmem:s20+$0xD280] =	vst v9;
	v9 =	vadd.s32 v5, v18  }
0x5f8: {  	v11 =	vld.idx.msk [tilespmem:v11+s4+$0x0], $0xffff  }
0x5f9: {  	v16 =	vperm.xlane v2, v1;
	[tilespmem:s20+$0xE9A0] =	vst v10;
	v10 =	vadd.s32 v4, v17  }
0x5fa: {  	v18 =	vperm.xlane v7, v1;
	v12 =	vld.idx.msk [tilespmem:v12+s4+$0x0], $0xffff;
	[tilespmem:s20+$0xE1A0] =	vst v8;
	v8 =	vadd.s32 $0xFFFFFFFF, v15  }
0x5fb: {  	v15 =	vperm.xlane v6, v1;
	[tilespmem:s20+$0xD9A0] =	vst v14;
	v13 =	vld.idx.msk [tilespmem:v13+s4+$0x0], $0xffff;
	v14 =	vadd.s32 v48, v16;
	vm12 =	vgt.s32 v8, $0x0  }
0x5fc: {  	v19 =	vadd.s32 v48, v18;
	v9 =	vld.idx.msk [tilespmem:v9+s4+$0x0], $0xffff;
	v8 =	vnsel vm12, $0x0, v8  }
0x5fd: {  	[tilespmem:s20+$0xD290] =	vst v11;
	v11 =	vadd.s32 v48, v15;
	v8 =	vcvt.s32.f32 v8  }
0x5fe: {  	v10 =	vld.idx.msk [tilespmem:v10+s4+$0x0], $0xffff  }
0x5ff: {  	[tilespmem:s20+$0xE9B0] =	vst v12;
	v12 =	vadd.s32 v5, v17;
	v8 =	vshrl.u32 v8, $0x17  }
0x600: {  	v14 =	vld.idx.msk [tilespmem:v14+s4+$0x0], $0xffff;
	[tilespmem:s20+$0xE1B0] =	vst v13;
	v8 =	vmax.u32 v8, $0x7E  }
0x601: {  	v13 =	vadd.s32 v3, v16;
	[tilespmem:s20+$0xD9B0] =	vst v9;
	v9 =	vld.idx.msk [tilespmem:v19+s4+$0x0], $0xffff;
	v8 =	vmin.u32 v8, $0x88  }
0x602: {  	v44 =	vimm.s32 $0x8;
	v17 =	vadd.s32 v3, v18;
	v11 =	vld.idx.msk [tilespmem:v11+s4+$0x0], $0xffff;
	v8 =	vshll.u32 v8, $0x6  }
0x603: {  	v19 =	vperm.xlane v0, v44;
	[tilespmem:s20+$0xD2A0] =	vst v10;
	v10 =	vadd.s32 v3, v15;
	v8 =	vadd.s32 $0xFFFFE080, v8  }
0x604: {  	v12 =	vld.idx.msk [tilespmem:v12+s4+$0x0], $0xffff;
	v20 =	vperm.xlane v8, v33  }
0x605: {  	v21 =	vadd.s32 v48, v19;
	[tilespmem:s20+$0xEA00] =	vst v14  }
0x606: {  	v13 =	vld.idx.msk [tilespmem:v13+s4+$0x0], $0xffff;
	[tilespmem:s20+$0xE200] =	vst v9;
	v9 =	vadd.s32 v48, v20  }
0x607: {  	v14 =	vadd.s32 v4, v16;
	[tilespmem:s20+$0xDA00] =	vst v11;
	v11 =	vld.idx.msk [tilespmem:v17+s4+$0x0], $0xffff  }
0x608: {  	v17 =	vadd.s32 v4, v18;
	v10 =	vld.idx.msk [tilespmem:v10+s4+$0x0], $0xffff  }
0x609: {  	[tilespmem:s20+$0xD2B0] =	vst v12;
	v12 =	vadd.s32 v4, v15  }
0x60a: {  	v21 =	vld.idx.msk [tilespmem:v21+s4+$0x0], $0xffff  }
0x60b: {  	[tilespmem:s20+$0xEA10] =	vst v13;
	v9 =	vld.idx.msk [tilespmem:v9+s4+$0x0], $0xffff;
	v13 =	vadd.s32 v3, v19  }
0x60c: {  	[tilespmem:s20+$0xE210] =	vst v11;
	v11 =	vld.idx.msk [tilespmem:v14+s4+$0x0], $0xffff;
	v14 =	vadd.s32 v3, v20  }
0x60d: {  	v16 =	vadd.s32 v5, v16;
	[tilespmem:s20+$0xDA10] =	vst v10;
	v10 =	vld.idx.msk [tilespmem:v17+s4+$0x0], $0xffff  }
0x60e: {  	s28 =	simm.s32 $0x2000;
	v12 =	vld.idx.msk [tilespmem:v12+s4+$0x0], $0xffff  }
0x60f: {  	s21 =	sand.u32 $0x3FFFF800, s28;
	v15 =	vadd.s32 v5, v15;
	[tilespmem:s20+$0xD300] =	vst v21  }
0x610: {  	v17 =	vadd.s32 v5, v18;
	[tilespmem:s21+$0xCF00] =	vst v9;
	v9 =	vld.idx.msk [tilespmem:v13+s4+$0x0], $0xffff  }
0x611: {  	v13 =	vperm.xlane v2, v34;
	v14 =	vld.idx.msk [tilespmem:v14+s4+$0x0], $0xffff;
	[tilespmem:s20+$0xEA20] =	vst v11;
	v11 =	vadd.s32 v4, v19  }
0x612: {  	[tilespmem:s20+$0xE220] =	vst v10;
	v10 =	vld.idx.msk [tilespmem:v16+s4+$0x0], $0xffff;
	v16 =	vadd.s32 v4, v20  }
0x613: {  	v21 =	vperm.xlane v6, v34;
	[tilespmem:s20+$0xDA20] =	vst v12;
	v12 =	vadd.s32 v48, v13  }
0x614: {  	v18 =	vperm.xlane v7, v34;
	v15 =	vld.idx.msk [tilespmem:v15+s4+$0x0], $0xffff  }
0x615: {  	v17 =	vld.idx.msk [tilespmem:v17+s4+$0x0], $0xffff;
	[tilespmem:s20+$0xD310] =	vst v9;
	v9 =	vadd.s32 v48, v21  }
0x616: {  	v22 =	vadd.s32 v48, v18;
	[tilespmem:s21+$0xCF10] =	vst v14;
	v11 =	vld.idx.msk [tilespmem:v11+s4+$0x0], $0xffff  }
0x617: {  	v14 =	vld.idx.msk [tilespmem:v16+s4+$0x0], $0xffff;
	[tilespmem:s20+$0xEA30] =	vst v10;
	v10 =	vadd.s32 v5, v19  }
0x618: {  	v16 =	vadd.s32 v5, v20;
	v12 =	vld.idx.msk [tilespmem:v12+s4+$0x0], $0xffff  }
0x619: {  	[tilespmem:s20+$0xDA30] =	vst v15;
	v15 =	vadd.s32 v3, v13  }
0x61a: {  	v45 =	vimm.s32 $0x9;
	[tilespmem:s20+$0xE230] =	vst v17;
	v9 =	vld.idx.msk [tilespmem:v9+s4+$0x0], $0xffff  }
0x61b: {  	v20 =	vperm.xlane v0, v45;
	v17 =	vld.idx.msk [tilespmem:v22+s4+$0x0], $0xffff;
	[tilespmem:s20+$0xD320] =	vst v11;
	v11 =	vadd.s32 v3, v21  }
0x61c: {  	v19 =	vadd.s32 v3, v18;
	v22 =	vperm.xlane v8, v37;
	[tilespmem:s21+$0xCF20] =	vst v14;
	v10 =	vld.idx.msk [tilespmem:v10+s4+$0x0], $0xffff  }
0x61d: {  	v14 =	vld.idx.msk [tilespmem:v16+s4+$0x0], $0xffff;
	[tilespmem:s20+$0xEA80] =	vst v12;
	v12 =	vadd.s32 v48, v20  }
0x61e: {  	v16 =	vadd.s32 v48, v22;
	v15 =	vld.idx.msk [tilespmem:v15+s4+$0x0], $0xffff  }
0x61f: {  	[tilespmem:s20+$0xDA80] =	vst v9;
	v9 =	vadd.s32 v4, v13  }
0x620: {  	[tilespmem:s20+$0xE280] =	vst v17;
	v11 =	vld.idx.msk [tilespmem:v11+s4+$0x0], $0xffff  }
0x621: {  	v17 =	vld.idx.msk [tilespmem:v19+s4+$0x0], $0xffff;
	[tilespmem:s20+$0xD330] =	vst v10;
	v10 =	vadd.s32 v4, v21  }
0x622: {  	v19 =	vadd.s32 v4, v18;
	[tilespmem:s21+$0xCF30] =	vst v14;
	v12 =	vld.idx.msk [tilespmem:v12+s4+$0x0], $0xffff  }
0x623: {  	v14 =	vld.idx.msk [tilespmem:v16+s4+$0x0], $0xffff;
	[tilespmem:s20+$0xEA90] =	vst v15;
	v15 =	vadd.s32 v3, v20  }
0x624: {  	v9 =	vld.idx.msk [tilespmem:v9+s4+$0x0], $0xffff  }
0x625: {  	[tilespmem:s20+$0xDA90] =	vst v11;
	v11 =	vadd.s32 v5, v13  }
0x626: {  	v16 =	vadd.s32 v3, v22;
	[tilespmem:s20+$0xE290] =	vst v17;
	v10 =	vld.idx.msk [tilespmem:v10+s4+$0x0], $0xffff  }
0x627: {  	v17 =	vld.idx.msk [tilespmem:v19+s4+$0x0], $0xffff;
	[tilespmem:s20+$0xD380] =	vst v12;
	v12 =	vadd.s32 v5, v21  }
0x628: {  	v13 =	vadd.s32 v5, v18;
	[tilespmem:s21+$0xCF80] =	vst v14;
	v14 =	vld.idx.msk [tilespmem:v15+s4+$0x0], $0xffff  }
0x629: {  	v15 =	vperm.xlane v2, v44;
	[tilespmem:s20+$0xEAA0] =	vst v9  }
0x62a: {  	v9 =	vadd.s32 v4, v20;
	v11 =	vld.idx.msk [tilespmem:v11+s4+$0x0], $0xffff  }
0x62b: {  	v19 =	vperm.xlane v6, v44;
	v16 =	vld.idx.msk [tilespmem:v16+s4+$0x0], $0xffff;
	[tilespmem:s20+$0xDAA0] =	vst v10;
	v10 =	vadd.s32 v48, v15  }
0x62c: {  	v18 =	vperm.xlane v7, v44;
	[tilespmem:s20+$0xE2A0] =	vst v17;
	v17 =	vadd.s32 v4, v22;
	v12 =	vld.idx.msk [tilespmem:v12+s4+$0x0], $0xffff  }
0x62d: {  	v13 =	vld.idx.msk [tilespmem:v13+s4+$0x0], $0xffff;
	[tilespmem:s20+$0xD390] =	vst v14;
	v14 =	vadd.s32 v48, v19  }
0x62e: {  	v21 =	vadd.s32 v48, v18  }
0x62f: {  	v9 =	vld.idx.msk [tilespmem:v9+s4+$0x0], $0xffff;
	[tilespmem:s20+$0xEAB0] =	vst v11  }
0x630: {  	[tilespmem:s21+$0xCF90] =	vst v16;
	v10 =	vld.idx.msk [tilespmem:v10+s4+$0x0], $0xffff  }
0x631: {  	v16 =	vld.idx.msk [tilespmem:v17+s4+$0x0], $0xffff;
	[tilespmem:s20+$0xDAB0] =	vst v12;
	v12 =	vadd.s32 v3, v15  }
0x632: {  	v11 =	vadd.s32 v5, v20;
	[tilespmem:s20+$0xE2B0] =	vst v13;
	v14 =	vld.idx.msk [tilespmem:v14+s4+$0x0], $0xffff  }
0x633: {  	v13 =	vadd.s32 v5, v22;
	v17 =	vld.idx.msk [tilespmem:v21+s4+$0x0], $0xffff  }
0x634: {  	v24 =	vld [tilespmem:s25+$0x530];
	v20 =	vadd.s32 v3, v18;
	[tilespmem:s20+$0xD3A0] =	vst v9  }
0x635: {  	v21 =	vld [tilespmem:s25+$0x510];
	v9 =	vadd.s32 v3, v19;
	[tilespmem:s20+$0xEB00] =	vst v10  }
0x636: {  	[tilespmem:s21+$0xCFA0] =	vst v16;
	v12 =	vld.idx.msk [tilespmem:v12+s4+$0x0], $0xffff  }
0x637: {  	v11 =	vld.idx.msk [tilespmem:v11+s4+$0x0], $0xffff;
	v10 =	vperm.xlane v0, v40;
	[tilespmem:s20+$0xDB00] =	vst v14;
	v14 =	vadd.s32 v4, v15  }
0x638: {  	v13 =	vld.idx.msk [tilespmem:v13+s4+$0x0], $0xffff;
	[tilespmem:s20+$0xE300] =	vst v17  }
0x639: {  	v16 =	vld.idx.msk [tilespmem:v20+s4+$0x0], $0xffff;
	v20 =	vadd.s32 v48, v10  }
0x63a: {  	v27 =	vperm.xlane v6, v45;
	v23 =	vadd.s32 v4, v18;
	v22 =	vperm.xlane v8, v39;
	v17 =	vld.idx.msk [tilespmem:v9+s4+$0x0], $0xffff  }
0x63b: {  	v25 =	vperm.xlane v2, v45;
	v26 =	vadd.s32 v4, v19;
	[tilespmem:s20+$0xEB10] =	vst v12;
	v12 =	vld [tilespmem:s25+$0x520]  }
0x63c: {  	v30 =	vadd.s32 v48, v27;
	v18 =	vadd.s32 v5, v18;
	v28 =	vadd.s32 v48, v22;
	v14 =	vld.idx.msk [tilespmem:v14+s4+$0x0], $0xffff  }
0x63d: {  	v19 =	vadd.s32 v5, v19;
	v21 =	vadd.s32 $0xFFFFFFFF, v21;
	v15 =	vadd.s32 v5, v15;
	[tilespmem:s20+$0xD3B0] =	vst v11  }
0x63e: {  	v29 =	vadd.s32 v3, v10;
	vm13 =	vgt.s32 v21, $0x0;
	v9 =	vperm.xlane v7, v45;
	v20 =	vld.idx.msk [tilespmem:v20+s4+$0x0], $0xffff;
	[tilespmem:s20+$0xE310] =	vst v16  }
0x63f: {  	v21 =	vnsel vm13, $0x0, v21;
	v11 =	vadd.s32 v4, v10;
	[tilespmem:s20+$0xDB10] =	vst v17;
	v17 =	vld.idx.msk [tilespmem:v23+s4+$0x0], $0xffff;
	v23 =	vadd.s32 $0xFFFFFFFF, v24  }
0x640: {  	[tilespmem:s21+$0xCFB0] =	vst v13;
	v16 =	vadd.s32 v48, v9;
	v13 =	vld.idx.msk [tilespmem:v26+s4+$0x0], $0xffff;
	vm14 =	vgt.s32 v23, $0x0;
	v12 =	vadd.s32 $0xFFFFFFFF, v12  }
0x641: {  	v58 =	vld.idx.msk [tilespmem:v28+s4+$0x0], $0xffff;
	[tilespmem:s20+$0xEB20] =	vst v14;
	v14 =	vcvt.s32.f32 v21;
	vm15 =	vgt.s32 v12, $0x0;
	v21 =	vnsel vm14, $0x0, v23  }
0x642: {  	v23 =	vadd.s32 v3, v22;
	v15 =	vld.idx.msk [tilespmem:v15+s4+$0x0], $0xffff;
	v12 =	vnsel vm15, $0x0, v12;
	v21 =	vcvt.s32.f32 v21  }
0x643: {  	[tilespmem:s20+$0xD400] =	vst v20;
	v20 =	vadd.s32 v48, v25;
	v14 =	vshrl.u32 v14, $0x17;
	v12 =	vcvt.s32.f32 v12  }
0x644: {  	v59 =	vld.idx.msk [tilespmem:v29+s4+$0x0], $0xffff;
	[tilespmem:s20+$0xE320] =	vst v17;
	v17 =	vadd.s32 v4, v22;
	v14 =	vmax.u32 v14, $0x7E;
	v21 =	vshrl.u32 v21, $0x17  }
0x645: {  	[tilespmem:s20+$0xDB20] =	vst v13;
	v18 =	vld.idx.msk [tilespmem:v18+s4+$0x0], $0xffff;
	v13 =	vmin.u32 v14, $0x88;
	v12 =	vshrl.u32 v12, $0x17;
	v14 =	vmax.u32 v21, $0x7E  }
0x646: {  	[tilespmem:s21+$0xD000] =	vst v58;
	v19 =	vld.idx.msk [tilespmem:v19+s4+$0x0], $0xffff;
	v13 =	vshll.u32 v13, $0x6;
	v12 =	vmax.u32 v12, $0x7E;
	v14 =	vmin.u32 v14, $0x88  }
0x647: {  	v21 =	vld.idx.msk [tilespmem:v23+s4+$0x0], $0xffff;
	v13 =	vadd.s32 $0xFFFFE080, v13;
	[tilespmem:s20+$0xEB30] =	vst v15;
	v12 =	vmin.u32 v12, $0x88;
	v14 =	vshll.u32 v14, $0x6  }
0x648: {  	v15 =	vperm.xlane v13, v33;
	v20 =	vld.idx.msk [tilespmem:v20+s4+$0x0], $0xffff;
	v12 =	vshll.u32 v12, $0x6;
	v14 =	vadd.s32 $0xFFFFE080, v14  }
0x649: {  	v23 =	vadd.s32 v3, v25;
	[tilespmem:s20+$0xD410] =	vst v59;
	v38 =	vadd.s32 $0xFFFFE080, v12;
	v12 =	vperm.xlane v14, v33  }
0x64a: {  	v61 =	vld.idx.msk [tilespmem:v11+s4+$0x0], $0xffff;
	[tilespmem:s20+$0xE330] =	vst v18;
	v62 =	vadd.s32 v48, v15;
	v18 =	vperm.xlane v38, v33  }
0x64b: {  	[tilespmem:s20+$0xDB30] =	vst v19;
	v11 =	vld.idx.msk [tilespmem:v16+s4+$0x0], $0xffff;
	v16 =	vadd.s32 v48, v12  }
0x64c: {  	v19 =	vld.idx.msk [tilespmem:v30+s4+$0x0], $0xffff;
	[tilespmem:s21+$0xD010] =	vst v21;
	v21 =	vadd.s32 v48, v18  }
0x64d: {  	v28 =	vadd.s32 v3, v27;
	v17 =	vld.idx.msk [tilespmem:v17+s4+$0x0], $0xffff;
	[tilespmem:s20+$0xEB80] =	vst v20  }
0x64e: {  	v22 =	vadd.s32 v5, v22;
	v20 =	vld.idx.msk [tilespmem:v23+s4+$0x0], $0xffff  }
0x64f: {  	[tilespmem:s20+$0xD420] =	vst v61;
	v23 =	vadd.s32 v4, v25;
	v26 =	vld.idx.msk [tilespmem:v62+s4+$0x0], $0xffff  }
0x650: {  	v63 =	vadd.s32 v3, v15;
	[tilespmem:s20+$0xE380] =	vst v11;
	v16 =	vld.idx.msk [tilespmem:v16+s4+$0x0], $0xffff  }
0x651: {  	[tilespmem:s20+$0xDB80] =	vst v19;
	v19 =	vld.idx.msk [tilespmem:v21+s4+$0x0], $0xffff;
	v21 =	vadd.s32 v3, v12  }
0x652: {  	s29 =	sor.u32 $0x800, s28;
	v29 =	vperm.xlane v8, v47;
	v28 =	vld.idx.msk [tilespmem:v28+s4+$0x0], $0xffff;
	[tilespmem:s21+$0xD020] =	vst v17;
	v17 =	vadd.s32 v3, v18  }
0x653: {  	s24 =	sor.u32 $0x1800, s28;
	s23 =	sand.u32 $0x3FFFF800, s29;
	v22 =	vld.idx.msk [tilespmem:v22+s4+$0x0], $0xffff;
	[tilespmem:s20+$0xEB90] =	vst v20;
	v20 =	vadd.s32 v4, v27  }
0x654: {  	s30 =	sand.u32 $0x3FFFF800, s24;
	s25 =	sor.u32 $0x1000, s28;
	v33 =	vadd.s32 v48, v29;
	[tilespmem:s23+$0xCF00] =	vst v26;
	v23 =	vld.idx.msk [tilespmem:v23+s4+$0x0], $0xffff  }
0x655: {  	s31 =	sand.u32 $0x3FFFF800, s25;
	v24 =	vld.idx.msk [tilespmem:v63+s4+$0x0], $0xffff;
	[tilespmem:s30+$0xCF00] =	vst v16;
	v16 =	vadd.s32 v5, v25  }
0x656: {  	v42 =	vadd.s32 v4, v15;
	v21 =	vld.idx.msk [tilespmem:v21+s4+$0x0], $0xffff;
	[tilespmem:s31+$0xCF00] =	vst v19  }
0x657: {  	[tilespmem:s20+$0xDB90] =	vst v28;
	v19 =	vadd.s32 v4, v12;
	v17 =	vld.idx.msk [tilespmem:v17+s4+$0x0], $0xffff  }
0x658: {  	[tilespmem:s21+$0xD030] =	vst v22;
	v22 =	vadd.s32 v4, v18;
	v20 =	vld.idx.msk [tilespmem:v20+s4+$0x0], $0xffff  }
0x659: {  	v28 =	vperm.xlane v2, v40;
	v26 =	vld.idx.msk [tilespmem:v33+s4+$0x0], $0xffff;
	[tilespmem:s20+$0xEBA0] =	vst v23;
	v23 =	vadd.s32 v5, v27  }
0x65a: {  	v43 =	vadd.s32 v3, v29;
	[tilespmem:s23+$0xCF10] =	vst v24;
	v16 =	vld.idx.msk [tilespmem:v16+s4+$0x0], $0xffff  }
0x65b: {  	v25 =	vld.idx.msk [tilespmem:v42+s4+$0x0], $0xffff;
	[tilespmem:s30+$0xCF10] =	vst v21;
	v21 =	vadd.s32 v48, v28  }
0x65c: {  	v15 =	vadd.s32 v5, v15;
	v19 =	vld.idx.msk [tilespmem:v19+s4+$0x0], $0xffff;
	[tilespmem:s31+$0xCF10] =	vst v17  }
0x65d: {  	v12 =	vadd.s32 v5, v12;
	v17 =	vperm.xlane v6, v40;
	v22 =	vld.idx.msk [tilespmem:v22+s4+$0x0], $0xffff;
	[tilespmem:s20+$0xDBA0] =	vst v20  }
0x65e: {  	v18 =	vadd.s32 v5, v18;
	[tilespmem:s21+$0xD080] =	vst v26;
	v20 =	vld.idx.msk [tilespmem:v23+s4+$0x0], $0xffff  }
0x65f: {  	v23 =	vld.idx.msk [tilespmem:v43+s4+$0x0], $0xffff;
	[tilespmem:s20+$0xEBB0] =	vst v16;
	v16 =	vadd.s32 v48, v17  }
0x660: {  	v46 =	vadd.s32 v4, v29;
	v49 =	vperm.xlane v13, v37;
	[tilespmem:s23+$0xCF20] =	vst v25;
	v21 =	vld.idx.msk [tilespmem:v21+s4+$0x0], $0xffff  }
0x661: {  	v50 =	vadd.s32 v3, v28;
	v15 =	vld.idx.msk [tilespmem:v15+s4+$0x0], $0xffff;
	[tilespmem:s30+$0xCF20] =	vst v19;
	v19 =	vperm.xlane v14, v37  }
0x662: {  	v30 =	vadd.s32 v48, v49;
	v27 =	vperm.xlane v38, v37;
	v12 =	vld.idx.msk [tilespmem:v12+s4+$0x0], $0xffff;
	[tilespmem:s31+$0xCF20] =	vst v22  }
0x663: {  	v18 =	vld.idx.msk [tilespmem:v18+s4+$0x0], $0xffff;
	v22 =	vadd.s32 v48, v19;
	[tilespmem:s20+$0xDBB0] =	vst v20  }
0x664: {  	[tilespmem:s21+$0xD090] =	vst v23;
	v20 =	vadd.s32 v48, v27;
	v16 =	vld.idx.msk [tilespmem:v16+s4+$0x0], $0xffff  }
0x665: {  	v23 =	vld.idx.msk [tilespmem:v46+s4+$0x0], $0xffff;
	[tilespmem:s20+$0xEC00] =	vst v21;
	v21 =	vadd.s32 v3, v17  }
0x666: {  	v51 =	vadd.s32 v5, v29;
	[tilespmem:s23+$0xCF30] =	vst v15;
	v15 =	vld.idx.msk [tilespmem:v50+s4+$0x0], $0xffff  }
0x667: {  	v52 =	vld.idx.msk [tilespmem:v30+s4+$0x0], $0xffff;
	[tilespmem:s30+$0xCF30] =	vst v12;
	v12 =	vadd.s32 v4, v28  }
0x668: {  	v29 =	vadd.s32 v3, v49;
	v22 =	vld.idx.msk [tilespmem:v22+s4+$0x0], $0xffff;
	[tilespmem:s31+$0xCF30] =	vst v18  }
0x669: {  	v18 =	vld.idx.msk [tilespmem:v20+s4+$0x0], $0xffff;
	v20 =	vadd.s32 v3, v19;
	[tilespmem:s20+$0xDC00] =	vst v16  }
0x66a: {  	[tilespmem:s21+$0xD0A0] =	vst v23;
	v16 =	vadd.s32 v3, v27;
	v23 =	vperm.xlane v8, v36;
	v21 =	vld.idx.msk [tilespmem:v21+s4+$0x0], $0xffff  }
0x66b: {  	v24 =	vld.idx.msk [tilespmem:v51+s4+$0x0], $0xffff;
	[tilespmem:s20+$0xEC10] =	vst v15;
	v15 =	vadd.s32 v4, v17  }
0x66c: {  	v53 =	vadd.s32 v48, v23;
	[tilespmem:s21+$0xD780] =	vst v52;
	v12 =	vld.idx.msk [tilespmem:v12+s4+$0x0], $0xffff  }
0x66d: {  	v29 =	vld.idx.msk [tilespmem:v29+s4+$0x0], $0xffff;
	[tilespmem:s21+$0xE780] =	vst v22;
	v22 =	vadd.s32 v5, v28  }
0x66e: {  	v28 =	vadd.s32 v4, v49;
	v20 =	vld.idx.msk [tilespmem:v20+s4+$0x0], $0xffff;
	[tilespmem:s21+$0xDF80] =	vst v18  }
0x66f: {  	v18 =	vadd.s32 v4, v19;
	v16 =	vld.idx.msk [tilespmem:v16+s4+$0x0], $0xffff;
	[tilespmem:s20+$0xDC10] =	vst v21  }
0x670: {  	[tilespmem:s21+$0xD0B0] =	vst v24;
	v21 =	vadd.s32 v4, v27;
	v15 =	vld.idx.msk [tilespmem:v15+s4+$0x0], $0xffff  }
0x671: {  	v54 =	vperm.xlane v2, v41;
	v26 =	vld.idx.msk [tilespmem:v53+s4+$0x0], $0xffff;
	[tilespmem:s20+$0xEC20] =	vst v12;
	v12 =	vadd.s32 v5, v17  }
0x672: {  	[tilespmem:s21+$0xD790] =	vst v29;
	v17 =	vld.idx.msk [tilespmem:v22+s4+$0x0], $0xffff;
	v22 =	vadd.s32 v3, v23  }
0x673: {  	v28 =	vld.idx.msk [tilespmem:v28+s4+$0x0], $0xffff;
	[tilespmem:s21+$0xE790] =	vst v20;
	v20 =	vadd.s32 v48, v54  }
0x674: {  	v25 =	vadd.s32 v5, v49;
	v18 =	vld.idx.msk [tilespmem:v18+s4+$0x0], $0xffff;
	[tilespmem:s21+$0xDF90] =	vst v16  }
0x675: {  	v19 =	vadd.s32 v5, v19;
	v16 =	vperm.xlane v6, v41;
	v21 =	vld.idx.msk [tilespmem:v21+s4+$0x0], $0xffff;
	[tilespmem:s20+$0xDC20] =	vst v15  }
0x676: {  	[tilespmem:s21+$0xD100] =	vst v26;
	v15 =	vadd.s32 v5, v27;
	v12 =	vld.idx.msk [tilespmem:v12+s4+$0x0], $0xffff  }
0x677: {  	v22 =	vld.idx.msk [tilespmem:v22+s4+$0x0], $0xffff;
	[tilespmem:s20+$0xEC30] =	vst v17;
	v17 =	vadd.s32 v48, v16  }
0x678: {  	v56 =	vadd.s32 v4, v23;
	v27 =	vperm.xlane v13, v39;
	[tilespmem:s21+$0xD7A0] =	vst v28;
	v20 =	vld.idx.msk [tilespmem:v20+s4+$0x0], $0xffff  }
0x679: {  	v28 =	vperm.xlane v14, v39;
	v25 =	vld.idx.msk [tilespmem:v25+s4+$0x0], $0xffff;
	[tilespmem:s21+$0xE7A0] =	vst v18;
	v18 =	vadd.s32 v3, v54  }
0x67a: {  	v29 =	vadd.s32 v48, v27;
	v19 =	vld.idx.msk [tilespmem:v19+s4+$0x0], $0xffff;
	[tilespmem:s21+$0xDFA0] =	vst v21  }
0x67b: {  	v21 =	vperm.xlane v38, v39;
	v30 =	vadd.s32 v48, v28;
	v15 =	vld.idx.msk [tilespmem:v15+s4+$0x0], $0xffff;
	[tilespmem:s20+$0xDC30] =	vst v12  }
0x67c: {  	[tilespmem:s21+$0xD110] =	vst v22;
	v12 =	vld.idx.msk [tilespmem:v17+s4+$0x0], $0xffff;
	v17 =	vadd.s32 v3, v9  }
0x67d: {  	v22 =	vadd.s32 v48, v21;
	v26 =	vld.idx.msk [tilespmem:v56+s4+$0x0], $0xffff;
	[tilespmem:s20+$0xEC80] =	vst v20  }
0x67e: {  	v20 =	vadd.s32 v3, v16;
	[tilespmem:s21+$0xD7B0] =	vst v25;
	v18 =	vld.idx.msk [tilespmem:v18+s4+$0x0], $0xffff  }
0x67f: {  	v23 =	vadd.s32 v5, v23;
	v25 =	vld.idx.msk [tilespmem:v29+s4+$0x0], $0xffff;
	[tilespmem:s21+$0xE7B0] =	vst v19  }
0x680: {  	v19 =	vadd.s32 v4, v54;
	v11 =	vld.idx.msk [tilespmem:v30+s4+$0x0], $0xffff;
	[tilespmem:s21+$0xDFB0] =	vst v15  }
0x681: {  	v29 =	vadd.s32 v3, v27;
	v15 =	vld.idx.msk [tilespmem:v17+s4+$0x0], $0xffff;
	[tilespmem:s20+$0xDC80] =	vst v12  }
0x682: {  	v17 =	vld.idx.msk [tilespmem:v22+s4+$0x0], $0xffff;
	v22 =	vadd.s32 v3, v28;
	[tilespmem:s21+$0xD120] =	vst v26  }
0x683: {  	v12 =	vld.idx.msk [tilespmem:v20+s4+$0x0], $0xffff;
	v20 =	vadd.s32 v4, v9;
	[tilespmem:s20+$0xEC90] =	vst v18  }
0x684: {  	v57 =	vadd.s32 v3, v21;
	v30 =	vperm.xlane v8, v55;
	v23 =	vld.idx.msk [tilespmem:v23+s4+$0x0], $0xffff;
	[tilespmem:s21+$0xD800] =	vst v25  }
0x685: {  	v18 =	vadd.s32 v4, v16;
	v19 =	vld.idx.msk [tilespmem:v19+s4+$0x0], $0xffff;
	[tilespmem:s21+$0xE800] =	vst v11  }
0x686: {  	v58 =	vadd.s32 v48, v30;
	v29 =	vld.idx.msk [tilespmem:v29+s4+$0x0], $0xffff;
	[tilespmem:s20+$0xE390] =	vst v15  }
0x687: {  	v11 =	vld.idx.msk [tilespmem:v22+s4+$0x0], $0xffff;
	v15 =	vadd.s32 v5, v54;
	[tilespmem:s21+$0xE000] =	vst v17  }
0x688: {  	v22 =	vadd.s32 v4, v27;
	v17 =	vld.idx.msk [tilespmem:v20+s4+$0x0], $0xffff;
	[tilespmem:s20+$0xDC90] =	vst v12  }
0x689: {  	v59 =	vadd.s32 v4, v28;
	v20 =	vld.idx.msk [tilespmem:v57+s4+$0x0], $0xffff;
	[tilespmem:s21+$0xD130] =	vst v23  }
0x68a: {  	v9 =	vadd.s32 v5, v9;
	v12 =	vld.idx.msk [tilespmem:v18+s4+$0x0], $0xffff;
	[tilespmem:s20+$0xECA0] =	vst v19  }
0x68b: {  	v18 =	vadd.s32 v4, v21;
	v23 =	vld.idx.msk [tilespmem:v58+s4+$0x0], $0xffff;
	[tilespmem:s21+$0xD810] =	vst v29  }
0x68c: {  	v16 =	vadd.s32 v5, v16;
	v19 =	vperm.xlane v2, v31;
	v15 =	vld.idx.msk [tilespmem:v15+s4+$0x0], $0xffff;
	[tilespmem:s21+$0xE810] =	vst v11  }
0x68d: {  	v61 =	vadd.s32 v3, v30;
	v22 =	vld.idx.msk [tilespmem:v22+s4+$0x0], $0xffff;
	[tilespmem:s20+$0xE3A0] =	vst v17  }
0x68e: {  	v11 =	vld.idx.msk [tilespmem:v59+s4+$0x0], $0xffff;
	v17 =	vadd.s32 v48, v19;
	[tilespmem:s21+$0xE010] =	vst v20  }
0x68f: {  	v62 =	vperm.xlane v7, v40;
	v63 =	vadd.s32 v5, v27;
	v9 =	vld.idx.msk [tilespmem:v9+s4+$0x0], $0xffff;
	[tilespmem:s20+$0xDCA0] =	vst v12  }
0x690: {  	v20 =	vadd.s32 v5, v28;
	v18 =	vld.idx.msk [tilespmem:v18+s4+$0x0], $0xffff;
	[tilespmem:s21+$0xD180] =	vst v23  }
0x691: {  	v12 =	vperm.xlane v6, v31;
	v16 =	vld.idx.msk [tilespmem:v16+s4+$0x0], $0xffff;
	v23 =	vadd.s32 v48, v62;
	[tilespmem:s20+$0xECB0] =	vst v15  }
0x692: {  	v21 =	vadd.s32 v5, v21;
	v25 =	vld.idx.msk [tilespmem:v61+s4+$0x0], $0xffff;
	[tilespmem:s21+$0xD820] =	vst v22  }
0x693: {  	v15 =	vadd.s32 v48, v12;
	v17 =	vld.idx.msk [tilespmem:v17+s4+$0x0], $0xffff;
	[tilespmem:s21+$0xE820] =	vst v11  }
0x694: {  	v27 =	vperm.xlane v13, v47;
	v22 =	vadd.s32 v4, v30;
	v26 =	vld.idx.msk [tilespmem:v63+s4+$0x0], $0xffff;
	[tilespmem:s20+$0xE3B0] =	vst v9  }
0x695: {  	v11 =	vld.idx.msk [tilespmem:v20+s4+$0x0], $0xffff;
	v20 =	vperm.xlane v14, v47;
	v9 =	vadd.s32 v3, v19;
	[tilespmem:s21+$0xE020] =	vst v18  }
0x696: {  	v28 =	vadd.s32 v48, v27;
	v18 =	vld.idx.msk [tilespmem:v23+s4+$0x0], $0xffff;
	[tilespmem:s20+$0xDCB0] =	vst v16  }
0x697: {  	v23 =	vperm.xlane v38, v47;
	v21 =	vld.idx.msk [tilespmem:v21+s4+$0x0], $0xffff;
	v29 =	vadd.s32 v48, v20;
	[tilespmem:s21+$0xD190] =	vst v25  }
0x698: {  	v16 =	vadd.s32 v3, v62;
	v15 =	vld.idx.msk [tilespmem:v15+s4+$0x0], $0xffff;
	[tilespmem:s20+$0xED00] =	vst v17  }
0x699: {  	v33 =	vadd.s32 v48, v23;
	v22 =	vld.idx.msk [tilespmem:v22+s4+$0x0], $0xffff;
	[tilespmem:s21+$0xD830] =	vst v26  }
0x69a: {  	v17 =	vadd.s32 v3, v12;
	v9 =	vld.idx.msk [tilespmem:v9+s4+$0x0], $0xffff;
	[tilespmem:s21+$0xE830] =	vst v11  }
0x69b: {  	v37 =	vadd.s32 v5, v30;
	v28 =	vld.idx.msk [tilespmem:v28+s4+$0x0], $0xffff;
	[tilespmem:s20+$0xE400] =	vst v18  }
0x69c: {  	v18 =	vadd.s32 v4, v19;
	[tilespmem:s21+$0xE030] =	vst v21;
	v11 =	vld.idx.msk [tilespmem:v29+s4+$0x0], $0xffff  }
0x69d: {  	v29 =	vadd.s32 v3, v27;
	v16 =	vld.idx.msk [tilespmem:v16+s4+$0x0], $0xffff;
	[tilespmem:s20+$0xDD00] =	vst v15  }
0x69e: {  	v39 =	vadd.s32 v3, v20;
	v21 =	vld.idx.msk [tilespmem:v33+s4+$0x0], $0xffff;
	[tilespmem:s21+$0xD1A0] =	vst v22  }
0x69f: {  	v22 =	vperm.xlane v8, v1;
	v15 =	vld.idx.msk [tilespmem:v17+s4+$0x0], $0xffff;
	v17 =	vadd.s32 v4, v62;
	[tilespmem:s20+$0xED10] =	vst v9  }
0x6a0: {  	v30 =	vadd.s32 v3, v23;
	v26 =	vld.idx.msk [tilespmem:v37+s4+$0x0], $0xffff;
	[tilespmem:s21+$0xD880] =	vst v28  }
0x6a1: {  	v28 =	vadd.s32 v48, v22;
	v18 =	vld.idx.msk [tilespmem:v18+s4+$0x0], $0xffff;
	[tilespmem:s21+$0xE880] =	vst v11  }
0x6a2: {  	v9 =	vadd.s32 v4, v12;
	v29 =	vld.idx.msk [tilespmem:v29+s4+$0x0], $0xffff;
	[tilespmem:s20+$0xE410] =	vst v16  }
0x6a3: {  	v16 =	vadd.s32 v5, v19;
	v11 =	vld.idx.msk [tilespmem:v39+s4+$0x0], $0xffff;
	[tilespmem:s21+$0xE080] =	vst v21  }
0x6a4: {  	v17 =	vld.idx.msk [tilespmem:v17+s4+$0x0], $0xffff;
	[tilespmem:s20+$0xDD10] =	vst v15  }
0x6a5: {  	v21 =	vld.idx.msk [tilespmem:v30+s4+$0x0], $0xffff;
	[tilespmem:s21+$0xD1B0] =	vst v26  }
0x6a6: {  	v19 =	vadd.s32 v4, v27;
	v26 =	vld.idx.msk [tilespmem:v28+s4+$0x0], $0xffff;
	v28 =	vperm.xlane v0, v41;
	[tilespmem:s20+$0xED20] =	vst v18  }
0x6a7: {  	v9 =	vld.idx.msk [tilespmem:v9+s4+$0x0], $0xffff;
	[tilespmem:s21+$0xD890] =	vst v29  }
0x6a8: {  	v42 =	vadd.s32 v4, v20;
	v16 =	vld.idx.msk [tilespmem:v16+s4+$0x0], $0xffff;
	[tilespmem:$0x1FC60] =	vst v28  }
0x6a9: {  	v15 =	vadd.s32 v5, v62;
	[tilespmem:s21+$0xE890] =	vst v11;
	v11 =	vperm.xlane v0, v31  }
0x6aa: {  	v43 =	vadd.s32 v4, v23  }
0x6ab: {  	v12 =	vadd.s32 v5, v12;
	v19 =	vld.idx.msk [tilespmem:v19+s4+$0x0], $0xffff;
	[tilespmem:$0x1FC70] =	vst v11  }
0x6ac: {  	v18 =	vperm.xlane v2, v32;
	v28 =	vadd.s32 v3, v22;
	[tilespmem:s20+$0xE420] =	vst v17  }
0x6ad: {  	v46 =	vadd.s32 v5, v27;
	v11 =	vld.idx.msk [tilespmem:v42+s4+$0x0], $0xffff;
	[tilespmem:s21+$0xE090] =	vst v21  }
0x6ae: {  	v30 =	vperm.xlane v7, v41;
	v17 =	vadd.s32 v48, v18;
	[tilespmem:s20+$0xDD20] =	vst v9;
	v15 =	vld.idx.msk [tilespmem:v15+s4+$0x0], $0xffff  }
0x6af: {  	v51 =	vperm.xlane v0, v60;
	v20 =	vadd.s32 v5, v20;
	[tilespmem:s21+$0xD200] =	vst v26;
	v21 =	vld.idx.msk [tilespmem:v43+s4+$0x0], $0xffff  }
0x6b0: {  	v47 =	vadd.s32 v48, v30;
	v9 =	vperm.xlane v6, v32;
	[tilespmem:s20+$0xED30] =	vst v16;
	v12 =	vld.idx.msk [tilespmem:v12+s4+$0x0], $0xffff  }
0x6b1: {  	v54 =	vperm.xlane v0, v35;
	v23 =	vadd.s32 v5, v23;
	v26 =	vld.idx.msk [tilespmem:v28+s4+$0x0], $0xffff;
	[tilespmem:s21+$0xD8A0] =	vst v19  }
0x6b2: {  	v58 =	vperm.xlane v0, v32;
	v0 =	vadd.s32 v48, v9;
	v25 =	vld.idx.msk [tilespmem:v46+s4+$0x0], $0xffff;
	[tilespmem:s21+$0xE8A0] =	vst v11  }
0x6b3: {  	v28 =	vadd.s32 v4, v22;
	v19 =	vld.idx.msk [tilespmem:v17+s4+$0x0], $0xffff;
	[tilespmem:s20+$0xE430] =	vst v15  }
0x6b4: {  	v27 =	vperm.xlane v13, v36;
	v11 =	vld.idx.msk [tilespmem:v20+s4+$0x0], $0xffff;
	v20 =	vadd.s32 v3, v18;
	[tilespmem:s21+$0xE0A0] =	vst v21  }
0x6b5: {  	[tilespmem:s20+$0xDD30] =	vst v12;
	v21 =	vld.idx.msk [tilespmem:v47+s4+$0x0], $0xffff  }
0x6b6: {  	v49 =	vadd.s32 v48, v27;
	v29 =	vimm.s32 $0xE;
	v31 =	vperm.xlane v14, v36;
	[tilespmem:s21+$0xD210] =	vst v26;
	v23 =	vld.idx.msk [tilespmem:v23+s4+$0x0], $0xffff  }
0x6b7: {  	v15 =	vperm.xlane v6, v29;
	v6 =	vperm.xlane v6, v60;
	v0 =	vld.idx.msk [tilespmem:v0+s4+$0x0], $0xffff;
	[tilespmem:s21+$0xD8B0] =	vst v25  }
0x6b8: {  	v56 =	vld.idx.msk [tilespmem:v28+s4+$0x0], $0xffff;
	[tilespmem:s20+$0xED80] =	vst v19  }
0x6b9: {  	v50 =	vperm.xlane v38, v36;
	v52 =	vadd.s32 v48, v31;
	v20 =	vld.idx.msk [tilespmem:v20+s4+$0x0], $0xffff;
	[tilespmem:$0x1FC80] =	vst v6  }
0x6ba: {  	v12 =	vadd.s32 v3, v30;
	[tilespmem:s21+$0xE8B0] =	vst v11;
	v11 =	vperm.xlane v7, v29  }
0x6bb: {  	v53 =	vadd.s32 v48, v50  }
0x6bc: {  	v33 =	vimm.s32 $0xD;
	v19 =	vadd.s32 v3, v9;
	v6 =	vadd.s32 v5, v22;
	v22 =	vld.idx.msk [tilespmem:v49+s4+$0x0], $0xffff;
	[tilespmem:$0x1FC90] =	vst v11  }
0x6bd: {  	v61 =	vperm.xlane v7, v33;
	v39 =	vperm.xlane v7, v60;
	[tilespmem:s20+$0xE480] =	vst v21  }
0x6be: {  	v17 =	vperm.xlane v2, v35;
	v47 =	vimm.s32 $0xC;
	v28 =	vperm.xlane v2, v60;
	v11 =	vld.idx.msk [tilespmem:v52+s4+$0x0], $0xffff;
	[tilespmem:s21+$0xE0B0] =	vst v23  }
0x6bf: {  	v16 =	vperm.xlane v7, v47;
	v21 =	vadd.s32 v4, v18;
	[tilespmem:s20+$0xDD80] =	vst v0;
	v12 =	vld.idx.msk [tilespmem:v12+s4+$0x0], $0xffff  }
0x6c0: {  	v7 =	vadd.s32 v3, v27;
	v2 =	vld.idx.msk [tilespmem:v53+s4+$0x0], $0xffff;
	[tilespmem:s20+$0xED90] =	vst v20;
	v20 =	vperm.xlane v8, v45  }
0x6c1: {  	[tilespmem:s21+$0xD220] =	vst v56;
	v0 =	vld.idx.msk [tilespmem:v19+s4+$0x0], $0xffff  }
0x6c2: {  	v6 =	vld.idx.msk [tilespmem:v6+s4+$0x0], $0xffff;
	[tilespmem:$0x1FCA0] =	vst v20  }
0x6c3: {  	v23 =	vadd.s32 v3, v31;
	[tilespmem:s21+$0xE900] =	vst v11;
	v11 =	vperm.xlane v8, v41  }
0x6c4: {  	[tilespmem:s21+$0xD900] =	vst v22;
	v21 =	vld.idx.msk [tilespmem:v21+s4+$0x0], $0xffff  }
0x6c5: {  	v19 =	vadd.s32 v4, v30;
	v7 =	vld.idx.msk [tilespmem:v7+s4+$0x0], $0xffff;
	[tilespmem:$0x1FCB0] =	vst v11  }
0x6c6: {  	[tilespmem:s20+$0xE490] =	vst v12;
	v12 =	vadd.s32 v5, v18;
	v18 =	vperm.xlane v8, v47  }
0x6c7: {  	v57 =	vadd.s32 v3, v50  }
0x6c8: {  	v20 =	vadd.s32 v4, v9;
	v11 =	vld.idx.msk [tilespmem:v23+s4+$0x0], $0xffff;
	[tilespmem:$0x1FCC0] =	vst v18;
	v18 =	vperm.xlane v8, v33  }
0x6c9: {  	v37 =	vperm.xlane v8, v40;
	[tilespmem:s21+$0xE100] =	vst v2  }
0x6ca: {  	v63 =	vperm.xlane v8, v29;
	v36 =	vperm.xlane v8, v44;
	v2 =	vld.idx.msk [tilespmem:v19+s4+$0x0], $0xffff;
	[tilespmem:$0x1FCD0] =	vst v18  }
0x6cb: {  	v43 =	vperm.xlane v8, v34;
	v23 =	vadd.s32 v4, v27;
	v8 =	vperm.xlane v8, v60;
	[tilespmem:s20+$0xDD90] =	vst v0  }
0x6cc: {  	v59 =	vadd.s32 v4, v31;
	v19 =	vld.idx.msk [tilespmem:v57+s4+$0x0], $0xffff;
	[tilespmem:s21+$0xD230] =	vst v6  }
0x6cd: {  	v22 =	vadd.s32 v48, v43;
	v0 =	vld.idx.msk [tilespmem:v20+s4+$0x0], $0xffff;
	[tilespmem:$0x1FCE0] =	vst v8  }
0x6ce: {  	v6 =	vadd.s32 v5, v30;
	[tilespmem:s20+$0xEDA0] =	vst v21  }
0x6cf: {  	v20 =	vadd.s32 v4, v50;
	[tilespmem:s21+$0xD910] =	vst v7;
	v12 =	vld.idx.msk [tilespmem:v12+s4+$0x0], $0xffff  }
0x6d0: {  	v7 =	vadd.s32 v5, v9;
	[tilespmem:s21+$0xE910] =	vst v11;
	v23 =	vld.idx.msk [tilespmem:v23+s4+$0x0], $0xffff  }
0x6d1: {  	v30 =	vadd.s32 v48, v17;
	v26 =	vld.idx.msk [tilespmem:v59+s4+$0x0], $0xffff;
	[tilespmem:s20+$0xE4A0] =	vst v2  }
0x6d2: {  	v27 =	vadd.s32 v5, v27;
	v18 =	vld.idx.msk [tilespmem:v22+s4+$0x0], $0xffff;
	[tilespmem:s21+$0xE110] =	vst v19  }
0x6d3: {  	v19 =	vld.idx.msk [tilespmem:v6+s4+$0x0], $0xffff;
	[tilespmem:s20+$0xDDA0] =	vst v0  }
0x6d4: {  	v31 =	vadd.s32 v5, v31;
	v20 =	vld.idx.msk [tilespmem:v20+s4+$0x0], $0xffff;
	[tilespmem:s20+$0xEDB0] =	vst v12  }
0x6d5: {  	v0 =	vperm.xlane v14, v44;
	v7 =	vld.idx.msk [tilespmem:v7+s4+$0x0], $0xffff;
	[tilespmem:s21+$0xD920] =	vst v23  }
0x6d6: {  	v62 =	vadd.s32 v48, v16;
	[tilespmem:s21+$0xE920] =	vst v26;
	v23 =	vld.idx.msk [tilespmem:v30+s4+$0x0], $0xffff  }
0x6d7: {  	v24 =	vadd.s32 v5, v50;
	v27 =	vld.idx.msk [tilespmem:v27+s4+$0x0], $0xffff;
	[tilespmem:$0x1FCF0] =	vst v0;
	v0 =	vperm.xlane v13, v44  }
0x6d8: {  	v12 =	vadd.s32 v48, v15;
	[tilespmem:s20+$0xE4B0] =	vst v19  }
0x6d9: {  	v30 =	vld.idx.msk [tilespmem:v31+s4+$0x0], $0xffff;
	[tilespmem:$0x1FD00] =	vst v0  }
0x6da: {  	v42 =	vadd.s32 v3, v17;
	v11 =	vperm.xlane v13, v55;
	[tilespmem:s21+$0xE120] =	vst v20  }
0x6db: {  	v22 =	vperm.xlane v14, v55;
	v0 =	vperm.xlane v13, v45;
	v20 =	vld.idx.msk [tilespmem:v62+s4+$0x0], $0xffff;
	[tilespmem:s20+$0xDDB0] =	vst v7  }
0x6dc: {  	v19 =	vadd.s32 v48, v11;
	v24 =	vld.idx.msk [tilespmem:v24+s4+$0x0], $0xffff;
	[tilespmem:s20+$0xEE00] =	vst v23  }
0x6dd: {  	v31 =	vadd.s32 v48, v22;
	v46 =	vld.idx.msk [tilespmem:v12+s4+$0x0], $0xffff;
	v12 =	vperm.xlane v14, v40;
	[tilespmem:$0x1FD10] =	vst v0  }
0x6de: {  	[tilespmem:s21+$0xD930] =	vst v27  }
0x6df: {  	v21 =	vperm.xlane v38, v55;
	v7 =	vadd.s32 v3, v16;
	v26 =	vld.idx.msk [tilespmem:v42+s4+$0x0], $0xffff;
	[tilespmem:$0x1FD20] =	vst v12  }
0x6e0: {  	v12 =	vperm.xlane v13, v40;
	[tilespmem:s21+$0xE930] =	vst v30  }
0x6e1: {  	v44 =	vadd.s32 v48, v21;
	v19 =	vld.idx.msk [tilespmem:v19+s4+$0x0], $0xffff;
	[tilespmem:s20+$0xE500] =	vst v20  }
0x6e2: {  	v23 =	vadd.s32 v3, v15;
	v42 =	vperm.xlane v14, v41;
	v30 =	vld.idx.msk [tilespmem:v31+s4+$0x0], $0xffff;
	[tilespmem:$0x1FD30] =	vst v12  }
0x6e3: {  	v49 =	vperm.xlane v14, v45;
	v53 =	vperm.xlane v38, v45;
	v27 =	vadd.s32 v4, v17;
	[tilespmem:s21+$0xE130] =	vst v24  }
0x6e4: {  	v45 =	vperm.xlane v13, v41;
	v20 =	vadd.s32 v3, v11;
	v7 =	vld.idx.msk [tilespmem:v7+s4+$0x0], $0xffff;
	[tilespmem:$0x1FD40] =	vst v42  }
0x6e5: {  	v50 =	vadd.s32 v3, v22;
	[tilespmem:s20+$0xDE00] =	vst v46  }
0x6e6: {  	v31 =	vld.idx.msk [tilespmem:v44+s4+$0x0], $0xffff;
	[tilespmem:$0x1FD50] =	vst v45  }
0x6e7: {  	v44 =	vadd.s32 v4, v16;
	v23 =	vld.idx.msk [tilespmem:v23+s4+$0x0], $0xffff;
	[tilespmem:s20+$0xEE10] =	vst v26  }
0x6e8: {  	v46 =	vadd.s32 v3, v21;
	[tilespmem:s21+$0xD980] =	vst v19;
	v26 =	vld.idx.msk [tilespmem:v27+s4+$0x0], $0xffff  }
0x6e9: {  	v19 =	vadd.s32 v4, v15;
	[tilespmem:s21+$0xE980] =	vst v30;
	v20 =	vld.idx.msk [tilespmem:v20+s4+$0x0], $0xffff  }
0x6ea: {  	v17 =	vadd.s32 v5, v17;
	v24 =	vld.idx.msk [tilespmem:v50+s4+$0x0], $0xffff;
	[tilespmem:s20+$0xE510] =	vst v7  }
0x6eb: {  	v56 =	vperm.xlane v14, v34;
	v7 =	vadd.s32 v4, v11;
	[tilespmem:s21+$0xE180] =	vst v31  }
0x6ec: {  	v52 =	vperm.xlane v13, v47;
	v8 =	vperm.xlane v13, v1;
	v27 =	vld.idx.msk [tilespmem:v44+s4+$0x0], $0xffff;
	[tilespmem:s20+$0xDE10] =	vst v23  }
0x6ed: {  	v9 =	vperm.xlane v14, v1;
	v2 =	vperm.xlane v13, v34;
	v35 =	vld.idx.msk [tilespmem:v46+s4+$0x0], $0xffff;
	[tilespmem:s20+$0xEE20] =	vst v26  }
0x6ee: {  	v59 =	vperm.xlane v14, v47;
	v0 =	vperm.xlane v38, v33;
	v19 =	vld.idx.msk [tilespmem:v19+s4+$0x0], $0xffff;
	[tilespmem:s21+$0xD990] =	vst v20  }
0x6ef: {  	v1 =	vadd.s32 v5, v21;
	v30 =	vadd.s32 v4, v22;
	[tilespmem:s21+$0xE990] =	vst v24;
	v32 =	vld.idx.msk [tilespmem:v17+s4+$0x0], $0xffff  }
0x6f0: {  	v57 =	vimm.s32 $0xB;
	v16 =	vadd.s32 v5, v16;
	v7 =	vld.idx.msk [tilespmem:v7+s4+$0x0], $0xffff;
	[tilespmem:$0x1FD60] =	vst v0;
	v0 =	vperm.xlane v13, v60  }
0x6f1: {  	v6 =	vperm.xlane v38, v34;
	v62 =	vperm.xlane v38, v40;
	v21 =	vadd.s32 v4, v21  }
0x6f2: {  	v41 =	vperm.xlane v14, v33;
	v23 =	vadd.s32 v5, v15;
	v15 =	vperm.xlane v38, v60;
	[tilespmem:$0x1FD70] =	vst v0  }
0x6f3: {  	v42 =	vperm.xlane v13, v29;
	v50 =	vperm.xlane v38, v57;
	[tilespmem:s20+$0xE520] =	vst v27  }
0x6f4: {  	v57 =	vperm.xlane v13, v33;
	v31 =	vperm.xlane v14, v29;
	v13 =	vld.idx.msk [tilespmem:v30+s4+$0x0], $0xffff;
	[tilespmem:$0x1FD80] =	vst v15  }
0x6f5: {  	v46 =	vperm.xlane v38, v29;
	v20 =	vadd.s32 v5, v10;
	[tilespmem:s21+$0xE190] =	vst v35;
	v15 =	vld.idx.msk [tilespmem:v16+s4+$0x0], $0xffff  }
0x6f6: {  	v29 =	vperm.xlane v14, v60;
	[tilespmem:s20+$0xDE20] =	vst v19;
	v19 =	vadd.s32 v3, v43;
	v16 =	vld.idx.msk [tilespmem:v21+s4+$0x0], $0xffff  }
0x6f7: {  	s22 =	simm.s32 $0x8;
	v40 =	vperm.xlane v38, v47;
	v14 =	vadd.s32 v48, v61;
	v17 =	vadd.s32 v5, v22;
	v10 =	vld.idx.msk [tilespmem:v23+s4+$0x0], $0xffff  }
.LBB2_7:
0x6f8: {  	[tilespmem:$0x1FC00] =	vst v29  }
0x6f9: {  	[tilespmem:s21+$0xD280] =	vst v18;
	v25 =	vld [tilespmem:$0x1FC60]  }
0x6fa: {  	v18 =	vld.idx.msk [tilespmem:v20+s4+$0x0], $0xffff;
	[tilespmem:$0x1FBD0] =	vst v32  }
0x6fb: {  	s25 =	sshll.u32 s22, $0x4;
	v19 =	vld.idx.msk [tilespmem:v19+s4+$0x0], $0xffff;
	[tilespmem:s21+$0xD9A0] =	vst v7  }
0x6fc: {  	s24 =	sand.u32 $0x3FFFFFF0, s25;
	v32 =	vld [tilespmem:$0x1FC80];
	[tilespmem:s21+$0xE9A0] =	vst v13  }
0x6fd: {  	v7 =	vadd.s32 v5, v11;
	v11 =	vld [tilespmem:s24+$0x500];
	[tilespmem:s20+$0xE530] =	vst v15  }
0x6fe: {  	v20 =	vadd.s32 v4, v43;
	v17 =	vld.idx.msk [tilespmem:v17+s4+$0x0], $0xffff;
	[tilespmem:s21+$0xE1A0] =	vst v16  }
0x6ff: {  	[tilespmem:$0x1FB90] =	vst v41;
	v15 =	vadd.s32 v48, v25;
	v14 =	vld.idx.msk [tilespmem:v14+s4+$0x0], $0xffff  }
0x700: {  	v21 =	vadd.s32 v48, v9;
	[tilespmem:s20+$0xDE30] =	vst v10;
	v12 =	vld.idx.msk [tilespmem:v1+s4+$0x0], $0xffff;
	v1 =	vimm.s32 $0x6  }
0x701: {  	[tilespmem:s20+$0xD430] =	vst v18;
	v16 =	vperm.xlane v38, v1;
	v13 =	vadd.s32 v48, v32  }
0x702: {  	v10 =	vadd.s32 v3, v61;
	[tilespmem:s21+$0xD290] =	vst v19;
	v7 =	vld.idx.msk [tilespmem:v7+s4+$0x0], $0xffff  }
0x703: {  	[tilespmem:$0x1FBE0] =	vst v42;
	v19 =	vld.idx.msk [tilespmem:v20+s4+$0x0], $0xffff;
	v18 =	vadd.s32 v48, v16  }
0x704: {  	v20 =	vadd.s32 v48, v8;
	[tilespmem:s21+$0xE9B0] =	vst v17;
	v15 =	vld.idx.msk [tilespmem:v15+s4+$0x0], $0xffff  }
0x705: {  	v22 =	vadd.s32 v5, v43;
	v11 =	vadd.s32 $0xFFFFFFFF, v11;
	v21 =	vld.idx.msk [tilespmem:v21+s4+$0x0], $0xffff;
	[tilespmem:s20+$0xE580] =	vst v14  }
0x706: {  	vm0 =	vgt.s32 v11, $0x0;
	[tilespmem:s21+$0xE1B0] =	vst v12;
	v13 =	vld.idx.msk [tilespmem:v13+s4+$0x0], $0xffff  }
0x707: {  	[tilespmem:$0x1FBC0] =	vst v40;
	v11 =	vnsel vm0, $0x0, v11;
	v10 =	vld.idx.msk [tilespmem:v10+s4+$0x0], $0xffff  }
0x708: {  	v11 =	vcvt.s32.f32 v11;
	v14 =	vadd.s32 v3, v9;
	[tilespmem:s21+$0xD9B0] =	vst v7;
	v7 =	vld.idx.msk [tilespmem:v18+s4+$0x0], $0xffff  }
0x709: {  	v12 =	vadd.s32 v3, v25;
	[tilespmem:s21+$0xD2A0] =	vst v19;
	v18 =	vld.idx.msk [tilespmem:v20+s4+$0x0], $0xffff  }
0x70a: {  	v17 =	vadd.s32 v3, v32;
	v11 =	vshrl.u32 v11, $0x17;
	v22 =	vld.idx.msk [tilespmem:v22+s4+$0x0], $0xffff;
	[tilespmem:s20+$0xD480] =	vst v15  }
0x70b: {  	v11 =	vmax.u32 v11, $0x7E;
	v20 =	vadd.s32 v4, v61;
	[tilespmem:s21+$0xEA00] =	vst v21  }
0x70c: {  	v19 =	vadd.s32 v3, v16;
	v11 =	vmin.u32 v11, $0x88;
	[tilespmem:s20+$0xDE80] =	vst v13  }
0x70d: {  	v23 =	vadd.s32 v3, v8;
	v11 =	vshll.u32 v11, $0x6;
	v27 =	vld.idx.msk [tilespmem:v14+s4+$0x0], $0xffff;
	[tilespmem:s20+$0xE590] =	vst v10  }
0x70e: {  	v34 =	vimm.s32 $0x7;
	v15 =	vld.idx.msk [tilespmem:v12+s4+$0x0], $0xffff;
	v13 =	vadd.s32 $0xFFFFE080, v11;
	v11 =	vadd.s32 v48, v36;
	[tilespmem:s21+$0xE200] =	vst v7  }
0x70f: {  	v17 =	vld.idx.msk [tilespmem:v17+s4+$0x0], $0xffff;
	v0 =	vperm.xlane v13, v34;
	[tilespmem:s21+$0xDA00] =	vst v18  }
0x710: {  	v44 =	vimm.s32 $0x0;
	v45 =	vimm.s32 $0xA;
	v24 =	vadd.s32 v4, v25;
	[tilespmem:s21+$0xD2B0] =	vst v22;
	v7 =	vld.idx.msk [tilespmem:v20+s4+$0x0], $0xffff  }
0x711: {  	v26 =	vperm.xlane v13, v44;
	v18 =	vld.idx.msk [tilespmem:v19+s4+$0x0], $0xffff;
	[tilespmem:$0x1FB40] =	vst v0;
	v0 =	vperm.xlane v13, v45  }
0x712: {  	v21 =	vadd.s32 v4, v32;
	v19 =	vld.idx.msk [tilespmem:v23+s4+$0x0], $0xffff;
	[tilespmem:s21+$0xEA10] =	vst v27  }
0x713: {  	v20 =	vadd.s32 v48, v26;
	[tilespmem:$0x1FC50] =	vst v0;
	v35 =	vld.idx.msk [tilespmem:v11+s4+$0x0], $0xffff  }
0x714: {  	v23 =	vadd.s32 v4, v9;
	[tilespmem:s20+$0xD490] =	vst v15;
	v0 =	vld [tilespmem:$0x1FD60]  }
0x715: {  	v40 =	vadd.s32 v5, v61;
	v41 =	vld [tilespmem:$0x1FCB0];
	[tilespmem:s20+$0xDE90] =	vst v17  }
0x716: {  	v24 =	vld.idx.msk [tilespmem:v24+s4+$0x0], $0xffff;
	[tilespmem:s20+$0xE5A0] =	vst v7  }
0x717: {  	v17 =	vadd.s32 v4, v16;
	v21 =	vld.idx.msk [tilespmem:v21+s4+$0x0], $0xffff;
	[tilespmem:s21+$0xDA10] =	vst v19  }
0x718: {  	v55 =	vadd.s32 v4, v8;
	v20 =	vld.idx.msk [tilespmem:v20+s4+$0x0], $0xffff;
	[tilespmem:s21+$0xE210] =	vst v18  }
0x719: {  	v61 =	vadd.s32 v3, v36;
	v18 =	vld.idx.msk [tilespmem:v23+s4+$0x0], $0xffff;
	v11 =	vmov v0;
	[tilespmem:s21+$0xD300] =	vst v35  }
0x71a: {  	s23 =	smov.u32 s22;
	v19 =	vld.idx.msk [tilespmem:v40+s4+$0x0], $0xffff;
	v0 =	vimm.s32 $0xD;
	[tilespmem:$0x1FB20] =	vst v11  }
0x71b: {  	s26 =	sshll.u32 s23, $0xB;
	v27 =	vadd.s32 v5, v32;
	v11 =	vperm.xlane v13, v0;
	v0 =	vld [tilespmem:$0x1FD70];
	[tilespmem:s20+$0xD4A0] =	vst v24  }
0x71c: {  	v47 =	vimm.s32 $0xB;
	s23 =	sand.u32 $0x3FFFF800, s26;
	v17 =	vld.idx.msk [tilespmem:v17+s4+$0x0], $0xffff;
	[tilespmem:s20+$0xDEA0] =	vst v21  }
0x71d: {  	v22 =	vperm.xlane v13, v47;
	v23 =	vadd.s32 v3, v26;
	v21 =	vld.idx.msk [tilespmem:v55+s4+$0x0], $0xffff;
	[tilespmem:s23+$0xCF00] =	vst v20  }
0x71e: {  	[tilespmem:$0x1FBB0] =	vst v31;
	v16 =	vadd.s32 v5, v16;
	v20 =	vld.idx.msk [tilespmem:v61+s4+$0x0], $0xffff  }
0x71f: {  	v9 =	vadd.s32 v5, v9;
	v55 =	vmov v22;
	[tilespmem:s21+$0xEA20] =	vst v18;
	v61 =	vld [tilespmem:$0x1FC90]  }
0x720: {  	v8 =	vadd.s32 v5, v8;
	v27 =	vld.idx.msk [tilespmem:v27+s4+$0x0], $0xffff;
	[tilespmem:$0x1FCB0] =	vst v55  }
0x721: {  	v40 =	vadd.s32 v5, v25;
	v7 =	vmov v0;
	v0 =	vimm.s32 $0xE;
	[tilespmem:s21+$0xE220] =	vst v17  }
0x722: {  	v22 =	vld.idx.msk [tilespmem:v23+s4+$0x0], $0xffff;
	[tilespmem:$0x1FC80] =	vst v7;
	v7 =	vperm.xlane v13, v0;
	v0 =	vimm.s32 $0xF  }
0x723: {  	v16 =	vld.idx.msk [tilespmem:v16+s4+$0x0], $0xffff;
	[tilespmem:s20+$0xE5B0] =	vst v19;
	v0 =	vperm.xlane v13, v0  }
0x724: {  	v9 =	vld.idx.msk [tilespmem:v9+s4+$0x0], $0xffff;
	[tilespmem:s21+$0xDA20] =	vst v21;
	v18 =	vadd.s32 v48, v61  }
0x725: {  	v23 =	vadd.s32 v4, v36;
	v8 =	vld.idx.msk [tilespmem:v8+s4+$0x0], $0xffff;
	[tilespmem:s20+$0xDEB0] =	vst v27  }
0x726: {  	v19 =	vadd.s32 v48, v56;
	v21 =	vld.idx.msk [tilespmem:v40+s4+$0x0], $0xffff;
	[tilespmem:s21+$0xD310] =	vst v20  }
0x727: {  	[tilespmem:$0x1FB30] =	vst v0;
	v0 =	vmov v41;
	v41 =	vld [tilespmem:$0x1FC70]  }
0x728: {  	v17 =	vadd.s32 v4, v26;
	[tilespmem:s23+$0xCF10] =	vst v22  }
0x729: {  	v40 =	vadd.s32 v48, v6;
	[tilespmem:$0x1FC60] =	vst v0;
	v18 =	vld.idx.msk [tilespmem:v18+s4+$0x0], $0xffff  }
0x72a: {  	v22 =	vld.idx.msk [tilespmem:v23+s4+$0x0], $0xffff;
	v23 =	vadd.s32 v48, v2;
	[tilespmem:s21+$0xEA30] =	vst v9  }
0x72b: {  	v9 =	vadd.s32 v3, v61;
	[tilespmem:s21+$0xE230] =	vst v16;
	v16 =	vld.idx.msk [tilespmem:v19+s4+$0x0], $0xffff  }
0x72c: {  	v20 =	vadd.s32 v48, v41  }
0x72d: {  	v17 =	vld.idx.msk [tilespmem:v17+s4+$0x0], $0xffff;
	[tilespmem:s21+$0xDA30] =	vst v8;
	v8 =	vadd.s32 v3, v56  }
0x72e: {  	v27 =	vadd.s32 v5, v36;
	[tilespmem:s20+$0xD4B0] =	vst v21;
	v24 =	vld.idx.msk [tilespmem:v40+s4+$0x0], $0xffff  }
0x72f: {  	v19 =	vadd.s32 v5, v26;
	v21 =	vld.idx.msk [tilespmem:v23+s4+$0x0], $0xffff;
	[tilespmem:s20+$0xE600] =	vst v18  }
0x730: {  	v9 =	vld.idx.msk [tilespmem:v9+s4+$0x0], $0xffff;
	[tilespmem:s21+$0xEA80] =	vst v16  }
0x731: {  	v23 =	vadd.s32 v3, v6;
	v20 =	vld.idx.msk [tilespmem:v20+s4+$0x0], $0xffff;
	[tilespmem:s21+$0xD320] =	vst v22  }
0x732: {  	v16 =	vadd.s32 v4, v61;
	v8 =	vld.idx.msk [tilespmem:v8+s4+$0x0], $0xffff;
	[tilespmem:s23+$0xCF20] =	vst v17  }
0x733: {  	v31 =	vimm.s32 $0x1;
	v22 =	vadd.s32 v3, v2;
	v17 =	vld.idx.msk [tilespmem:v27+s4+$0x0], $0xffff  }
0x734: {  	v12 =	vperm.xlane v13, v31;
	v18 =	vadd.s32 v3, v41;
	[tilespmem:s21+$0xE280] =	vst v24;
	v19 =	vld.idx.msk [tilespmem:v19+s4+$0x0], $0xffff  }
0x735: {  	v27 =	vld [tilespmem:$0x1FCA0];
	[tilespmem:s21+$0xDA80] =	vst v21  }
0x736: {  	v55 =	vadd.s32 v48, v12;
	v23 =	vld.idx.msk [tilespmem:v23+s4+$0x0], $0xffff;
	[tilespmem:s20+$0xE610] =	vst v9  }
0x737: {  	v16 =	vld.idx.msk [tilespmem:v16+s4+$0x0], $0xffff;
	[tilespmem:s20+$0xD500] =	vst v20;
	v20 =	vadd.s32 v4, v56  }
0x738: {  	[tilespmem:s21+$0xEA90] =	vst v8;
	v21 =	vld.idx.msk [tilespmem:v22+s4+$0x0], $0xffff;
	v22 =	vadd.s32 v4, v6  }
0x739: {  	v8 =	vadd.s32 v5, v61;
	v18 =	vld.idx.msk [tilespmem:v18+s4+$0x0], $0xffff;
	[tilespmem:s21+$0xD330] =	vst v17  }
0x73a: {  	v33 =	vimm.s32 $0x8;
	v36 =	vld [tilespmem:$0x1FCF0];
	v43 =	vadd.s32 v48, v27;
	[tilespmem:s23+$0xCF30] =	vst v19  }
0x73b: {  	v30 =	vperm.xlane v13, v33;
	v19 =	vadd.s32 v4, v2;
	v24 =	vld.idx.msk [tilespmem:v55+s4+$0x0], $0xffff  }
0x73c: {  	[tilespmem:s21+$0xE290] =	vst v23;
	v20 =	vld.idx.msk [tilespmem:v20+s4+$0x0], $0xffff  }
0x73d: {  	v0 =	vmov v30;
	v9 =	vadd.s32 v4, v41;
	v22 =	vld.idx.msk [tilespmem:v22+s4+$0x0], $0xffff;
	[tilespmem:s20+$0xE620] =	vst v16  }
0x73e: {  	[tilespmem:$0x1FB50] =	vst v0;
	v6 =	vadd.s32 v5, v6;
	v8 =	vld.idx.msk [tilespmem:v8+s4+$0x0], $0xffff  }
0x73f: {  	[tilespmem:s21+$0xDA90] =	vst v21;
	v17 =	vld.idx.msk [tilespmem:v43+s4+$0x0], $0xffff  }
0x740: {  	v0 =	vadd.s32 v5, v56;
	[tilespmem:s20+$0xD510] =	vst v18;
	v18 =	vld.idx.msk [tilespmem:v19+s4+$0x0], $0xffff  }
0x741: {  	v35 =	vadd.s32 v3, v27;
	v19 =	vld [tilespmem:$0x1FCC0];
	[tilespmem:s21+$0xEAA0] =	vst v20  }
0x742: {  	v60 =	vimm.s32 $0xC;
	v9 =	vld.idx.msk [tilespmem:v9+s4+$0x0], $0xffff;
	[tilespmem:s21+$0xE2A0] =	vst v22  }
0x743: {  	v15 =	vperm.xlane v13, v60;
	v23 =	vadd.s32 v3, v12;
	v6 =	vld.idx.msk [tilespmem:v6+s4+$0x0], $0xffff;
	[tilespmem:s20+$0xE630] =	vst v8  }
0x744: {  	[tilespmem:s21+$0xD380] =	vst v17  }
0x745: {  	v2 =	vadd.s32 v5, v2;
	v0 =	vld.idx.msk [tilespmem:v0+s4+$0x0], $0xffff;
	v17 =	vmov v15;
	[tilespmem:s23+$0xCF80] =	vst v24  }
0x746: {  	v16 =	vadd.s32 v5, v41;
	v19 =	vmov v19;
	[tilespmem:$0x1FCC0] =	vst v17;
	v15 =	vld.idx.msk [tilespmem:v35+s4+$0x0], $0xffff  }
0x747: {  	v22 =	vperm.xlane v38, v33;
	v38 =	vld [tilespmem:$0x1FD00];
	[tilespmem:$0x1FC70] =	vst v19;
	v19 =	vadd.s32 v48, v39  }
0x748: {  	v17 =	vld.idx.msk [tilespmem:v23+s4+$0x0], $0xffff;
	[tilespmem:s20+$0xD520] =	vst v9;
	v9 =	vadd.s32 v48, v36  }
0x749: {  	[tilespmem:s21+$0xDAA0] =	vst v18;
	v18 =	vadd.s32 v48, v22  }
0x74a: {  	v42 =	vimm.s32 $0x9;
	v20 =	vadd.s32 v4, v27;
	v2 =	vld.idx.msk [tilespmem:v2+s4+$0x0], $0xffff;
	[tilespmem:s21+$0xEAB0] =	vst v0  }
0x74b: {  	v14 =	vperm.xlane v13, v42;
	v21 =	vadd.s32 v4, v12;
	v16 =	vld.idx.msk [tilespmem:v16+s4+$0x0], $0xffff;
	[tilespmem:s21+$0xD390] =	vst v15  }
0x74c: {  	v8 =	vadd.s32 v48, v58;
	v15 =	vld.idx.msk [tilespmem:v19+s4+$0x0], $0xffff;
	[tilespmem:s21+$0xE2B0] =	vst v6  }
0x74d: {  	v19 =	vadd.s32 v48, v38;
	v6 =	vld.idx.msk [tilespmem:v9+s4+$0x0], $0xffff;
	v9 =	vmov v14;
	[tilespmem:s23+$0xCF90] =	vst v17  }
0x74e: {  	v0 =	vadd.s32 v3, v39;
	[tilespmem:$0x1FCA0] =	vst v9;
	v9 =	vadd.s32 v5, v12;
	v12 =	vld.idx.msk [tilespmem:v18+s4+$0x0], $0xffff  }
0x74f: {  	[tilespmem:s21+$0xDAB0] =	vst v2;
	v2 =	vadd.s32 v3, v36;
	v17 =	vld.idx.msk [tilespmem:v20+s4+$0x0], $0xffff  }
0x750: {  	v20 =	vld.idx.msk [tilespmem:v21+s4+$0x0], $0xffff;
	[tilespmem:s20+$0xD530] =	vst v16;
	v16 =	vadd.s32 v3, v22  }
0x751: {  	v21 =	vadd.s32 v5, v27;
	v8 =	vld.idx.msk [tilespmem:v8+s4+$0x0], $0xffff;
	[tilespmem:s20+$0xE680] =	vst v15  }
0x752: {  	v14 =	vld.idx.msk [tilespmem:v19+s4+$0x0], $0xffff;
	[tilespmem:s21+$0xEB00] =	vst v6  }
0x753: {  	v0 =	vld.idx.msk [tilespmem:v0+s4+$0x0], $0xffff;
	[tilespmem:s21+$0xE300] =	vst v12  }
0x754: {  	v15 =	vadd.s32 v3, v58;
	v12 =	vld.idx.msk [tilespmem:v2+s4+$0x0], $0xffff;
	[tilespmem:s21+$0xD3A0] =	vst v17  }
0x755: {  	v18 =	vadd.s32 v3, v38;
	v16 =	vld.idx.msk [tilespmem:v16+s4+$0x0], $0xffff;
	[tilespmem:s23+$0xCFA0] =	vst v20  }
0x756: {  	v6 =	vadd.s32 v4, v39;
	v17 =	vld.idx.msk [tilespmem:v21+s4+$0x0], $0xffff  }
0x757: {  	v9 =	vld.idx.msk [tilespmem:v9+s4+$0x0], $0xffff;
	[tilespmem:s20+$0xD580] =	vst v8  }
0x758: {  	v8 =	vadd.s32 v4, v36;
	[tilespmem:s21+$0xDB00] =	vst v14  }
0x759: {  	v14 =	vld.idx.msk [tilespmem:v15+s4+$0x0], $0xffff;
	[tilespmem:s20+$0xE690] =	vst v0  }
0x75a: {  	v15 =	vld.idx.msk [tilespmem:v18+s4+$0x0], $0xffff;
	[tilespmem:s21+$0xEB10] =	vst v12  }
0x75b: {  	v0 =	vld.idx.msk [tilespmem:v6+s4+$0x0], $0xffff;
	[tilespmem:s21+$0xE310] =	vst v16  }
0x75c: {  	v19 =	vadd.s32 v48, v37;
	[tilespmem:s21+$0xD3B0] =	vst v17  }
0x75d: {  	v16 =	vmov v63;
	v8 =	vld.idx.msk [tilespmem:v8+s4+$0x0], $0xffff;
	[tilespmem:s23+$0xCFB0] =	vst v9;
	v9 =	vadd.s32 v4, v22  }
0x75e: {  	[tilespmem:$0x1FBF0] =	vst v16;
	v16 =	vld [tilespmem:s25+$0x530]  }
0x75f: {  	v32 =	vimm.s32 $0x2;
	v26 =	vadd.s32 v4, v54;
	v17 =	vld [tilespmem:s25+$0x510];
	[tilespmem:s21+$0xDB10] =	vst v15;
	v15 =	vadd.s32 v5, v36  }
0x760: {  	v27 =	vadd.s32 v3, v54;
	v20 =	vadd.s32 v5, v54;
	v12 =	vadd.s32 v48, v54;
	v54 =	vld [tilespmem:s25+$0x520]  }
0x761: {  	[tilespmem:$0x1FC40] =	vst v37;
	v2 =	vperm.xlane v13, v32;
	v18 =	vadd.s32 v4, v38;
	v6 =	vld.idx.msk [tilespmem:v19+s4+$0x0], $0xffff  }
0x762: {  	[tilespmem:s21+$0xEB20] =	vst v8;
	v9 =	vld.idx.msk [tilespmem:v9+s4+$0x0], $0xffff  }
0x763: {  	v19 =	vadd.s32 v48, v2;
	v8 =	vmov v7;
	[tilespmem:s20+$0xE6A0] =	vst v0;
	v0 =	vld [tilespmem:$0x1FCD0]  }
0x764: {  	v21 =	vadd.s32 v3, v37;
	[tilespmem:$0x1FB60] =	vst v8;
	v8 =	vld.idx.msk [tilespmem:v15+s4+$0x0], $0xffff  }
0x765: {  	v55 =	vadd.s32 v5, v39;
	[tilespmem:s20+$0xD590] =	vst v14;
	v15 =	vld [tilespmem:$0x1FD80]  }
0x766: {  	v61 =	vmov v46;
	v14 =	vadd.s32 v4, v58;
	[tilespmem:s21+$0xD400] =	vst v6;
	v6 =	vld.idx.msk [tilespmem:v18+s4+$0x0], $0xffff  }
0x767: {  	v46 =	vld [tilespmem:$0x1FD10];
	[tilespmem:$0x1FC90] =	vst v61;
	v63 =	vmovc v11;
	v11 =	vadd.s32 v3, v2;
	v22 =	vadd.s32 v5, v22;
	v16 =	vadd.s32 $0xFFFFFFFF, v16  }
0x768: {  	v7 =	vadd.s32 $0xFFFFFFFF, v54;
	[tilespmem:$0x1FCD0] =	vst v63;
	v29 =	vmovc v0;
	v0 =	vadd.s32 $0xFFFFFFFF, v17;
	v17 =	vld.idx.msk [tilespmem:v19+s4+$0x0], $0xffff;
	v19 =	vadd.s32 v5, v38  }
0x769: {  	vm15 =	vgt.s32 v16, $0x0;
	vm1 =	vgt.s32 v7, $0x0;
	v21 =	vld.idx.msk [tilespmem:v21+s4+$0x0], $0xffff;
	[tilespmem:s21+$0xE320] =	vst v9;
	vm14 =	vgt.s32 v0, $0x0  }
0x76a: {  	[tilespmem:$0x1FB80] =	vst v29;
	v36 =	vmovc v15;
	v15 =	vnsel vm15, $0x0, v16;
	v16 =	vadd.s32 v48, v49;
	v9 =	vld.idx.msk [tilespmem:v55+s4+$0x0], $0xffff;
	v0 =	vnsel vm14, $0x0, v0  }
0x76b: {  	v30 =	vadd.s32 v4, v37;
	v7 =	vnsel vm1, $0x0, v7;
	v14 =	vld.idx.msk [tilespmem:v14+s4+$0x0], $0xffff;
	[tilespmem:s21+$0xDB20] =	vst v6;
	v0 =	vcvt.s32.f32 v0  }
0x76c: {  	v43 =	vadd.s32 v48, v53;
	v23 =	vadd.s32 v5, v58;
	v7 =	vcvt.s32.f32 v7;
	v6 =	vld.idx.msk [tilespmem:v22+s4+$0x0], $0xffff;
	[tilespmem:s21+$0xEB30] =	vst v8  }
0x76d: {  	v24 =	vadd.s32 v4, v2;
	v15 =	vcvt.s32.f32 v15;
	v0 =	vshrl.u32 v0, $0x17;
	[tilespmem:s23+$0xD000] =	vst v17;
	v17 =	vld.idx.msk [tilespmem:v19+s4+$0x0], $0xffff  }
0x76e: {  	v18 =	vadd.s32 v48, v46;
	v7 =	vshrl.u32 v7, $0x17;
	v0 =	vmax.u32 v0, $0x7E;
	v11 =	vld.idx.msk [tilespmem:v11+s4+$0x0], $0xffff;
	[tilespmem:s21+$0xD410] =	vst v21  }
0x76f: {  	v22 =	vadd.s32 v3, v49;
	v15 =	vshrl.u32 v15, $0x17;
	v8 =	vld.idx.msk [tilespmem:v16+s4+$0x0], $0xffff;
	[tilespmem:s20+$0xE6B0] =	vst v9;
	v0 =	vmin.u32 v0, $0x88  }
0x770: {  	v15 =	vmax.u32 v15, $0x7E;
	v19 =	vld.idx.msk [tilespmem:v30+s4+$0x0], $0xffff;
	[tilespmem:s20+$0xD5A0] =	vst v14;
	v14 =	vimm.s32 $0x4;
	v0 =	vshll.u32 v0, $0x6  }
0x771: {  	[tilespmem:s21+$0xE330] =	vst v6;
	v40 =	vadd.s32 $0xFFFFE080, v0;
	v0 =	vmax.u32 v7, $0x7E;
	v7 =	vmin.u32 v15, $0x88  }
0x772: {  	[tilespmem:$0x1FB70] =	vst v36;
	v30 =	vld.idx.msk [tilespmem:v43+s4+$0x0], $0xffff;
	v25 =	vperm.xlane v40, v44;
	v0 =	vmin.u32 v0, $0x88;
	v7 =	vshll.u32 v7, $0x6  }
0x773: {  	v16 =	vperm.xlane v40, v14;
	[tilespmem:s21+$0xDB30] =	vst v17;
	v0 =	vshll.u32 v0, $0x6;
	v41 =	vadd.s32 $0xFFFFE080, v7;
	v7 =	vld.idx.msk [tilespmem:v23+s4+$0x0], $0xffff  }
0x774: {  	v18 =	vld.idx.msk [tilespmem:v18+s4+$0x0], $0xffff;
	[tilespmem:s23+$0xD010] =	vst v11;
	v38 =	vadd.s32 $0xFFFFE080, v0;
	v17 =	vperm.xlane v41, v14;
	v0 =	vimm.s32 $0x5  }
0x775: {  	[tilespmem:s21+$0xEB80] =	vst v8;
	v23 =	vadd.s32 v48, v25;
	v15 =	vperm.xlane v38, v0;
	v14 =	vperm.xlane v41, v0  }
0x776: {  	v24 =	vld.idx.msk [tilespmem:v24+s4+$0x0], $0xffff;
	[tilespmem:s21+$0xD420] =	vst v19;
	v11 =	vperm.xlane v40, v0;
	v0 =	vperm.xlane v41, v33  }
0x777: {  	v58 =	vadd.s32 v3, v46;
	v54 =	vmov v28;
	v28 =	vperm.xlane v41, v44;
	[tilespmem:s21+$0xE380] =	vst v30  }
0x778: {  	v19 =	vld.idx.msk [tilespmem:v22+s4+$0x0], $0xffff;
	v22 =	vadd.s32 v5, v2;
	[tilespmem:$0x1FCF0] =	vst v0;
	v0 =	vperm.xlane v40, v33  }
0x779: {  	v29 =	vperm.xlane v38, v44;
	v37 =	vadd.s32 v48, v28;
	[tilespmem:s20+$0xD5B0] =	vst v7  }
0x77a: {  	v23 =	vld.idx.msk [tilespmem:v23+s4+$0x0], $0xffff;
	[tilespmem:$0x1FD00] =	vst v0  }
0x77b: {  	v39 =	vadd.s32 v48, v29;
	[tilespmem:s21+$0xDB80] =	vst v18;
	v35 =	vld.idx.msk [tilespmem:v12+s4+$0x0], $0xffff;
	v12 =	vadd.s32 v5, v15  }
0x77c: {  	v61 =	vadd.s32 v4, v49;
	v33 =	vperm.xlane v40, v42;
	[tilespmem:s23+$0xD020] =	vst v24;
	v58 =	vld.idx.msk [tilespmem:v58+s4+$0x0], $0xffff  }
0x77d: {  	v30 =	vadd.s32 v3, v25;
	v36 =	vld.idx.msk [tilespmem:v22+s4+$0x0], $0xffff;
	[tilespmem:$0x1FC20] =	vst v12  }
0x77e: {  	s28 =	sor.u32 $0x800, s26;
	v63 =	vperm.xlane v41, v32;
	v0 =	vimm.s32 $0x3;
	v7 =	vld.idx.msk [tilespmem:v37+s4+$0x0], $0xffff;
	[tilespmem:s21+$0xEB90] =	vst v19;
	v12 =	vmov v33  }
0x77f: {  	s29 =	sand.u32 $0x3FFFF800, s28;
	v32 =	vperm.xlane v41, v42;
	v37 =	vperm.xlane v13, v0;
	[tilespmem:$0x1FD10] =	vst v12  }
0x780: {  	v21 =	vperm.xlane v38, v31;
	v31 =	vadd.s32 v3, v28;
	v43 =	vld.idx.msk [tilespmem:v39+s4+$0x0], $0xffff;
	[tilespmem:s29+$0xCF00] =	vst v23  }
0x781: {  	v18 =	vperm.xlane v38, v42;
	v42 =	vld.idx.msk [tilespmem:v61+s4+$0x0], $0xffff;
	v61 =	vadd.s32 v48, v37;
	[tilespmem:s20+$0xD600] =	vst v35  }
0x782: {  	s31 =	sor.u32 $0x1800, s26;
	v30 =	vld.idx.msk [tilespmem:v30+s4+$0x0], $0xffff;
	[tilespmem:s21+$0xDB90] =	vst v58  }
0x783: {  	s26 =	sor.u32 $0x1000, s26;
	s30 =	sand.u32 $0x3FFFF800, s31;
	v39 =	vadd.s32 v4, v46;
	v27 =	vld.idx.msk [tilespmem:v27+s4+$0x0], $0xffff;
	[tilespmem:s23+$0xD030] =	vst v36  }
0x784: {  	s31 =	sand.u32 $0x3FFFF800, s26;
	v55 =	vadd.s32 v3, v29;
	[tilespmem:s30+$0xCF00] =	vst v7  }
0x785: {  	v24 =	vperm.xlane v41, v45;
	v22 =	vperm.xlane v40, v45;
	v7 =	vld.idx.msk [tilespmem:v31+s4+$0x0], $0xffff;
	[tilespmem:s31+$0xCF00] =	vst v43;
	v43 =	vimm.s32 $0xD  }
0x786: {  	v58 =	vperm.xlane v38, v45;
	v31 =	vadd.s32 v5, v49;
	v45 =	vld.idx.msk [tilespmem:v61+s4+$0x0], $0xffff;
	v61 =	vperm.xlane v41, v43  }
0x787: {  	v0 =	vmov v32;
	v32 =	vadd.s32 v4, v25;
	[tilespmem:s21+$0xEBA0] =	vst v42  }
0x788: {  	v56 =	vperm.xlane v41, v34;
	v2 =	vperm.xlane v40, v34;
	v39 =	vld.idx.msk [tilespmem:v39+s4+$0x0], $0xffff;
	[tilespmem:$0x1FBA0] =	vst v61  }
0x789: {  	v6 =	vperm.xlane v38, v34;
	v35 =	vadd.s32 v4, v28;
	v34 =	vld.idx.msk [tilespmem:v55+s4+$0x0], $0xffff;
	[tilespmem:s29+$0xCF10] =	vst v30  }
0x78a: {  	v12 =	vld [tilespmem:$0x1FD20];
	v42 =	vadd.s32 v5, v46;
	[tilespmem:s20+$0xD610] =	vst v27;
	v27 =	vperm.xlane v38, v60  }
0x78b: {  	v36 =	vadd.s32 v4, v29;
	v31 =	vld.idx.msk [tilespmem:v31+s4+$0x0], $0xffff;
	[tilespmem:s30+$0xCF10] =	vst v7  }
0x78c: {  	v33 =	vadd.s32 v3, v37;
	v46 =	vld.idx.msk [tilespmem:v32+s4+$0x0], $0xffff;
	[tilespmem:$0x1FC10] =	vst v27  }
0x78d: {  	v44 =	vperm.xlane v40, v60;
	v32 =	vperm.xlane v40, v43;
	v43 =	vimm.s32 $0xE;
	v26 =	vld.idx.msk [tilespmem:v26+s4+$0x0], $0xffff;
	[tilespmem:s21+$0xDBA0] =	vst v39  }
0x78e: {  	v25 =	vadd.s32 v5, v25;
	v27 =	vperm.xlane v40, v43;
	v35 =	vld.idx.msk [tilespmem:v35+s4+$0x0], $0xffff;
	[tilespmem:s31+$0xCF10] =	vst v34  }
0x78f: {  	v19 =	vperm.xlane v40, v47;
	v23 =	vperm.xlane v41, v47;
	[tilespmem:s23+$0xD080] =	vst v45;
	v34 =	vld.idx.msk [tilespmem:v42+s4+$0x0], $0xffff  }
0x790: {  	v30 =	vperm.xlane v38, v47;
	v47 =	vadd.s32 v48, v12;
	[tilespmem:$0x1FC30] =	vst v27;
	v27 =	vld.idx.msk [tilespmem:v36+s4+$0x0], $0xffff  }
0x791: {  	v28 =	vadd.s32 v5, v28;
	v55 =	vperm.xlane v41, v60;
	v60 =	vimm.s32 $0xF;
	v33 =	vld.idx.msk [tilespmem:v33+s4+$0x0], $0xffff;
	[tilespmem:s29+$0xCF20] =	vst v46  }
0x792: {  	v29 =	vadd.s32 v5, v29;
	v45 =	vperm.xlane v40, v60;
	[tilespmem:s21+$0xEBB0] =	vst v31;
	v31 =	vperm.xlane v38, v60;
	v60 =	vld [tilespmem:$0x1FD30]  }
0x793: {  	[tilespmem:s20+$0xD620] =	vst v26;
	v25 =	vld.idx.msk [tilespmem:v25+s4+$0x0], $0xffff  }
0x794: {  	[tilespmem:$0x1FD70] =	vst v45;
	v45 =	vimm.s32 $0x1;
	v20 =	vld.idx.msk [tilespmem:v20+s4+$0x0], $0xffff  }
0x795: {  	v39 =	vadd.s32 v4, v37;
	v36 =	vld.idx.msk [tilespmem:v47+s4+$0x0], $0xffff;
	[tilespmem:s30+$0xCF20] =	vst v35;
	v35 =	vperm.xlane v41, v45  }
0x796: {  	v42 =	vperm.xlane v40, v45;
	v45 =	vadd.s32 v3, v12;
	v28 =	vld.idx.msk [tilespmem:v28+s4+$0x0], $0xffff;
	[tilespmem:s31+$0xCF20] =	vst v27  }
0x797: {  	[tilespmem:s21+$0xDBB0] =	vst v34;
	v27 =	vld.idx.msk [tilespmem:v29+s4+$0x0], $0xffff;
	v29 =	vadd.s32 v48, v35  }
0x798: {  	v34 =	vadd.s32 v48, v51;
	[tilespmem:$0x1FD80] =	vst v31  }
0x799: {  	v61 =	vld [tilespmem:$0x1FB20];
	[tilespmem:s23+$0xD090] =	vst v33;
	v33 =	vadd.s32 v48, v21  }
0x79a: {  	v39 =	vld.idx.msk [tilespmem:v39+s4+$0x0], $0xffff;
	v31 =	vadd.s32 v48, v60;
	[tilespmem:s21+$0xEC00] =	vst v36  }
0x79b: {  	v49 =	vimm.s32 $0xD;
	v37 =	vadd.s32 v5, v37;
	v36 =	vld.idx.msk [tilespmem:v45+s4+$0x0], $0xffff;
	[tilespmem:s30+$0xCF30] =	vst v28  }
0x79c: {  	v49 =	vperm.xlane v38, v49;
	v46 =	vadd.s32 v48, v42;
	[tilespmem:s20+$0xD630] =	vst v20;
	v28 =	vld.idx.msk [tilespmem:v29+s4+$0x0], $0xffff  }
0x79d: {  	v29 =	vadd.s32 v4, v12;
	[tilespmem:s31+$0xCF30] =	vst v27;
	v27 =	vld.idx.msk [tilespmem:v34+s4+$0x0], $0xffff  }
0x79e: {  	[tilespmem:$0x1FD60] =	vst v49;
	v34 =	vadd.s32 v3, v35;
	v33 =	vld.idx.msk [tilespmem:v33+s4+$0x0], $0xffff  }
0x79f: {  	[tilespmem:s23+$0xD0A0] =	vst v39;
	v31 =	vld.idx.msk [tilespmem:v31+s4+$0x0], $0xffff  }
0x7a0: {  	v10 =	vperm.xlane v13, v1;
	v49 =	vimm.s32 $0xF;
	v39 =	vadd.s32 v3, v51;
	v37 =	vld.idx.msk [tilespmem:v37+s4+$0x0], $0xffff;
	[tilespmem:s29+$0xCF30] =	vst v25  }
0x7a1: {  	v26 =	vperm.xlane v41, v49;
	v25 =	vadd.s32 v3, v60;
	v49 =	vld.idx.msk [tilespmem:v46+s4+$0x0], $0xffff;
	[tilespmem:s21+$0xEC10] =	vst v36  }
0x7a2: {  	v8 =	vperm.xlane v40, v1;
	v20 =	vadd.s32 v3, v42;
	v29 =	vld.idx.msk [tilespmem:v29+s4+$0x0], $0xffff;
	[tilespmem:s23+$0xE780] =	vst v28  }
0x7a3: {  	v9 =	vperm.xlane v41, v1;
	v1 =	vimm.s32 $0x4;
	[tilespmem:s20+$0xD680] =	vst v27;
	v28 =	vld.idx.msk [tilespmem:v34+s4+$0x0], $0xffff;
	v34 =	vadd.s32 v5, v12  }
0x7a4: {  	v46 =	vperm.xlane v13, v1;
	v1 =	vld [tilespmem:$0x1FCE0];
	v27 =	vmov v24;
	[tilespmem:s21+$0xDC00] =	vst v31;
	v31 =	vadd.s32 v3, v21  }
0x7a5: {  	v47 =	vadd.s32 v4, v35;
	[tilespmem:$0x1FD20] =	vst v27;
	v27 =	vld.idx.msk [tilespmem:v39+s4+$0x0], $0xffff  }
0x7a6: {  	v25 =	vld.idx.msk [tilespmem:v25+s4+$0x0], $0xffff;
	[tilespmem:s23+$0xD780] =	vst v49  }
0x7a7: {  	v49 =	vadd.s32 v48, v46;
	v20 =	vld.idx.msk [tilespmem:v20+s4+$0x0], $0xffff;
	[tilespmem:s21+$0xEC20] =	vst v29  }
0x7a8: {  	v36 =	vadd.s32 v4, v60;
	[tilespmem:s23+$0xDF80] =	vst v33;
	v29 =	vld.idx.msk [tilespmem:v34+s4+$0x0], $0xffff  }
0x7a9: {  	v24 =	vadd.s32 v4, v42;
	[tilespmem:s23+$0xE790] =	vst v28;
	v31 =	vld.idx.msk [tilespmem:v31+s4+$0x0], $0xffff  }
0x7aa: {  	v28 =	vld.idx.msk [tilespmem:v47+s4+$0x0], $0xffff  }
0x7ab: {  	[tilespmem:s23+$0xD0B0] =	vst v37;
	v47 =	vld [tilespmem:$0x1FD40]  }
0x7ac: {  	v37 =	vadd.s32 v4, v51;
	[tilespmem:s21+$0xDC10] =	vst v25;
	v39 =	vld.idx.msk [tilespmem:v49+s4+$0x0], $0xffff  }
0x7ad: {  	v25 =	vadd.s32 v4, v21;
	v49 =	vimm.s32 $0x5;
	v36 =	vld.idx.msk [tilespmem:v36+s4+$0x0], $0xffff;
	[tilespmem:s23+$0xD790] =	vst v20  }
0x7ae: {  	v24 =	vld.idx.msk [tilespmem:v24+s4+$0x0], $0xffff  }
0x7af: {  	v12 =	vmov v22;
	v22 =	vadd.s32 v3, v46;
	[tilespmem:s21+$0xEC30] =	vst v29;
	v29 =	vld [tilespmem:$0x1FB30]  }
0x7b0: {  	[tilespmem:s20+$0xD690] =	vst v27;
	v20 =	vadd.s32 v5, v60;
	v13 =	vperm.xlane v13, v49;
	v49 =	vmov v0;
	v0 =	vld [tilespmem:$0x1FB90]  }
0x7b1: {  	v27 =	vadd.s32 v5, v42;
	[tilespmem:s23+$0xDF90] =	vst v31;
	v31 =	vld.idx.msk [tilespmem:v37+s4+$0x0], $0xffff  }
0x7b2: {  	v33 =	vadd.s32 v48, v47;
	v25 =	vld.idx.msk [tilespmem:v25+s4+$0x0], $0xffff  }
0x7b3: {  	[tilespmem:s23+$0xD100] =	vst v39;
	v39 =	vld [tilespmem:$0x1FD50]  }
0x7b4: {  	v7 =	vperm.xlane v41, v43;
	v43 =	vimm.s32 $0xE;
	v60 =	vadd.s32 v5, v35;
	[tilespmem:s21+$0xDC20] =	vst v36;
	v22 =	vld.idx.msk [tilespmem:v22+s4+$0x0], $0xffff  }
0x7b5: {  	v43 =	vperm.xlane v38, v43;
	v35 =	vadd.s32 v5, v51;
	v20 =	vld.idx.msk [tilespmem:v20+s4+$0x0], $0xffff;
	[tilespmem:s23+$0xD7A0] =	vst v24  }
0x7b6: {  	[tilespmem:$0x1FD30] =	vst v12;
	v21 =	vadd.s32 v5, v21;
	v51 =	vmov v1;
	v1 =	vmov v29;
	v27 =	vld.idx.msk [tilespmem:v27+s4+$0x0], $0xffff  }
0x7b7: {  	[tilespmem:$0x1FCE0] =	vst v1;
	v29 =	vld.idx.msk [tilespmem:v33+s4+$0x0], $0xffff;
	v33 =	vadd.s32 v4, v46  }
0x7b8: {  	v12 =	vimm.s32 $0x2;
	v34 =	vadd.s32 v5, v46;
	[tilespmem:s23+$0xE7A0] =	vst v28;
	v46 =	vmovc v43;
	v43 =	vld [tilespmem:$0x1FB40];
	v24 =	vadd.s32 v48, v39  }
0x7b9: {  	v36 =	vperm.xlane v40, v12;
	[tilespmem:s20+$0xD6A0] =	vst v31;
	v28 =	vld.idx.msk [tilespmem:v60+s4+$0x0], $0xffff  }
0x7ba: {  	v42 =	vadd.s32 v3, v47;
	[tilespmem:s23+$0xDFA0] =	vst v25;
	v35 =	vld.idx.msk [tilespmem:v35+s4+$0x0], $0xffff  }
0x7bb: {  	v31 =	vadd.s32 v48, v36;
	v21 =	vld.idx.msk [tilespmem:v21+s4+$0x0], $0xffff;
	[tilespmem:s23+$0xD110] =	vst v22  }
0x7bc: {  	v37 =	vadd.s32 v48, v63;
	v25 =	vperm.xlane v38, v12;
	[tilespmem:s21+$0xDC30] =	vst v20;
	v33 =	vld.idx.msk [tilespmem:v33+s4+$0x0], $0xffff  }
0x7bd: {  	[tilespmem:s21+$0xEC80] =	vst v29;
	v22 =	vld.idx.msk [tilespmem:v24+s4+$0x0], $0xffff;
	v24 =	vadd.s32 v3, v53  }
0x7be: {  	v1 =	vld [tilespmem:$0x1FBD0];
	v20 =	vadd.s32 v48, v25;
	[tilespmem:s23+$0xD7B0] =	vst v27  }
0x7bf: {  	v29 =	vld.idx.msk [tilespmem:v42+s4+$0x0], $0xffff;
	[tilespmem:s23+$0xE7B0] =	vst v28  }
0x7c0: {  	v27 =	vadd.s32 v3, v39;
	[tilespmem:s20+$0xD6B0] =	vst v35;
	v31 =	vld.idx.msk [tilespmem:v31+s4+$0x0], $0xffff  }
0x7c1: {  	v28 =	vld.idx.msk [tilespmem:v37+s4+$0x0], $0xffff;
	v37 =	vadd.s32 v4, v47;
	[tilespmem:s23+$0xDFB0] =	vst v21  }
0x7c2: {  	v35 =	vadd.s32 v3, v36;
	[tilespmem:s23+$0xD120] =	vst v33;
	v21 =	vld.idx.msk [tilespmem:v24+s4+$0x0], $0xffff  }
0x7c3: {  	v20 =	vld.idx.msk [tilespmem:v20+s4+$0x0], $0xffff;
	v24 =	vadd.s32 v3, v63;
	[tilespmem:s21+$0xDC80] =	vst v22  }
0x7c4: {  	v42 =	vadd.s32 v4, v53;
	v34 =	vld.idx.msk [tilespmem:v34+s4+$0x0], $0xffff;
	[tilespmem:s21+$0xEC90] =	vst v29  }
0x7c5: {  	v22 =	vadd.s32 v3, v25;
	v27 =	vld.idx.msk [tilespmem:v27+s4+$0x0], $0xffff;
	[tilespmem:s23+$0xD800] =	vst v31  }
0x7c6: {  	v29 =	vadd.s32 v4, v39;
	v31 =	vld.idx.msk [tilespmem:v37+s4+$0x0], $0xffff;
	[tilespmem:s23+$0xE800] =	vst v28  }
0x7c7: {  	v37 =	vadd.s32 v48, v13;
	v35 =	vld.idx.msk [tilespmem:v35+s4+$0x0], $0xffff;
	[tilespmem:s21+$0xE390] =	vst v21  }
0x7c8: {  	v28 =	vmov v23;
	v24 =	vld.idx.msk [tilespmem:v24+s4+$0x0], $0xffff;
	[tilespmem:s23+$0xE000] =	vst v20  }
0x7c9: {  	v23 =	vadd.s32 v4, v36;
	[tilespmem:$0x1FD40] =	vst v28;
	v20 =	vld.idx.msk [tilespmem:v42+s4+$0x0], $0xffff  }
0x7ca: {  	v21 =	vadd.s32 v5, v47;
	[tilespmem:s21+$0xDC90] =	vst v27;
	v22 =	vld.idx.msk [tilespmem:v22+s4+$0x0], $0xffff  }
0x7cb: {  	v28 =	vadd.s32 v4, v63;
	[tilespmem:s23+$0xD130] =	vst v34;
	v29 =	vld.idx.msk [tilespmem:v29+s4+$0x0], $0xffff  }
0x7cc: {  	[tilespmem:s21+$0xECA0] =	vst v31;
	v42 =	vadd.s32 v5, v53;
	v53 =	vmov v18;
	v18 =	vld.idx.msk [tilespmem:v37+s4+$0x0], $0xffff  }
0x7cd: {  	v31 =	vadd.s32 v5, v39;
	[tilespmem:s23+$0xD810] =	vst v35;
	v37 =	vadd.s32 v5, v63;
	v63 =	vld [tilespmem:$0x1FB60]  }
0x7ce: {  	v47 =	vmov v19;
	v19 =	vadd.s32 v3, v13;
	v23 =	vld.idx.msk [tilespmem:v23+s4+$0x0], $0xffff  }
0x7cf: {  	v21 =	vld.idx.msk [tilespmem:v21+s4+$0x0], $0xffff;
	[tilespmem:s23+$0xE810] =	vst v24  }
0x7d0: {  	v27 =	vadd.s32 v4, v25;
	v24 =	vld.idx.msk [tilespmem:v28+s4+$0x0], $0xffff;
	[tilespmem:s21+$0xE3A0] =	vst v20  }
0x7d1: {  	v28 =	vadd.s32 v5, v36;
	v36 =	vld [tilespmem:$0x1FB50];
	[tilespmem:s21+$0xDCA0] =	vst v29  }
0x7d2: {  	v20 =	vadd.s32 v48, v59;
	[tilespmem:s23+$0xD180] =	vst v18;
	v39 =	vld.idx.msk [tilespmem:v31+s4+$0x0], $0xffff  }
0x7d3: {  	[tilespmem:s23+$0xE010] =	vst v22;
	v19 =	vld.idx.msk [tilespmem:v19+s4+$0x0], $0xffff  }
0x7d4: {  	[tilespmem:s23+$0xD820] =	vst v23;
	v22 =	vld.idx.msk [tilespmem:v42+s4+$0x0], $0xffff  }
0x7d5: {  	v27 =	vld.idx.msk [tilespmem:v27+s4+$0x0], $0xffff;
	[tilespmem:s21+$0xECB0] =	vst v21;
	v21 =	vadd.s32 v48, v52  }
0x7d6: {  	[tilespmem:$0x1FD50] =	vst v47;
	v29 =	vadd.s32 v48, v62;
	v28 =	vld.idx.msk [tilespmem:v28+s4+$0x0], $0xffff  }
0x7d7: {  	v45 =	vimm.s32 $0x3;
	v18 =	vadd.s32 v5, v25;
	v20 =	vld.idx.msk [tilespmem:v20+s4+$0x0], $0xffff;
	[tilespmem:s23+$0xE820] =	vst v24  }
0x7d8: {  	v23 =	vadd.s32 v4, v13;
	v31 =	vperm.xlane v40, v45;
	v24 =	vld.idx.msk [tilespmem:v37+s4+$0x0], $0xffff;
	[tilespmem:s21+$0xDCB0] =	vst v39  }
0x7d9: {  	v33 =	vperm.xlane v41, v45;
	v39 =	vld [tilespmem:$0x1FB70];
	[tilespmem:s21+$0xE3B0] =	vst v22;
	v22 =	vadd.s32 v3, v59  }
0x7da: {  	v40 =	vadd.s32 v48, v31;
	[tilespmem:s23+$0xE020] =	vst v27;
	v21 =	vld.idx.msk [tilespmem:v21+s4+$0x0], $0xffff  }
0x7db: {  	v41 =	vadd.s32 v48, v33;
	[tilespmem:s23+$0xD190] =	vst v19;
	v29 =	vld.idx.msk [tilespmem:v29+s4+$0x0], $0xffff  }
0x7dc: {  	v27 =	vperm.xlane v38, v45;
	v18 =	vld.idx.msk [tilespmem:v18+s4+$0x0], $0xffff;
	[tilespmem:s21+$0xED00] =	vst v20;
	v20 =	vadd.s32 v3, v52  }
0x7dd: {  	v42 =	vadd.s32 v3, v62;
	v23 =	vld.idx.msk [tilespmem:v23+s4+$0x0], $0xffff;
	[tilespmem:s23+$0xD830] =	vst v28  }
0x7de: {  	v19 =	vadd.s32 v48, v27;
	v22 =	vld.idx.msk [tilespmem:v22+s4+$0x0], $0xffff;
	[tilespmem:s23+$0xE830] =	vst v24  }
0x7df: {  	v13 =	vadd.s32 v5, v13;
	v28 =	vld.idx.msk [tilespmem:v40+s4+$0x0], $0xffff;
	[tilespmem:s21+$0xDD00] =	vst v21  }
0x7e0: {  	v24 =	vld.idx.msk [tilespmem:v41+s4+$0x0], $0xffff;
	[tilespmem:s21+$0xE400] =	vst v29;
	v29 =	vadd.s32 v4, v59  }
0x7e1: {  	v45 =	vadd.s32 v3, v31;
	[tilespmem:s23+$0xE030] =	vst v18;
	v20 =	vld.idx.msk [tilespmem:v20+s4+$0x0], $0xffff  }
0x7e2: {  	v47 =	vadd.s32 v3, v33;
	[tilespmem:s23+$0xD1A0] =	vst v23;
	v18 =	vld.idx.msk [tilespmem:v42+s4+$0x0], $0xffff  }
0x7e3: {  	v19 =	vld.idx.msk [tilespmem:v19+s4+$0x0], $0xffff;
	[tilespmem:s21+$0xED10] =	vst v22;
	v22 =	vadd.s32 v4, v52  }
0x7e4: {  	v23 =	vadd.s32 v4, v62;
	v13 =	vld.idx.msk [tilespmem:v13+s4+$0x0], $0xffff;
	[tilespmem:s23+$0xD880] =	vst v28  }
0x7e5: {  	v21 =	vadd.s32 v3, v27;
	v28 =	vld.idx.msk [tilespmem:v29+s4+$0x0], $0xffff;
	[tilespmem:s23+$0xE880] =	vst v24  }
0x7e6: {  	v34 =	vld.idx.msk [tilespmem:v45+s4+$0x0], $0xffff;
	v29 =	vadd.s32 v48, v10;
	[tilespmem:s21+$0xDD10] =	vst v20  }
0x7e7: {  	v24 =	vld.idx.msk [tilespmem:v47+s4+$0x0], $0xffff;
	[tilespmem:s21+$0xE410] =	vst v18;
	v18 =	vadd.s32 v5, v59  }
0x7e8: {  	v37 =	vadd.s32 v4, v31;
	[tilespmem:s23+$0xE080] =	vst v19;
	v20 =	vld.idx.msk [tilespmem:v22+s4+$0x0], $0xffff  }
0x7e9: {  	[tilespmem:s23+$0xD1B0] =	vst v13;
	v19 =	vld.idx.msk [tilespmem:v23+s4+$0x0], $0xffff;
	v23 =	vadd.s32 v4, v33  }
0x7ea: {  	v21 =	vld.idx.msk [tilespmem:v21+s4+$0x0], $0xffff;
	[tilespmem:s21+$0xED20] =	vst v28;
	v28 =	vadd.s32 v5, v52  }
0x7eb: {  	v22 =	vadd.s32 v5, v62;
	[tilespmem:s23+$0xD890] =	vst v34;
	v29 =	vld.idx.msk [tilespmem:v29+s4+$0x0], $0xffff  }
0x7ec: {  	v40 =	vadd.s32 v3, v10;
	v18 =	vld.idx.msk [tilespmem:v18+s4+$0x0], $0xffff;
	[tilespmem:s23+$0xE890] =	vst v24  }
0x7ed: {  	v13 =	vadd.s32 v4, v27;
	v25 =	vld.idx.msk [tilespmem:v37+s4+$0x0], $0xffff;
	[tilespmem:s21+$0xDD20] =	vst v20  }
0x7ee: {  	v23 =	vld.idx.msk [tilespmem:v23+s4+$0x0], $0xffff;
	[tilespmem:s21+$0xE420] =	vst v19;
	v19 =	vadd.s32 v48, v0  }
0x7ef: {  	v41 =	vadd.s32 v5, v31;
	v20 =	vadd.s32 v5, v27;
	[tilespmem:s23+$0xE090] =	vst v21;
	v27 =	vld.idx.msk [tilespmem:v28+s4+$0x0], $0xffff  }
0x7f0: {  	[tilespmem:s23+$0xD200] =	vst v29;
	v21 =	vld.idx.msk [tilespmem:v22+s4+$0x0], $0xffff;
	v22 =	vadd.s32 v5, v33  }
0x7f1: {  	v29 =	vld.idx.msk [tilespmem:v40+s4+$0x0], $0xffff;
	[tilespmem:s21+$0xED30] =	vst v18;
	v18 =	vadd.s32 v48, v57  }
0x7f2: {  	v42 =	vadd.s32 v4, v10;
	[tilespmem:s23+$0xD8A0] =	vst v25;
	v13 =	vld.idx.msk [tilespmem:v13+s4+$0x0], $0xffff  }
0x7f3: {  	v28 =	vadd.s32 v48, v50;
	v19 =	vld.idx.msk [tilespmem:v19+s4+$0x0], $0xffff;
	[tilespmem:s23+$0xE8A0] =	vst v23  }
0x7f4: {  	v24 =	vld.idx.msk [tilespmem:v41+s4+$0x0], $0xffff;
	[tilespmem:s21+$0xDD30] =	vst v27  }
0x7f5: {  	v22 =	vld.idx.msk [tilespmem:v22+s4+$0x0], $0xffff;
	[tilespmem:s21+$0xE430] =	vst v21  }
0x7f6: {  	v21 =	vadd.s32 v3, v0;
	[tilespmem:s23+$0xD210] =	vst v29;
	v18 =	vld.idx.msk [tilespmem:v18+s4+$0x0], $0xffff  }
0x7f7: {  	v23 =	vadd.s32 v48, v16;
	[tilespmem:s23+$0xE0A0] =	vst v13;
	v25 =	vld.idx.msk [tilespmem:v42+s4+$0x0], $0xffff  }
0x7f8: {  	v31 =	vadd.s32 v48, v17;
	v28 =	vld.idx.msk [tilespmem:v28+s4+$0x0], $0xffff  }
0x7f9: {  	v12 =	vimm.s32 $0x4;
	v10 =	vadd.s32 v5, v10;
	[tilespmem:s23+$0xD8B0] =	vst v24;
	v20 =	vld.idx.msk [tilespmem:v20+s4+$0x0], $0xffff  }
0x7fa: {  	v29 =	vadd.s32 v3, v50;
	v13 =	vperm.xlane v38, v12;
	v12 =	vld [tilespmem:$0x1FBC0];
	[tilespmem:s21+$0xED80] =	vst v19  }
0x7fb: {  	v19 =	vadd.s32 v3, v57;
	v21 =	vld.idx.msk [tilespmem:v21+s4+$0x0], $0xffff;
	[tilespmem:s23+$0xE8B0] =	vst v22  }
0x7fc: {  	v27 =	vadd.s32 v48, v13;
	v23 =	vld.idx.msk [tilespmem:v23+s4+$0x0], $0xffff;
	[tilespmem:s23+$0xD220] =	vst v25  }
0x7fd: {  	v52 =	vmov v44;
	v44 =	vadd.s32 v4, v0;
	v22 =	vld.idx.msk [tilespmem:v31+s4+$0x0], $0xffff;
	[tilespmem:s21+$0xE480] =	vst v28  }
0x7fe: {  	v28 =	vadd.s32 v3, v16;
	v10 =	vld.idx.msk [tilespmem:v10+s4+$0x0], $0xffff;
	[tilespmem:s23+$0xE0B0] =	vst v20  }
0x7ff: {  	[tilespmem:s21+$0xDD80] =	vst v18;
	v20 =	vld.idx.msk [tilespmem:v29+s4+$0x0], $0xffff;
	v29 =	vadd.s32 v3, v17  }
0x800: {  	v19 =	vld.idx.msk [tilespmem:v19+s4+$0x0], $0xffff  }
0x801: {  	v27 =	vld.idx.msk [tilespmem:v27+s4+$0x0], $0xffff;
	[tilespmem:s21+$0xED90] =	vst v21;
	v21 =	vadd.s32 v4, v57  }
0x802: {  	v45 =	vadd.s32 v4, v50;
	[tilespmem:s23+$0xD900] =	vst v23;
	v23 =	vld.idx.msk [tilespmem:v44+s4+$0x0], $0xffff  }
0x803: {  	v18 =	vadd.s32 v3, v13;
	[tilespmem:s23+$0xE900] =	vst v22;
	v28 =	vld.idx.msk [tilespmem:v28+s4+$0x0], $0xffff  }
0x804: {  	v22 =	vld.idx.msk [tilespmem:v29+s4+$0x0], $0xffff;
	[tilespmem:s21+$0xE490] =	vst v20;
	v20 =	vadd.s32 v5, v0  }
0x805: {  	[tilespmem:s21+$0xDD90] =	vst v19;
	v0 =	vld [tilespmem:$0x1FBA0];
	v29 =	vadd.s32 v4, v16  }
0x806: {  	v31 =	vadd.s32 v4, v17;
	[tilespmem:s23+$0xE100] =	vst v27;
	v19 =	vld.idx.msk [tilespmem:v21+s4+$0x0], $0xffff  }
0x807: {  	[tilespmem:s23+$0xD230] =	vst v10;
	v25 =	vld.idx.msk [tilespmem:v45+s4+$0x0], $0xffff  }
0x808: {  	v27 =	vld.idx.msk [tilespmem:v18+s4+$0x0], $0xffff;
	[tilespmem:s21+$0xEDA0] =	vst v23  }
0x809: {  	v21 =	vadd.s32 v5, v50;
	[tilespmem:s23+$0xD910] =	vst v28;
	v20 =	vld.idx.msk [tilespmem:v20+s4+$0x0], $0xffff  }
0x80a: {  	v59 =	vmov v55;
	v10 =	vadd.s32 v4, v13;
	v55 =	vld.idx.msk [tilespmem:v29+s4+$0x0], $0xffff;
	[tilespmem:s23+$0xE910] =	vst v22  }
0x80b: {  	v23 =	vadd.s32 v5, v57;
	v28 =	vld.idx.msk [tilespmem:v31+s4+$0x0], $0xffff;
	[tilespmem:s20+$0xEE30] =	vst v1  }
0x80c: {  	v41 =	vmov v0;
	v0 =	vld [tilespmem:$0x1FBB0];
	[tilespmem:s21+$0xE4A0] =	vst v25  }
0x80d: {  	v47 =	vadd.s32 v48, v43;
	v1 =	vld [tilespmem:$0x1FBE0];
	[tilespmem:s23+$0xE110] =	vst v27  }
0x80e: {  	v22 =	vadd.s32 v48, v54;
	v21 =	vld.idx.msk [tilespmem:v21+s4+$0x0], $0xffff  }
0x80f: {  	v16 =	vadd.s32 v5, v16;
	[tilespmem:s21+$0xDDA0] =	vst v19;
	v10 =	vld.idx.msk [tilespmem:v10+s4+$0x0], $0xffff  }
0x810: {  	v19 =	vld.idx.msk [tilespmem:v23+s4+$0x0], $0xffff;
	v23 =	vadd.s32 v48, v12  }
0x811: {  	v62 =	vmov v58;
	v58 =	vld [tilespmem:$0x1FB80];
	v13 =	vadd.s32 v5, v13;
	[tilespmem:s21+$0xEDB0] =	vst v20  }
0x812: {  	v18 =	vld.idx.msk [tilespmem:v47+s4+$0x0], $0xffff;
	v57 =	vmov v32;
	v32 =	vadd.s32 v48, v0;
	[tilespmem:s23+$0xD920] =	vst v55  }
0x813: {  	v17 =	vadd.s32 v5, v17;
	v20 =	vld.idx.msk [tilespmem:v22+s4+$0x0], $0xffff;
	[tilespmem:s21+$0xE4B0] =	vst v21  }
0x814: {  	v22 =	vadd.s32 v48, v1;
	v16 =	vld.idx.msk [tilespmem:v16+s4+$0x0], $0xffff;
	[tilespmem:s23+$0xE120] =	vst v10  }
0x815: {  	v10 =	vld.idx.msk [tilespmem:v23+s4+$0x0], $0xffff  }
0x816: {  	v27 =	vadd.s32 v48, v11;
	[tilespmem:s21+$0xDDB0] =	vst v19;
	v13 =	vld.idx.msk [tilespmem:v13+s4+$0x0], $0xffff  }
0x817: {  	v37 =	vld.idx.msk [tilespmem:v32+s4+$0x0], $0xffff;
	[tilespmem:s23+$0xE920] =	vst v28;
	v28 =	vadd.s32 v3, v12  }
0x818: {  	v40 =	vadd.s32 v3, v54;
	v17 =	vld.idx.msk [tilespmem:v17+s4+$0x0], $0xffff;
	[tilespmem:s20+$0xEE80] =	vst v20  }
0x819: {  	v21 =	vadd.s32 v3, v0;
	v22 =	vld.idx.msk [tilespmem:v22+s4+$0x0], $0xffff;
	[tilespmem:s23+$0xD930] =	vst v16  }
0x81a: {  	v45 =	vld [tilespmem:$0x1FC00];
	v16 =	vadd.s32 v3, v1;
	[tilespmem:s21+$0xE500] =	vst v10  }
0x81b: {  	v19 =	vadd.s32 v48, v15;
	v42 =	vld.idx.msk [tilespmem:v27+s4+$0x0], $0xffff;
	[tilespmem:s23+$0xE130] =	vst v13  }
0x81c: {  	[tilespmem:s21+$0xEE00] =	vst v37;
	v13 =	vld.idx.msk [tilespmem:v28+s4+$0x0], $0xffff  }
0x81d: {  	v23 =	vadd.s32 v48, v14;
	v20 =	vld.idx.msk [tilespmem:v40+s4+$0x0], $0xffff  }
0x81e: {  	v44 =	vadd.s32 v3, v11;
	v21 =	vld.idx.msk [tilespmem:v21+s4+$0x0], $0xffff;
	[tilespmem:s21+$0xDE00] =	vst v22  }
0x81f: {  	[tilespmem:s23+$0xE930] =	vst v17;
	v17 =	vadd.s32 v4, v54;
	v16 =	vld.idx.msk [tilespmem:v16+s4+$0x0], $0xffff  }
0x820: {  	v10 =	vadd.s32 v4, v0;
	[tilespmem:s23+$0xD980] =	vst v42;
	v19 =	vld.idx.msk [tilespmem:v19+s4+$0x0], $0xffff  }
0x821: {  	[tilespmem:s21+$0xE510] =	vst v13;
	v13 =	vadd.s32 v5, v0;
	v0 =	vld [tilespmem:$0x1FC10]  }
0x822: {  	v23 =	vld.idx.msk [tilespmem:v23+s4+$0x0], $0xffff;
	[tilespmem:s20+$0xEE90] =	vst v20  }
0x823: {  	v27 =	vadd.s32 v3, v14;
	v24 =	vld.idx.msk [tilespmem:v44+s4+$0x0], $0xffff;
	[tilespmem:s21+$0xEE10] =	vst v21  }
0x824: {  	v22 =	vadd.s32 v4, v12;
	v17 =	vld.idx.msk [tilespmem:v17+s4+$0x0], $0xffff  }
0x825: {  	v21 =	vadd.s32 v4, v1;
	v10 =	vld.idx.msk [tilespmem:v10+s4+$0x0], $0xffff  }
0x826: {  	v40 =	vmov v0;
	v0 =	vld [tilespmem:$0x1FC30]  }
0x827: {  	v20 =	vadd.s32 v3, v15;
	[tilespmem:s23+$0xE980] =	vst v23;
	v23 =	vadd.s32 v5, v54;
	v54 =	vld [tilespmem:$0x1FBF0]  }
0x828: {  	v31 =	vmov v7;
	v7 =	vadd.s32 v4, v11;
	v47 =	vld.idx.msk [tilespmem:v27+s4+$0x0], $0xffff;
	[tilespmem:s23+$0xE180] =	vst v19  }
0x829: {  	[tilespmem:s21+$0xDE10] =	vst v16;
	v22 =	vld.idx.msk [tilespmem:v22+s4+$0x0], $0xffff  }
0x82a: {  	v21 =	vld.idx.msk [tilespmem:v21+s4+$0x0], $0xffff  }
0x82b: {  	[tilespmem:s23+$0xD990] =	vst v24;
	v42 =	vmov v0;
	v0 =	vld [tilespmem:$0x1FC40]  }
0x82c: {  	v55 =	vld.idx.msk [tilespmem:v20+s4+$0x0], $0xffff;
	[tilespmem:s20+$0xEEA0] =	vst v17  }
0x82d: {  	v27 =	vadd.s32 v4, v14;
	v7 =	vld.idx.msk [tilespmem:v7+s4+$0x0], $0xffff;
	[tilespmem:s21+$0xEE20] =	vst v10  }
0x82e: {  	v16 =	vadd.s32 v4, v15;
	v15 =	vadd.s32 v5, v12;
	v23 =	vld.idx.msk [tilespmem:v23+s4+$0x0], $0xffff  }
0x82f: {  	v32 =	vld.idx.msk [tilespmem:v13+s4+$0x0], $0xffff  }
0x830: {  	p0 =	slt.u32 s22, $0x14;
	v10 =	vadd.s32 v5, v1;
	[tilespmem:s23+$0xE990] =	vst v47;
	v20 =	vadd.s32 v5, v0;
	v0 =	vld [tilespmem:$0x1FC50]  }
.Ltmp7:
0x831: {  	v1 =	vld [tilespmem:$0x1FC20];
	[tilespmem:s21+$0xE520] =	vst v22;
	(pc) =	sbr.rel @p0 .LBB2_7-.Ltmp7, $4  }
0x832: {  	v13 =	vld.idx.msk [tilespmem:v27+s4+$0x0], $0xffff;
	[tilespmem:s23+$0xE190] =	vst v55  }
0x833: {  	v60 =	vimm.s32 $0x2;
	v35 =	vimm.s32 $0x4;
	v15 =	vld.idx.msk [tilespmem:v15+s4+$0x0], $0xffff  }
0x834: {  	v34 =	vimm.s32 $0x7;
	v50 =	vmovc v30;
	v29 =	vmovc v26;
	v28 =	vmov v45;
	v19 =	vadd.s32 v3, v43;
	v16 =	vld.idx.msk [tilespmem:v16+s4+$0x0], $0xffff;
	[tilespmem:s21+$0xDE20] =	vst v21  }
0x835: {  	s22 =	sadd.s32 $0x4, s22;
	v33 =	vimm.s32 $0x0;
	v17 =	vadd.s32 v5, v14;
	v14 =	vadd.s32 v48, v61;
	v10 =	vld.idx.msk [tilespmem:v10+s4+$0x0], $0xffff;
	[tilespmem:s20+$0xEEB0] =	vst v23;
	s20 =	smov.u32 s21;
	s21 =	smov.u32 s23;
	v37 =	vmovc v0  }
0x836: {  	_ =	sdelay $0x1  }
0x837: {  	[tilespmem:s21+$0xD280] =	vst v18  }
0x838: {  	[tilespmem:s21+$0xD9A0] =	vst v7  }
0x839: {  	v47 =	vld.idx.msk [tilespmem:v20+s4+$0x0], $0xffff;
	v7 =	vadd.s32 v5, v11;
	[tilespmem:s21+$0xE9A0] =	vst v13  }
0x83a: {  	v23 =	vld [tilespmem:$0x1FC80];
	[tilespmem:s20+$0xE530] =	vst v15  }
0x83b: {  	[tilespmem:s21+$0xE1A0] =	vst v16;
	v14 =	vld.idx.msk [tilespmem:v14+s4+$0x0], $0xffff  }
0x83c: {  	v22 =	vld [tilespmem:$0x1FC60]  }
0x83d: {  	v12 =	vld.idx.msk [tilespmem:v1+s4+$0x0], $0xffff  }
0x83e: {  	v44 =	vadd.s32 v3, v61;
	v1 =	vimm.s32 $0x6;
	v7 =	vld.idx.msk [tilespmem:v7+s4+$0x0], $0xffff  }
0x83f: {  	v17 =	vld.idx.msk [tilespmem:v17+s4+$0x0], $0xffff;
	v16 =	vperm.xlane v38, v1;
	[tilespmem:s20+$0xD430] =	vst v47;
	v47 =	vadd.s32 v48, v8  }
0x840: {  	v24 =	vadd.s32 v48, v23  }
0x841: {  	[tilespmem:s20+$0xDE30] =	vst v10;
	v45 =	vadd.s32 v48, v16  }
0x842: {  	v55 =	vld.idx.msk [tilespmem:v19+s4+$0x0], $0xffff;
	[tilespmem:s20+$0xE580] =	vst v14;
	v26 =	vadd.s32 v48, v22  }
0x843: {  	v27 =	vadd.s32 v48, v9;
	v18 =	vld.idx.msk [tilespmem:v44+s4+$0x0], $0xffff;
	[tilespmem:s21+$0xD9B0] =	vst v7  }
0x844: {  	[tilespmem:s21+$0xE9B0] =	vst v17;
	v17 =	vld.idx.msk [tilespmem:v47+s4+$0x0], $0xffff  }
0x845: {  	v25 =	vadd.s32 v4, v43;
	[tilespmem:s21+$0xE1B0] =	vst v12;
	v13 =	vld.idx.msk [tilespmem:v24+s4+$0x0], $0xffff  }
0x846: {  	v24 =	vadd.s32 v5, v43;
	v21 =	vld.idx.msk [tilespmem:v45+s4+$0x0], $0xffff;
	v43 =	vadd.s32 v3, v8  }
0x847: {  	v44 =	vadd.s32 v3, v16;
	v15 =	vld.idx.msk [tilespmem:v26+s4+$0x0], $0xffff  }
0x848: {  	v10 =	vld.idx.msk [tilespmem:v27+s4+$0x0], $0xffff  }
0x849: {  	[tilespmem:s21+$0xD290] =	vst v55;
	v26 =	vadd.s32 v3, v9  }
0x84a: {  	v19 =	vld.idx.msk [tilespmem:v25+s4+$0x0], $0xffff;
	v55 =	vadd.s32 v3, v23;
	[tilespmem:s21+$0xDA00] =	vst v17  }
0x84b: {  	[tilespmem:s21+$0xE200] =	vst v21;
	v14 =	vld.idx.msk [tilespmem:v43+s4+$0x0], $0xffff  }
0x84c: {  	v45 =	vadd.s32 v4, v8;
	[tilespmem:s20+$0xD480] =	vst v15;
	v15 =	vld.idx.msk [tilespmem:v44+s4+$0x0], $0xffff  }
0x84d: {  	v47 =	vadd.s32 v4, v16;
	[tilespmem:s21+$0xEA00] =	vst v10  }
0x84e: {  	v25 =	vadd.s32 v3, v22;
	[tilespmem:s20+$0xDE80] =	vst v13;
	v13 =	vld.idx.msk [tilespmem:v26+s4+$0x0], $0xffff  }
0x84f: {  	[tilespmem:s21+$0xD2A0] =	vst v19;
	v7 =	vld.idx.msk [tilespmem:v55+s4+$0x0], $0xffff;
	v55 =	vadd.s32 v4, v9  }
0x850: {  	v12 =	vld.idx.msk [tilespmem:v24+s4+$0x0], $0xffff;
	[tilespmem:s21+$0xDA10] =	vst v14  }
0x851: {  	v14 =	vld.idx.msk [tilespmem:v45+s4+$0x0], $0xffff;
	[tilespmem:s21+$0xE210] =	vst v15  }
0x852: {  	v21 =	vadd.s32 v5, v8;
	v15 =	vld.idx.msk [tilespmem:v47+s4+$0x0], $0xffff  }
0x853: {  	v24 =	vadd.s32 v5, v16;
	v11 =	vld.idx.msk [tilespmem:v25+s4+$0x0], $0xffff;
	[tilespmem:s21+$0xEA10] =	vst v13  }
0x854: {  	v27 =	vadd.s32 v4, v61;
	v25 =	vld.idx.msk [tilespmem:v55+s4+$0x0], $0xffff  }
0x855: {  	v26 =	vadd.s32 v5, v9  }
0x856: {  	[tilespmem:s21+$0xDA20] =	vst v14  }
0x857: {  	v8 =	vld.idx.msk [tilespmem:v21+s4+$0x0], $0xffff;
	[tilespmem:s21+$0xE220] =	vst v15  }
0x858: {  	[tilespmem:s20+$0xE590] =	vst v18;
	v13 =	vld.idx.msk [tilespmem:v24+s4+$0x0], $0xffff  }
0x859: {  	v10 =	vld.idx.msk [tilespmem:v27+s4+$0x0], $0xffff;
	v27 =	vadd.s32 v48, v2;
	[tilespmem:s21+$0xEA20] =	vst v25  }
0x85a: {  	v43 =	vadd.s32 v48, v6;
	v9 =	vld.idx.msk [tilespmem:v26+s4+$0x0], $0xffff  }
0x85b: {  	v44 =	vadd.s32 v48, v56  }
0x85c: {  	[tilespmem:s21+$0xDA30] =	vst v8  }
0x85d: {  	[tilespmem:s21+$0xE230] =	vst v13  }
0x85e: {  	v45 =	vld.idx.msk [tilespmem:v27+s4+$0x0], $0xffff  }
0x85f: {  	v47 =	vadd.s32 v3, v2;
	[tilespmem:s21+$0xEA30] =	vst v9;
	v13 =	vld.idx.msk [tilespmem:v43+s4+$0x0], $0xffff  }
0x860: {  	v55 =	vadd.s32 v3, v6;
	v20 =	vld.idx.msk [tilespmem:v44+s4+$0x0], $0xffff  }
0x861: {  	v21 =	vadd.s32 v3, v56;
	_ =	sdelay $0x1  }
0x862: {  	[tilespmem:s21+$0xDA80] =	vst v45  }
0x863: {  	[tilespmem:s21+$0xE280] =	vst v13;
	v8 =	vld.idx.msk [tilespmem:v47+s4+$0x0], $0xffff  }
0x864: {  	v24 =	vadd.s32 v4, v2;
	[tilespmem:s21+$0xEA80] =	vst v20;
	v9 =	vld.idx.msk [tilespmem:v55+s4+$0x0], $0xffff  }
0x865: {  	v25 =	vadd.s32 v4, v6;
	v15 =	vld.idx.msk [tilespmem:v21+s4+$0x0], $0xffff  }
0x866: {  	v26 =	vadd.s32 v4, v56;
	_ =	sdelay $0x1  }
0x867: {  	[tilespmem:s21+$0xDA90] =	vst v8  }
0x868: {  	[tilespmem:s21+$0xE290] =	vst v9;
	v8 =	vld.idx.msk [tilespmem:v24+s4+$0x0], $0xffff  }
0x869: {  	[tilespmem:s21+$0xEA90] =	vst v15;
	v9 =	vld.idx.msk [tilespmem:v25+s4+$0x0], $0xffff  }
0x86a: {  	v27 =	vld.idx.msk [tilespmem:v26+s4+$0x0], $0xffff;
	_ =	sdelay $0x2  }
0x86b: {  	v6 =	vadd.s32 v5, v6;
	[tilespmem:s21+$0xDAA0] =	vst v8  }
0x86c: {  	v2 =	vadd.s32 v5, v2;
	[tilespmem:s21+$0xE2A0] =	vst v9  }
0x86d: {  	v0 =	vadd.s32 v5, v56;
	v43 =	vld [tilespmem:$0x1FD00];
	[tilespmem:s21+$0xEAA0] =	vst v27  }
0x86e: {  	v18 =	vimm.s32 $0x8;
	v55 =	vld [tilespmem:$0x1FCF0]  }
0x86f: {  	v8 =	vperm.xlane v38, v18  }
0x870: {  	v47 =	vadd.s32 v48, v36;
	v6 =	vld.idx.msk [tilespmem:v6+s4+$0x0], $0xffff  }
0x871: {  	v2 =	vld.idx.msk [tilespmem:v2+s4+$0x0], $0xffff;
	v45 =	vadd.s32 v48, v8  }
0x872: {  	v0 =	vld.idx.msk [tilespmem:v0+s4+$0x0], $0xffff;
	v44 =	vadd.s32 v48, v43  }
0x873: {  	v56 =	vadd.s32 v48, v55  }
0x874: {  	[tilespmem:s21+$0xD2B0] =	vst v12  }
0x875: {  	v12 =	vld.idx.msk [tilespmem:v47+s4+$0x0], $0xffff;
	[tilespmem:s21+$0xE2B0] =	vst v6  }
0x876: {  	v20 =	vadd.s32 v3, v36;
	[tilespmem:s21+$0xDAB0] =	vst v2;
	v6 =	vld.idx.msk [tilespmem:v45+s4+$0x0], $0xffff  }
0x877: {  	[tilespmem:s21+$0xEAB0] =	vst v0;
	v0 =	vadd.s32 v3, v8;
	v2 =	vld.idx.msk [tilespmem:v44+s4+$0x0], $0xffff  }
0x878: {  	v19 =	vadd.s32 v3, v43;
	v21 =	vld.idx.msk [tilespmem:v56+s4+$0x0], $0xffff  }
0x879: {  	v24 =	vadd.s32 v3, v55  }
0x87a: {  	[tilespmem:s21+$0xD300] =	vst v12  }
0x87b: {  	v25 =	vld.idx.msk [tilespmem:v20+s4+$0x0], $0xffff;
	[tilespmem:s21+$0xE300] =	vst v6  }
0x87c: {  	v27 =	vadd.s32 v4, v36;
	v0 =	vld.idx.msk [tilespmem:v0+s4+$0x0], $0xffff;
	[tilespmem:s21+$0xDB00] =	vst v2  }
0x87d: {  	v26 =	vadd.s32 v4, v8;
	v2 =	vld.idx.msk [tilespmem:v19+s4+$0x0], $0xffff;
	[tilespmem:s21+$0xEB00] =	vst v21  }
0x87e: {  	v6 =	vadd.s32 v4, v43;
	v14 =	vld.idx.msk [tilespmem:v24+s4+$0x0], $0xffff  }
0x87f: {  	v38 =	vadd.s32 v4, v55  }
0x880: {  	[tilespmem:s21+$0xD310] =	vst v25  }
0x881: {  	v9 =	vld.idx.msk [tilespmem:v27+s4+$0x0], $0xffff;
	[tilespmem:s21+$0xE310] =	vst v0  }
0x882: {  	[tilespmem:s21+$0xDB10] =	vst v2;
	v2 =	vld.idx.msk [tilespmem:v26+s4+$0x0], $0xffff  }
0x883: {  	v0 =	vld.idx.msk [tilespmem:v6+s4+$0x0], $0xffff;
	[tilespmem:s21+$0xEB10] =	vst v14  }
0x884: {  	v44 =	vld.idx.msk [tilespmem:v38+s4+$0x0], $0xffff;
	_ =	sdelay $0x1  }
0x885: {  	[tilespmem:s21+$0xD320] =	vst v9;
	v6 =	vadd.s32 v5, v43  }
0x886: {  	v8 =	vadd.s32 v5, v8;
	[tilespmem:s21+$0xE320] =	vst v2  }
0x887: {  	[tilespmem:s21+$0xDB20] =	vst v0  }
0x888: {  	v43 =	vadd.s32 v5, v36;
	v47 =	vld [tilespmem:$0x1FD10];
	[tilespmem:s21+$0xEB20] =	vst v44  }
0x889: {  	v19 =	vld [tilespmem:$0x1FCA0]  }
0x88a: {  	v45 =	vadd.s32 v5, v55;
	v0 =	vld.idx.msk [tilespmem:v6+s4+$0x0], $0xffff  }
0x88b: {  	v6 =	vld.idx.msk [tilespmem:v8+s4+$0x0], $0xffff  }
0x88c: {  	v56 =	vadd.s32 v48, v53  }
0x88d: {  	v55 =	vld.idx.msk [tilespmem:v43+s4+$0x0], $0xffff;
	v2 =	vadd.s32 v48, v47  }
0x88e: {  	v20 =	vadd.s32 v48, v19  }
0x88f: {  	v13 =	vld.idx.msk [tilespmem:v45+s4+$0x0], $0xffff  }
0x890: {  	v21 =	vadd.s32 v48, v49;
	[tilespmem:s21+$0xE330] =	vst v6  }
0x891: {  	[tilespmem:s21+$0xDB30] =	vst v0;
	v6 =	vld.idx.msk [tilespmem:v56+s4+$0x0], $0xffff  }
0x892: {  	v24 =	vadd.s32 v3, v53;
	[tilespmem:s21+$0xD330] =	vst v55;
	v0 =	vld.idx.msk [tilespmem:v2+s4+$0x0], $0xffff  }
0x893: {  	v2 =	vadd.s32 v3, v47;
	v8 =	vld.idx.msk [tilespmem:v20+s4+$0x0], $0xffff  }
0x894: {  	[tilespmem:s21+$0xEB30] =	vst v13;
	v25 =	vadd.s32 v3, v19  }
0x895: {  	v13 =	vld.idx.msk [tilespmem:v21+s4+$0x0], $0xffff  }
0x896: {  	v26 =	vadd.s32 v3, v49;
	[tilespmem:s21+$0xE380] =	vst v6  }
0x897: {  	v6 =	vld.idx.msk [tilespmem:v24+s4+$0x0], $0xffff;
	[tilespmem:s21+$0xDB80] =	vst v0  }
0x898: {  	v27 =	vadd.s32 v4, v53;
	v0 =	vld.idx.msk [tilespmem:v2+s4+$0x0], $0xffff;
	[tilespmem:s21+$0xD380] =	vst v8  }
0x899: {  	v2 =	vadd.s32 v4, v47;
	v8 =	vld.idx.msk [tilespmem:v25+s4+$0x0], $0xffff  }
0x89a: {  	v36 =	vadd.s32 v4, v19;
	[tilespmem:s21+$0xEB80] =	vst v13  }
0x89b: {  	v13 =	vld.idx.msk [tilespmem:v26+s4+$0x0], $0xffff  }
0x89c: {  	v38 =	vadd.s32 v4, v49;
	[tilespmem:s21+$0xE390] =	vst v6  }
0x89d: {  	v6 =	vld.idx.msk [tilespmem:v27+s4+$0x0], $0xffff;
	[tilespmem:s21+$0xDB90] =	vst v0  }
0x89e: {  	v0 =	vld.idx.msk [tilespmem:v2+s4+$0x0], $0xffff;
	[tilespmem:s21+$0xD390] =	vst v8  }
0x89f: {  	v8 =	vld.idx.msk [tilespmem:v36+s4+$0x0], $0xffff  }
0x8a0: {  	[tilespmem:s21+$0xEB90] =	vst v13  }
0x8a1: {  	v43 =	vadd.s32 v5, v53;
	v13 =	vld.idx.msk [tilespmem:v38+s4+$0x0], $0xffff  }
0x8a2: {  	[tilespmem:s21+$0xE3A0] =	vst v6  }
0x8a3: {  	v44 =	vadd.s32 v5, v19;
	[tilespmem:s21+$0xDBA0] =	vst v0  }
0x8a4: {  	v2 =	vadd.s32 v5, v47;
	[tilespmem:s21+$0xD3A0] =	vst v8  }
0x8a5: {  	v47 =	vld [tilespmem:$0x1FD30]  }
0x8a6: {  	v45 =	vadd.s32 v5, v49;
	v6 =	vld.idx.msk [tilespmem:v43+s4+$0x0], $0xffff;
	[tilespmem:s21+$0xEBA0] =	vst v13  }
0x8a7: {  	v55 =	vld [tilespmem:$0x1FD20]  }
0x8a8: {  	v49 =	vadd.s32 v48, v62;
	v8 =	vld.idx.msk [tilespmem:v44+s4+$0x0], $0xffff  }
0x8a9: {  	v53 =	vadd.s32 v48, v37;
	v0 =	vld.idx.msk [tilespmem:v2+s4+$0x0], $0xffff  }
0x8aa: {  	v2 =	vadd.s32 v48, v47  }
0x8ab: {  	v13 =	vld.idx.msk [tilespmem:v45+s4+$0x0], $0xffff  }
0x8ac: {  	[tilespmem:s21+$0xE3B0] =	vst v6;
	v56 =	vadd.s32 v48, v55  }
0x8ad: {  	v6 =	vld.idx.msk [tilespmem:v49+s4+$0x0], $0xffff;
	[tilespmem:s21+$0xD3B0] =	vst v8  }
0x8ae: {  	v17 =	vadd.s32 v3, v62;
	[tilespmem:s21+$0xDBB0] =	vst v0;
	v8 =	vld.idx.msk [tilespmem:v53+s4+$0x0], $0xffff  }
0x8af: {  	v19 =	vadd.s32 v3, v37;
	v0 =	vld.idx.msk [tilespmem:v2+s4+$0x0], $0xffff  }
0x8b0: {  	[tilespmem:s21+$0xEBB0] =	vst v13;
	v2 =	vadd.s32 v3, v47  }
0x8b1: {  	v13 =	vld.idx.msk [tilespmem:v56+s4+$0x0], $0xffff  }
0x8b2: {  	v20 =	vadd.s32 v3, v55;
	[tilespmem:s21+$0xE400] =	vst v6  }
0x8b3: {  	v6 =	vld.idx.msk [tilespmem:v17+s4+$0x0], $0xffff;
	[tilespmem:s21+$0xD400] =	vst v8  }
0x8b4: {  	v21 =	vadd.s32 v4, v62;
	v8 =	vld.idx.msk [tilespmem:v19+s4+$0x0], $0xffff;
	[tilespmem:s21+$0xDC00] =	vst v0  }
0x8b5: {  	v24 =	vadd.s32 v4, v37;
	v0 =	vld.idx.msk [tilespmem:v2+s4+$0x0], $0xffff  }
0x8b6: {  	v2 =	vadd.s32 v4, v47;
	[tilespmem:s21+$0xEC00] =	vst v13  }
0x8b7: {  	v13 =	vld.idx.msk [tilespmem:v20+s4+$0x0], $0xffff  }
0x8b8: {  	v25 =	vadd.s32 v4, v55;
	[tilespmem:s21+$0xE410] =	vst v6  }
0x8b9: {  	v6 =	vld.idx.msk [tilespmem:v21+s4+$0x0], $0xffff;
	[tilespmem:s21+$0xD410] =	vst v8  }
0x8ba: {  	v8 =	vld.idx.msk [tilespmem:v24+s4+$0x0], $0xffff;
	[tilespmem:s21+$0xDC10] =	vst v0  }
0x8bb: {  	v0 =	vld.idx.msk [tilespmem:v2+s4+$0x0], $0xffff  }
0x8bc: {  	[tilespmem:s21+$0xEC10] =	vst v13  }
0x8bd: {  	v27 =	vld.idx.msk [tilespmem:v25+s4+$0x0], $0xffff  }
0x8be: {  	[tilespmem:s21+$0xE420] =	vst v6  }
0x8bf: {  	[tilespmem:s21+$0xD420] =	vst v8  }
0x8c0: {  	v2 =	vadd.s32 v5, v47;
	[tilespmem:s21+$0xDC20] =	vst v0  }
0x8c1: {  	v26 =	vadd.s32 v5, v62;
	v38 =	vld [tilespmem:$0x1FD50]  }
0x8c2: {  	v36 =	vadd.s32 v5, v37;
	[tilespmem:s21+$0xEC20] =	vst v27  }
0x8c3: {  	v37 =	vadd.s32 v5, v55;
	v45 =	vld [tilespmem:$0x1FCB0]  }
0x8c4: {  	v49 =	vld [tilespmem:$0x1FD40]  }
0x8c5: {  	v0 =	vld.idx.msk [tilespmem:v2+s4+$0x0], $0xffff  }
0x8c6: {  	v6 =	vld.idx.msk [tilespmem:v26+s4+$0x0], $0xffff;
	v2 =	vadd.s32 v48, v38  }
0x8c7: {  	v43 =	vadd.s32 v48, v50;
	v44 =	vld.idx.msk [tilespmem:v36+s4+$0x0], $0xffff  }
0x8c8: {  	v12 =	vld.idx.msk [tilespmem:v37+s4+$0x0], $0xffff;
	v47 =	vadd.s32 v48, v45  }
0x8c9: {  	v53 =	vadd.s32 v48, v49  }
0x8ca: {  	[tilespmem:s21+$0xDC30] =	vst v0  }
0x8cb: {  	[tilespmem:s21+$0xE430] =	vst v6;
	v0 =	vld.idx.msk [tilespmem:v2+s4+$0x0], $0xffff  }
0x8cc: {  	[tilespmem:s21+$0xD430] =	vst v44;
	v6 =	vld.idx.msk [tilespmem:v43+s4+$0x0], $0xffff;
	v2 =	vadd.s32 v3, v38  }
0x8cd: {  	v55 =	vadd.s32 v3, v50;
	[tilespmem:s21+$0xEC30] =	vst v12;
	v9 =	vld.idx.msk [tilespmem:v47+s4+$0x0], $0xffff  }
0x8ce: {  	v56 =	vadd.s32 v3, v45;
	v12 =	vld.idx.msk [tilespmem:v53+s4+$0x0], $0xffff  }
0x8cf: {  	v62 =	vadd.s32 v3, v49  }
0x8d0: {  	[tilespmem:s21+$0xDC80] =	vst v0;
	v0 =	vadd.s32 v4, v22  }
0x8d1: {  	[tilespmem:s21+$0xE480] =	vst v6;
	v2 =	vld.idx.msk [tilespmem:v2+s4+$0x0], $0xffff  }
0x8d2: {  	v6 =	vadd.s32 v4, v38;
	v8 =	vld.idx.msk [tilespmem:v55+s4+$0x0], $0xffff;
	[tilespmem:s21+$0xD480] =	vst v9  }
0x8d3: {  	v19 =	vadd.s32 v4, v50;
	[tilespmem:s21+$0xEC80] =	vst v12;
	v20 =	vld.idx.msk [tilespmem:v56+s4+$0x0], $0xffff  }
0x8d4: {  	[tilespmem:s20+$0xD490] =	vst v11;
	v24 =	vadd.s32 v4, v45;
	v21 =	vld.idx.msk [tilespmem:v62+s4+$0x0], $0xffff  }
0x8d5: {  	v25 =	vadd.s32 v4, v49;
	v0 =	vld.idx.msk [tilespmem:v0+s4+$0x0], $0xffff  }
0x8d6: {  	[tilespmem:s21+$0xDC90] =	vst v2;
	v2 =	vadd.s32 v5, v22  }
0x8d7: {  	[tilespmem:s21+$0xE490] =	vst v8;
	v6 =	vld.idx.msk [tilespmem:v6+s4+$0x0], $0xffff  }
0x8d8: {  	v9 =	vld.idx.msk [tilespmem:v19+s4+$0x0], $0xffff;
	[tilespmem:s21+$0xD490] =	vst v20  }
0x8d9: {  	v26 =	vadd.s32 v5, v38;
	[tilespmem:s21+$0xEC90] =	vst v21;
	v12 =	vld.idx.msk [tilespmem:v24+s4+$0x0], $0xffff  }
0x8da: {  	[tilespmem:s20+$0xD4A0] =	vst v0;
	v0 =	vld.idx.msk [tilespmem:v25+s4+$0x0], $0xffff  }
0x8db: {  	v27 =	vadd.s32 v5, v50;
	[tilespmem:s20+$0xDE90] =	vst v7;
	v2 =	vld.idx.msk [tilespmem:v2+s4+$0x0], $0xffff  }
0x8dc: {  	[tilespmem:s21+$0xDCA0] =	vst v6  }
0x8dd: {  	v37 =	vld [tilespmem:$0x1FC70];
	[tilespmem:s21+$0xE4A0] =	vst v9  }
0x8de: {  	v7 =	vadd.s32 v5, v49;
	v8 =	vld.idx.msk [tilespmem:v26+s4+$0x0], $0xffff;
	[tilespmem:s21+$0xD4A0] =	vst v12  }
0x8df: {  	v43 =	vadd.s32 v48, v52;
	[tilespmem:s21+$0xECA0] =	vst v0  }
0x8e0: {  	v36 =	vadd.s32 v5, v45;
	v11 =	vld.idx.msk [tilespmem:v27+s4+$0x0], $0xffff;
	[tilespmem:s20+$0xD4B0] =	vst v2  }
0x8e1: {  	v0 =	vadd.s32 v48, v40;
	v44 =	vld [tilespmem:$0x1FCC0]  }
0x8e2: {  	v6 =	vadd.s32 v48, v37  }
0x8e3: {  	v38 =	vadd.s32 v4, v23;
	v2 =	vld.idx.msk [tilespmem:v7+s4+$0x0], $0xffff;
	[tilespmem:s21+$0xDCB0] =	vst v8  }
0x8e4: {  	v49 =	vadd.s32 v5, v61;
	v12 =	vld.idx.msk [tilespmem:v43+s4+$0x0], $0xffff  }
0x8e5: {  	v50 =	vadd.s32 v3, v52;
	v13 =	vld.idx.msk [tilespmem:v36+s4+$0x0], $0xffff;
	[tilespmem:s21+$0xE4B0] =	vst v11  }
0x8e6: {  	v0 =	vld.idx.msk [tilespmem:v0+s4+$0x0], $0xffff;
	v7 =	vadd.s32 v48, v44  }
0x8e7: {  	v45 =	vadd.s32 v48, v59;
	[tilespmem:s20+$0xE5A0] =	vst v10;
	v6 =	vld.idx.msk [tilespmem:v6+s4+$0x0], $0xffff  }
0x8e8: {  	v9 =	vld.idx.msk [tilespmem:v38+s4+$0x0], $0xffff;
	v47 =	vadd.s32 v3, v37;
	[tilespmem:s21+$0xECB0] =	vst v2  }
0x8e9: {  	v11 =	vld.idx.msk [tilespmem:v49+s4+$0x0], $0xffff;
	v2 =	vadd.s32 v3, v40;
	[tilespmem:s21+$0xDD00] =	vst v12  }
0x8ea: {  	[tilespmem:s21+$0xD4B0] =	vst v13;
	v13 =	vld.idx.msk [tilespmem:v50+s4+$0x0], $0xffff  }
0x8eb: {  	[tilespmem:s21+$0xE500] =	vst v0;
	v0 =	vadd.s32 v5, v23;
	v7 =	vld.idx.msk [tilespmem:v7+s4+$0x0], $0xffff  }
0x8ec: {  	v53 =	vadd.s32 v3, v44;
	[tilespmem:s20+$0xD500] =	vst v6;
	v6 =	vld.idx.msk [tilespmem:v45+s4+$0x0], $0xffff  }
0x8ed: {  	v55 =	vadd.s32 v3, v59;
	[tilespmem:s20+$0xDEA0] =	vst v9;
	v8 =	vld.idx.msk [tilespmem:v47+s4+$0x0], $0xffff  }
0x8ee: {  	v56 =	vadd.s32 v4, v37;
	[tilespmem:s20+$0xE5B0] =	vst v11;
	v2 =	vld.idx.msk [tilespmem:v2+s4+$0x0], $0xffff  }
0x8ef: {  	[tilespmem:s21+$0xDD10] =	vst v13  }
0x8f0: {  	v0 =	vld.idx.msk [tilespmem:v0+s4+$0x0], $0xffff;
	[tilespmem:s21+$0xD500] =	vst v7;
	v7 =	vadd.s32 v4, v52  }
0x8f1: {  	[tilespmem:s21+$0xED00] =	vst v6;
	v6 =	vadd.s32 v4, v40;
	v10 =	vld.idx.msk [tilespmem:v53+s4+$0x0], $0xffff  }
0x8f2: {  	v62 =	vadd.s32 v4, v44;
	[tilespmem:s20+$0xD510] =	vst v8;
	v61 =	vld.idx.msk [tilespmem:v55+s4+$0x0], $0xffff  }
0x8f3: {  	v17 =	vadd.s32 v4, v59;
	[tilespmem:s21+$0xE510] =	vst v2;
	v16 =	vld.idx.msk [tilespmem:v56+s4+$0x0], $0xffff  }
0x8f4: {  	v19 =	vadd.s32 v5, v37;
	v20 =	vld [tilespmem:$0x1FC90]  }
0x8f5: {  	v7 =	vld.idx.msk [tilespmem:v7+s4+$0x0], $0xffff  }
0x8f6: {  	[tilespmem:s21+$0xD510] =	vst v10;
	v6 =	vld.idx.msk [tilespmem:v6+s4+$0x0], $0xffff  }
0x8f7: {  	[tilespmem:s21+$0xED10] =	vst v61;
	v9 =	vld.idx.msk [tilespmem:v62+s4+$0x0], $0xffff  }
0x8f8: {  	[tilespmem:s20+$0xD520] =	vst v16;
	v23 =	vld.idx.msk [tilespmem:v17+s4+$0x0], $0xffff  }
0x8f9: {  	[tilespmem:s20+$0xDEB0] =	vst v0;
	v0 =	vld.idx.msk [tilespmem:v19+s4+$0x0], $0xffff  }
0x8fa: {  	[tilespmem:s21+$0xDD20] =	vst v7  }
0x8fb: {  	v2 =	vadd.s32 v48, v20;
	[tilespmem:s21+$0xE520] =	vst v6  }
0x8fc: {  	v21 =	vadd.s32 v5, v52;
	[tilespmem:s21+$0xD520] =	vst v9  }
0x8fd: {  	v22 =	vadd.s32 v5, v40;
	[tilespmem:s21+$0xED20] =	vst v23  }
0x8fe: {  	v24 =	vadd.s32 v5, v44;
	v27 =	vld [tilespmem:$0x1FD60];
	[tilespmem:s20+$0xD530] =	vst v0  }
0x8ff: {  	v25 =	vadd.s32 v5, v59;
	v37 =	vld [tilespmem:$0x1FCD0]  }
0x900: {  	v7 =	vadd.s32 v48, v58;
	v2 =	vld.idx.msk [tilespmem:v2+s4+$0x0], $0xffff  }
0x901: {  	v6 =	vadd.s32 v3, v20;
	v10 =	vld.idx.msk [tilespmem:v21+s4+$0x0], $0xffff  }
0x902: {  	v26 =	vadd.s32 v48, v57;
	v8 =	vld.idx.msk [tilespmem:v22+s4+$0x0], $0xffff  }
0x903: {  	v12 =	vld.idx.msk [tilespmem:v24+s4+$0x0], $0xffff;
	v36 =	vadd.s32 v48, v27  }
0x904: {  	v0 =	vld.idx.msk [tilespmem:v25+s4+$0x0], $0xffff;
	v38 =	vadd.s32 v48, v37  }
0x905: {  	[tilespmem:s20+$0xE600] =	vst v2;
	v2 =	vld.idx.msk [tilespmem:v7+s4+$0x0], $0xffff;
	v7 =	vadd.s32 v48, v41  }
0x906: {  	v40 =	vadd.s32 v3, v58;
	[tilespmem:s21+$0xDD30] =	vst v10;
	v6 =	vld.idx.msk [tilespmem:v6+s4+$0x0], $0xffff  }
0x907: {  	v43 =	vadd.s32 v4, v20;
	[tilespmem:s21+$0xE530] =	vst v8;
	v9 =	vld.idx.msk [tilespmem:v26+s4+$0x0], $0xffff  }
0x908: {  	v44 =	vadd.s32 v3, v57;
	[tilespmem:s21+$0xD530] =	vst v12;
	v11 =	vld.idx.msk [tilespmem:v36+s4+$0x0], $0xffff  }
0x909: {  	[tilespmem:s21+$0xED30] =	vst v0;
	v0 =	vadd.s32 v3, v27;
	v13 =	vld.idx.msk [tilespmem:v38+s4+$0x0], $0xffff  }
0x90a: {  	[tilespmem:s20+$0xD580] =	vst v2;
	v2 =	vld.idx.msk [tilespmem:v7+s4+$0x0], $0xffff;
	v7 =	vadd.s32 v3, v37  }
0x90b: {  	v45 =	vadd.s32 v3, v41;
	[tilespmem:s20+$0xE610] =	vst v6;
	v6 =	vld.idx.msk [tilespmem:v40+s4+$0x0], $0xffff  }
0x90c: {  	v47 =	vadd.s32 v4, v58;
	[tilespmem:s21+$0xDD80] =	vst v9;
	v8 =	vld.idx.msk [tilespmem:v43+s4+$0x0], $0xffff  }
0x90d: {  	v49 =	vadd.s32 v5, v20;
	v12 =	vld.idx.msk [tilespmem:v44+s4+$0x0], $0xffff;
	[tilespmem:s21+$0xE580] =	vst v11  }
0x90e: {  	v50 =	vadd.s32 v4, v57;
	[tilespmem:s21+$0xD580] =	vst v13;
	v0 =	vld.idx.msk [tilespmem:v0+s4+$0x0], $0xffff  }
0x90f: {  	[tilespmem:s21+$0xED80] =	vst v2;
	v2 =	vadd.s32 v4, v27;
	v7 =	vld.idx.msk [tilespmem:v7+s4+$0x0], $0xffff  }
0x910: {  	v52 =	vadd.s32 v4, v37;
	[tilespmem:s20+$0xD590] =	vst v6;
	v6 =	vld.idx.msk [tilespmem:v45+s4+$0x0], $0xffff  }
0x911: {  	v55 =	vadd.s32 v4, v41;
	[tilespmem:s20+$0xE620] =	vst v8;
	v53 =	vld.idx.msk [tilespmem:v47+s4+$0x0], $0xffff  }
0x912: {  	v56 =	vadd.s32 v5, v58;
	[tilespmem:s21+$0xDD90] =	vst v12;
	v11 =	vld.idx.msk [tilespmem:v49+s4+$0x0], $0xffff  }
0x913: {  	v13 =	vld.idx.msk [tilespmem:v50+s4+$0x0], $0xffff;
	[tilespmem:s21+$0xE590] =	vst v0;
	v0 =	vadd.s32 v48, v39  }
0x914: {  	[tilespmem:s21+$0xD590] =	vst v7;
	v7 =	vadd.s32 v5, v57;
	v2 =	vld.idx.msk [tilespmem:v2+s4+$0x0], $0xffff  }
0x915: {  	[tilespmem:s21+$0xED90] =	vst v6;
	v6 =	vadd.s32 v5, v27;
	v10 =	vld.idx.msk [tilespmem:v52+s4+$0x0], $0xffff  }
0x916: {  	v58 =	vadd.s32 v5, v37;
	[tilespmem:s20+$0xD5A0] =	vst v53;
	v57 =	vld.idx.msk [tilespmem:v55+s4+$0x0], $0xffff  }
0x917: {  	v61 =	vadd.s32 v5, v41;
	[tilespmem:s20+$0xE630] =	vst v11;
	v59 =	vld.idx.msk [tilespmem:v56+s4+$0x0], $0xffff  }
0x918: {  	v62 =	vadd.s32 v48, v54;
	[tilespmem:s21+$0xDDA0] =	vst v13;
	v0 =	vld.idx.msk [tilespmem:v0+s4+$0x0], $0xffff  }
0x919: {  	[tilespmem:s21+$0xE5A0] =	vst v2;
	v2 =	vadd.s32 v3, v39;
	v7 =	vld.idx.msk [tilespmem:v7+s4+$0x0], $0xffff  }
0x91a: {  	v16 =	vadd.s32 v48, v42;
	[tilespmem:s21+$0xD5A0] =	vst v10;
	v6 =	vld.idx.msk [tilespmem:v6+s4+$0x0], $0xffff  }
0x91b: {  	v17 =	vadd.s32 v48, v46;
	[tilespmem:s21+$0xEDA0] =	vst v57;
	v9 =	vld.idx.msk [tilespmem:v58+s4+$0x0], $0xffff  }
0x91c: {  	v20 =	vadd.s32 v48, v63;
	[tilespmem:s20+$0xD5B0] =	vst v59;
	v19 =	vld.idx.msk [tilespmem:v61+s4+$0x0], $0xffff  }
0x91d: {  	v21 =	vadd.s32 v48, v31;
	[tilespmem:s20+$0xE680] =	vst v0;
	v0 =	vld.idx.msk [tilespmem:v62+s4+$0x0], $0xffff  }
0x91e: {  	v2 =	vld.idx.msk [tilespmem:v2+s4+$0x0], $0xffff;
	[tilespmem:s21+$0xDDB0] =	vst v7;
	v7 =	vadd.s32 v3, v54  }
0x91f: {  	[tilespmem:s21+$0xE5B0] =	vst v6;
	v6 =	vadd.s32 v4, v39;
	v10 =	vld.idx.msk [tilespmem:v16+s4+$0x0], $0xffff  }
0x920: {  	v22 =	vadd.s32 v3, v42;
	[tilespmem:s21+$0xD5B0] =	vst v9;
	v8 =	vld.idx.msk [tilespmem:v17+s4+$0x0], $0xffff  }
0x921: {  	v23 =	vadd.s32 v3, v46;
	[tilespmem:s21+$0xEDB0] =	vst v19;
	v12 =	vld.idx.msk [tilespmem:v20+s4+$0x0], $0xffff  }
0x922: {  	v24 =	vadd.s32 v3, v63;
	[tilespmem:s20+$0xD600] =	vst v0;
	v0 =	vld.idx.msk [tilespmem:v21+s4+$0x0], $0xffff  }
0x923: {  	[tilespmem:s20+$0xE690] =	vst v2;
	v2 =	vld.idx.msk [tilespmem:v7+s4+$0x0], $0xffff;
	v7 =	vadd.s32 v3, v31  }
0x924: {  	v25 =	vadd.s32 v4, v54;
	v6 =	vld.idx.msk [tilespmem:v6+s4+$0x0], $0xffff;
	[tilespmem:s21+$0xDE00] =	vst v10  }
0x925: {  	v26 =	vadd.s32 v5, v39;
	[tilespmem:s21+$0xE600] =	vst v8;
	v9 =	vld.idx.msk [tilespmem:v22+s4+$0x0], $0xffff  }
0x926: {  	v27 =	vadd.s32 v4, v42;
	[tilespmem:s21+$0xD600] =	vst v12;
	v11 =	vld.idx.msk [tilespmem:v23+s4+$0x0], $0xffff  }
0x927: {  	[tilespmem:s21+$0xEE00] =	vst v0;
	v0 =	vadd.s32 v4, v46;
	v13 =	vld.idx.msk [tilespmem:v24+s4+$0x0], $0xffff  }
0x928: {  	[tilespmem:s20+$0xD610] =	vst v2;
	v2 =	vld.idx.msk [tilespmem:v7+s4+$0x0], $0xffff;
	v7 =	vadd.s32 v4, v63  }
0x929: {  	v36 =	vadd.s32 v4, v31;
	[tilespmem:s20+$0xE6A0] =	vst v6;
	v6 =	vld.idx.msk [tilespmem:v25+s4+$0x0], $0xffff  }
0x92a: {  	v37 =	vadd.s32 v5, v54;
	[tilespmem:s21+$0xDE10] =	vst v9;
	v8 =	vld.idx.msk [tilespmem:v26+s4+$0x0], $0xffff  }
0x92b: {  	[tilespmem:s21+$0xE610] =	vst v11;
	v38 =	vld.idx.msk [tilespmem:v27+s4+$0x0], $0xffff  }
0x92c: {  	[tilespmem:s21+$0xD610] =	vst v13;
	v0 =	vld.idx.msk [tilespmem:v0+s4+$0x0], $0xffff  }
0x92d: {  	[tilespmem:s21+$0xEE10] =	vst v2;
	v7 =	vld.idx.msk [tilespmem:v7+s4+$0x0], $0xffff  }
0x92e: {  	[tilespmem:s20+$0xD620] =	vst v6;
	v6 =	vld.idx.msk [tilespmem:v36+s4+$0x0], $0xffff  }
0x92f: {  	[tilespmem:s20+$0xE6B0] =	vst v8;
	v41 =	vld.idx.msk [tilespmem:v37+s4+$0x0], $0xffff  }
0x930: {  	[tilespmem:s21+$0xDE20] =	vst v38  }
0x931: {  	[tilespmem:s21+$0xE620] =	vst v0  }
0x932: {  	v39 =	vadd.s32 v5, v42;
	[tilespmem:s21+$0xD620] =	vst v7  }
0x933: {  	v2 =	vadd.s32 v5, v46;
	v44 =	vld [tilespmem:$0x1FD70];
	[tilespmem:s21+$0xEE20] =	vst v6  }
0x934: {  	v40 =	vadd.s32 v5, v63;
	v45 =	vld [tilespmem:$0x1FD80];
	[tilespmem:s20+$0xD630] =	vst v41  }
0x935: {  	v42 =	vadd.s32 v5, v31;
	v47 =	vld [tilespmem:$0x1FCE0]  }
0x936: {  	v43 =	vadd.s32 v48, v51  }
0x937: {  	v0 =	vadd.s32 v48, v28;
	v12 =	vld.idx.msk [tilespmem:v39+s4+$0x0], $0xffff  }
0x938: {  	v2 =	vld.idx.msk [tilespmem:v2+s4+$0x0], $0xffff;
	v7 =	vadd.s32 v48, v44  }
0x939: {  	v10 =	vld.idx.msk [tilespmem:v40+s4+$0x0], $0xffff;
	v6 =	vadd.s32 v48, v45  }
0x93a: {  	v46 =	vld.idx.msk [tilespmem:v42+s4+$0x0], $0xffff;
	v49 =	vadd.s32 v48, v47  }
0x93b: {  	v50 =	vadd.s32 v48, v29;
	v11 =	vld.idx.msk [tilespmem:v43+s4+$0x0], $0xffff;
	[tilespmem:s20+$0xEE30] =	vst v32  }
0x93c: {  	v52 =	vadd.s32 v3, v51;
	[tilespmem:s21+$0xDE30] =	vst v12;
	v0 =	vld.idx.msk [tilespmem:v0+s4+$0x0], $0xffff  }
0x93d: {  	[tilespmem:s21+$0xE630] =	vst v2;
	v2 =	vadd.s32 v3, v28;
	v7 =	vld.idx.msk [tilespmem:v7+s4+$0x0], $0xffff  }
0x93e: {  	[tilespmem:s21+$0xD630] =	vst v10;
	v53 =	vadd.s32 v3, v44;
	v6 =	vld.idx.msk [tilespmem:v6+s4+$0x0], $0xffff  }
0x93f: {  	[tilespmem:s21+$0xEE30] =	vst v46;
	v54 =	vadd.s32 v3, v45;
	v9 =	vld.idx.msk [tilespmem:v49+s4+$0x0], $0xffff  }
0x940: {  	[tilespmem:s20+$0xD680] =	vst v11;
	v55 =	vadd.s32 v3, v47;
	v13 =	vld.idx.msk [tilespmem:v50+s4+$0x0], $0xffff  }
0x941: {  	v12 =	vld.idx.msk [tilespmem:v52+s4+$0x0], $0xffff;
	[tilespmem:s20+$0xEE80] =	vst v0;
	v0 =	vadd.s32 v3, v29  }
0x942: {  	v2 =	vld.idx.msk [tilespmem:v2+s4+$0x0], $0xffff;
	[tilespmem:s21+$0xDE80] =	vst v7;
	v7 =	vadd.s32 v4, v51  }
0x943: {  	[tilespmem:s21+$0xE680] =	vst v6;
	v6 =	vadd.s32 v4, v28;
	v10 =	vld.idx.msk [tilespmem:v53+s4+$0x0], $0xffff  }
0x944: {  	v56 =	vadd.s32 v4, v44;
	[tilespmem:s21+$0xD680] =	vst v9;
	v8 =	vld.idx.msk [tilespmem:v54+s4+$0x0], $0xffff  }
0x945: {  	v57 =	vadd.s32 v4, v45;
	[tilespmem:s21+$0xEE80] =	vst v13;
	v11 =	vld.idx.msk [tilespmem:v55+s4+$0x0], $0xffff  }
0x946: {  	v58 =	vadd.s32 v4, v47;
	[tilespmem:s20+$0xD690] =	vst v12;
	v0 =	vld.idx.msk [tilespmem:v0+s4+$0x0], $0xffff  }
0x947: {  	[tilespmem:s20+$0xEE90] =	vst v2;
	v2 =	vadd.s32 v4, v29;
	v7 =	vld.idx.msk [tilespmem:v7+s4+$0x0], $0xffff  }
0x948: {  	v59 =	vadd.s32 v5, v51;
	[tilespmem:s21+$0xDE90] =	vst v10;
	v6 =	vld.idx.msk [tilespmem:v6+s4+$0x0], $0xffff  }
0x949: {  	v61 =	vadd.s32 v5, v28;
	[tilespmem:s21+$0xE690] =	vst v8;
	v9 =	vld.idx.msk [tilespmem:v56+s4+$0x0], $0xffff  }
0x94a: {  	v62 =	vadd.s32 v5, v44;
	[tilespmem:s21+$0xD690] =	vst v11;
	v13 =	vld.idx.msk [tilespmem:v57+s4+$0x0], $0xffff  }
0x94b: {  	[tilespmem:s21+$0xEE90] =	vst v0;
	v0 =	vadd.s32 v5, v45;
	v12 =	vld.idx.msk [tilespmem:v58+s4+$0x0], $0xffff  }
0x94c: {  	v2 =	vld.idx.msk [tilespmem:v2+s4+$0x0], $0xffff;
	[tilespmem:s20+$0xD6A0] =	vst v7;
	v7 =	vadd.s32 v5, v47  }
0x94d: {  	v63 =	vadd.s32 v5, v29;
	[tilespmem:s20+$0xEEA0] =	vst v6;
	v6 =	vld.idx.msk [tilespmem:v59+s4+$0x0], $0xffff  }
0x94e: {  	[tilespmem:s21+$0xDEA0] =	vst v9;
	v8 =	vld.idx.msk [tilespmem:v61+s4+$0x0], $0xffff  }
0x94f: {  	[tilespmem:s21+$0xE6A0] =	vst v13;
	v9 =	vld.idx.msk [tilespmem:v62+s4+$0x0], $0xffff  }
0x950: {  	[tilespmem:s21+$0xD6A0] =	vst v12;
	v0 =	vld.idx.msk [tilespmem:v0+s4+$0x0], $0xffff  }
0x951: {  	[tilespmem:s21+$0xEEA0] =	vst v2;
	v2 =	vld.idx.msk [tilespmem:v7+s4+$0x0], $0xffff  }
0x952: {  	[tilespmem:s20+$0xD6B0] =	vst v6;
	v6 =	vld.idx.msk [tilespmem:v63+s4+$0x0], $0xffff  }
0x953: {  	[tilespmem:s20+$0xEEB0] =	vst v8  }
0x954: {  	[tilespmem:s21+$0xDEB0] =	vst v9  }
0x955: {  	[tilespmem:s21+$0xE6B0] =	vst v0  }
0x956: {  	[tilespmem:s21+$0xD6B0] =	vst v2  }
0x957: {  	[tilespmem:s21+$0xEEB0] =	vst v6  }
0x958: {  	v0 =	vld [tilespmem:$0x680];
	_ =	sdelay $0x4  }
0x959: {  	v0 =	vadd.s32 $0xFFFFFFFF, v0  }
0x95a: {  	vm0 =	vgt.s32 v0, $0x0  }
0x95b: {  	v0 =	vnsel vm0, $0x0, v0  }
0x95c: {  	v0 =	vcvt.s32.f32 v0;
	_ =	sdelay $0x1  }
0x95d: {  	v0 =	vshrl.u32 v0, $0x17  }
0x95e: {  	v0 =	vmax.u32 v0, $0x7E  }
0x95f: {  	v0 =	vmin.u32 v0, $0x88  }
0x960: {  	v0 =	vshll.u32 v0, $0x6  }
0x961: {  	v0 =	vadd.s32 $0xFFFFE080, v0  }
0x962: {  	v2 =	vperm.xlane v0, v33;
	_ =	sdelay $0x1  }
0x963: {  	v6 =	vadd.s32 v48, v2;
	_ =	sdelay $0x4  }
0x964: {  	v6 =	vld.idx.msk [tilespmem:v6+s4+$0x0], $0xffff  }
0x965: {  	v7 =	vadd.s32 v3, v2;
	_ =	sdelay $0x3  }
0x966: {  	[tilespmem:$0x18F00] =	vst v6  }
0x967: {  	v6 =	vld.idx.msk [tilespmem:v7+s4+$0x0], $0xffff  }
0x968: {  	v7 =	vadd.s32 v4, v2;
	_ =	sdelay $0x3  }
0x969: {  	[tilespmem:$0x18F10] =	vst v6  }
0x96a: {  	v6 =	vld.idx.msk [tilespmem:v7+s4+$0x0], $0xffff;
	_ =	sdelay $0x1  }
0x96b: {  	v2 =	vadd.s32 v5, v2;
	_ =	sdelay $0x2  }
0x96c: {  	[tilespmem:$0x18F20] =	vst v6;
	v6 =	vimm.s32 $0x1  }
0x96d: {  	v6 =	vperm.xlane v0, v6  }
0x96e: {  	v2 =	vld.idx.msk [tilespmem:v2+s4+$0x0], $0xffff  }
0x96f: {  	v7 =	vadd.s32 v48, v6;
	_ =	sdelay $0x3  }
0x970: {  	[tilespmem:$0x18F30] =	vst v2  }
0x971: {  	v2 =	vld.idx.msk [tilespmem:v7+s4+$0x0], $0xffff  }
0x972: {  	v7 =	vadd.s32 v3, v6;
	_ =	sdelay $0x3  }
0x973: {  	[tilespmem:$0x18F80] =	vst v2  }
0x974: {  	v2 =	vld.idx.msk [tilespmem:v7+s4+$0x0], $0xffff  }
0x975: {  	v7 =	vadd.s32 v4, v6;
	_ =	sdelay $0x3  }
0x976: {  	[tilespmem:$0x18F90] =	vst v2  }
0x977: {  	v2 =	vld.idx.msk [tilespmem:v7+s4+$0x0], $0xffff  }
0x978: {  	v6 =	vadd.s32 v5, v6;
	_ =	sdelay $0x3  }
0x979: {  	[tilespmem:$0x18FA0] =	vst v2;
	v2 =	vperm.xlane v0, v60  }
0x97a: {  	v6 =	vld.idx.msk [tilespmem:v6+s4+$0x0], $0xffff  }
0x97b: {  	v7 =	vadd.s32 v48, v2;
	_ =	sdelay $0x3  }
0x97c: {  	[tilespmem:$0x18FB0] =	vst v6  }
0x97d: {  	v6 =	vld.idx.msk [tilespmem:v7+s4+$0x0], $0xffff  }
0x97e: {  	v7 =	vadd.s32 v3, v2;
	_ =	sdelay $0x3  }
0x97f: {  	[tilespmem:$0x19000] =	vst v6  }
0x980: {  	v6 =	vld.idx.msk [tilespmem:v7+s4+$0x0], $0xffff  }
0x981: {  	v7 =	vadd.s32 v4, v2;
	_ =	sdelay $0x3  }
0x982: {  	[tilespmem:$0x19010] =	vst v6  }
0x983: {  	v6 =	vld.idx.msk [tilespmem:v7+s4+$0x0], $0xffff;
	_ =	sdelay $0x1  }
0x984: {  	v2 =	vadd.s32 v5, v2;
	_ =	sdelay $0x2  }
0x985: {  	[tilespmem:$0x19020] =	vst v6;
	v6 =	vimm.s32 $0x3  }
0x986: {  	v6 =	vperm.xlane v0, v6  }
0x987: {  	v2 =	vld.idx.msk [tilespmem:v2+s4+$0x0], $0xffff  }
0x988: {  	v7 =	vadd.s32 v48, v6;
	_ =	sdelay $0x3  }
0x989: {  	[tilespmem:$0x19030] =	vst v2  }
0x98a: {  	v2 =	vld.idx.msk [tilespmem:v7+s4+$0x0], $0xffff  }
0x98b: {  	v7 =	vadd.s32 v3, v6;
	_ =	sdelay $0x3  }
0x98c: {  	[tilespmem:$0x19080] =	vst v2  }
0x98d: {  	v2 =	vld.idx.msk [tilespmem:v7+s4+$0x0], $0xffff  }
0x98e: {  	v7 =	vadd.s32 v4, v6;
	_ =	sdelay $0x3  }
0x98f: {  	[tilespmem:$0x19090] =	vst v2  }
0x990: {  	v2 =	vld.idx.msk [tilespmem:v7+s4+$0x0], $0xffff  }
0x991: {  	v6 =	vadd.s32 v5, v6;
	_ =	sdelay $0x3  }
0x992: {  	[tilespmem:$0x190A0] =	vst v2;
	v2 =	vperm.xlane v0, v35  }
0x993: {  	v6 =	vld.idx.msk [tilespmem:v6+s4+$0x0], $0xffff  }
0x994: {  	v7 =	vadd.s32 v48, v2;
	_ =	sdelay $0x3  }
0x995: {  	[tilespmem:$0x190B0] =	vst v6  }
0x996: {  	v6 =	vld.idx.msk [tilespmem:v7+s4+$0x0], $0xffff  }
0x997: {  	v7 =	vadd.s32 v3, v2;
	_ =	sdelay $0x3  }
0x998: {  	[tilespmem:$0x19100] =	vst v6  }
0x999: {  	v6 =	vld.idx.msk [tilespmem:v7+s4+$0x0], $0xffff  }
0x99a: {  	v7 =	vadd.s32 v4, v2;
	_ =	sdelay $0x3  }
0x99b: {  	[tilespmem:$0x19110] =	vst v6  }
0x99c: {  	v6 =	vld.idx.msk [tilespmem:v7+s4+$0x0], $0xffff;
	_ =	sdelay $0x1  }
0x99d: {  	v2 =	vadd.s32 v5, v2;
	_ =	sdelay $0x2  }
0x99e: {  	[tilespmem:$0x19120] =	vst v6;
	v6 =	vimm.s32 $0x5  }
0x99f: {  	v6 =	vperm.xlane v0, v6  }
0x9a0: {  	v2 =	vld.idx.msk [tilespmem:v2+s4+$0x0], $0xffff  }
0x9a1: {  	v7 =	vadd.s32 v48, v6;
	_ =	sdelay $0x3  }
0x9a2: {  	[tilespmem:$0x19130] =	vst v2  }
0x9a3: {  	v2 =	vld.idx.msk [tilespmem:v7+s4+$0x0], $0xffff  }
0x9a4: {  	v7 =	vadd.s32 v3, v6;
	_ =	sdelay $0x3  }
0x9a5: {  	[tilespmem:$0x19180] =	vst v2  }
0x9a6: {  	v2 =	vld.idx.msk [tilespmem:v7+s4+$0x0], $0xffff  }
0x9a7: {  	v7 =	vadd.s32 v4, v6;
	_ =	sdelay $0x3  }
0x9a8: {  	[tilespmem:$0x19190] =	vst v2  }
0x9a9: {  	v2 =	vld.idx.msk [tilespmem:v7+s4+$0x0], $0xffff  }
0x9aa: {  	v6 =	vadd.s32 v5, v6;
	_ =	sdelay $0x3  }
0x9ab: {  	[tilespmem:$0x191A0] =	vst v2;
	v2 =	vperm.xlane v0, v1  }
0x9ac: {  	v6 =	vld.idx.msk [tilespmem:v6+s4+$0x0], $0xffff  }
0x9ad: {  	v7 =	vadd.s32 v48, v2;
	_ =	sdelay $0x3  }
0x9ae: {  	[tilespmem:$0x191B0] =	vst v6  }
0x9af: {  	v6 =	vld.idx.msk [tilespmem:v7+s4+$0x0], $0xffff  }
0x9b0: {  	v7 =	vadd.s32 v3, v2;
	_ =	sdelay $0x3  }
0x9b1: {  	[tilespmem:$0x19200] =	vst v6  }
0x9b2: {  	v6 =	vld.idx.msk [tilespmem:v7+s4+$0x0], $0xffff  }
0x9b3: {  	v7 =	vadd.s32 v4, v2;
	_ =	sdelay $0x3  }
0x9b4: {  	[tilespmem:$0x19210] =	vst v6  }
0x9b5: {  	v6 =	vld.idx.msk [tilespmem:v7+s4+$0x0], $0xffff  }
0x9b6: {  	v2 =	vadd.s32 v5, v2;
	_ =	sdelay $0x3  }
0x9b7: {  	[tilespmem:$0x19220] =	vst v6;
	v6 =	vperm.xlane v0, v34  }
0x9b8: {  	v2 =	vld.idx.msk [tilespmem:v2+s4+$0x0], $0xffff  }
0x9b9: {  	v7 =	vadd.s32 v48, v6;
	_ =	sdelay $0x3  }
0x9ba: {  	[tilespmem:$0x19230] =	vst v2  }
0x9bb: {  	v2 =	vld.idx.msk [tilespmem:v7+s4+$0x0], $0xffff  }
0x9bc: {  	v7 =	vadd.s32 v3, v6;
	_ =	sdelay $0x3  }
0x9bd: {  	[tilespmem:$0x19280] =	vst v2  }
0x9be: {  	v2 =	vld.idx.msk [tilespmem:v7+s4+$0x0], $0xffff  }
0x9bf: {  	v7 =	vadd.s32 v4, v6;
	_ =	sdelay $0x3  }
0x9c0: {  	[tilespmem:$0x19290] =	vst v2  }
0x9c1: {  	v2 =	vld.idx.msk [tilespmem:v7+s4+$0x0], $0xffff  }
0x9c2: {  	v6 =	vadd.s32 v5, v6;
	_ =	sdelay $0x3  }
0x9c3: {  	[tilespmem:$0x192A0] =	vst v2;
	v2 =	vperm.xlane v0, v18  }
0x9c4: {  	v6 =	vld.idx.msk [tilespmem:v6+s4+$0x0], $0xffff  }
0x9c5: {  	v7 =	vadd.s32 v48, v2;
	_ =	sdelay $0x3  }
0x9c6: {  	[tilespmem:$0x192B0] =	vst v6  }
0x9c7: {  	v6 =	vld.idx.msk [tilespmem:v7+s4+$0x0], $0xffff  }
0x9c8: {  	v7 =	vadd.s32 v3, v2;
	_ =	sdelay $0x3  }
0x9c9: {  	[tilespmem:$0x19300] =	vst v6  }
0x9ca: {  	v6 =	vld.idx.msk [tilespmem:v7+s4+$0x0], $0xffff  }
0x9cb: {  	v7 =	vadd.s32 v4, v2;
	_ =	sdelay $0x3  }
0x9cc: {  	[tilespmem:$0x19310] =	vst v6  }
0x9cd: {  	v6 =	vld.idx.msk [tilespmem:v7+s4+$0x0], $0xffff;
	_ =	sdelay $0x1  }
0x9ce: {  	v2 =	vadd.s32 v5, v2;
	_ =	sdelay $0x2  }
0x9cf: {  	[tilespmem:$0x19320] =	vst v6;
	v6 =	vimm.s32 $0x9  }
0x9d0: {  	v6 =	vperm.xlane v0, v6  }
0x9d1: {  	v2 =	vld.idx.msk [tilespmem:v2+s4+$0x0], $0xffff  }
0x9d2: {  	v7 =	vadd.s32 v48, v6;
	_ =	sdelay $0x3  }
0x9d3: {  	[tilespmem:$0x19330] =	vst v2  }
0x9d4: {  	v2 =	vld.idx.msk [tilespmem:v7+s4+$0x0], $0xffff  }
0x9d5: {  	v7 =	vadd.s32 v3, v6;
	_ =	sdelay $0x3  }
0x9d6: {  	[tilespmem:$0x19380] =	vst v2  }
0x9d7: {  	v2 =	vld.idx.msk [tilespmem:v7+s4+$0x0], $0xffff  }
0x9d8: {  	v7 =	vadd.s32 v4, v6;
	_ =	sdelay $0x3  }
0x9d9: {  	[tilespmem:$0x19390] =	vst v2  }
0x9da: {  	v2 =	vld.idx.msk [tilespmem:v7+s4+$0x0], $0xffff;
	_ =	sdelay $0x1  }
0x9db: {  	v6 =	vadd.s32 v5, v6;
	_ =	sdelay $0x2  }
0x9dc: {  	[tilespmem:$0x193A0] =	vst v2;
	v2 =	vimm.s32 $0xA  }
0x9dd: {  	v2 =	vperm.xlane v0, v2  }
0x9de: {  	v6 =	vld.idx.msk [tilespmem:v6+s4+$0x0], $0xffff  }
0x9df: {  	v7 =	vadd.s32 v48, v2;
	_ =	sdelay $0x3  }
0x9e0: {  	[tilespmem:$0x193B0] =	vst v6  }
0x9e1: {  	v6 =	vld.idx.msk [tilespmem:v7+s4+$0x0], $0xffff  }
0x9e2: {  	v7 =	vadd.s32 v3, v2;
	_ =	sdelay $0x3  }
0x9e3: {  	[tilespmem:$0x19400] =	vst v6  }
0x9e4: {  	v6 =	vld.idx.msk [tilespmem:v7+s4+$0x0], $0xffff  }
0x9e5: {  	v7 =	vadd.s32 v4, v2;
	_ =	sdelay $0x3  }
0x9e6: {  	[tilespmem:$0x19410] =	vst v6  }
0x9e7: {  	v6 =	vld.idx.msk [tilespmem:v7+s4+$0x0], $0xffff;
	_ =	sdelay $0x1  }
0x9e8: {  	v2 =	vadd.s32 v5, v2;
	_ =	sdelay $0x2  }
0x9e9: {  	[tilespmem:$0x19420] =	vst v6;
	v6 =	vimm.s32 $0xB  }
0x9ea: {  	v6 =	vperm.xlane v0, v6  }
0x9eb: {  	v2 =	vld.idx.msk [tilespmem:v2+s4+$0x0], $0xffff  }
0x9ec: {  	v7 =	vadd.s32 v48, v6;
	_ =	sdelay $0x3  }
0x9ed: {  	[tilespmem:$0x19430] =	vst v2  }
0x9ee: {  	v2 =	vld.idx.msk [tilespmem:v7+s4+$0x0], $0xffff  }
0x9ef: {  	v7 =	vadd.s32 v3, v6;
	_ =	sdelay $0x3  }
0x9f0: {  	[tilespmem:$0x19480] =	vst v2  }
0x9f1: {  	v2 =	vld.idx.msk [tilespmem:v7+s4+$0x0], $0xffff  }
0x9f2: {  	v7 =	vadd.s32 v4, v6;
	_ =	sdelay $0x3  }
0x9f3: {  	[tilespmem:$0x19490] =	vst v2  }
0x9f4: {  	v2 =	vld.idx.msk [tilespmem:v7+s4+$0x0], $0xffff;
	_ =	sdelay $0x1  }
0x9f5: {  	v6 =	vadd.s32 v5, v6;
	_ =	sdelay $0x2  }
0x9f6: {  	[tilespmem:$0x194A0] =	vst v2;
	v2 =	vimm.s32 $0xC  }
0x9f7: {  	v2 =	vperm.xlane v0, v2  }
0x9f8: {  	v6 =	vld.idx.msk [tilespmem:v6+s4+$0x0], $0xffff  }
0x9f9: {  	v7 =	vadd.s32 v48, v2;
	_ =	sdelay $0x3  }
0x9fa: {  	[tilespmem:$0x194B0] =	vst v6  }
0x9fb: {  	v6 =	vld.idx.msk [tilespmem:v7+s4+$0x0], $0xffff  }
0x9fc: {  	v7 =	vadd.s32 v3, v2;
	_ =	sdelay $0x3  }
0x9fd: {  	[tilespmem:$0x19500] =	vst v6  }
0x9fe: {  	v6 =	vld.idx.msk [tilespmem:v7+s4+$0x0], $0xffff  }
0x9ff: {  	v7 =	vadd.s32 v4, v2;
	_ =	sdelay $0x3  }
0xa00: {  	[tilespmem:$0x19510] =	vst v6  }
0xa01: {  	v6 =	vld.idx.msk [tilespmem:v7+s4+$0x0], $0xffff;
	_ =	sdelay $0x1  }
0xa02: {  	v2 =	vadd.s32 v5, v2;
	_ =	sdelay $0x2  }
0xa03: {  	[tilespmem:$0x19520] =	vst v6;
	v6 =	vimm.s32 $0xD  }
0xa04: {  	v6 =	vperm.xlane v0, v6  }
0xa05: {  	v2 =	vld.idx.msk [tilespmem:v2+s4+$0x0], $0xffff  }
0xa06: {  	v7 =	vadd.s32 v48, v6;
	_ =	sdelay $0x3  }
0xa07: {  	[tilespmem:$0x19530] =	vst v2  }
0xa08: {  	v2 =	vld.idx.msk [tilespmem:v7+s4+$0x0], $0xffff  }
0xa09: {  	v7 =	vadd.s32 v3, v6;
	_ =	sdelay $0x3  }
0xa0a: {  	[tilespmem:$0x19580] =	vst v2  }
0xa0b: {  	v2 =	vld.idx.msk [tilespmem:v7+s4+$0x0], $0xffff  }
0xa0c: {  	v7 =	vadd.s32 v4, v6;
	_ =	sdelay $0x3  }
0xa0d: {  	[tilespmem:$0x19590] =	vst v2  }
0xa0e: {  	v2 =	vld.idx.msk [tilespmem:v7+s4+$0x0], $0xffff;
	_ =	sdelay $0x1  }
0xa0f: {  	v6 =	vadd.s32 v5, v6;
	_ =	sdelay $0x2  }
0xa10: {  	[tilespmem:$0x195A0] =	vst v2;
	v2 =	vimm.s32 $0xE  }
0xa11: {  	v2 =	vperm.xlane v0, v2  }
0xa12: {  	v6 =	vld.idx.msk [tilespmem:v6+s4+$0x0], $0xffff  }
0xa13: {  	v7 =	vadd.s32 v48, v2;
	_ =	sdelay $0x3  }
0xa14: {  	[tilespmem:$0x195B0] =	vst v6  }
0xa15: {  	v6 =	vld.idx.msk [tilespmem:v7+s4+$0x0], $0xffff  }
0xa16: {  	v7 =	vadd.s32 v3, v2;
	_ =	sdelay $0x3  }
0xa17: {  	[tilespmem:$0x19600] =	vst v6  }
0xa18: {  	v6 =	vld.idx.msk [tilespmem:v7+s4+$0x0], $0xffff  }
0xa19: {  	v7 =	vadd.s32 v4, v2;
	_ =	sdelay $0x3  }
0xa1a: {  	[tilespmem:$0x19610] =	vst v6  }
0xa1b: {  	v6 =	vld.idx.msk [tilespmem:v7+s4+$0x0], $0xffff;
	_ =	sdelay $0x1  }
0xa1c: {  	v2 =	vadd.s32 v5, v2;
	_ =	sdelay $0x2  }
0xa1d: {  	[tilespmem:$0x19620] =	vst v6;
	v6 =	vimm.s32 $0xF  }
0xa1e: {  	v0 =	vperm.xlane v0, v6  }
0xa1f: {  	v2 =	vld.idx.msk [tilespmem:v2+s4+$0x0], $0xffff  }
0xa20: {  	v6 =	vadd.s32 v48, v0;
	_ =	sdelay $0x3  }
0xa21: {  	[tilespmem:$0x19630] =	vst v2  }
0xa22: {  	v2 =	vld.idx.msk [tilespmem:v6+s4+$0x0], $0xffff  }
0xa23: {  	v6 =	vadd.s32 v3, v0;
	_ =	sdelay $0x3  }
0xa24: {  	[tilespmem:$0x19680] =	vst v2  }
0xa25: {  	v2 =	vld.idx.msk [tilespmem:v6+s4+$0x0], $0xffff  }
0xa26: {  	v6 =	vadd.s32 v4, v0;
	_ =	sdelay $0x3  }
0xa27: {  	[tilespmem:$0x19690] =	vst v2  }
0xa28: {  	v2 =	vld.idx.msk [tilespmem:v6+s4+$0x0], $0xffff  }
0xa29: {  	v0 =	vadd.s32 v5, v0;
	_ =	sdelay $0x3  }
0xa2a: {  	[tilespmem:$0x196A0] =	vst v2  }
0xa2b: {  	v0 =	vld.idx.msk [tilespmem:v0+s4+$0x0], $0xffff;
	_ =	sdelay $0x1  }
.Ltmp8:
0xa2c: {  	_ = 	snop;
	(pc) =	sbr.rel .LBB2_9-.Ltmp8, $3  }
0xa2d: {  	s19 =	smul.u32 $0x1900, s19;
	_ =	sdelay $0x1  }
0xa2e: {  	s19 =	sadd.s32 s6, s19;
	v31 =	vimm.s32 $0xC;
	v40 =	vimm.s32 $0xA;
	v41 =	vimm.s32 $0xB;
	[tilespmem:$0x196B0] =	vst v0  }
0xa2f: {  	v32 =	vimm.s32 $0xD;
	v60 =	vimm.s32 $0xF;
	v35 =	vimm.s32 $0xE;
	[hbm4b:s19+s4] =	stream.linear.scatter [tilespmem:s14], [sflag:$0x4], $0xC800, $0x38;
	[tilespmem:$0x19700] =	vst v63  }
.LBB2_11:
0xa30: {  	_ =	sfence.sel $0x180000  }
0xa31: {  	[bflag:$0x0] =	sbarrier.arrive $0xFFFF  }
0xa32: {  	p0 =	sne.s32 s1, $0x0;
	_ =	strace $0x90000047  }
0xa33: {  	s0 =	sadd.s32 @!p0 $0x100000, s0;
	[bflag:$0x2] =	sbarrier.arrive $0xFFFF  }
0xa34: {  	[sflag:s0] =	ssyncadd.tile.s32 @!p0 $0x1;
	_ =	shalt  }
.Lfunc_end2:
_tile_overlayer_lowered:
.L_overlay_start_2:
0xa35: {  	(tag) =	ssettag $0x2  }
0xa36: {  	s0 =	rddreg [dreg:$0x0];
	s2 =	stileid.u32  }
0xa37: {  	s1 =	rddreg [dreg:$0x1];
	p0 =	sne.s32 s2, $0x0  }
0xa38: {  	s3 =	rddreg [dreg:$0x2];
	[bflag:$0x3] =	sbarrier.arrive $0xFFFF;
	s2 =	simm.s32 @!p0 $0x1C05  }
0xa39: {  	[timem:s3], [sflag:s2] =	dma.local @!p0 [hbm:s0], s1  }
0xa3a: {  	s0 =	simm.s32 @!p0 $0x5  }
0xa3b: {  	_ =	swait.ge @!p0 [sflag:s0], s1  }
0xa3c: {  	s1 =	ssub.s32 @!p0 $0x0, s1;
	[sflag:s0] =	ssyncset.done @!p0 $0x0  }
0xa3d: {  	[sflag:s0] =	ssyncadd.s32 @!p0 s1  }
0xa3e: {  	[bflag:$0x3] =	sbarrier.arrive $0xFFFF  }
0xa3f: {  	_ =	shalt  }

</sc_bundles>
